<compile_context>
chip_gen: v7x
topology: tpu7x:2x2x1
jax: 0.10.2.dev20260603
libtpu: 0.0.44.dev20260713+nightly
codegen_flags: <defaults>
</compile_context>

<pallas_src>
import functools
import math

import jax
import jax.numpy as jnp
from jax import lax
from jax.experimental import pallas as pl
from jax.experimental.pallas import tpu as pltpu
from jax.experimental.pallas import tpu_sc as plsc

TK = 10
TBETA = 0.75
TEPS = 1e-05
_NEG = -3.0e38
_POS = 3.0e38
_CB = 8
_VL = 16
_CHUNK = 32


def _lane_bcast(v, lane):
    idx = jnp.full((_VL, 1), lane, jnp.int32)
    return lax.gather(
        v, idx,
        lax.GatherDimensionNumbers(offset_dims=(), collapsed_slice_dims=(0,),
                                   start_index_map=(0,)),
        (1,), mode=lax.GatherScatterMode.PROMISE_IN_BOUNDS)


def _sort16(v):
    r = plsc.sort_key_val(v, v)
    return r[0] if isinstance(r, (list, tuple)) else r


def _merge_top(b, v):
    vs = _sort16(v)
    return _sort16(jnp.maximum(b, lax.rev(vs, dimensions=(0,))))


def _merge_bot(w, v):
    vs = _sort16(v)
    return _sort16(jnp.minimum(w, lax.rev(vs, dimensions=(0,))))


def _sc_pass1(nrows, hw, n_workers=32):
    rows_per_w = nrows // n_workers
    nv = hw // _VL
    nch = nv // _CHUNK
    mesh = plsc.VectorSubcoreMesh(core_axis_name="c", subcore_axis_name="s",
                                  num_cores=2, num_subcores=16)

    @functools.partial(
        pl.kernel,
        out_type=jax.ShapeDtypeStruct((nrows, 48), jnp.float32),
        mesh=mesh,
        scratch_types=[
            pltpu.VMEM((hw,), jnp.float32),
            pltpu.VMEM((hw,), jnp.float32),
            pltpu.VMEM((nch * _VL,), jnp.float32),
            pltpu.VMEM((nch * _VL,), jnp.float32),
            pltpu.VMEM((48,), jnp.float32),
            pltpu.SemaphoreType.DMA,
            pltpu.SemaphoreType.DMA,
        ],
        compiler_params=pltpu.CompilerParams(needs_layout_passes=False),
    )
    def body(x_hbm, o_hbm, bufa, bufb, cmaxb, cminb, orow, sem0, sem1):
        wid = lax.axis_index("s") * 2 + lax.axis_index("c")
        row0 = wid * rows_per_w
        sems = (sem0, sem1)
        bufs = (bufa, bufb)
        pltpu.async_copy(x_hbm.at[row0], bufa, sem0)

        def do_row(row, hb):
            buf = bufs[hb]
            nxt = jnp.minimum(row + 1, jnp.int32(nrows - 1))
            pltpu.async_copy(x_hbm.at[nxt], bufs[1 - hb], sems[1 - hb])
            pltpu.make_async_copy(x_hbm.at[row], buf, sems[hb]).wait()

            def chunk_a(ch, sacc):
                base = ch * (_CHUNK * _VL)
                v0 = buf[pl.ds(base, _VL)]
                cmax = v0
                cmin = v0
                s0 = sacc + v0
                s1 = jnp.zeros((_VL,), jnp.float32)
                for j in range(1, _CHUNK):
                    v = buf[pl.ds(base + j * _VL, _VL)]
                    if j % 2 == 0:
                        s0 = s0 + v
                    else:
                        s1 = s1 + v
                    cmax = jnp.maximum(cmax, v)
                    cmin = jnp.minimum(cmin, v)
                cmaxb[pl.ds(ch * _VL, _VL)] = cmax
                cminb[pl.ds(ch * _VL, _VL)] = cmin
                return s0 + s1

            sacc = lax.fori_loop(0, nch, chunk_a,
                                 jnp.zeros((_VL,), jnp.float32))

            def seed_m(ch, c):
                st, sb = c
                return (_merge_top(st, cmaxb[pl.ds(ch * _VL, _VL)]),
                        _merge_bot(sb, cminb[pl.ds(ch * _VL, _VL)]))

            seedt, seedb = lax.fori_loop(
                0, nch, seed_m,
                (jnp.full((_VL,), _NEG, jnp.float32),
                 jnp.full((_VL,), _POS, jnp.float32)))
            tt = _lane_bcast(seedt, 6)
            tb = _lane_bcast(seedb, 9)

            def chunk_b(ch, c):
                best, worst = c
                hit = jnp.any(
                    (cmaxb[pl.ds(ch * _VL, _VL)] >= tt)
                    | (cminb[pl.ds(ch * _VL, _VL)] <= tb))

                def scan(c2):
                    b0, w0 = c2
                    for j in range(_CHUNK):
                        v = buf[pl.ds(ch * (_CHUNK * _VL) + j * _VL, _VL)]

                        def mg(c3, vv=v):
                            return (_merge_top(c3[0], vv),
                                    _merge_bot(c3[1], vv))

                        b0, w0 = lax.cond(jnp.any((v >= tt) | (v <= tb)),
                                          mg, lambda c3: c3, (b0, w0))
                    return b0, w0

                return lax.cond(hit, scan, lambda c2: c2, (best, worst))

            best, worst = lax.fori_loop(
                0, nch, chunk_b,
                (jnp.full((_VL,), _NEG, jnp.float32),
                 jnp.full((_VL,), _POS, jnp.float32)))

            orow[pl.ds(0, _VL)] = best
            orow[pl.ds(_VL, _VL)] = worst
            orow[pl.ds(2 * _VL, _VL)] = sacc
            pltpu.sync_copy(orow, o_hbm.at[row])

        def do_pair(p, carry):
            for hb in range(2):
                do_row(row0 + p * 2 + hb, hb)
            return carry

        lax.fori_loop(0, rows_per_w // 2, do_pair, jnp.int32(0))
        pltpu.make_async_copy(x_hbm.at[row0], bufa, sem0).wait()

    return body


def _fin_body(p_ref, w_ref, bi_ref, bt_ref, a_ref, b_ref, *, n_total):
    P = p_ref[...]
    b_dim, c_dim, _ = P.shape
    sums = jnp.sum(jnp.sum(P[:, :, 2 * _VL:], axis=2), axis=0)
    mean = sums / jnp.float32(n_total)

    nc = 2 * _VL
    A = jnp.abs(P[:, :, :nc] - mean[None, :, None])
    fi = (jax.lax.broadcasted_iota(jnp.int32, A.shape, 0) * nc
          + jax.lax.broadcasted_iota(jnp.int32, A.shape, 2))
    big = jnp.int32(b_dim * nc + 1)
    acc = jnp.zeros((c_dim,), jnp.float32)
    for _ in range(TK):
        m = jnp.max(jnp.max(A, axis=2), axis=0)
        sel = jnp.where(A == m[None, :, None], fi, big)
        idx = jnp.min(jnp.min(sel, axis=2), axis=0)
        A = jnp.where(fi == idx[None, :, None], jnp.float32(-1.0), A)
        acc = acc + m
    mean_topk = acc / jnp.float32(TK)

    const = 0.5 * (1.0 + (math.pi * math.log(4.0)) ** 0.5) \
        / (2.0 * math.log(n_total)) ** 0.5
    mt = (TBETA * bt_ref[0] + (1.0 - TBETA) * mean_topk) * jnp.float32(const)
    scale = 1.0 / (mt + jnp.float32(TEPS))
    a = scale * w_ref[0]
    a_ref[0] = a
    b_ref[0] = bi_ref[0] - mean * a


def _pass2_body(x_ref, a_ref, b_ref, o_ref):
    a = a_ref[0, 0]
    b = b_ref[0, 0]
    o_ref[0] = x_ref[0] * a[:, None] + b[:, None]


def kernel(x, weight, bias, biasTOPK):
    B, C, H, W = x.shape
    HW = H * W
    xr = x.reshape(B, C, HW)

    p = _sc_pass1(B * C, HW)(x.reshape(B * C, HW))
    p3 = p.reshape(B, C, 48)

    fin = functools.partial(_fin_body, n_total=B * HW)
    a, b2 = pl.pallas_call(
        fin,
        out_shape=[jax.ShapeDtypeStruct((1, C), jnp.float32),
                   jax.ShapeDtypeStruct((1, C), jnp.float32)],
    )(p3, weight.reshape(1, C), bias.reshape(1, C), biasTOPK.reshape(1, C))

    cb2 = 32
    a3 = a.reshape(C // cb2, 1, cb2)
    b3 = b2.reshape(C // cb2, 1, cb2)
    out = pl.pallas_call(
        _pass2_body,
        grid=(B, C // cb2),
        in_specs=[
            pl.BlockSpec((1, cb2, HW), lambda b, c: (b, c, 0)),
            pl.BlockSpec((1, 1, cb2), lambda b, c: (c, 0, 0)),
            pl.BlockSpec((1, 1, cb2), lambda b, c: (c, 0, 0)),
        ],
        out_specs=pl.BlockSpec((1, cb2, HW), lambda b, c: (b, c, 0)),
        out_shape=jax.ShapeDtypeStruct((B, C, HW), jnp.float32),
    )(xr, a3, b3)

    return out.reshape(B, C, H, W)

# --- scband reference (transcript-rebuilt; emitter-appended) ---
"""Pipeline reference for scband-ghost-topk-batch-norm2d-74646531604931 (READ-ONLY COPY).

The authoritative reference and input builder live on the scoring server;
editing this copy changes nothing except your own understanding.
"""

import jax, jax.numpy as jnp
import numpy as np

K = 10
BETA = 0.75
EPS = 1e-05

def setup_inputs(seed: int = 0) -> dict:
    key = jax.random.key(seed)
    k1, k2, k3 = jax.random.split(key, 3)
    B, C, H, W = 8, 96, 224, 224
    x = jax.random.normal(k1, (B, C, H, W), dtype=jnp.float32)
    weight = jax.random.normal(k2, (C,), dtype=jnp.float32) * 0.1 + 1.0
    bias = jax.random.normal(k3, (C,), dtype=jnp.float32) * 0.1
    biasTOPK = jnp.zeros((C,), dtype=jnp.float32)  # buffer 'meanTOPK'/'biasTOPK', init zeros
    return {"x": x, "weight": weight, "bias": bias, "biasTOPK": biasTOPK}

def reference(x, weight, bias, biasTOPK):
    # Training-mode forward of GhostTopkBatchNorm2d (dim=1, noise=False)
    B, C, H, W = x.shape
    # mean over all dims except channel
    mean = x.reshape(B, C, -1).mean(-1).mean(0)  # [C]
    # t = x.transpose(0,1).reshape(C, -1); A = |t.T - mean| : [B*H*W, C]
    t = jnp.transpose(x, (1, 0, 2, 3)).reshape(C, -1)
    A = jnp.abs(t.T - mean[None, :])
    # torch.topk(A, k, dim=0)[0].mean(0) -> top-k along rows per channel
    MeanTOPK = jax.lax.top_k(A.T, K)[0].mean(axis=1)  # [C]
    meanTOPK = BETA * biasTOPK + (1.0 - BETA) * MeanTOPK
    const = 0.5 * (1.0 + (np.pi * np.log(4.0)) ** 0.5) / (2.0 * np.log(A.shape[0])) ** 0.5
    meanTOPK = meanTOPK * const
    scale = 1.0 / (meanTOPK + EPS)
    out = (x - mean.reshape(1, C, 1, 1)) * scale.reshape(1, C, 1, 1)
    out = out * weight.reshape(1, C, 1, 1)
    out = out + bias.reshape(1, C, 1, 1)
    return out

if __name__ == "__main__":
    import jax
    _d = setup_inputs()
    print(jax.jit(kernel)(*tuple(_d.values())))

</pallas_src>

<mosaic_0001>
#map = affine_map<(d0, d1) -> (0, 0)>
module attributes {stable_mosaic.version = 14 : i64} {
  func.func @body(%arg0: i32, %arg1: i32, %arg2: memref<768x50176xf32, #tpu.memory_space<hbm>>, %arg3: memref<768x48xf32, #tpu.memory_space<hbm>>, %arg4: memref<50176xf32, #tpu.memory_space<vmem>>, %arg5: memref<50176xf32, #tpu.memory_space<vmem>>, %arg6: memref<1568xf32, #tpu.memory_space<vmem>>, %arg7: memref<1568xf32, #tpu.memory_space<vmem>>, %arg8: memref<48xf32, #tpu.memory_space<vmem>>, %arg9: memref<!tpu.dma_semaphore, #tpu.memory_space<semaphore_mem>>, %arg10: memref<!tpu.dma_semaphore, #tpu.memory_space<semaphore_mem>>) attributes {dimension_semantics = [#tpu.dimension_semantics<core_parallel>, #tpu.dimension_semantics<subcore_parallel>], iteration_bounds = array<i64: 2, 16>, scalar_prefetch = 0 : i64, scratch_operands = 7 : i64, tpu.core_type = #tpu.core_type<sc_vector_subcore>, window_params = [{transform_indices = #map}, {transform_indices = #map}]} {
    %mul3A = arith.constant 2 : i32
    %mul3A_0 = arith.muli %arg1, %mul3A : i32
    %add3A = arith.addi %mul3A_0, %arg0 : i32
    %mul3A_1 = arith.constant 24 : i32
    %mul3A_2 = arith.muli %add3A, %mul3A_1 : i32
    %dma_start3A = arith.constant 0 : i32
    %dma_start3A_3 = tpu.memref_slice %arg2[%mul3A_2, %dma_start3A] : memref<768x50176xf32, #tpu.memory_space<hbm>> -> memref<1x50176xf32, #tpu.memory_space<hbm>>
    %dma_start3A_4 = tpu.memref_squeeze %dma_start3A_3 : memref<1x50176xf32, #tpu.memory_space<hbm>> -> memref<50176xf32, #tpu.memory_space<hbm>>
    %dma_start3A_5 = arith.constant 0 : i32
    %dma_start3A_6 = tpu.memref_slice %arg2[%mul3A_2, %dma_start3A_5] : memref<768x50176xf32, #tpu.memory_space<hbm>> -> memref<1x50176xf32, #tpu.memory_space<hbm>>
    %dma_start3A_7 = tpu.memref_squeeze %dma_start3A_6 : memref<1x50176xf32, #tpu.memory_space<hbm>> -> memref<50176xf32, #tpu.memory_space<hbm>>
    tpu.enqueue_dma source(%dma_start3A_7 : memref<50176xf32, #tpu.memory_space<hbm>>) target(%arg4 : memref<50176xf32, #tpu.memory_space<vmem>>) target_semaphore(%arg9 : memref<!tpu.dma_semaphore, #tpu.memory_space<semaphore_mem>>)
    %scan3A = arith.constant 0 : i32
    %scan3A_8 = arith.constant 0 : i32
    %scan3A_9 = arith.constant 12 : i32
    %scan3A_10 = arith.addi %scan3A_8, %scan3A_9 : i32
    %scan3A_11 = arith.constant 1 : i32
    scf.for %scan3A_18 = %scan3A_8 to %scan3A_10 step %scan3A_11  : i32 {
      %mul3A_19 = arith.constant 2 : i32
      %mul3A_20 = arith.muli %scan3A_18, %mul3A_19 : i32
      %add3A_21 = arith.addi %mul3A_2, %mul3A_20 : i32
      %add3A_22 = arith.constant 0 : i32
      %add3A_23 = arith.addi %add3A_21, %add3A_22 : i32
      %add3A_24 = arith.constant 1 : i32
      %add3A_25 = arith.addi %add3A_23, %add3A_24 : i32
      %min3A = arith.constant 767 : i32
      %min3A_26 = arith.minsi %add3A_25, %min3A : i32
      %dma_start3A_27 = arith.constant 0 : i32
      %dma_start3A_28 = tpu.memref_slice %arg2[%min3A_26, %dma_start3A_27] : memref<768x50176xf32, #tpu.memory_space<hbm>> -> memref<1x50176xf32, #tpu.memory_space<hbm>>
      %dma_start3A_29 = tpu.memref_squeeze %dma_start3A_28 : memref<1x50176xf32, #tpu.memory_space<hbm>> -> memref<50176xf32, #tpu.memory_space<hbm>>
      %dma_start3A_30 = arith.constant 0 : i32
      %dma_start3A_31 = tpu.memref_slice %arg2[%min3A_26, %dma_start3A_30] : memref<768x50176xf32, #tpu.memory_space<hbm>> -> memref<1x50176xf32, #tpu.memory_space<hbm>>
      %dma_start3A_32 = tpu.memref_squeeze %dma_start3A_31 : memref<1x50176xf32, #tpu.memory_space<hbm>> -> memref<50176xf32, #tpu.memory_space<hbm>>
      tpu.enqueue_dma source(%dma_start3A_32 : memref<50176xf32, #tpu.memory_space<hbm>>) target(%arg5 : memref<50176xf32, #tpu.memory_space<vmem>>) target_semaphore(%arg10 : memref<!tpu.dma_semaphore, #tpu.memory_space<semaphore_mem>>)
      %dma_wait3A_33 = arith.constant 0 : i32
      %dma_wait3A_34 = tpu.memref_slice %arg2[%add3A_23, %dma_wait3A_33] : memref<768x50176xf32, #tpu.memory_space<hbm>> -> memref<1x50176xf32, #tpu.memory_space<hbm>>
      %dma_wait3A_35 = tpu.memref_squeeze %dma_wait3A_34 : memref<1x50176xf32, #tpu.memory_space<hbm>> -> memref<50176xf32, #tpu.memory_space<hbm>>
      %dma_wait3A_36 = arith.constant 0 : i32
      %dma_wait3A_37 = tpu.memref_slice %arg2[%add3A_23, %dma_wait3A_36] : memref<768x50176xf32, #tpu.memory_space<hbm>> -> memref<1x50176xf32, #tpu.memory_space<hbm>>
      %dma_wait3A_38 = tpu.memref_squeeze %dma_wait3A_37 : memref<1x50176xf32, #tpu.memory_space<hbm>> -> memref<50176xf32, #tpu.memory_space<hbm>>
      tpu.wait_dma2 semaphore(%arg9 : memref<!tpu.dma_semaphore, #tpu.memory_space<semaphore_mem>>) src(%dma_wait3A_38 : memref<50176xf32, #tpu.memory_space<hbm>>) dst(%arg4 : memref<50176xf32, #tpu.memory_space<vmem>>)
      %broadcast_in_dim3A = arith.constant 0.000000e+00 : f32
      %broadcast_in_dim3A_39 = vector.broadcast %broadcast_in_dim3A : f32 to vector<16xf32>
      %scan3A_40 = arith.constant 0 : i32
      %scan3A_41 = arith.constant 98 : i32
      %scan3A_42 = arith.addi %scan3A_40, %scan3A_41 : i32
      %scan3A_43 = arith.constant 1 : i32
      %scan3A_44 = scf.for %scan3A_141 = %scan3A_40 to %scan3A_42 step %scan3A_43 iter_args(%scan3A_142 = %broadcast_in_dim3A_39) -> (vector<16xf32>)  : i32 {
        %mul3A_143 = arith.constant 512 : i32
        %mul3A_144 = arith.muli %scan3A_141, %mul3A_143 : i32
        %get3A = arith.index_cast %mul3A_144 : i32 to index
        %get3A_145 = tpu.vector_load %arg4[%get3A] {strides = array<i32>} : memref<50176xf32, #tpu.memory_space<vmem>>, vector<16xf32>,
        %add3A_146 = arith.addf %scan3A_142, %get3A_145 : vector<16xf32>
        %broadcast_in_dim3A_147 = arith.constant 0.000000e+00 : f32
        %broadcast_in_dim3A_148 = vector.broadcast %broadcast_in_dim3A_147 : f32 to vector<16xf32>
        %add3A_149 = arith.constant 16 : i32
        %add3A_150 = arith.addi %mul3A_144, %add3A_149 : i32
        %get3A_151 = arith.index_cast %add3A_150 : i32 to index
        %get3A_152 = tpu.vector_load %arg4[%get3A_151] {strides = array<i32>} : memref<50176xf32, #tpu.memory_space<vmem>>, vector<16xf32>,
        %add3A_153 = arith.addf %broadcast_in_dim3A_148, %get3A_152 : vector<16xf32>
        %max3A = arith.maximumf %get3A_145, %get3A_152 : vector<16xf32>
        %min3A_154 = arith.minimumf %get3A_145, %get3A_152 : vector<16xf32>
        %add3A_155 = arith.constant 32 : i32
        %add3A_156 = arith.addi %mul3A_144, %add3A_155 : i32
        %get3A_157 = arith.index_cast %add3A_156 : i32 to index
        %get3A_158 = tpu.vector_load %arg4[%get3A_157] {strides = array<i32>} : memref<50176xf32, #tpu.memory_space<vmem>>, vector<16xf32>,
        %add3A_159 = arith.addf %add3A_146, %get3A_158 : vector<16xf32>
        %max3A_160 = arith.maximumf %max3A, %get3A_158 : vector<16xf32>
        %min3A_161 = arith.minimumf %min3A_154, %get3A_158 : vector<16xf32>
        %add3A_162 = arith.constant 48 : i32
        %add3A_163 = arith.addi %mul3A_144, %add3A_162 : i32
        %get3A_164 = arith.index_cast %add3A_163 : i32 to index
        %get3A_165 = tpu.vector_load %arg4[%get3A_164] {strides = array<i32>} : memref<50176xf32, #tpu.memory_space<vmem>>, vector<16xf32>,
        %add3A_166 = arith.addf %add3A_153, %get3A_165 : vector<16xf32>
        %max3A_167 = arith.maximumf %max3A_160, %get3A_165 : vector<16xf32>
        %min3A_168 = arith.minimumf %min3A_161, %get3A_165 : vector<16xf32>
        %add3A_169 = arith.constant 64 : i32
        %add3A_170 = arith.addi %mul3A_144, %add3A_169 : i32
        %get3A_171 = arith.index_cast %add3A_170 : i32 to index
        %get3A_172 = tpu.vector_load %arg4[%get3A_171] {strides = array<i32>} : memref<50176xf32, #tpu.memory_space<vmem>>, vector<16xf32>,
        %add3A_173 = arith.addf %add3A_159, %get3A_172 : vector<16xf32>
        %max3A_174 = arith.maximumf %max3A_167, %get3A_172 : vector<16xf32>
        %min3A_175 = arith.minimumf %min3A_168, %get3A_172 : vector<16xf32>
        %add3A_176 = arith.constant 80 : i32
        %add3A_177 = arith.addi %mul3A_144, %add3A_176 : i32
        %get3A_178 = arith.index_cast %add3A_177 : i32 to index
        %get3A_179 = tpu.vector_load %arg4[%get3A_178] {strides = array<i32>} : memref<50176xf32, #tpu.memory_space<vmem>>, vector<16xf32>,
        %add3A_180 = arith.addf %add3A_166, %get3A_179 : vector<16xf32>
        %max3A_181 = arith.maximumf %max3A_174, %get3A_179 : vector<16xf32>
        %min3A_182 = arith.minimumf %min3A_175, %get3A_179 : vector<16xf32>
        %add3A_183 = arith.constant 96 : i32
        %add3A_184 = arith.addi %mul3A_144, %add3A_183 : i32
        %get3A_185 = arith.index_cast %add3A_184 : i32 to index
        %get3A_186 = tpu.vector_load %arg4[%get3A_185] {strides = array<i32>} : memref<50176xf32, #tpu.memory_space<vmem>>, vector<16xf32>,
        %add3A_187 = arith.addf %add3A_173, %get3A_186 : vector<16xf32>
        %max3A_188 = arith.maximumf %max3A_181, %get3A_186 : vector<16xf32>
        %min3A_189 = arith.minimumf %min3A_182, %get3A_186 : vector<16xf32>
        %add3A_190 = arith.constant 112 : i32
        %add3A_191 = arith.addi %mul3A_144, %add3A_190 : i32
        %get3A_192 = arith.index_cast %add3A_191 : i32 to index
        %get3A_193 = tpu.vector_load %arg4[%get3A_192] {strides = array<i32>} : memref<50176xf32, #tpu.memory_space<vmem>>, vector<16xf32>,
        %add3A_194 = arith.addf %add3A_180, %get3A_193 : vector<16xf32>
        %max3A_195 = arith.maximumf %max3A_188, %get3A_193 : vector<16xf32>
        %min3A_196 = arith.minimumf %min3A_189, %get3A_193 : vector<16xf32>
        %add3A_197 = arith.constant 128 : i32
        %add3A_198 = arith.addi %mul3A_144, %add3A_197 : i32
        %get3A_199 = arith.index_cast %add3A_198 : i32 to index
        %get3A_200 = tpu.vector_load %arg4[%get3A_199] {strides = array<i32>} : memref<50176xf32, #tpu.memory_space<vmem>>, vector<16xf32>,
        %add3A_201 = arith.addf %add3A_187, %get3A_200 : vector<16xf32>
        %max3A_202 = arith.maximumf %max3A_195, %get3A_200 : vector<16xf32>
        %min3A_203 = arith.minimumf %min3A_196, %get3A_200 : vector<16xf32>
        %add3A_204 = arith.constant 144 : i32
        %add3A_205 = arith.addi %mul3A_144, %add3A_204 : i32
        %get3A_206 = arith.index_cast %add3A_205 : i32 to index
        %get3A_207 = tpu.vector_load %arg4[%get3A_206] {strides = array<i32>} : memref<50176xf32, #tpu.memory_space<vmem>>, vector<16xf32>,
        %add3A_208 = arith.addf %add3A_194, %get3A_207 : vector<16xf32>
        %max3A_209 = arith.maximumf %max3A_202, %get3A_207 : vector<16xf32>
        %min3A_210 = arith.minimumf %min3A_203, %get3A_207 : vector<16xf32>
        %add3A_211 = arith.constant 160 : i32
        %add3A_212 = arith.addi %mul3A_144, %add3A_211 : i32
        %get3A_213 = arith.index_cast %add3A_212 : i32 to index
        %get3A_214 = tpu.vector_load %arg4[%get3A_213] {strides = array<i32>} : memref<50176xf32, #tpu.memory_space<vmem>>, vector<16xf32>,
        %add3A_215 = arith.addf %add3A_201, %get3A_214 : vector<16xf32>
        %max3A_216 = arith.maximumf %max3A_209, %get3A_214 : vector<16xf32>
        %min3A_217 = arith.minimumf %min3A_210, %get3A_214 : vector<16xf32>
        %add3A_218 = arith.constant 176 : i32
        %add3A_219 = arith.addi %mul3A_144, %add3A_218 : i32
        %get3A_220 = arith.index_cast %add3A_219 : i32 to index
        %get3A_221 = tpu.vector_load %arg4[%get3A_220] {strides = array<i32>} : memref<50176xf32, #tpu.memory_space<vmem>>, vector<16xf32>,
        %add3A_222 = arith.addf %add3A_208, %get3A_221 : vector<16xf32>
        %max3A_223 = arith.maximumf %max3A_216, %get3A_221 : vector<16xf32>
        %min3A_224 = arith.minimumf %min3A_217, %get3A_221 : vector<16xf32>
        %add3A_225 = arith.constant 192 : i32
        %add3A_226 = arith.addi %mul3A_144, %add3A_225 : i32
        %get3A_227 = arith.index_cast %add3A_226 : i32 to index
        %get3A_228 = tpu.vector_load %arg4[%get3A_227] {strides = array<i32>} : memref<50176xf32, #tpu.memory_space<vmem>>, vector<16xf32>,
        %add3A_229 = arith.addf %add3A_215, %get3A_228 : vector<16xf32>
        %max3A_230 = arith.maximumf %max3A_223, %get3A_228 : vector<16xf32>
        %min3A_231 = arith.minimumf %min3A_224, %get3A_228 : vector<16xf32>
        %add3A_232 = arith.constant 208 : i32
        %add3A_233 = arith.addi %mul3A_144, %add3A_232 : i32
        %get3A_234 = arith.index_cast %add3A_233 : i32 to index
        %get3A_235 = tpu.vector_load %arg4[%get3A_234] {strides = array<i32>} : memref<50176xf32, #tpu.memory_space<vmem>>, vector<16xf32>,
        %add3A_236 = arith.addf %add3A_222, %get3A_235 : vector<16xf32>
        %max3A_237 = arith.maximumf %max3A_230, %get3A_235 : vector<16xf32>
        %min3A_238 = arith.minimumf %min3A_231, %get3A_235 : vector<16xf32>
        %add3A_239 = arith.constant 224 : i32
        %add3A_240 = arith.addi %mul3A_144, %add3A_239 : i32
        %get3A_241 = arith.index_cast %add3A_240 : i32 to index
        %get3A_242 = tpu.vector_load %arg4[%get3A_241] {strides = array<i32>} : memref<50176xf32, #tpu.memory_space<vmem>>, vector<16xf32>,
        %add3A_243 = arith.addf %add3A_229, %get3A_242 : vector<16xf32>
        %max3A_244 = arith.maximumf %max3A_237, %get3A_242 : vector<16xf32>
        %min3A_245 = arith.minimumf %min3A_238, %get3A_242 : vector<16xf32>
        %add3A_246 = arith.constant 240 : i32
        %add3A_247 = arith.addi %mul3A_144, %add3A_246 : i32
        %get3A_248 = arith.index_cast %add3A_247 : i32 to index
        %get3A_249 = tpu.vector_load %arg4[%get3A_248] {strides = array<i32>} : memref<50176xf32, #tpu.memory_space<vmem>>, vector<16xf32>,
        %add3A_250 = arith.addf %add3A_236, %get3A_249 : vector<16xf32>
        %max3A_251 = arith.maximumf %max3A_244, %get3A_249 : vector<16xf32>
        %min3A_252 = arith.minimumf %min3A_245, %get3A_249 : vector<16xf32>
        %add3A_253 = arith.constant 256 : i32
        %add3A_254 = arith.addi %mul3A_144, %add3A_253 : i32
        %get3A_255 = arith.index_cast %add3A_254 : i32 to index
        %get3A_256 = tpu.vector_load %arg4[%get3A_255] {strides = array<i32>} : memref<50176xf32, #tpu.memory_space<vmem>>, vector<16xf32>,
        %add3A_257 = arith.addf %add3A_243, %get3A_256 : vector<16xf32>
        %max3A_258 = arith.maximumf %max3A_251, %get3A_256 : vector<16xf32>
        %min3A_259 = arith.minimumf %min3A_252, %get3A_256 : vector<16xf32>
        %add3A_260 = arith.constant 272 : i32
        %add3A_261 = arith.addi %mul3A_144, %add3A_260 : i32
        %get3A_262 = arith.index_cast %add3A_261 : i32 to index
        %get3A_263 = tpu.vector_load %arg4[%get3A_262] {strides = array<i32>} : memref<50176xf32, #tpu.memory_space<vmem>>, vector<16xf32>,
        %add3A_264 = arith.addf %add3A_250, %get3A_263 : vector<16xf32>
        %max3A_265 = arith.maximumf %max3A_258, %get3A_263 : vector<16xf32>
        %min3A_266 = arith.minimumf %min3A_259, %get3A_263 : vector<16xf32>
        %add3A_267 = arith.constant 288 : i32
        %add3A_268 = arith.addi %mul3A_144, %add3A_267 : i32
        %get3A_269 = arith.index_cast %add3A_268 : i32 to index
        %get3A_270 = tpu.vector_load %arg4[%get3A_269] {strides = array<i32>} : memref<50176xf32, #tpu.memory_space<vmem>>, vector<16xf32>,
        %add3A_271 = arith.addf %add3A_257, %get3A_270 : vector<16xf32>
        %max3A_272 = arith.maximumf %max3A_265, %get3A_270 : vector<16xf32>
        %min3A_273 = arith.minimumf %min3A_266, %get3A_270 : vector<16xf32>
        %add3A_274 = arith.constant 304 : i32
        %add3A_275 = arith.addi %mul3A_144, %add3A_274 : i32
        %get3A_276 = arith.index_cast %add3A_275 : i32 to index
        %get3A_277 = tpu.vector_load %arg4[%get3A_276] {strides = array<i32>} : memref<50176xf32, #tpu.memory_space<vmem>>, vector<16xf32>,
        %add3A_278 = arith.addf %add3A_264, %get3A_277 : vector<16xf32>
        %max3A_279 = arith.maximumf %max3A_272, %get3A_277 : vector<16xf32>
        %min3A_280 = arith.minimumf %min3A_273, %get3A_277 : vector<16xf32>
        %add3A_281 = arith.constant 320 : i32
        %add3A_282 = arith.addi %mul3A_144, %add3A_281 : i32
        %get3A_283 = arith.index_cast %add3A_282 : i32 to index
        %get3A_284 = tpu.vector_load %arg4[%get3A_283] {strides = array<i32>} : memref<50176xf32, #tpu.memory_space<vmem>>, vector<16xf32>,
        %add3A_285 = arith.addf %add3A_271, %get3A_284 : vector<16xf32>
        %max3A_286 = arith.maximumf %max3A_279, %get3A_284 : vector<16xf32>
        %min3A_287 = arith.minimumf %min3A_280, %get3A_284 : vector<16xf32>
        %add3A_288 = arith.constant 336 : i32
        %add3A_289 = arith.addi %mul3A_144, %add3A_288 : i32
        %get3A_290 = arith.index_cast %add3A_289 : i32 to index
        %get3A_291 = tpu.vector_load %arg4[%get3A_290] {strides = array<i32>} : memref<50176xf32, #tpu.memory_space<vmem>>, vector<16xf32>,
        %add3A_292 = arith.addf %add3A_278, %get3A_291 : vector<16xf32>
        %max3A_293 = arith.maximumf %max3A_286, %get3A_291 : vector<16xf32>
        %min3A_294 = arith.minimumf %min3A_287, %get3A_291 : vector<16xf32>
        %add3A_295 = arith.constant 352 : i32
        %add3A_296 = arith.addi %mul3A_144, %add3A_295 : i32
        %get3A_297 = arith.index_cast %add3A_296 : i32 to index
        %get3A_298 = tpu.vector_load %arg4[%get3A_297] {strides = array<i32>} : memref<50176xf32, #tpu.memory_space<vmem>>, vector<16xf32>,
        %add3A_299 = arith.addf %add3A_285, %get3A_298 : vector<16xf32>
        %max3A_300 = arith.maximumf %max3A_293, %get3A_298 : vector<16xf32>
        %min3A_301 = arith.minimumf %min3A_294, %get3A_298 : vector<16xf32>
        %add3A_302 = arith.constant 368 : i32
        %add3A_303 = arith.addi %mul3A_144, %add3A_302 : i32
        %get3A_304 = arith.index_cast %add3A_303 : i32 to index
        %get3A_305 = tpu.vector_load %arg4[%get3A_304] {strides = array<i32>} : memref<50176xf32, #tpu.memory_space<vmem>>, vector<16xf32>,
        %add3A_306 = arith.addf %add3A_292, %get3A_305 : vector<16xf32>
        %max3A_307 = arith.maximumf %max3A_300, %get3A_305 : vector<16xf32>
        %min3A_308 = arith.minimumf %min3A_301, %get3A_305 : vector<16xf32>
        %add3A_309 = arith.constant 384 : i32
        %add3A_310 = arith.addi %mul3A_144, %add3A_309 : i32
        %get3A_311 = arith.index_cast %add3A_310 : i32 to index
        %get3A_312 = tpu.vector_load %arg4[%get3A_311] {strides = array<i32>} : memref<50176xf32, #tpu.memory_space<vmem>>, vector<16xf32>,
        %add3A_313 = arith.addf %add3A_299, %get3A_312 : vector<16xf32>
        %max3A_314 = arith.maximumf %max3A_307, %get3A_312 : vector<16xf32>
        %min3A_315 = arith.minimumf %min3A_308, %get3A_312 : vector<16xf32>
        %add3A_316 = arith.constant 400 : i32
        %add3A_317 = arith.addi %mul3A_144, %add3A_316 : i32
        %get3A_318 = arith.index_cast %add3A_317 : i32 to index
        %get3A_319 = tpu.vector_load %arg4[%get3A_318] {strides = array<i32>} : memref<50176xf32, #tpu.memory_space<vmem>>, vector<16xf32>,
        %add3A_320 = arith.addf %add3A_306, %get3A_319 : vector<16xf32>
        %max3A_321 = arith.maximumf %max3A_314, %get3A_319 : vector<16xf32>
        %min3A_322 = arith.minimumf %min3A_315, %get3A_319 : vector<16xf32>
        %add3A_323 = arith.constant 416 : i32
        %add3A_324 = arith.addi %mul3A_144, %add3A_323 : i32
        %get3A_325 = arith.index_cast %add3A_324 : i32 to index
        %get3A_326 = tpu.vector_load %arg4[%get3A_325] {strides = array<i32>} : memref<50176xf32, #tpu.memory_space<vmem>>, vector<16xf32>,
        %add3A_327 = arith.addf %add3A_313, %get3A_326 : vector<16xf32>
        %max3A_328 = arith.maximumf %max3A_321, %get3A_326 : vector<16xf32>
        %min3A_329 = arith.minimumf %min3A_322, %get3A_326 : vector<16xf32>
        %add3A_330 = arith.constant 432 : i32
        %add3A_331 = arith.addi %mul3A_144, %add3A_330 : i32
        %get3A_332 = arith.index_cast %add3A_331 : i32 to index
        %get3A_333 = tpu.vector_load %arg4[%get3A_332] {strides = array<i32>} : memref<50176xf32, #tpu.memory_space<vmem>>, vector<16xf32>,
        %add3A_334 = arith.addf %add3A_320, %get3A_333 : vector<16xf32>
        %max3A_335 = arith.maximumf %max3A_328, %get3A_333 : vector<16xf32>
        %min3A_336 = arith.minimumf %min3A_329, %get3A_333 : vector<16xf32>
        %add3A_337 = arith.constant 448 : i32
        %add3A_338 = arith.addi %mul3A_144, %add3A_337 : i32
        %get3A_339 = arith.index_cast %add3A_338 : i32 to index
        %get3A_340 = tpu.vector_load %arg4[%get3A_339] {strides = array<i32>} : memref<50176xf32, #tpu.memory_space<vmem>>, vector<16xf32>,
        %add3A_341 = arith.addf %add3A_327, %get3A_340 : vector<16xf32>
        %max3A_342 = arith.maximumf %max3A_335, %get3A_340 : vector<16xf32>
        %min3A_343 = arith.minimumf %min3A_336, %get3A_340 : vector<16xf32>
        %add3A_344 = arith.constant 464 : i32
        %add3A_345 = arith.addi %mul3A_144, %add3A_344 : i32
        %get3A_346 = arith.index_cast %add3A_345 : i32 to index
        %get3A_347 = tpu.vector_load %arg4[%get3A_346] {strides = array<i32>} : memref<50176xf32, #tpu.memory_space<vmem>>, vector<16xf32>,
        %add3A_348 = arith.addf %add3A_334, %get3A_347 : vector<16xf32>
        %max3A_349 = arith.maximumf %max3A_342, %get3A_347 : vector<16xf32>
        %min3A_350 = arith.minimumf %min3A_343, %get3A_347 : vector<16xf32>
        %add3A_351 = arith.constant 480 : i32
        %add3A_352 = arith.addi %mul3A_144, %add3A_351 : i32
        %get3A_353 = arith.index_cast %add3A_352 : i32 to index
        %get3A_354 = tpu.vector_load %arg4[%get3A_353] {strides = array<i32>} : memref<50176xf32, #tpu.memory_space<vmem>>, vector<16xf32>,
        %add3A_355 = arith.addf %add3A_341, %get3A_354 : vector<16xf32>
        %max3A_356 = arith.maximumf %max3A_349, %get3A_354 : vector<16xf32>
        %min3A_357 = arith.minimumf %min3A_350, %get3A_354 : vector<16xf32>
        %add3A_358 = arith.constant 496 : i32
        %add3A_359 = arith.addi %mul3A_144, %add3A_358 : i32
        %get3A_360 = arith.index_cast %add3A_359 : i32 to index
        %get3A_361 = tpu.vector_load %arg4[%get3A_360] {strides = array<i32>} : memref<50176xf32, #tpu.memory_space<vmem>>, vector<16xf32>,
        %add3A_362 = arith.addf %add3A_348, %get3A_361 : vector<16xf32>
        %max3A_363 = arith.maximumf %max3A_356, %get3A_361 : vector<16xf32>
        %min3A_364 = arith.minimumf %min3A_357, %get3A_361 : vector<16xf32>
        %mul3A_365 = arith.constant 16 : i32
        %mul3A_366 = arith.muli %scan3A_141, %mul3A_365 : i32
        %swap3A_367 = arith.index_cast %mul3A_366 : i32 to index
        %swap3A_368 = tpu.vector_load %arg6[%swap3A_367] {strides = array<i32>} : memref<1568xf32, #tpu.memory_space<vmem>>, vector<16xf32>,
        tpu.vector_store %arg6[%swap3A_367], %max3A_363 {strides = array<i32>} : memref<1568xf32, #tpu.memory_space<vmem>>, vector<16xf32>,
        %mul3A_369 = arith.constant 16 : i32
        %mul3A_370 = arith.muli %scan3A_141, %mul3A_369 : i32
        %swap3A_371 = arith.index_cast %mul3A_370 : i32 to index
        %swap3A_372 = tpu.vector_load %arg7[%swap3A_371] {strides = array<i32>} : memref<1568xf32, #tpu.memory_space<vmem>>, vector<16xf32>,
        tpu.vector_store %arg7[%swap3A_371], %min3A_364 {strides = array<i32>} : memref<1568xf32, #tpu.memory_space<vmem>>, vector<16xf32>,
        %add3A_373 = arith.addf %add3A_355, %add3A_362 : vector<16xf32>
        scf.yield %add3A_373 : vector<16xf32>
      }
      %scan3A_45 = arith.constant 98 : i32
      %broadcast_in_dim3A_46 = arith.constant -3.000000e+38 : f32
      %broadcast_in_dim3A_47 = vector.broadcast %broadcast_in_dim3A_46 : f32 to vector<16xf32>
      %broadcast_in_dim3A_48 = arith.constant 3.000000e+38 : f32
      %broadcast_in_dim3A_49 = vector.broadcast %broadcast_in_dim3A_48 : f32 to vector<16xf32>
      %scan3A_50 = arith.constant 0 : i32
      %scan3A_51 = arith.constant 98 : i32
      %scan3A_52 = arith.addi %scan3A_50, %scan3A_51 : i32
      %scan3A_53 = arith.constant 1 : i32
      %scan3A_54:2 = scf.for %scan3A_141 = %scan3A_50 to %scan3A_52 step %scan3A_53 iter_args(%scan3A_142 = %broadcast_in_dim3A_47, %scan3A_143 = %broadcast_in_dim3A_49) -> (vector<16xf32>, vector<16xf32>)  : i32 {
        %mul3A_144 = arith.constant 16 : i32
        %mul3A_145 = arith.muli %scan3A_141, %mul3A_144 : i32
        %get3A = arith.index_cast %mul3A_145 : i32 to index
        %get3A_146 = tpu.vector_load %arg6[%get3A] {strides = array<i32>} : memref<1568xf32, #tpu.memory_space<vmem>>, vector<16xf32>,
        %masked_sort3A = arith.constant dense<true> : vector<16xi1>
        %masked_sort3A_147, %masked_sort3A_148, %masked_sort3A_149 = tpu.sort %get3A_146, %get3A_146 masked %masked_sort3A : (vector<16xf32>, vector<16xf32>, vector<16xi1>) -> (vector<16xi1>, vector<16xf32>, vector<16xf32>)
        %rev3A = arith.constant 15 : i32
        %rev3A_150 = vector.broadcast %rev3A : i32 to vector<16xi32>
        %rev3A_151 = tpu.iota {dimensions = array<i32: 0>} : vector<16xi32>
        %rev3A_152 = arith.subi %rev3A_150, %rev3A_151 : vector<16xi32>
        %rev3A_153 = tpu.dynamic_gather %masked_sort3A_148[%rev3A_152] in [0] : vector<16xf32>, vector<16xi32> -> vector<16xf32>
        %max3A = arith.maximumf %scan3A_142, %rev3A_153 : vector<16xf32>
        %masked_sort3A_154 = arith.constant dense<true> : vector<16xi1>
        %masked_sort3A_155, %masked_sort3A_156, %masked_sort3A_157 = tpu.sort %max3A, %max3A masked %masked_sort3A_154 : (vector<16xf32>, vector<16xf32>, vector<16xi1>) -> (vector<16xi1>, vector<16xf32>, vector<16xf32>)
        %mul3A_158 = arith.constant 16 : i32
        %mul3A_159 = arith.muli %scan3A_141, %mul3A_158 : i32
        %get3A_160 = arith.index_cast %mul3A_159 : i32 to index
        %get3A_161 = tpu.vector_load %arg7[%get3A_160] {strides = array<i32>} : memref<1568xf32, #tpu.memory_space<vmem>>, vector<16xf32>,
        %masked_sort3A_162 = arith.constant dense<true> : vector<16xi1>
        %masked_sort3A_163, %masked_sort3A_164, %masked_sort3A_165 = tpu.sort %get3A_161, %get3A_161 masked %masked_sort3A_162 : (vector<16xf32>, vector<16xf32>, vector<16xi1>) -> (vector<16xi1>, vector<16xf32>, vector<16xf32>)
        %rev3A_166 = arith.constant 15 : i32
        %rev3A_167 = vector.broadcast %rev3A_166 : i32 to vector<16xi32>
        %rev3A_168 = tpu.iota {dimensions = array<i32: 0>} : vector<16xi32>
        %rev3A_169 = arith.subi %rev3A_167, %rev3A_168 : vector<16xi32>
        %rev3A_170 = tpu.dynamic_gather %masked_sort3A_164[%rev3A_169] in [0] : vector<16xf32>, vector<16xi32> -> vector<16xf32>
        %min3A_171 = arith.minimumf %scan3A_143, %rev3A_170 : vector<16xf32>
        %masked_sort3A_172 = arith.constant dense<true> : vector<16xi1>
        %masked_sort3A_173, %masked_sort3A_174, %masked_sort3A_175 = tpu.sort %min3A_171, %min3A_171 masked %masked_sort3A_172 : (vector<16xf32>, vector<16xf32>, vector<16xi1>) -> (vector<16xi1>, vector<16xf32>, vector<16xf32>)
        scf.yield %masked_sort3A_156, %masked_sort3A_174 : vector<16xf32>, vector<16xf32>
      }
      %scan3A_55 = arith.constant 98 : i32
      %broadcast_in_dim3A_56 = arith.constant 6 : i32
      %broadcast_in_dim3A_57 = vector.broadcast %broadcast_in_dim3A_56 : i32 to vector<16x1xi32>
      %gather3A = vector.shape_cast %broadcast_in_dim3A_57 : vector<16x1xi32> to vector<16xi32>
      %gather3A_58 = tpu.dynamic_gather %scan3A_54#0[%gather3A] in [0] : vector<16xf32>, vector<16xi32> -> vector<16xf32>
      %broadcast_in_dim3A_59 = arith.constant 9 : i32
      %broadcast_in_dim3A_60 = vector.broadcast %broadcast_in_dim3A_59 : i32 to vector<16x1xi32>
      %gather3A_61 = vector.shape_cast %broadcast_in_dim3A_60 : vector<16x1xi32> to vector<16xi32>
      %gather3A_62 = tpu.dynamic_gather %scan3A_54#1[%gather3A_61] in [0] : vector<16xf32>, vector<16xi32> -> vector<16xf32>
      %broadcast_in_dim3A_63 = arith.constant -3.000000e+38 : f32
      %broadcast_in_dim3A_64 = vector.broadcast %broadcast_in_dim3A_63 : f32 to vector<16xf32>
      %broadcast_in_dim3A_65 = arith.constant 3.000000e+38 : f32
      %broadcast_in_dim3A_66 = vector.broadcast %broadcast_in_dim3A_65 : f32 to vector<16xf32>
      %scan3A_67 = arith.constant 0 : i32
      %scan3A_68 = arith.constant 98 : i32
      %scan3A_69 = arith.addi %scan3A_67, %scan3A_68 : i32
      %scan3A_70 = arith.constant 1 : i32
      %scan3A_71:2 = scf.for %scan3A_141 = %scan3A_67 to %scan3A_69 step %scan3A_70 iter_args(%scan3A_142 = %broadcast_in_dim3A_64, %scan3A_143 = %broadcast_in_dim3A_66) -> (vector<16xf32>, vector<16xf32>)  : i32 {
        %mul3A_144 = arith.constant 16 : i32
        %mul3A_145 = arith.muli %scan3A_141, %mul3A_144 : i32
        %get3A = arith.index_cast %mul3A_145 : i32 to index
        %get3A_146 = tpu.vector_load %arg6[%get3A] {strides = array<i32>} : memref<1568xf32, #tpu.memory_space<vmem>>, vector<16xf32>,
        %ge3A = arith.cmpf oge, %get3A_146, %gather3A_58 : vector<16xf32>
        %mul3A_147 = arith.constant 16 : i32
        %mul3A_148 = arith.muli %scan3A_141, %mul3A_147 : i32
        %get3A_149 = arith.index_cast %mul3A_148 : i32 to index
        %get3A_150 = tpu.vector_load %arg7[%get3A_149] {strides = array<i32>} : memref<1568xf32, #tpu.memory_space<vmem>>, vector<16xf32>,
        %le3A = arith.cmpf ole, %get3A_150, %gather3A_62 : vector<16xf32>
        %or3A = arith.ori %ge3A, %le3A : vector<16xi1>
        %reduce_or3A = arith.constant 1.000000e+00 : f32
        %reduce_or3A_151 = arith.constant 0.000000e+00 : f32
        %reduce_or3A_152 = vector.broadcast %reduce_or3A : f32 to vector<16xf32>
        %reduce_or3A_153 = vector.broadcast %reduce_or3A_151 : f32 to vector<16xf32>
        %reduce_or3A_154 = arith.select %or3A, %reduce_or3A_152, %reduce_or3A_153 : vector<16xi1>, vector<16xf32>
        %reduce_or3A_155 = arith.constant true
        %reduce_or3A_156 = vector.broadcast %reduce_or3A_155 : i1 to vector<16xi1>
        %reduce_or3A_157 = tpu.scan <max>, %reduce_or3A_154 masked %reduce_or3A_156 : vector<16xf32>, vector<16xi1> -> vector<16xf32>
        %reduce_or3A_158 = vector.extract %reduce_or3A_157[15] : f32 from vector<16xf32>
        %reduce_or3A_159 = arith.constant 0.000000e+00 : f32
        %reduce_or3A_160 = arith.cmpf ogt, %reduce_or3A_158, %reduce_or3A_159 : f32
        %convert_element_type3A = arith.extui %reduce_or3A_160 : i1 to i32
        %cond3A = arith.constant 0 : i32
        %cond3A_161 = arith.cmpi ne, %convert_element_type3A, %cond3A : i32
        %cond3A_162:2 = scf.if %cond3A_161 -> (vector<16xf32>, vector<16xf32>) {
          %mul3A_163 = arith.constant 512 : i32
          %mul3A_164 = arith.muli %scan3A_141, %mul3A_163 : i32
          %add3A_165 = arith.constant 0 : i32
          %add3A_166 = arith.addi %mul3A_164, %add3A_165 : i32
          %get3A_167 = arith.index_cast %add3A_166 : i32 to index
          %get3A_168 = tpu.vector_load %arg4[%get3A_167] {strides = array<i32>} : memref<50176xf32, #tpu.memory_space<vmem>>, vector<16xf32>,
          %ge3A_169 = arith.cmpf oge, %get3A_168, %gather3A_58 : vector<16xf32>
          %le3A_170 = arith.cmpf ole, %get3A_168, %gather3A_62 : vector<16xf32>
          %or3A_171 = arith.ori %ge3A_169, %le3A_170 : vector<16xi1>
          %reduce_or3A_172 = arith.constant 1.000000e+00 : f32
          %reduce_or3A_173 = arith.constant 0.000000e+00 : f32
          %reduce_or3A_174 = vector.broadcast %reduce_or3A_172 : f32 to vector<16xf32>
          %reduce_or3A_175 = vector.broadcast %reduce_or3A_173 : f32 to vector<16xf32>
          %reduce_or3A_176 = arith.select %or3A_171, %reduce_or3A_174, %reduce_or3A_175 : vector<16xi1>, vector<16xf32>
          %reduce_or3A_177 = arith.constant true
          %reduce_or3A_178 = vector.broadcast %reduce_or3A_177 : i1 to vector<16xi1>
          %reduce_or3A_179 = tpu.scan <max>, %reduce_or3A_176 masked %reduce_or3A_178 : vector<16xf32>, vector<16xi1> -> vector<16xf32>
          %reduce_or3A_180 = vector.extract %reduce_or3A_179[15] : f32 from vector<16xf32>
          %reduce_or3A_181 = arith.constant 0.000000e+00 : f32
          %reduce_or3A_182 = arith.cmpf ogt, %reduce_or3A_180, %reduce_or3A_181 : f32
          %convert_element_type3A_183 = arith.extui %reduce_or3A_182 : i1 to i32
          %cond3A_184 = arith.constant 0 : i32
          %cond3A_185 = arith.cmpi ne, %convert_element_type3A_183, %cond3A_184 : i32
          %cond3A_186:2 = scf.if %cond3A_185 -> (vector<16xf32>, vector<16xf32>) {
            %masked_sort3A = arith.constant dense<true> : vector<16xi1>
            %masked_sort3A_931, %masked_sort3A_932, %masked_sort3A_933 = tpu.sort %get3A_168, %get3A_168 masked %masked_sort3A : (vector<16xf32>, vector<16xf32>, vector<16xi1>) -> (vector<16xi1>, vector<16xf32>, vector<16xf32>)
            %rev3A = arith.constant 15 : i32
            %rev3A_934 = vector.broadcast %rev3A : i32 to vector<16xi32>
            %rev3A_935 = tpu.iota {dimensions = array<i32: 0>} : vector<16xi32>
            %rev3A_936 = arith.subi %rev3A_934, %rev3A_935 : vector<16xi32>
            %rev3A_937 = tpu.dynamic_gather %masked_sort3A_932[%rev3A_936] in [0] : vector<16xf32>, vector<16xi32> -> vector<16xf32>
            %max3A = arith.maximumf %scan3A_142, %rev3A_937 : vector<16xf32>
            %masked_sort3A_938 = arith.constant dense<true> : vector<16xi1>
            %masked_sort3A_939, %masked_sort3A_940, %masked_sort3A_941 = tpu.sort %max3A, %max3A masked %masked_sort3A_938 : (vector<16xf32>, vector<16xf32>, vector<16xi1>) -> (vector<16xi1>, vector<16xf32>, vector<16xf32>)
            %masked_sort3A_942 = arith.constant dense<true> : vector<16xi1>
            %masked_sort3A_943, %masked_sort3A_944, %masked_sort3A_945 = tpu.sort %get3A_168, %get3A_168 masked %masked_sort3A_942 : (vector<16xf32>, vector<16xf32>, vector<16xi1>) -> (vector<16xi1>, vector<16xf32>, vector<16xf32>)
            %rev3A_946 = arith.constant 15 : i32
            %rev3A_947 = vector.broadcast %rev3A_946 : i32 to vector<16xi32>
            %rev3A_948 = tpu.iota {dimensions = array<i32: 0>} : vector<16xi32>
            %rev3A_949 = arith.subi %rev3A_947, %rev3A_948 : vector<16xi32>
            %rev3A_950 = tpu.dynamic_gather %masked_sort3A_944[%rev3A_949] in [0] : vector<16xf32>, vector<16xi32> -> vector<16xf32>
            %min3A_951 = arith.minimumf %scan3A_143, %rev3A_950 : vector<16xf32>
            %masked_sort3A_952 = arith.constant dense<true> : vector<16xi1>
            %masked_sort3A_953, %masked_sort3A_954, %masked_sort3A_955 = tpu.sort %min3A_951, %min3A_951 masked %masked_sort3A_952 : (vector<16xf32>, vector<16xf32>, vector<16xi1>) -> (vector<16xi1>, vector<16xf32>, vector<16xf32>)
            scf.yield %masked_sort3A_940, %masked_sort3A_954 : vector<16xf32>, vector<16xf32>
          } else {
            scf.yield %scan3A_142, %scan3A_143 : vector<16xf32>, vector<16xf32>
          }
          %mul3A_187 = arith.constant 512 : i32
          %mul3A_188 = arith.muli %scan3A_141, %mul3A_187 : i32
          %add3A_189 = arith.constant 16 : i32
          %add3A_190 = arith.addi %mul3A_188, %add3A_189 : i32
          %get3A_191 = arith.index_cast %add3A_190 : i32 to index
          %get3A_192 = tpu.vector_load %arg4[%get3A_191] {strides = array<i32>} : memref<50176xf32, #tpu.memory_space<vmem>>, vector<16xf32>,
          %ge3A_193 = arith.cmpf oge, %get3A_192, %gather3A_58 : vector<16xf32>
          %le3A_194 = arith.cmpf ole, %get3A_192, %gather3A_62 : vector<16xf32>
          %or3A_195 = arith.ori %ge3A_193, %le3A_194 : vector<16xi1>
          %reduce_or3A_196 = arith.constant 1.000000e+00 : f32
          %reduce_or3A_197 = arith.constant 0.000000e+00 : f32
          %reduce_or3A_198 = vector.broadcast %reduce_or3A_196 : f32 to vector<16xf32>
          %reduce_or3A_199 = vector.broadcast %reduce_or3A_197 : f32 to vector<16xf32>
          %reduce_or3A_200 = arith.select %or3A_195, %reduce_or3A_198, %reduce_or3A_199 : vector<16xi1>, vector<16xf32>
          %reduce_or3A_201 = arith.constant true
          %reduce_or3A_202 = vector.broadcast %reduce_or3A_201 : i1 to vector<16xi1>
          %reduce_or3A_203 = tpu.scan <max>, %reduce_or3A_200 masked %reduce_or3A_202 : vector<16xf32>, vector<16xi1> -> vector<16xf32>
          %reduce_or3A_204 = vector.extract %reduce_or3A_203[15] : f32 from vector<16xf32>
          %reduce_or3A_205 = arith.constant 0.000000e+00 : f32
          %reduce_or3A_206 = arith.cmpf ogt, %reduce_or3A_204, %reduce_or3A_205 : f32
          %convert_element_type3A_207 = arith.extui %reduce_or3A_206 : i1 to i32
          %cond3A_208 = arith.constant 0 : i32
          %cond3A_209 = arith.cmpi ne, %convert_element_type3A_207, %cond3A_208 : i32
          %cond3A_210:2 = scf.if %cond3A_209 -> (vector<16xf32>, vector<16xf32>) {
            %masked_sort3A = arith.constant dense<true> : vector<16xi1>
            %masked_sort3A_931, %masked_sort3A_932, %masked_sort3A_933 = tpu.sort %get3A_192, %get3A_192 masked %masked_sort3A : (vector<16xf32>, vector<16xf32>, vector<16xi1>) -> (vector<16xi1>, vector<16xf32>, vector<16xf32>)
            %rev3A = arith.constant 15 : i32
            %rev3A_934 = vector.broadcast %rev3A : i32 to vector<16xi32>
            %rev3A_935 = tpu.iota {dimensions = array<i32: 0>} : vector<16xi32>
            %rev3A_936 = arith.subi %rev3A_934, %rev3A_935 : vector<16xi32>
            %rev3A_937 = tpu.dynamic_gather %masked_sort3A_932[%rev3A_936] in [0] : vector<16xf32>, vector<16xi32> -> vector<16xf32>
            %max3A = arith.maximumf %cond3A_186#0, %rev3A_937 : vector<16xf32>
            %masked_sort3A_938 = arith.constant dense<true> : vector<16xi1>
            %masked_sort3A_939, %masked_sort3A_940, %masked_sort3A_941 = tpu.sort %max3A, %max3A masked %masked_sort3A_938 : (vector<16xf32>, vector<16xf32>, vector<16xi1>) -> (vector<16xi1>, vector<16xf32>, vector<16xf32>)
            %masked_sort3A_942 = arith.constant dense<true> : vector<16xi1>
            %masked_sort3A_943, %masked_sort3A_944, %masked_sort3A_945 = tpu.sort %get3A_192, %get3A_192 masked %masked_sort3A_942 : (vector<16xf32>, vector<16xf32>, vector<16xi1>) -> (vector<16xi1>, vector<16xf32>, vector<16xf32>)
            %rev3A_946 = arith.constant 15 : i32
            %rev3A_947 = vector.broadcast %rev3A_946 : i32 to vector<16xi32>
            %rev3A_948 = tpu.iota {dimensions = array<i32: 0>} : vector<16xi32>
            %rev3A_949 = arith.subi %rev3A_947, %rev3A_948 : vector<16xi32>
            %rev3A_950 = tpu.dynamic_gather %masked_sort3A_944[%rev3A_949] in [0] : vector<16xf32>, vector<16xi32> -> vector<16xf32>
            %min3A_951 = arith.minimumf %cond3A_186#1, %rev3A_950 : vector<16xf32>
            %masked_sort3A_952 = arith.constant dense<true> : vector<16xi1>
            %masked_sort3A_953, %masked_sort3A_954, %masked_sort3A_955 = tpu.sort %min3A_951, %min3A_951 masked %masked_sort3A_952 : (vector<16xf32>, vector<16xf32>, vector<16xi1>) -> (vector<16xi1>, vector<16xf32>, vector<16xf32>)
            scf.yield %masked_sort3A_940, %masked_sort3A_954 : vector<16xf32>, vector<16xf32>
          } else {
            scf.yield %cond3A_186#0, %cond3A_186#1 : vector<16xf32>, vector<16xf32>
          }
          %mul3A_211 = arith.constant 512 : i32
          %mul3A_212 = arith.muli %scan3A_141, %mul3A_211 : i32
          %add3A_213 = arith.constant 32 : i32
          %add3A_214 = arith.addi %mul3A_212, %add3A_213 : i32
          %get3A_215 = arith.index_cast %add3A_214 : i32 to index
          %get3A_216 = tpu.vector_load %arg4[%get3A_215] {strides = array<i32>} : memref<50176xf32, #tpu.memory_space<vmem>>, vector<16xf32>,
          %ge3A_217 = arith.cmpf oge, %get3A_216, %gather3A_58 : vector<16xf32>
          %le3A_218 = arith.cmpf ole, %get3A_216, %gather3A_62 : vector<16xf32>
          %or3A_219 = arith.ori %ge3A_217, %le3A_218 : vector<16xi1>
          %reduce_or3A_220 = arith.constant 1.000000e+00 : f32
          %reduce_or3A_221 = arith.constant 0.000000e+00 : f32
          %reduce_or3A_222 = vector.broadcast %reduce_or3A_220 : f32 to vector<16xf32>
          %reduce_or3A_223 = vector.broadcast %reduce_or3A_221 : f32 to vector<16xf32>
          %reduce_or3A_224 = arith.select %or3A_219, %reduce_or3A_222, %reduce_or3A_223 : vector<16xi1>, vector<16xf32>
          %reduce_or3A_225 = arith.constant true
          %reduce_or3A_226 = vector.broadcast %reduce_or3A_225 : i1 to vector<16xi1>
          %reduce_or3A_227 = tpu.scan <max>, %reduce_or3A_224 masked %reduce_or3A_226 : vector<16xf32>, vector<16xi1> -> vector<16xf32>
          %reduce_or3A_228 = vector.extract %reduce_or3A_227[15] : f32 from vector<16xf32>
          %reduce_or3A_229 = arith.constant 0.000000e+00 : f32
          %reduce_or3A_230 = arith.cmpf ogt, %reduce_or3A_228, %reduce_or3A_229 : f32
          %convert_element_type3A_231 = arith.extui %reduce_or3A_230 : i1 to i32
          %cond3A_232 = arith.constant 0 : i32
          %cond3A_233 = arith.cmpi ne, %convert_element_type3A_231, %cond3A_232 : i32
          %cond3A_234:2 = scf.if %cond3A_233 -> (vector<16xf32>, vector<16xf32>) {
            %masked_sort3A = arith.constant dense<true> : vector<16xi1>
            %masked_sort3A_931, %masked_sort3A_932, %masked_sort3A_933 = tpu.sort %get3A_216, %get3A_216 masked %masked_sort3A : (vector<16xf32>, vector<16xf32>, vector<16xi1>) -> (vector<16xi1>, vector<16xf32>, vector<16xf32>)
            %rev3A = arith.constant 15 : i32
            %rev3A_934 = vector.broadcast %rev3A : i32 to vector<16xi32>
            %rev3A_935 = tpu.iota {dimensions = array<i32: 0>} : vector<16xi32>
            %rev3A_936 = arith.subi %rev3A_934, %rev3A_935 : vector<16xi32>
            %rev3A_937 = tpu.dynamic_gather %masked_sort3A_932[%rev3A_936] in [0] : vector<16xf32>, vector<16xi32> -> vector<16xf32>
            %max3A = arith.maximumf %cond3A_210#0, %rev3A_937 : vector<16xf32>
            %masked_sort3A_938 = arith.constant dense<true> : vector<16xi1>
            %masked_sort3A_939, %masked_sort3A_940, %masked_sort3A_941 = tpu.sort %max3A, %max3A masked %masked_sort3A_938 : (vector<16xf32>, vector<16xf32>, vector<16xi1>) -> (vector<16xi1>, vector<16xf32>, vector<16xf32>)
            %masked_sort3A_942 = arith.constant dense<true> : vector<16xi1>
            %masked_sort3A_943, %masked_sort3A_944, %masked_sort3A_945 = tpu.sort %get3A_216, %get3A_216 masked %masked_sort3A_942 : (vector<16xf32>, vector<16xf32>, vector<16xi1>) -> (vector<16xi1>, vector<16xf32>, vector<16xf32>)
            %rev3A_946 = arith.constant 15 : i32
            %rev3A_947 = vector.broadcast %rev3A_946 : i32 to vector<16xi32>
            %rev3A_948 = tpu.iota {dimensions = array<i32: 0>} : vector<16xi32>
            %rev3A_949 = arith.subi %rev3A_947, %rev3A_948 : vector<16xi32>
            %rev3A_950 = tpu.dynamic_gather %masked_sort3A_944[%rev3A_949] in [0] : vector<16xf32>, vector<16xi32> -> vector<16xf32>
            %min3A_951 = arith.minimumf %cond3A_210#1, %rev3A_950 : vector<16xf32>
            %masked_sort3A_952 = arith.constant dense<true> : vector<16xi1>
            %masked_sort3A_953, %masked_sort3A_954, %masked_sort3A_955 = tpu.sort %min3A_951, %min3A_951 masked %masked_sort3A_952 : (vector<16xf32>, vector<16xf32>, vector<16xi1>) -> (vector<16xi1>, vector<16xf32>, vector<16xf32>)
            scf.yield %masked_sort3A_940, %masked_sort3A_954 : vector<16xf32>, vector<16xf32>
          } else {
            scf.yield %cond3A_210#0, %cond3A_210#1 : vector<16xf32>, vector<16xf32>
          }
          %mul3A_235 = arith.constant 512 : i32
          %mul3A_236 = arith.muli %scan3A_141, %mul3A_235 : i32
          %add3A_237 = arith.constant 48 : i32
          %add3A_238 = arith.addi %mul3A_236, %add3A_237 : i32
          %get3A_239 = arith.index_cast %add3A_238 : i32 to index
          %get3A_240 = tpu.vector_load %arg4[%get3A_239] {strides = array<i32>} : memref<50176xf32, #tpu.memory_space<vmem>>, vector<16xf32>,
          %ge3A_241 = arith.cmpf oge, %get3A_240, %gather3A_58 : vector<16xf32>
          %le3A_242 = arith.cmpf ole, %get3A_240, %gather3A_62 : vector<16xf32>
          %or3A_243 = arith.ori %ge3A_241, %le3A_242 : vector<16xi1>
          %reduce_or3A_244 = arith.constant 1.000000e+00 : f32
          %reduce_or3A_245 = arith.constant 0.000000e+00 : f32
          %reduce_or3A_246 = vector.broadcast %reduce_or3A_244 : f32 to vector<16xf32>
          %reduce_or3A_247 = vector.broadcast %reduce_or3A_245 : f32 to vector<16xf32>
          %reduce_or3A_248 = arith.select %or3A_243, %reduce_or3A_246, %reduce_or3A_247 : vector<16xi1>, vector<16xf32>
          %reduce_or3A_249 = arith.constant true
          %reduce_or3A_250 = vector.broadcast %reduce_or3A_249 : i1 to vector<16xi1>
          %reduce_or3A_251 = tpu.scan <max>, %reduce_or3A_248 masked %reduce_or3A_250 : vector<16xf32>, vector<16xi1> -> vector<16xf32>
          %reduce_or3A_252 = vector.extract %reduce_or3A_251[15] : f32 from vector<16xf32>
          %reduce_or3A_253 = arith.constant 0.000000e+00 : f32
          %reduce_or3A_254 = arith.cmpf ogt, %reduce_or3A_252, %reduce_or3A_253 : f32
          %convert_element_type3A_255 = arith.extui %reduce_or3A_254 : i1 to i32
          %cond3A_256 = arith.constant 0 : i32
          %cond3A_257 = arith.cmpi ne, %convert_element_type3A_255, %cond3A_256 : i32
          %cond3A_258:2 = scf.if %cond3A_257 -> (vector<16xf32>, vector<16xf32>) {
            %masked_sort3A = arith.constant dense<true> : vector<16xi1>
            %masked_sort3A_931, %masked_sort3A_932, %masked_sort3A_933 = tpu.sort %get3A_240, %get3A_240 masked %masked_sort3A : (vector<16xf32>, vector<16xf32>, vector<16xi1>) -> (vector<16xi1>, vector<16xf32>, vector<16xf32>)
            %rev3A = arith.constant 15 : i32
            %rev3A_934 = vector.broadcast %rev3A : i32 to vector<16xi32>
            %rev3A_935 = tpu.iota {dimensions = array<i32: 0>} : vector<16xi32>
            %rev3A_936 = arith.subi %rev3A_934, %rev3A_935 : vector<16xi32>
            %rev3A_937 = tpu.dynamic_gather %masked_sort3A_932[%rev3A_936] in [0] : vector<16xf32>, vector<16xi32> -> vector<16xf32>
            %max3A = arith.maximumf %cond3A_234#0, %rev3A_937 : vector<16xf32>
            %masked_sort3A_938 = arith.constant dense<true> : vector<16xi1>
            %masked_sort3A_939, %masked_sort3A_940, %masked_sort3A_941 = tpu.sort %max3A, %max3A masked %masked_sort3A_938 : (vector<16xf32>, vector<16xf32>, vector<16xi1>) -> (vector<16xi1>, vector<16xf32>, vector<16xf32>)
            %masked_sort3A_942 = arith.constant dense<true> : vector<16xi1>
            %masked_sort3A_943, %masked_sort3A_944, %masked_sort3A_945 = tpu.sort %get3A_240, %get3A_240 masked %masked_sort3A_942 : (vector<16xf32>, vector<16xf32>, vector<16xi1>) -> (vector<16xi1>, vector<16xf32>, vector<16xf32>)
            %rev3A_946 = arith.constant 15 : i32
            %rev3A_947 = vector.broadcast %rev3A_946 : i32 to vector<16xi32>
            %rev3A_948 = tpu.iota {dimensions = array<i32: 0>} : vector<16xi32>
            %rev3A_949 = arith.subi %rev3A_947, %rev3A_948 : vector<16xi32>
            %rev3A_950 = tpu.dynamic_gather %masked_sort3A_944[%rev3A_949] in [0] : vector<16xf32>, vector<16xi32> -> vector<16xf32>
            %min3A_951 = arith.minimumf %cond3A_234#1, %rev3A_950 : vector<16xf32>
            %masked_sort3A_952 = arith.constant dense<true> : vector<16xi1>
            %masked_sort3A_953, %masked_sort3A_954, %masked_sort3A_955 = tpu.sort %min3A_951, %min3A_951 masked %masked_sort3A_952 : (vector<16xf32>, vector<16xf32>, vector<16xi1>) -> (vector<16xi1>, vector<16xf32>, vector<16xf32>)
            scf.yield %masked_sort3A_940, %masked_sort3A_954 : vector<16xf32>, vector<16xf32>
          } else {
            scf.yield %cond3A_234#0, %cond3A_234#1 : vector<16xf32>, vector<16xf32>
          }
          %mul3A_259 = arith.constant 512 : i32
          %mul3A_260 = arith.muli %scan3A_141, %mul3A_259 : i32
          %add3A_261 = arith.constant 64 : i32
          %add3A_262 = arith.addi %mul3A_260, %add3A_261 : i32
          %get3A_263 = arith.index_cast %add3A_262 : i32 to index
          %get3A_264 = tpu.vector_load %arg4[%get3A_263] {strides = array<i32>} : memref<50176xf32, #tpu.memory_space<vmem>>, vector<16xf32>,
          %ge3A_265 = arith.cmpf oge, %get3A_264, %gather3A_58 : vector<16xf32>
          %le3A_266 = arith.cmpf ole, %get3A_264, %gather3A_62 : vector<16xf32>
          %or3A_267 = arith.ori %ge3A_265, %le3A_266 : vector<16xi1>
          %reduce_or3A_268 = arith.constant 1.000000e+00 : f32
          %reduce_or3A_269 = arith.constant 0.000000e+00 : f32
          %reduce_or3A_270 = vector.broadcast %reduce_or3A_268 : f32 to vector<16xf32>
          %reduce_or3A_271 = vector.broadcast %reduce_or3A_269 : f32 to vector<16xf32>
          %reduce_or3A_272 = arith.select %or3A_267, %reduce_or3A_270, %reduce_or3A_271 : vector<16xi1>, vector<16xf32>
          %reduce_or3A_273 = arith.constant true
          %reduce_or3A_274 = vector.broadcast %reduce_or3A_273 : i1 to vector<16xi1>
          %reduce_or3A_275 = tpu.scan <max>, %reduce_or3A_272 masked %reduce_or3A_274 : vector<16xf32>, vector<16xi1> -> vector<16xf32>
          %reduce_or3A_276 = vector.extract %reduce_or3A_275[15] : f32 from vector<16xf32>
          %reduce_or3A_277 = arith.constant 0.000000e+00 : f32
          %reduce_or3A_278 = arith.cmpf ogt, %reduce_or3A_276, %reduce_or3A_277 : f32
          %convert_element_type3A_279 = arith.extui %reduce_or3A_278 : i1 to i32
          %cond3A_280 = arith.constant 0 : i32
          %cond3A_281 = arith.cmpi ne, %convert_element_type3A_279, %cond3A_280 : i32
          %cond3A_282:2 = scf.if %cond3A_281 -> (vector<16xf32>, vector<16xf32>) {
            %masked_sort3A = arith.constant dense<true> : vector<16xi1>
            %masked_sort3A_931, %masked_sort3A_932, %masked_sort3A_933 = tpu.sort %get3A_264, %get3A_264 masked %masked_sort3A : (vector<16xf32>, vector<16xf32>, vector<16xi1>) -> (vector<16xi1>, vector<16xf32>, vector<16xf32>)
            %rev3A = arith.constant 15 : i32
            %rev3A_934 = vector.broadcast %rev3A : i32 to vector<16xi32>
            %rev3A_935 = tpu.iota {dimensions = array<i32: 0>} : vector<16xi32>
            %rev3A_936 = arith.subi %rev3A_934, %rev3A_935 : vector<16xi32>
            %rev3A_937 = tpu.dynamic_gather %masked_sort3A_932[%rev3A_936] in [0] : vector<16xf32>, vector<16xi32> -> vector<16xf32>
            %max3A = arith.maximumf %cond3A_258#0, %rev3A_937 : vector<16xf32>
            %masked_sort3A_938 = arith.constant dense<true> : vector<16xi1>
            %masked_sort3A_939, %masked_sort3A_940, %masked_sort3A_941 = tpu.sort %max3A, %max3A masked %masked_sort3A_938 : (vector<16xf32>, vector<16xf32>, vector<16xi1>) -> (vector<16xi1>, vector<16xf32>, vector<16xf32>)
            %masked_sort3A_942 = arith.constant dense<true> : vector<16xi1>
            %masked_sort3A_943, %masked_sort3A_944, %masked_sort3A_945 = tpu.sort %get3A_264, %get3A_264 masked %masked_sort3A_942 : (vector<16xf32>, vector<16xf32>, vector<16xi1>) -> (vector<16xi1>, vector<16xf32>, vector<16xf32>)
            %rev3A_946 = arith.constant 15 : i32
            %rev3A_947 = vector.broadcast %rev3A_946 : i32 to vector<16xi32>
            %rev3A_948 = tpu.iota {dimensions = array<i32: 0>} : vector<16xi32>
            %rev3A_949 = arith.subi %rev3A_947, %rev3A_948 : vector<16xi32>
            %rev3A_950 = tpu.dynamic_gather %masked_sort3A_944[%rev3A_949] in [0] : vector<16xf32>, vector<16xi32> -> vector<16xf32>
            %min3A_951 = arith.minimumf %cond3A_258#1, %rev3A_950 : vector<16xf32>
            %masked_sort3A_952 = arith.constant dense<true> : vector<16xi1>
            %masked_sort3A_953, %masked_sort3A_954, %masked_sort3A_955 = tpu.sort %min3A_951, %min3A_951 masked %masked_sort3A_952 : (vector<16xf32>, vector<16xf32>, vector<16xi1>) -> (vector<16xi1>, vector<16xf32>, vector<16xf32>)
            scf.yield %masked_sort3A_940, %masked_sort3A_954 : vector<16xf32>, vector<16xf32>
          } else {
            scf.yield %cond3A_258#0, %cond3A_258#1 : vector<16xf32>, vector<16xf32>
          }
          %mul3A_283 = arith.constant 512 : i32
          %mul3A_284 = arith.muli %scan3A_141, %mul3A_283 : i32
          %add3A_285 = arith.constant 80 : i32
          %add3A_286 = arith.addi %mul3A_284, %add3A_285 : i32
          %get3A_287 = arith.index_cast %add3A_286 : i32 to index
          %get3A_288 = tpu.vector_load %arg4[%get3A_287] {strides = array<i32>} : memref<50176xf32, #tpu.memory_space<vmem>>, vector<16xf32>,
          %ge3A_289 = arith.cmpf oge, %get3A_288, %gather3A_58 : vector<16xf32>
          %le3A_290 = arith.cmpf ole, %get3A_288, %gather3A_62 : vector<16xf32>
          %or3A_291 = arith.ori %ge3A_289, %le3A_290 : vector<16xi1>
          %reduce_or3A_292 = arith.constant 1.000000e+00 : f32
          %reduce_or3A_293 = arith.constant 0.000000e+00 : f32
          %reduce_or3A_294 = vector.broadcast %reduce_or3A_292 : f32 to vector<16xf32>
          %reduce_or3A_295 = vector.broadcast %reduce_or3A_293 : f32 to vector<16xf32>
          %reduce_or3A_296 = arith.select %or3A_291, %reduce_or3A_294, %reduce_or3A_295 : vector<16xi1>, vector<16xf32>
          %reduce_or3A_297 = arith.constant true
          %reduce_or3A_298 = vector.broadcast %reduce_or3A_297 : i1 to vector<16xi1>
          %reduce_or3A_299 = tpu.scan <max>, %reduce_or3A_296 masked %reduce_or3A_298 : vector<16xf32>, vector<16xi1> -> vector<16xf32>
          %reduce_or3A_300 = vector.extract %reduce_or3A_299[15] : f32 from vector<16xf32>
          %reduce_or3A_301 = arith.constant 0.000000e+00 : f32
          %reduce_or3A_302 = arith.cmpf ogt, %reduce_or3A_300, %reduce_or3A_301 : f32
          %convert_element_type3A_303 = arith.extui %reduce_or3A_302 : i1 to i32
          %cond3A_304 = arith.constant 0 : i32
          %cond3A_305 = arith.cmpi ne, %convert_element_type3A_303, %cond3A_304 : i32
          %cond3A_306:2 = scf.if %cond3A_305 -> (vector<16xf32>, vector<16xf32>) {
            %masked_sort3A = arith.constant dense<true> : vector<16xi1>
            %masked_sort3A_931, %masked_sort3A_932, %masked_sort3A_933 = tpu.sort %get3A_288, %get3A_288 masked %masked_sort3A : (vector<16xf32>, vector<16xf32>, vector<16xi1>) -> (vector<16xi1>, vector<16xf32>, vector<16xf32>)
            %rev3A = arith.constant 15 : i32
            %rev3A_934 = vector.broadcast %rev3A : i32 to vector<16xi32>
            %rev3A_935 = tpu.iota {dimensions = array<i32: 0>} : vector<16xi32>
            %rev3A_936 = arith.subi %rev3A_934, %rev3A_935 : vector<16xi32>
            %rev3A_937 = tpu.dynamic_gather %masked_sort3A_932[%rev3A_936] in [0] : vector<16xf32>, vector<16xi32> -> vector<16xf32>
            %max3A = arith.maximumf %cond3A_282#0, %rev3A_937 : vector<16xf32>
            %masked_sort3A_938 = arith.constant dense<true> : vector<16xi1>
            %masked_sort3A_939, %masked_sort3A_940, %masked_sort3A_941 = tpu.sort %max3A, %max3A masked %masked_sort3A_938 : (vector<16xf32>, vector<16xf32>, vector<16xi1>) -> (vector<16xi1>, vector<16xf32>, vector<16xf32>)
            %masked_sort3A_942 = arith.constant dense<true> : vector<16xi1>
            %masked_sort3A_943, %masked_sort3A_944, %masked_sort3A_945 = tpu.sort %get3A_288, %get3A_288 masked %masked_sort3A_942 : (vector<16xf32>, vector<16xf32>, vector<16xi1>) -> (vector<16xi1>, vector<16xf32>, vector<16xf32>)
            %rev3A_946 = arith.constant 15 : i32
            %rev3A_947 = vector.broadcast %rev3A_946 : i32 to vector<16xi32>
            %rev3A_948 = tpu.iota {dimensions = array<i32: 0>} : vector<16xi32>
            %rev3A_949 = arith.subi %rev3A_947, %rev3A_948 : vector<16xi32>
            %rev3A_950 = tpu.dynamic_gather %masked_sort3A_944[%rev3A_949] in [0] : vector<16xf32>, vector<16xi32> -> vector<16xf32>
            %min3A_951 = arith.minimumf %cond3A_282#1, %rev3A_950 : vector<16xf32>
            %masked_sort3A_952 = arith.constant dense<true> : vector<16xi1>
            %masked_sort3A_953, %masked_sort3A_954, %masked_sort3A_955 = tpu.sort %min3A_951, %min3A_951 masked %masked_sort3A_952 : (vector<16xf32>, vector<16xf32>, vector<16xi1>) -> (vector<16xi1>, vector<16xf32>, vector<16xf32>)
            scf.yield %masked_sort3A_940, %masked_sort3A_954 : vector<16xf32>, vector<16xf32>
          } else {
            scf.yield %cond3A_282#0, %cond3A_282#1 : vector<16xf32>, vector<16xf32>
          }
          %mul3A_307 = arith.constant 512 : i32
          %mul3A_308 = arith.muli %scan3A_141, %mul3A_307 : i32
          %add3A_309 = arith.constant 96 : i32
          %add3A_310 = arith.addi %mul3A_308, %add3A_309 : i32
          %get3A_311 = arith.index_cast %add3A_310 : i32 to index
          %get3A_312 = tpu.vector_load %arg4[%get3A_311] {strides = array<i32>} : memref<50176xf32, #tpu.memory_space<vmem>>, vector<16xf32>,
          %ge3A_313 = arith.cmpf oge, %get3A_312, %gather3A_58 : vector<16xf32>
          %le3A_314 = arith.cmpf ole, %get3A_312, %gather3A_62 : vector<16xf32>
          %or3A_315 = arith.ori %ge3A_313, %le3A_314 : vector<16xi1>
          %reduce_or3A_316 = arith.constant 1.000000e+00 : f32
          %reduce_or3A_317 = arith.constant 0.000000e+00 : f32
          %reduce_or3A_318 = vector.broadcast %reduce_or3A_316 : f32 to vector<16xf32>
          %reduce_or3A_319 = vector.broadcast %reduce_or3A_317 : f32 to vector<16xf32>
          %reduce_or3A_320 = arith.select %or3A_315, %reduce_or3A_318, %reduce_or3A_319 : vector<16xi1>, vector<16xf32>
          %reduce_or3A_321 = arith.constant true
          %reduce_or3A_322 = vector.broadcast %reduce_or3A_321 : i1 to vector<16xi1>
          %reduce_or3A_323 = tpu.scan <max>, %reduce_or3A_320 masked %reduce_or3A_322 : vector<16xf32>, vector<16xi1> -> vector<16xf32>
          %reduce_or3A_324 = vector.extract %reduce_or3A_323[15] : f32 from vector<16xf32>
          %reduce_or3A_325 = arith.constant 0.000000e+00 : f32
          %reduce_or3A_326 = arith.cmpf ogt, %reduce_or3A_324, %reduce_or3A_325 : f32
          %convert_element_type3A_327 = arith.extui %reduce_or3A_326 : i1 to i32
          %cond3A_328 = arith.constant 0 : i32
          %cond3A_329 = arith.cmpi ne, %convert_element_type3A_327, %cond3A_328 : i32
          %cond3A_330:2 = scf.if %cond3A_329 -> (vector<16xf32>, vector<16xf32>) {
            %masked_sort3A = arith.constant dense<true> : vector<16xi1>
            %masked_sort3A_931, %masked_sort3A_932, %masked_sort3A_933 = tpu.sort %get3A_312, %get3A_312 masked %masked_sort3A : (vector<16xf32>, vector<16xf32>, vector<16xi1>) -> (vector<16xi1>, vector<16xf32>, vector<16xf32>)
            %rev3A = arith.constant 15 : i32
            %rev3A_934 = vector.broadcast %rev3A : i32 to vector<16xi32>
            %rev3A_935 = tpu.iota {dimensions = array<i32: 0>} : vector<16xi32>
            %rev3A_936 = arith.subi %rev3A_934, %rev3A_935 : vector<16xi32>
            %rev3A_937 = tpu.dynamic_gather %masked_sort3A_932[%rev3A_936] in [0] : vector<16xf32>, vector<16xi32> -> vector<16xf32>
            %max3A = arith.maximumf %cond3A_306#0, %rev3A_937 : vector<16xf32>
            %masked_sort3A_938 = arith.constant dense<true> : vector<16xi1>
            %masked_sort3A_939, %masked_sort3A_940, %masked_sort3A_941 = tpu.sort %max3A, %max3A masked %masked_sort3A_938 : (vector<16xf32>, vector<16xf32>, vector<16xi1>) -> (vector<16xi1>, vector<16xf32>, vector<16xf32>)
            %masked_sort3A_942 = arith.constant dense<true> : vector<16xi1>
            %masked_sort3A_943, %masked_sort3A_944, %masked_sort3A_945 = tpu.sort %get3A_312, %get3A_312 masked %masked_sort3A_942 : (vector<16xf32>, vector<16xf32>, vector<16xi1>) -> (vector<16xi1>, vector<16xf32>, vector<16xf32>)
            %rev3A_946 = arith.constant 15 : i32
            %rev3A_947 = vector.broadcast %rev3A_946 : i32 to vector<16xi32>
            %rev3A_948 = tpu.iota {dimensions = array<i32: 0>} : vector<16xi32>
            %rev3A_949 = arith.subi %rev3A_947, %rev3A_948 : vector<16xi32>
            %rev3A_950 = tpu.dynamic_gather %masked_sort3A_944[%rev3A_949] in [0] : vector<16xf32>, vector<16xi32> -> vector<16xf32>
            %min3A_951 = arith.minimumf %cond3A_306#1, %rev3A_950 : vector<16xf32>
            %masked_sort3A_952 = arith.constant dense<true> : vector<16xi1>
            %masked_sort3A_953, %masked_sort3A_954, %masked_sort3A_955 = tpu.sort %min3A_951, %min3A_951 masked %masked_sort3A_952 : (vector<16xf32>, vector<16xf32>, vector<16xi1>) -> (vector<16xi1>, vector<16xf32>, vector<16xf32>)
            scf.yield %masked_sort3A_940, %masked_sort3A_954 : vector<16xf32>, vector<16xf32>
          } else {
            scf.yield %cond3A_306#0, %cond3A_306#1 : vector<16xf32>, vector<16xf32>
          }
          %mul3A_331 = arith.constant 512 : i32
          %mul3A_332 = arith.muli %scan3A_141, %mul3A_331 : i32
          %add3A_333 = arith.constant 112 : i32
          %add3A_334 = arith.addi %mul3A_332, %add3A_333 : i32
          %get3A_335 = arith.index_cast %add3A_334 : i32 to index
          %get3A_336 = tpu.vector_load %arg4[%get3A_335] {strides = array<i32>} : memref<50176xf32, #tpu.memory_space<vmem>>, vector<16xf32>,
          %ge3A_337 = arith.cmpf oge, %get3A_336, %gather3A_58 : vector<16xf32>
          %le3A_338 = arith.cmpf ole, %get3A_336, %gather3A_62 : vector<16xf32>
          %or3A_339 = arith.ori %ge3A_337, %le3A_338 : vector<16xi1>
          %reduce_or3A_340 = arith.constant 1.000000e+00 : f32
          %reduce_or3A_341 = arith.constant 0.000000e+00 : f32
          %reduce_or3A_342 = vector.broadcast %reduce_or3A_340 : f32 to vector<16xf32>
          %reduce_or3A_343 = vector.broadcast %reduce_or3A_341 : f32 to vector<16xf32>
          %reduce_or3A_344 = arith.select %or3A_339, %reduce_or3A_342, %reduce_or3A_343 : vector<16xi1>, vector<16xf32>
          %reduce_or3A_345 = arith.constant true
          %reduce_or3A_346 = vector.broadcast %reduce_or3A_345 : i1 to vector<16xi1>
          %reduce_or3A_347 = tpu.scan <max>, %reduce_or3A_344 masked %reduce_or3A_346 : vector<16xf32>, vector<16xi1> -> vector<16xf32>
          %reduce_or3A_348 = vector.extract %reduce_or3A_347[15] : f32 from vector<16xf32>
          %reduce_or3A_349 = arith.constant 0.000000e+00 : f32
          %reduce_or3A_350 = arith.cmpf ogt, %reduce_or3A_348, %reduce_or3A_349 : f32
          %convert_element_type3A_351 = arith.extui %reduce_or3A_350 : i1 to i32
          %cond3A_352 = arith.constant 0 : i32
          %cond3A_353 = arith.cmpi ne, %convert_element_type3A_351, %cond3A_352 : i32
          %cond3A_354:2 = scf.if %cond3A_353 -> (vector<16xf32>, vector<16xf32>) {
            %masked_sort3A = arith.constant dense<true> : vector<16xi1>
            %masked_sort3A_931, %masked_sort3A_932, %masked_sort3A_933 = tpu.sort %get3A_336, %get3A_336 masked %masked_sort3A : (vector<16xf32>, vector<16xf32>, vector<16xi1>) -> (vector<16xi1>, vector<16xf32>, vector<16xf32>)
            %rev3A = arith.constant 15 : i32
            %rev3A_934 = vector.broadcast %rev3A : i32 to vector<16xi32>
            %rev3A_935 = tpu.iota {dimensions = array<i32: 0>} : vector<16xi32>
            %rev3A_936 = arith.subi %rev3A_934, %rev3A_935 : vector<16xi32>
            %rev3A_937 = tpu.dynamic_gather %masked_sort3A_932[%rev3A_936] in [0] : vector<16xf32>, vector<16xi32> -> vector<16xf32>
            %max3A = arith.maximumf %cond3A_330#0, %rev3A_937 : vector<16xf32>
            %masked_sort3A_938 = arith.constant dense<true> : vector<16xi1>
            %masked_sort3A_939, %masked_sort3A_940, %masked_sort3A_941 = tpu.sort %max3A, %max3A masked %masked_sort3A_938 : (vector<16xf32>, vector<16xf32>, vector<16xi1>) -> (vector<16xi1>, vector<16xf32>, vector<16xf32>)
            %masked_sort3A_942 = arith.constant dense<true> : vector<16xi1>
            %masked_sort3A_943, %masked_sort3A_944, %masked_sort3A_945 = tpu.sort %get3A_336, %get3A_336 masked %masked_sort3A_942 : (vector<16xf32>, vector<16xf32>, vector<16xi1>) -> (vector<16xi1>, vector<16xf32>, vector<16xf32>)
            %rev3A_946 = arith.constant 15 : i32
            %rev3A_947 = vector.broadcast %rev3A_946 : i32 to vector<16xi32>
            %rev3A_948 = tpu.iota {dimensions = array<i32: 0>} : vector<16xi32>
            %rev3A_949 = arith.subi %rev3A_947, %rev3A_948 : vector<16xi32>
            %rev3A_950 = tpu.dynamic_gather %masked_sort3A_944[%rev3A_949] in [0] : vector<16xf32>, vector<16xi32> -> vector<16xf32>
            %min3A_951 = arith.minimumf %cond3A_330#1, %rev3A_950 : vector<16xf32>
            %masked_sort3A_952 = arith.constant dense<true> : vector<16xi1>
            %masked_sort3A_953, %masked_sort3A_954, %masked_sort3A_955 = tpu.sort %min3A_951, %min3A_951 masked %masked_sort3A_952 : (vector<16xf32>, vector<16xf32>, vector<16xi1>) -> (vector<16xi1>, vector<16xf32>, vector<16xf32>)
            scf.yield %masked_sort3A_940, %masked_sort3A_954 : vector<16xf32>, vector<16xf32>
          } else {
            scf.yield %cond3A_330#0, %cond3A_330#1 : vector<16xf32>, vector<16xf32>
          }
          %mul3A_355 = arith.constant 512 : i32
          %mul3A_356 = arith.muli %scan3A_141, %mul3A_355 : i32
          %add3A_357 = arith.constant 128 : i32
          %add3A_358 = arith.addi %mul3A_356, %add3A_357 : i32
          %get3A_359 = arith.index_cast %add3A_358 : i32 to index
          %get3A_360 = tpu.vector_load %arg4[%get3A_359] {strides = array<i32>} : memref<50176xf32, #tpu.memory_space<vmem>>, vector<16xf32>,
          %ge3A_361 = arith.cmpf oge, %get3A_360, %gather3A_58 : vector<16xf32>
          %le3A_362 = arith.cmpf ole, %get3A_360, %gather3A_62 : vector<16xf32>
          %or3A_363 = arith.ori %ge3A_361, %le3A_362 : vector<16xi1>
          %reduce_or3A_364 = arith.constant 1.000000e+00 : f32
          %reduce_or3A_365 = arith.constant 0.000000e+00 : f32
          %reduce_or3A_366 = vector.broadcast %reduce_or3A_364 : f32 to vector<16xf32>
          %reduce_or3A_367 = vector.broadcast %reduce_or3A_365 : f32 to vector<16xf32>
          %reduce_or3A_368 = arith.select %or3A_363, %reduce_or3A_366, %reduce_or3A_367 : vector<16xi1>, vector<16xf32>
          %reduce_or3A_369 = arith.constant true
          %reduce_or3A_370 = vector.broadcast %reduce_or3A_369 : i1 to vector<16xi1>
          %reduce_or3A_371 = tpu.scan <max>, %reduce_or3A_368 masked %reduce_or3A_370 : vector<16xf32>, vector<16xi1> -> vector<16xf32>
          %reduce_or3A_372 = vector.extract %reduce_or3A_371[15] : f32 from vector<16xf32>
          %reduce_or3A_373 = arith.constant 0.000000e+00 : f32
          %reduce_or3A_374 = arith.cmpf ogt, %reduce_or3A_372, %reduce_or3A_373 : f32
          %convert_element_type3A_375 = arith.extui %reduce_or3A_374 : i1 to i32
          %cond3A_376 = arith.constant 0 : i32
          %cond3A_377 = arith.cmpi ne, %convert_element_type3A_375, %cond3A_376 : i32
          %cond3A_378:2 = scf.if %cond3A_377 -> (vector<16xf32>, vector<16xf32>) {
            %masked_sort3A = arith.constant dense<true> : vector<16xi1>
            %masked_sort3A_931, %masked_sort3A_932, %masked_sort3A_933 = tpu.sort %get3A_360, %get3A_360 masked %masked_sort3A : (vector<16xf32>, vector<16xf32>, vector<16xi1>) -> (vector<16xi1>, vector<16xf32>, vector<16xf32>)
            %rev3A = arith.constant 15 : i32
            %rev3A_934 = vector.broadcast %rev3A : i32 to vector<16xi32>
            %rev3A_935 = tpu.iota {dimensions = array<i32: 0>} : vector<16xi32>
            %rev3A_936 = arith.subi %rev3A_934, %rev3A_935 : vector<16xi32>
            %rev3A_937 = tpu.dynamic_gather %masked_sort3A_932[%rev3A_936] in [0] : vector<16xf32>, vector<16xi32> -> vector<16xf32>
            %max3A = arith.maximumf %cond3A_354#0, %rev3A_937 : vector<16xf32>
            %masked_sort3A_938 = arith.constant dense<true> : vector<16xi1>
            %masked_sort3A_939, %masked_sort3A_940, %masked_sort3A_941 = tpu.sort %max3A, %max3A masked %masked_sort3A_938 : (vector<16xf32>, vector<16xf32>, vector<16xi1>) -> (vector<16xi1>, vector<16xf32>, vector<16xf32>)
            %masked_sort3A_942 = arith.constant dense<true> : vector<16xi1>
            %masked_sort3A_943, %masked_sort3A_944, %masked_sort3A_945 = tpu.sort %get3A_360, %get3A_360 masked %masked_sort3A_942 : (vector<16xf32>, vector<16xf32>, vector<16xi1>) -> (vector<16xi1>, vector<16xf32>, vector<16xf32>)
            %rev3A_946 = arith.constant 15 : i32
            %rev3A_947 = vector.broadcast %rev3A_946 : i32 to vector<16xi32>
            %rev3A_948 = tpu.iota {dimensions = array<i32: 0>} : vector<16xi32>
            %rev3A_949 = arith.subi %rev3A_947, %rev3A_948 : vector<16xi32>
            %rev3A_950 = tpu.dynamic_gather %masked_sort3A_944[%rev3A_949] in [0] : vector<16xf32>, vector<16xi32> -> vector<16xf32>
            %min3A_951 = arith.minimumf %cond3A_354#1, %rev3A_950 : vector<16xf32>
            %masked_sort3A_952 = arith.constant dense<true> : vector<16xi1>
            %masked_sort3A_953, %masked_sort3A_954, %masked_sort3A_955 = tpu.sort %min3A_951, %min3A_951 masked %masked_sort3A_952 : (vector<16xf32>, vector<16xf32>, vector<16xi1>) -> (vector<16xi1>, vector<16xf32>, vector<16xf32>)
            scf.yield %masked_sort3A_940, %masked_sort3A_954 : vector<16xf32>, vector<16xf32>
          } else {
            scf.yield %cond3A_354#0, %cond3A_354#1 : vector<16xf32>, vector<16xf32>
          }
          %mul3A_379 = arith.constant 512 : i32
          %mul3A_380 = arith.muli %scan3A_141, %mul3A_379 : i32
          %add3A_381 = arith.constant 144 : i32
          %add3A_382 = arith.addi %mul3A_380, %add3A_381 : i32
          %get3A_383 = arith.index_cast %add3A_382 : i32 to index
          %get3A_384 = tpu.vector_load %arg4[%get3A_383] {strides = array<i32>} : memref<50176xf32, #tpu.memory_space<vmem>>, vector<16xf32>,
          %ge3A_385 = arith.cmpf oge, %get3A_384, %gather3A_58 : vector<16xf32>
          %le3A_386 = arith.cmpf ole, %get3A_384, %gather3A_62 : vector<16xf32>
          %or3A_387 = arith.ori %ge3A_385, %le3A_386 : vector<16xi1>
          %reduce_or3A_388 = arith.constant 1.000000e+00 : f32
          %reduce_or3A_389 = arith.constant 0.000000e+00 : f32
          %reduce_or3A_390 = vector.broadcast %reduce_or3A_388 : f32 to vector<16xf32>
          %reduce_or3A_391 = vector.broadcast %reduce_or3A_389 : f32 to vector<16xf32>
          %reduce_or3A_392 = arith.select %or3A_387, %reduce_or3A_390, %reduce_or3A_391 : vector<16xi1>, vector<16xf32>
          %reduce_or3A_393 = arith.constant true
          %reduce_or3A_394 = vector.broadcast %reduce_or3A_393 : i1 to vector<16xi1>
          %reduce_or3A_395 = tpu.scan <max>, %reduce_or3A_392 masked %reduce_or3A_394 : vector<16xf32>, vector<16xi1> -> vector<16xf32>
          %reduce_or3A_396 = vector.extract %reduce_or3A_395[15] : f32 from vector<16xf32>
          %reduce_or3A_397 = arith.constant 0.000000e+00 : f32
          %reduce_or3A_398 = arith.cmpf ogt, %reduce_or3A_396, %reduce_or3A_397 : f32
          %convert_element_type3A_399 = arith.extui %reduce_or3A_398 : i1 to i32
          %cond3A_400 = arith.constant 0 : i32
          %cond3A_401 = arith.cmpi ne, %convert_element_type3A_399, %cond3A_400 : i32
          %cond3A_402:2 = scf.if %cond3A_401 -> (vector<16xf32>, vector<16xf32>) {
            %masked_sort3A = arith.constant dense<true> : vector<16xi1>
            %masked_sort3A_931, %masked_sort3A_932, %masked_sort3A_933 = tpu.sort %get3A_384, %get3A_384 masked %masked_sort3A : (vector<16xf32>, vector<16xf32>, vector<16xi1>) -> (vector<16xi1>, vector<16xf32>, vector<16xf32>)
            %rev3A = arith.constant 15 : i32
            %rev3A_934 = vector.broadcast %rev3A : i32 to vector<16xi32>
            %rev3A_935 = tpu.iota {dimensions = array<i32: 0>} : vector<16xi32>
            %rev3A_936 = arith.subi %rev3A_934, %rev3A_935 : vector<16xi32>
            %rev3A_937 = tpu.dynamic_gather %masked_sort3A_932[%rev3A_936] in [0] : vector<16xf32>, vector<16xi32> -> vector<16xf32>
            %max3A = arith.maximumf %cond3A_378#0, %rev3A_937 : vector<16xf32>
            %masked_sort3A_938 = arith.constant dense<true> : vector<16xi1>
            %masked_sort3A_939, %masked_sort3A_940, %masked_sort3A_941 = tpu.sort %max3A, %max3A masked %masked_sort3A_938 : (vector<16xf32>, vector<16xf32>, vector<16xi1>) -> (vector<16xi1>, vector<16xf32>, vector<16xf32>)
            %masked_sort3A_942 = arith.constant dense<true> : vector<16xi1>
            %masked_sort3A_943, %masked_sort3A_944, %masked_sort3A_945 = tpu.sort %get3A_384, %get3A_384 masked %masked_sort3A_942 : (vector<16xf32>, vector<16xf32>, vector<16xi1>) -> (vector<16xi1>, vector<16xf32>, vector<16xf32>)
            %rev3A_946 = arith.constant 15 : i32
            %rev3A_947 = vector.broadcast %rev3A_946 : i32 to vector<16xi32>
            %rev3A_948 = tpu.iota {dimensions = array<i32: 0>} : vector<16xi32>
            %rev3A_949 = arith.subi %rev3A_947, %rev3A_948 : vector<16xi32>
            %rev3A_950 = tpu.dynamic_gather %masked_sort3A_944[%rev3A_949] in [0] : vector<16xf32>, vector<16xi32> -> vector<16xf32>
            %min3A_951 = arith.minimumf %cond3A_378#1, %rev3A_950 : vector<16xf32>
            %masked_sort3A_952 = arith.constant dense<true> : vector<16xi1>
            %masked_sort3A_953, %masked_sort3A_954, %masked_sort3A_955 = tpu.sort %min3A_951, %min3A_951 masked %masked_sort3A_952 : (vector<16xf32>, vector<16xf32>, vector<16xi1>) -> (vector<16xi1>, vector<16xf32>, vector<16xf32>)
            scf.yield %masked_sort3A_940, %masked_sort3A_954 : vector<16xf32>, vector<16xf32>
          } else {
            scf.yield %cond3A_378#0, %cond3A_378#1 : vector<16xf32>, vector<16xf32>
          }
          %mul3A_403 = arith.constant 512 : i32
          %mul3A_404 = arith.muli %scan3A_141, %mul3A_403 : i32
          %add3A_405 = arith.constant 160 : i32
          %add3A_406 = arith.addi %mul3A_404, %add3A_405 : i32
          %get3A_407 = arith.index_cast %add3A_406 : i32 to index
          %get3A_408 = tpu.vector_load %arg4[%get3A_407] {strides = array<i32>} : memref<50176xf32, #tpu.memory_space<vmem>>, vector<16xf32>,
          %ge3A_409 = arith.cmpf oge, %get3A_408, %gather3A_58 : vector<16xf32>
          %le3A_410 = arith.cmpf ole, %get3A_408, %gather3A_62 : vector<16xf32>
          %or3A_411 = arith.ori %ge3A_409, %le3A_410 : vector<16xi1>
          %reduce_or3A_412 = arith.constant 1.000000e+00 : f32
          %reduce_or3A_413 = arith.constant 0.000000e+00 : f32
          %reduce_or3A_414 = vector.broadcast %reduce_or3A_412 : f32 to vector<16xf32>
          %reduce_or3A_415 = vector.broadcast %reduce_or3A_413 : f32 to vector<16xf32>
          %reduce_or3A_416 = arith.select %or3A_411, %reduce_or3A_414, %reduce_or3A_415 : vector<16xi1>, vector<16xf32>
          %reduce_or3A_417 = arith.constant true
          %reduce_or3A_418 = vector.broadcast %reduce_or3A_417 : i1 to vector<16xi1>
          %reduce_or3A_419 = tpu.scan <max>, %reduce_or3A_416 masked %reduce_or3A_418 : vector<16xf32>, vector<16xi1> -> vector<16xf32>
          %reduce_or3A_420 = vector.extract %reduce_or3A_419[15] : f32 from vector<16xf32>
          %reduce_or3A_421 = arith.constant 0.000000e+00 : f32
          %reduce_or3A_422 = arith.cmpf ogt, %reduce_or3A_420, %reduce_or3A_421 : f32
          %convert_element_type3A_423 = arith.extui %reduce_or3A_422 : i1 to i32
          %cond3A_424 = arith.constant 0 : i32
          %cond3A_425 = arith.cmpi ne, %convert_element_type3A_423, %cond3A_424 : i32
          %cond3A_426:2 = scf.if %cond3A_425 -> (vector<16xf32>, vector<16xf32>) {
            %masked_sort3A = arith.constant dense<true> : vector<16xi1>
            %masked_sort3A_931, %masked_sort3A_932, %masked_sort3A_933 = tpu.sort %get3A_408, %get3A_408 masked %masked_sort3A : (vector<16xf32>, vector<16xf32>, vector<16xi1>) -> (vector<16xi1>, vector<16xf32>, vector<16xf32>)
            %rev3A = arith.constant 15 : i32
            %rev3A_934 = vector.broadcast %rev3A : i32 to vector<16xi32>
            %rev3A_935 = tpu.iota {dimensions = array<i32: 0>} : vector<16xi32>
            %rev3A_936 = arith.subi %rev3A_934, %rev3A_935 : vector<16xi32>
            %rev3A_937 = tpu.dynamic_gather %masked_sort3A_932[%rev3A_936] in [0] : vector<16xf32>, vector<16xi32> -> vector<16xf32>
            %max3A = arith.maximumf %cond3A_402#0, %rev3A_937 : vector<16xf32>
            %masked_sort3A_938 = arith.constant dense<true> : vector<16xi1>
            %masked_sort3A_939, %masked_sort3A_940, %masked_sort3A_941 = tpu.sort %max3A, %max3A masked %masked_sort3A_938 : (vector<16xf32>, vector<16xf32>, vector<16xi1>) -> (vector<16xi1>, vector<16xf32>, vector<16xf32>)
            %masked_sort3A_942 = arith.constant dense<true> : vector<16xi1>
            %masked_sort3A_943, %masked_sort3A_944, %masked_sort3A_945 = tpu.sort %get3A_408, %get3A_408 masked %masked_sort3A_942 : (vector<16xf32>, vector<16xf32>, vector<16xi1>) -> (vector<16xi1>, vector<16xf32>, vector<16xf32>)
            %rev3A_946 = arith.constant 15 : i32
            %rev3A_947 = vector.broadcast %rev3A_946 : i32 to vector<16xi32>
            %rev3A_948 = tpu.iota {dimensions = array<i32: 0>} : vector<16xi32>
            %rev3A_949 = arith.subi %rev3A_947, %rev3A_948 : vector<16xi32>
            %rev3A_950 = tpu.dynamic_gather %masked_sort3A_944[%rev3A_949] in [0] : vector<16xf32>, vector<16xi32> -> vector<16xf32>
            %min3A_951 = arith.minimumf %cond3A_402#1, %rev3A_950 : vector<16xf32>
            %masked_sort3A_952 = arith.constant dense<true> : vector<16xi1>
            %masked_sort3A_953, %masked_sort3A_954, %masked_sort3A_955 = tpu.sort %min3A_951, %min3A_951 masked %masked_sort3A_952 : (vector<16xf32>, vector<16xf32>, vector<16xi1>) -> (vector<16xi1>, vector<16xf32>, vector<16xf32>)
            scf.yield %masked_sort3A_940, %masked_sort3A_954 : vector<16xf32>, vector<16xf32>
          } else {
            scf.yield %cond3A_402#0, %cond3A_402#1 : vector<16xf32>, vector<16xf32>
          }
          %mul3A_427 = arith.constant 512 : i32
          %mul3A_428 = arith.muli %scan3A_141, %mul3A_427 : i32
          %add3A_429 = arith.constant 176 : i32
          %add3A_430 = arith.addi %mul3A_428, %add3A_429 : i32
          %get3A_431 = arith.index_cast %add3A_430 : i32 to index
          %get3A_432 = tpu.vector_load %arg4[%get3A_431] {strides = array<i32>} : memref<50176xf32, #tpu.memory_space<vmem>>, vector<16xf32>,
          %ge3A_433 = arith.cmpf oge, %get3A_432, %gather3A_58 : vector<16xf32>
          %le3A_434 = arith.cmpf ole, %get3A_432, %gather3A_62 : vector<16xf32>
          %or3A_435 = arith.ori %ge3A_433, %le3A_434 : vector<16xi1>
          %reduce_or3A_436 = arith.constant 1.000000e+00 : f32
          %reduce_or3A_437 = arith.constant 0.000000e+00 : f32
          %reduce_or3A_438 = vector.broadcast %reduce_or3A_436 : f32 to vector<16xf32>
          %reduce_or3A_439 = vector.broadcast %reduce_or3A_437 : f32 to vector<16xf32>
          %reduce_or3A_440 = arith.select %or3A_435, %reduce_or3A_438, %reduce_or3A_439 : vector<16xi1>, vector<16xf32>
          %reduce_or3A_441 = arith.constant true
          %reduce_or3A_442 = vector.broadcast %reduce_or3A_441 : i1 to vector<16xi1>
          %reduce_or3A_443 = tpu.scan <max>, %reduce_or3A_440 masked %reduce_or3A_442 : vector<16xf32>, vector<16xi1> -> vector<16xf32>
          %reduce_or3A_444 = vector.extract %reduce_or3A_443[15] : f32 from vector<16xf32>
          %reduce_or3A_445 = arith.constant 0.000000e+00 : f32
          %reduce_or3A_446 = arith.cmpf ogt, %reduce_or3A_444, %reduce_or3A_445 : f32
          %convert_element_type3A_447 = arith.extui %reduce_or3A_446 : i1 to i32
          %cond3A_448 = arith.constant 0 : i32
          %cond3A_449 = arith.cmpi ne, %convert_element_type3A_447, %cond3A_448 : i32
          %cond3A_450:2 = scf.if %cond3A_449 -> (vector<16xf32>, vector<16xf32>) {
            %masked_sort3A = arith.constant dense<true> : vector<16xi1>
            %masked_sort3A_931, %masked_sort3A_932, %masked_sort3A_933 = tpu.sort %get3A_432, %get3A_432 masked %masked_sort3A : (vector<16xf32>, vector<16xf32>, vector<16xi1>) -> (vector<16xi1>, vector<16xf32>, vector<16xf32>)
            %rev3A = arith.constant 15 : i32
            %rev3A_934 = vector.broadcast %rev3A : i32 to vector<16xi32>
            %rev3A_935 = tpu.iota {dimensions = array<i32: 0>} : vector<16xi32>
            %rev3A_936 = arith.subi %rev3A_934, %rev3A_935 : vector<16xi32>
            %rev3A_937 = tpu.dynamic_gather %masked_sort3A_932[%rev3A_936] in [0] : vector<16xf32>, vector<16xi32> -> vector<16xf32>
            %max3A = arith.maximumf %cond3A_426#0, %rev3A_937 : vector<16xf32>
            %masked_sort3A_938 = arith.constant dense<true> : vector<16xi1>
            %masked_sort3A_939, %masked_sort3A_940, %masked_sort3A_941 = tpu.sort %max3A, %max3A masked %masked_sort3A_938 : (vector<16xf32>, vector<16xf32>, vector<16xi1>) -> (vector<16xi1>, vector<16xf32>, vector<16xf32>)
            %masked_sort3A_942 = arith.constant dense<true> : vector<16xi1>
            %masked_sort3A_943, %masked_sort3A_944, %masked_sort3A_945 = tpu.sort %get3A_432, %get3A_432 masked %masked_sort3A_942 : (vector<16xf32>, vector<16xf32>, vector<16xi1>) -> (vector<16xi1>, vector<16xf32>, vector<16xf32>)
            %rev3A_946 = arith.constant 15 : i32
            %rev3A_947 = vector.broadcast %rev3A_946 : i32 to vector<16xi32>
            %rev3A_948 = tpu.iota {dimensions = array<i32: 0>} : vector<16xi32>
            %rev3A_949 = arith.subi %rev3A_947, %rev3A_948 : vector<16xi32>
            %rev3A_950 = tpu.dynamic_gather %masked_sort3A_944[%rev3A_949] in [0] : vector<16xf32>, vector<16xi32> -> vector<16xf32>
            %min3A_951 = arith.minimumf %cond3A_426#1, %rev3A_950 : vector<16xf32>
            %masked_sort3A_952 = arith.constant dense<true> : vector<16xi1>
            %masked_sort3A_953, %masked_sort3A_954, %masked_sort3A_955 = tpu.sort %min3A_951, %min3A_951 masked %masked_sort3A_952 : (vector<16xf32>, vector<16xf32>, vector<16xi1>) -> (vector<16xi1>, vector<16xf32>, vector<16xf32>)
            scf.yield %masked_sort3A_940, %masked_sort3A_954 : vector<16xf32>, vector<16xf32>
          } else {
            scf.yield %cond3A_426#0, %cond3A_426#1 : vector<16xf32>, vector<16xf32>
          }
          %mul3A_451 = arith.constant 512 : i32
          %mul3A_452 = arith.muli %scan3A_141, %mul3A_451 : i32
          %add3A_453 = arith.constant 192 : i32
          %add3A_454 = arith.addi %mul3A_452, %add3A_453 : i32
          %get3A_455 = arith.index_cast %add3A_454 : i32 to index
          %get3A_456 = tpu.vector_load %arg4[%get3A_455] {strides = array<i32>} : memref<50176xf32, #tpu.memory_space<vmem>>, vector<16xf32>,
          %ge3A_457 = arith.cmpf oge, %get3A_456, %gather3A_58 : vector<16xf32>
          %le3A_458 = arith.cmpf ole, %get3A_456, %gather3A_62 : vector<16xf32>
          %or3A_459 = arith.ori %ge3A_457, %le3A_458 : vector<16xi1>
          %reduce_or3A_460 = arith.constant 1.000000e+00 : f32
          %reduce_or3A_461 = arith.constant 0.000000e+00 : f32
          %reduce_or3A_462 = vector.broadcast %reduce_or3A_460 : f32 to vector<16xf32>
          %reduce_or3A_463 = vector.broadcast %reduce_or3A_461 : f32 to vector<16xf32>
          %reduce_or3A_464 = arith.select %or3A_459, %reduce_or3A_462, %reduce_or3A_463 : vector<16xi1>, vector<16xf32>
          %reduce_or3A_465 = arith.constant true
          %reduce_or3A_466 = vector.broadcast %reduce_or3A_465 : i1 to vector<16xi1>
          %reduce_or3A_467 = tpu.scan <max>, %reduce_or3A_464 masked %reduce_or3A_466 : vector<16xf32>, vector<16xi1> -> vector<16xf32>
          %reduce_or3A_468 = vector.extract %reduce_or3A_467[15] : f32 from vector<16xf32>
          %reduce_or3A_469 = arith.constant 0.000000e+00 : f32
          %reduce_or3A_470 = arith.cmpf ogt, %reduce_or3A_468, %reduce_or3A_469 : f32
          %convert_element_type3A_471 = arith.extui %reduce_or3A_470 : i1 to i32
          %cond3A_472 = arith.constant 0 : i32
          %cond3A_473 = arith.cmpi ne, %convert_element_type3A_471, %cond3A_472 : i32
          %cond3A_474:2 = scf.if %cond3A_473 -> (vector<16xf32>, vector<16xf32>) {
            %masked_sort3A = arith.constant dense<true> : vector<16xi1>
            %masked_sort3A_931, %masked_sort3A_932, %masked_sort3A_933 = tpu.sort %get3A_456, %get3A_456 masked %masked_sort3A : (vector<16xf32>, vector<16xf32>, vector<16xi1>) -> (vector<16xi1>, vector<16xf32>, vector<16xf32>)
            %rev3A = arith.constant 15 : i32
            %rev3A_934 = vector.broadcast %rev3A : i32 to vector<16xi32>
            %rev3A_935 = tpu.iota {dimensions = array<i32: 0>} : vector<16xi32>
            %rev3A_936 = arith.subi %rev3A_934, %rev3A_935 : vector<16xi32>
            %rev3A_937 = tpu.dynamic_gather %masked_sort3A_932[%rev3A_936] in [0] : vector<16xf32>, vector<16xi32> -> vector<16xf32>
            %max3A = arith.maximumf %cond3A_450#0, %rev3A_937 : vector<16xf32>
            %masked_sort3A_938 = arith.constant dense<true> : vector<16xi1>
            %masked_sort3A_939, %masked_sort3A_940, %masked_sort3A_941 = tpu.sort %max3A, %max3A masked %masked_sort3A_938 : (vector<16xf32>, vector<16xf32>, vector<16xi1>) -> (vector<16xi1>, vector<16xf32>, vector<16xf32>)
            %masked_sort3A_942 = arith.constant dense<true> : vector<16xi1>
            %masked_sort3A_943, %masked_sort3A_944, %masked_sort3A_945 = tpu.sort %get3A_456, %get3A_456 masked %masked_sort3A_942 : (vector<16xf32>, vector<16xf32>, vector<16xi1>) -> (vector<16xi1>, vector<16xf32>, vector<16xf32>)
            %rev3A_946 = arith.constant 15 : i32
            %rev3A_947 = vector.broadcast %rev3A_946 : i32 to vector<16xi32>
            %rev3A_948 = tpu.iota {dimensions = array<i32: 0>} : vector<16xi32>
            %rev3A_949 = arith.subi %rev3A_947, %rev3A_948 : vector<16xi32>
            %rev3A_950 = tpu.dynamic_gather %masked_sort3A_944[%rev3A_949] in [0] : vector<16xf32>, vector<16xi32> -> vector<16xf32>
            %min3A_951 = arith.minimumf %cond3A_450#1, %rev3A_950 : vector<16xf32>
            %masked_sort3A_952 = arith.constant dense<true> : vector<16xi1>
            %masked_sort3A_953, %masked_sort3A_954, %masked_sort3A_955 = tpu.sort %min3A_951, %min3A_951 masked %masked_sort3A_952 : (vector<16xf32>, vector<16xf32>, vector<16xi1>) -> (vector<16xi1>, vector<16xf32>, vector<16xf32>)
            scf.yield %masked_sort3A_940, %masked_sort3A_954 : vector<16xf32>, vector<16xf32>
          } else {
            scf.yield %cond3A_450#0, %cond3A_450#1 : vector<16xf32>, vector<16xf32>
          }
          %mul3A_475 = arith.constant 512 : i32
          %mul3A_476 = arith.muli %scan3A_141, %mul3A_475 : i32
          %add3A_477 = arith.constant 208 : i32
          %add3A_478 = arith.addi %mul3A_476, %add3A_477 : i32
          %get3A_479 = arith.index_cast %add3A_478 : i32 to index
          %get3A_480 = tpu.vector_load %arg4[%get3A_479] {strides = array<i32>} : memref<50176xf32, #tpu.memory_space<vmem>>, vector<16xf32>,
          %ge3A_481 = arith.cmpf oge, %get3A_480, %gather3A_58 : vector<16xf32>
          %le3A_482 = arith.cmpf ole, %get3A_480, %gather3A_62 : vector<16xf32>
          %or3A_483 = arith.ori %ge3A_481, %le3A_482 : vector<16xi1>
          %reduce_or3A_484 = arith.constant 1.000000e+00 : f32
          %reduce_or3A_485 = arith.constant 0.000000e+00 : f32
          %reduce_or3A_486 = vector.broadcast %reduce_or3A_484 : f32 to vector<16xf32>
          %reduce_or3A_487 = vector.broadcast %reduce_or3A_485 : f32 to vector<16xf32>
          %reduce_or3A_488 = arith.select %or3A_483, %reduce_or3A_486, %reduce_or3A_487 : vector<16xi1>, vector<16xf32>
          %reduce_or3A_489 = arith.constant true
          %reduce_or3A_490 = vector.broadcast %reduce_or3A_489 : i1 to vector<16xi1>
          %reduce_or3A_491 = tpu.scan <max>, %reduce_or3A_488 masked %reduce_or3A_490 : vector<16xf32>, vector<16xi1> -> vector<16xf32>
          %reduce_or3A_492 = vector.extract %reduce_or3A_491[15] : f32 from vector<16xf32>
          %reduce_or3A_493 = arith.constant 0.000000e+00 : f32
          %reduce_or3A_494 = arith.cmpf ogt, %reduce_or3A_492, %reduce_or3A_493 : f32
          %convert_element_type3A_495 = arith.extui %reduce_or3A_494 : i1 to i32
          %cond3A_496 = arith.constant 0 : i32
          %cond3A_497 = arith.cmpi ne, %convert_element_type3A_495, %cond3A_496 : i32
          %cond3A_498:2 = scf.if %cond3A_497 -> (vector<16xf32>, vector<16xf32>) {
            %masked_sort3A = arith.constant dense<true> : vector<16xi1>
            %masked_sort3A_931, %masked_sort3A_932, %masked_sort3A_933 = tpu.sort %get3A_480, %get3A_480 masked %masked_sort3A : (vector<16xf32>, vector<16xf32>, vector<16xi1>) -> (vector<16xi1>, vector<16xf32>, vector<16xf32>)
            %rev3A = arith.constant 15 : i32
            %rev3A_934 = vector.broadcast %rev3A : i32 to vector<16xi32>
            %rev3A_935 = tpu.iota {dimensions = array<i32: 0>} : vector<16xi32>
            %rev3A_936 = arith.subi %rev3A_934, %rev3A_935 : vector<16xi32>
            %rev3A_937 = tpu.dynamic_gather %masked_sort3A_932[%rev3A_936] in [0] : vector<16xf32>, vector<16xi32> -> vector<16xf32>
            %max3A = arith.maximumf %cond3A_474#0, %rev3A_937 : vector<16xf32>
            %masked_sort3A_938 = arith.constant dense<true> : vector<16xi1>
            %masked_sort3A_939, %masked_sort3A_940, %masked_sort3A_941 = tpu.sort %max3A, %max3A masked %masked_sort3A_938 : (vector<16xf32>, vector<16xf32>, vector<16xi1>) -> (vector<16xi1>, vector<16xf32>, vector<16xf32>)
            %masked_sort3A_942 = arith.constant dense<true> : vector<16xi1>
            %masked_sort3A_943, %masked_sort3A_944, %masked_sort3A_945 = tpu.sort %get3A_480, %get3A_480 masked %masked_sort3A_942 : (vector<16xf32>, vector<16xf32>, vector<16xi1>) -> (vector<16xi1>, vector<16xf32>, vector<16xf32>)
            %rev3A_946 = arith.constant 15 : i32
            %rev3A_947 = vector.broadcast %rev3A_946 : i32 to vector<16xi32>
            %rev3A_948 = tpu.iota {dimensions = array<i32: 0>} : vector<16xi32>
            %rev3A_949 = arith.subi %rev3A_947, %rev3A_948 : vector<16xi32>
            %rev3A_950 = tpu.dynamic_gather %masked_sort3A_944[%rev3A_949] in [0] : vector<16xf32>, vector<16xi32> -> vector<16xf32>
            %min3A_951 = arith.minimumf %cond3A_474#1, %rev3A_950 : vector<16xf32>
            %masked_sort3A_952 = arith.constant dense<true> : vector<16xi1>
            %masked_sort3A_953, %masked_sort3A_954, %masked_sort3A_955 = tpu.sort %min3A_951, %min3A_951 masked %masked_sort3A_952 : (vector<16xf32>, vector<16xf32>, vector<16xi1>) -> (vector<16xi1>, vector<16xf32>, vector<16xf32>)
            scf.yield %masked_sort3A_940, %masked_sort3A_954 : vector<16xf32>, vector<16xf32>
          } else {
            scf.yield %cond3A_474#0, %cond3A_474#1 : vector<16xf32>, vector<16xf32>
          }
          %mul3A_499 = arith.constant 512 : i32
          %mul3A_500 = arith.muli %scan3A_141, %mul3A_499 : i32
          %add3A_501 = arith.constant 224 : i32
          %add3A_502 = arith.addi %mul3A_500, %add3A_501 : i32
          %get3A_503 = arith.index_cast %add3A_502 : i32 to index
          %get3A_504 = tpu.vector_load %arg4[%get3A_503] {strides = array<i32>} : memref<50176xf32, #tpu.memory_space<vmem>>, vector<16xf32>,
          %ge3A_505 = arith.cmpf oge, %get3A_504, %gather3A_58 : vector<16xf32>
          %le3A_506 = arith.cmpf ole, %get3A_504, %gather3A_62 : vector<16xf32>
          %or3A_507 = arith.ori %ge3A_505, %le3A_506 : vector<16xi1>
          %reduce_or3A_508 = arith.constant 1.000000e+00 : f32
          %reduce_or3A_509 = arith.constant 0.000000e+00 : f32
          %reduce_or3A_510 = vector.broadcast %reduce_or3A_508 : f32 to vector<16xf32>
          %reduce_or3A_511 = vector.broadcast %reduce_or3A_509 : f32 to vector<16xf32>
          %reduce_or3A_512 = arith.select %or3A_507, %reduce_or3A_510, %reduce_or3A_511 : vector<16xi1>, vector<16xf32>
          %reduce_or3A_513 = arith.constant true
          %reduce_or3A_514 = vector.broadcast %reduce_or3A_513 : i1 to vector<16xi1>
          %reduce_or3A_515 = tpu.scan <max>, %reduce_or3A_512 masked %reduce_or3A_514 : vector<16xf32>, vector<16xi1> -> vector<16xf32>
          %reduce_or3A_516 = vector.extract %reduce_or3A_515[15] : f32 from vector<16xf32>
          %reduce_or3A_517 = arith.constant 0.000000e+00 : f32
          %reduce_or3A_518 = arith.cmpf ogt, %reduce_or3A_516, %reduce_or3A_517 : f32
          %convert_element_type3A_519 = arith.extui %reduce_or3A_518 : i1 to i32
          %cond3A_520 = arith.constant 0 : i32
          %cond3A_521 = arith.cmpi ne, %convert_element_type3A_519, %cond3A_520 : i32
          %cond3A_522:2 = scf.if %cond3A_521 -> (vector<16xf32>, vector<16xf32>) {
            %masked_sort3A = arith.constant dense<true> : vector<16xi1>
            %masked_sort3A_931, %masked_sort3A_932, %masked_sort3A_933 = tpu.sort %get3A_504, %get3A_504 masked %masked_sort3A : (vector<16xf32>, vector<16xf32>, vector<16xi1>) -> (vector<16xi1>, vector<16xf32>, vector<16xf32>)
            %rev3A = arith.constant 15 : i32
            %rev3A_934 = vector.broadcast %rev3A : i32 to vector<16xi32>
            %rev3A_935 = tpu.iota {dimensions = array<i32: 0>} : vector<16xi32>
            %rev3A_936 = arith.subi %rev3A_934, %rev3A_935 : vector<16xi32>
            %rev3A_937 = tpu.dynamic_gather %masked_sort3A_932[%rev3A_936] in [0] : vector<16xf32>, vector<16xi32> -> vector<16xf32>
            %max3A = arith.maximumf %cond3A_498#0, %rev3A_937 : vector<16xf32>
            %masked_sort3A_938 = arith.constant dense<true> : vector<16xi1>
            %masked_sort3A_939, %masked_sort3A_940, %masked_sort3A_941 = tpu.sort %max3A, %max3A masked %masked_sort3A_938 : (vector<16xf32>, vector<16xf32>, vector<16xi1>) -> (vector<16xi1>, vector<16xf32>, vector<16xf32>)
            %masked_sort3A_942 = arith.constant dense<true> : vector<16xi1>
            %masked_sort3A_943, %masked_sort3A_944, %masked_sort3A_945 = tpu.sort %get3A_504, %get3A_504 masked %masked_sort3A_942 : (vector<16xf32>, vector<16xf32>, vector<16xi1>) -> (vector<16xi1>, vector<16xf32>, vector<16xf32>)
            %rev3A_946 = arith.constant 15 : i32
            %rev3A_947 = vector.broadcast %rev3A_946 : i32 to vector<16xi32>
            %rev3A_948 = tpu.iota {dimensions = array<i32: 0>} : vector<16xi32>
            %rev3A_949 = arith.subi %rev3A_947, %rev3A_948 : vector<16xi32>
            %rev3A_950 = tpu.dynamic_gather %masked_sort3A_944[%rev3A_949] in [0] : vector<16xf32>, vector<16xi32> -> vector<16xf32>
            %min3A_951 = arith.minimumf %cond3A_498#1, %rev3A_950 : vector<16xf32>
            %masked_sort3A_952 = arith.constant dense<true> : vector<16xi1>
            %masked_sort3A_953, %masked_sort3A_954, %masked_sort3A_955 = tpu.sort %min3A_951, %min3A_951 masked %masked_sort3A_952 : (vector<16xf32>, vector<16xf32>, vector<16xi1>) -> (vector<16xi1>, vector<16xf32>, vector<16xf32>)
            scf.yield %masked_sort3A_940, %masked_sort3A_954 : vector<16xf32>, vector<16xf32>
          } else {
            scf.yield %cond3A_498#0, %cond3A_498#1 : vector<16xf32>, vector<16xf32>
          }
          %mul3A_523 = arith.constant 512 : i32
          %mul3A_524 = arith.muli %scan3A_141, %mul3A_523 : i32
          %add3A_525 = arith.constant 240 : i32
          %add3A_526 = arith.addi %mul3A_524, %add3A_525 : i32
          %get3A_527 = arith.index_cast %add3A_526 : i32 to index
          %get3A_528 = tpu.vector_load %arg4[%get3A_527] {strides = array<i32>} : memref<50176xf32, #tpu.memory_space<vmem>>, vector<16xf32>,
          %ge3A_529 = arith.cmpf oge, %get3A_528, %gather3A_58 : vector<16xf32>
          %le3A_530 = arith.cmpf ole, %get3A_528, %gather3A_62 : vector<16xf32>
          %or3A_531 = arith.ori %ge3A_529, %le3A_530 : vector<16xi1>
          %reduce_or3A_532 = arith.constant 1.000000e+00 : f32
          %reduce_or3A_533 = arith.constant 0.000000e+00 : f32
          %reduce_or3A_534 = vector.broadcast %reduce_or3A_532 : f32 to vector<16xf32>
          %reduce_or3A_535 = vector.broadcast %reduce_or3A_533 : f32 to vector<16xf32>
          %reduce_or3A_536 = arith.select %or3A_531, %reduce_or3A_534, %reduce_or3A_535 : vector<16xi1>, vector<16xf32>
          %reduce_or3A_537 = arith.constant true
          %reduce_or3A_538 = vector.broadcast %reduce_or3A_537 : i1 to vector<16xi1>
          %reduce_or3A_539 = tpu.scan <max>, %reduce_or3A_536 masked %reduce_or3A_538 : vector<16xf32>, vector<16xi1> -> vector<16xf32>
          %reduce_or3A_540 = vector.extract %reduce_or3A_539[15] : f32 from vector<16xf32>
          %reduce_or3A_541 = arith.constant 0.000000e+00 : f32
          %reduce_or3A_542 = arith.cmpf ogt, %reduce_or3A_540, %reduce_or3A_541 : f32
          %convert_element_type3A_543 = arith.extui %reduce_or3A_542 : i1 to i32
          %cond3A_544 = arith.constant 0 : i32
          %cond3A_545 = arith.cmpi ne, %convert_element_type3A_543, %cond3A_544 : i32
          %cond3A_546:2 = scf.if %cond3A_545 -> (vector<16xf32>, vector<16xf32>) {
            %masked_sort3A = arith.constant dense<true> : vector<16xi1>
            %masked_sort3A_931, %masked_sort3A_932, %masked_sort3A_933 = tpu.sort %get3A_528, %get3A_528 masked %masked_sort3A : (vector<16xf32>, vector<16xf32>, vector<16xi1>) -> (vector<16xi1>, vector<16xf32>, vector<16xf32>)
            %rev3A = arith.constant 15 : i32
            %rev3A_934 = vector.broadcast %rev3A : i32 to vector<16xi32>
            %rev3A_935 = tpu.iota {dimensions = array<i32: 0>} : vector<16xi32>
            %rev3A_936 = arith.subi %rev3A_934, %rev3A_935 : vector<16xi32>
            %rev3A_937 = tpu.dynamic_gather %masked_sort3A_932[%rev3A_936] in [0] : vector<16xf32>, vector<16xi32> -> vector<16xf32>
            %max3A = arith.maximumf %cond3A_522#0, %rev3A_937 : vector<16xf32>
            %masked_sort3A_938 = arith.constant dense<true> : vector<16xi1>
            %masked_sort3A_939, %masked_sort3A_940, %masked_sort3A_941 = tpu.sort %max3A, %max3A masked %masked_sort3A_938 : (vector<16xf32>, vector<16xf32>, vector<16xi1>) -> (vector<16xi1>, vector<16xf32>, vector<16xf32>)
            %masked_sort3A_942 = arith.constant dense<true> : vector<16xi1>
            %masked_sort3A_943, %masked_sort3A_944, %masked_sort3A_945 = tpu.sort %get3A_528, %get3A_528 masked %masked_sort3A_942 : (vector<16xf32>, vector<16xf32>, vector<16xi1>) -> (vector<16xi1>, vector<16xf32>, vector<16xf32>)
            %rev3A_946 = arith.constant 15 : i32
            %rev3A_947 = vector.broadcast %rev3A_946 : i32 to vector<16xi32>
            %rev3A_948 = tpu.iota {dimensions = array<i32: 0>} : vector<16xi32>
            %rev3A_949 = arith.subi %rev3A_947, %rev3A_948 : vector<16xi32>
            %rev3A_950 = tpu.dynamic_gather %masked_sort3A_944[%rev3A_949] in [0] : vector<16xf32>, vector<16xi32> -> vector<16xf32>
            %min3A_951 = arith.minimumf %cond3A_522#1, %rev3A_950 : vector<16xf32>
            %masked_sort3A_952 = arith.constant dense<true> : vector<16xi1>
            %masked_sort3A_953, %masked_sort3A_954, %masked_sort3A_955 = tpu.sort %min3A_951, %min3A_951 masked %masked_sort3A_952 : (vector<16xf32>, vector<16xf32>, vector<16xi1>) -> (vector<16xi1>, vector<16xf32>, vector<16xf32>)
            scf.yield %masked_sort3A_940, %masked_sort3A_954 : vector<16xf32>, vector<16xf32>
          } else {
            scf.yield %cond3A_522#0, %cond3A_522#1 : vector<16xf32>, vector<16xf32>
          }
          %mul3A_547 = arith.constant 512 : i32
          %mul3A_548 = arith.muli %scan3A_141, %mul3A_547 : i32
          %add3A_549 = arith.constant 256 : i32
          %add3A_550 = arith.addi %mul3A_548, %add3A_549 : i32
          %get3A_551 = arith.index_cast %add3A_550 : i32 to index
          %get3A_552 = tpu.vector_load %arg4[%get3A_551] {strides = array<i32>} : memref<50176xf32, #tpu.memory_space<vmem>>, vector<16xf32>,
          %ge3A_553 = arith.cmpf oge, %get3A_552, %gather3A_58 : vector<16xf32>
          %le3A_554 = arith.cmpf ole, %get3A_552, %gather3A_62 : vector<16xf32>
          %or3A_555 = arith.ori %ge3A_553, %le3A_554 : vector<16xi1>
          %reduce_or3A_556 = arith.constant 1.000000e+00 : f32
          %reduce_or3A_557 = arith.constant 0.000000e+00 : f32
          %reduce_or3A_558 = vector.broadcast %reduce_or3A_556 : f32 to vector<16xf32>
          %reduce_or3A_559 = vector.broadcast %reduce_or3A_557 : f32 to vector<16xf32>
          %reduce_or3A_560 = arith.select %or3A_555, %reduce_or3A_558, %reduce_or3A_559 : vector<16xi1>, vector<16xf32>
          %reduce_or3A_561 = arith.constant true
          %reduce_or3A_562 = vector.broadcast %reduce_or3A_561 : i1 to vector<16xi1>
          %reduce_or3A_563 = tpu.scan <max>, %reduce_or3A_560 masked %reduce_or3A_562 : vector<16xf32>, vector<16xi1> -> vector<16xf32>
          %reduce_or3A_564 = vector.extract %reduce_or3A_563[15] : f32 from vector<16xf32>
          %reduce_or3A_565 = arith.constant 0.000000e+00 : f32
          %reduce_or3A_566 = arith.cmpf ogt, %reduce_or3A_564, %reduce_or3A_565 : f32
          %convert_element_type3A_567 = arith.extui %reduce_or3A_566 : i1 to i32
          %cond3A_568 = arith.constant 0 : i32
          %cond3A_569 = arith.cmpi ne, %convert_element_type3A_567, %cond3A_568 : i32
          %cond3A_570:2 = scf.if %cond3A_569 -> (vector<16xf32>, vector<16xf32>) {
            %masked_sort3A = arith.constant dense<true> : vector<16xi1>
            %masked_sort3A_931, %masked_sort3A_932, %masked_sort3A_933 = tpu.sort %get3A_552, %get3A_552 masked %masked_sort3A : (vector<16xf32>, vector<16xf32>, vector<16xi1>) -> (vector<16xi1>, vector<16xf32>, vector<16xf32>)
            %rev3A = arith.constant 15 : i32
            %rev3A_934 = vector.broadcast %rev3A : i32 to vector<16xi32>
            %rev3A_935 = tpu.iota {dimensions = array<i32: 0>} : vector<16xi32>
            %rev3A_936 = arith.subi %rev3A_934, %rev3A_935 : vector<16xi32>
            %rev3A_937 = tpu.dynamic_gather %masked_sort3A_932[%rev3A_936] in [0] : vector<16xf32>, vector<16xi32> -> vector<16xf32>
            %max3A = arith.maximumf %cond3A_546#0, %rev3A_937 : vector<16xf32>
            %masked_sort3A_938 = arith.constant dense<true> : vector<16xi1>
            %masked_sort3A_939, %masked_sort3A_940, %masked_sort3A_941 = tpu.sort %max3A, %max3A masked %masked_sort3A_938 : (vector<16xf32>, vector<16xf32>, vector<16xi1>) -> (vector<16xi1>, vector<16xf32>, vector<16xf32>)
            %masked_sort3A_942 = arith.constant dense<true> : vector<16xi1>
            %masked_sort3A_943, %masked_sort3A_944, %masked_sort3A_945 = tpu.sort %get3A_552, %get3A_552 masked %masked_sort3A_942 : (vector<16xf32>, vector<16xf32>, vector<16xi1>) -> (vector<16xi1>, vector<16xf32>, vector<16xf32>)
            %rev3A_946 = arith.constant 15 : i32
            %rev3A_947 = vector.broadcast %rev3A_946 : i32 to vector<16xi32>
            %rev3A_948 = tpu.iota {dimensions = array<i32: 0>} : vector<16xi32>
            %rev3A_949 = arith.subi %rev3A_947, %rev3A_948 : vector<16xi32>
            %rev3A_950 = tpu.dynamic_gather %masked_sort3A_944[%rev3A_949] in [0] : vector<16xf32>, vector<16xi32> -> vector<16xf32>
            %min3A_951 = arith.minimumf %cond3A_546#1, %rev3A_950 : vector<16xf32>
            %masked_sort3A_952 = arith.constant dense<true> : vector<16xi1>
            %masked_sort3A_953, %masked_sort3A_954, %masked_sort3A_955 = tpu.sort %min3A_951, %min3A_951 masked %masked_sort3A_952 : (vector<16xf32>, vector<16xf32>, vector<16xi1>) -> (vector<16xi1>, vector<16xf32>, vector<16xf32>)
            scf.yield %masked_sort3A_940, %masked_sort3A_954 : vector<16xf32>, vector<16xf32>
          } else {
            scf.yield %cond3A_546#0, %cond3A_546#1 : vector<16xf32>, vector<16xf32>
          }
          %mul3A_571 = arith.constant 512 : i32
          %mul3A_572 = arith.muli %scan3A_141, %mul3A_571 : i32
          %add3A_573 = arith.constant 272 : i32
          %add3A_574 = arith.addi %mul3A_572, %add3A_573 : i32
          %get3A_575 = arith.index_cast %add3A_574 : i32 to index
          %get3A_576 = tpu.vector_load %arg4[%get3A_575] {strides = array<i32>} : memref<50176xf32, #tpu.memory_space<vmem>>, vector<16xf32>,
          %ge3A_577 = arith.cmpf oge, %get3A_576, %gather3A_58 : vector<16xf32>
          %le3A_578 = arith.cmpf ole, %get3A_576, %gather3A_62 : vector<16xf32>
          %or3A_579 = arith.ori %ge3A_577, %le3A_578 : vector<16xi1>
          %reduce_or3A_580 = arith.constant 1.000000e+00 : f32
          %reduce_or3A_581 = arith.constant 0.000000e+00 : f32
          %reduce_or3A_582 = vector.broadcast %reduce_or3A_580 : f32 to vector<16xf32>
          %reduce_or3A_583 = vector.broadcast %reduce_or3A_581 : f32 to vector<16xf32>
          %reduce_or3A_584 = arith.select %or3A_579, %reduce_or3A_582, %reduce_or3A_583 : vector<16xi1>, vector<16xf32>
          %reduce_or3A_585 = arith.constant true
          %reduce_or3A_586 = vector.broadcast %reduce_or3A_585 : i1 to vector<16xi1>
          %reduce_or3A_587 = tpu.scan <max>, %reduce_or3A_584 masked %reduce_or3A_586 : vector<16xf32>, vector<16xi1> -> vector<16xf32>
          %reduce_or3A_588 = vector.extract %reduce_or3A_587[15] : f32 from vector<16xf32>
          %reduce_or3A_589 = arith.constant 0.000000e+00 : f32
          %reduce_or3A_590 = arith.cmpf ogt, %reduce_or3A_588, %reduce_or3A_589 : f32
          %convert_element_type3A_591 = arith.extui %reduce_or3A_590 : i1 to i32
          %cond3A_592 = arith.constant 0 : i32
          %cond3A_593 = arith.cmpi ne, %convert_element_type3A_591, %cond3A_592 : i32
          %cond3A_594:2 = scf.if %cond3A_593 -> (vector<16xf32>, vector<16xf32>) {
            %masked_sort3A = arith.constant dense<true> : vector<16xi1>
            %masked_sort3A_931, %masked_sort3A_932, %masked_sort3A_933 = tpu.sort %get3A_576, %get3A_576 masked %masked_sort3A : (vector<16xf32>, vector<16xf32>, vector<16xi1>) -> (vector<16xi1>, vector<16xf32>, vector<16xf32>)
            %rev3A = arith.constant 15 : i32
            %rev3A_934 = vector.broadcast %rev3A : i32 to vector<16xi32>
            %rev3A_935 = tpu.iota {dimensions = array<i32: 0>} : vector<16xi32>
            %rev3A_936 = arith.subi %rev3A_934, %rev3A_935 : vector<16xi32>
            %rev3A_937 = tpu.dynamic_gather %masked_sort3A_932[%rev3A_936] in [0] : vector<16xf32>, vector<16xi32> -> vector<16xf32>
            %max3A = arith.maximumf %cond3A_570#0, %rev3A_937 : vector<16xf32>
            %masked_sort3A_938 = arith.constant dense<true> : vector<16xi1>
            %masked_sort3A_939, %masked_sort3A_940, %masked_sort3A_941 = tpu.sort %max3A, %max3A masked %masked_sort3A_938 : (vector<16xf32>, vector<16xf32>, vector<16xi1>) -> (vector<16xi1>, vector<16xf32>, vector<16xf32>)
            %masked_sort3A_942 = arith.constant dense<true> : vector<16xi1>
            %masked_sort3A_943, %masked_sort3A_944, %masked_sort3A_945 = tpu.sort %get3A_576, %get3A_576 masked %masked_sort3A_942 : (vector<16xf32>, vector<16xf32>, vector<16xi1>) -> (vector<16xi1>, vector<16xf32>, vector<16xf32>)
            %rev3A_946 = arith.constant 15 : i32
            %rev3A_947 = vector.broadcast %rev3A_946 : i32 to vector<16xi32>
            %rev3A_948 = tpu.iota {dimensions = array<i32: 0>} : vector<16xi32>
            %rev3A_949 = arith.subi %rev3A_947, %rev3A_948 : vector<16xi32>
            %rev3A_950 = tpu.dynamic_gather %masked_sort3A_944[%rev3A_949] in [0] : vector<16xf32>, vector<16xi32> -> vector<16xf32>
            %min3A_951 = arith.minimumf %cond3A_570#1, %rev3A_950 : vector<16xf32>
            %masked_sort3A_952 = arith.constant dense<true> : vector<16xi1>
            %masked_sort3A_953, %masked_sort3A_954, %masked_sort3A_955 = tpu.sort %min3A_951, %min3A_951 masked %masked_sort3A_952 : (vector<16xf32>, vector<16xf32>, vector<16xi1>) -> (vector<16xi1>, vector<16xf32>, vector<16xf32>)
            scf.yield %masked_sort3A_940, %masked_sort3A_954 : vector<16xf32>, vector<16xf32>
          } else {
            scf.yield %cond3A_570#0, %cond3A_570#1 : vector<16xf32>, vector<16xf32>
          }
          %mul3A_595 = arith.constant 512 : i32
          %mul3A_596 = arith.muli %scan3A_141, %mul3A_595 : i32
          %add3A_597 = arith.constant 288 : i32
          %add3A_598 = arith.addi %mul3A_596, %add3A_597 : i32
          %get3A_599 = arith.index_cast %add3A_598 : i32 to index
          %get3A_600 = tpu.vector_load %arg4[%get3A_599] {strides = array<i32>} : memref<50176xf32, #tpu.memory_space<vmem>>, vector<16xf32>,
          %ge3A_601 = arith.cmpf oge, %get3A_600, %gather3A_58 : vector<16xf32>
          %le3A_602 = arith.cmpf ole, %get3A_600, %gather3A_62 : vector<16xf32>
          %or3A_603 = arith.ori %ge3A_601, %le3A_602 : vector<16xi1>
          %reduce_or3A_604 = arith.constant 1.000000e+00 : f32
          %reduce_or3A_605 = arith.constant 0.000000e+00 : f32
          %reduce_or3A_606 = vector.broadcast %reduce_or3A_604 : f32 to vector<16xf32>
          %reduce_or3A_607 = vector.broadcast %reduce_or3A_605 : f32 to vector<16xf32>
          %reduce_or3A_608 = arith.select %or3A_603, %reduce_or3A_606, %reduce_or3A_607 : vector<16xi1>, vector<16xf32>
          %reduce_or3A_609 = arith.constant true
          %reduce_or3A_610 = vector.broadcast %reduce_or3A_609 : i1 to vector<16xi1>
          %reduce_or3A_611 = tpu.scan <max>, %reduce_or3A_608 masked %reduce_or3A_610 : vector<16xf32>, vector<16xi1> -> vector<16xf32>
          %reduce_or3A_612 = vector.extract %reduce_or3A_611[15] : f32 from vector<16xf32>
          %reduce_or3A_613 = arith.constant 0.000000e+00 : f32
          %reduce_or3A_614 = arith.cmpf ogt, %reduce_or3A_612, %reduce_or3A_613 : f32
          %convert_element_type3A_615 = arith.extui %reduce_or3A_614 : i1 to i32
          %cond3A_616 = arith.constant 0 : i32
          %cond3A_617 = arith.cmpi ne, %convert_element_type3A_615, %cond3A_616 : i32
          %cond3A_618:2 = scf.if %cond3A_617 -> (vector<16xf32>, vector<16xf32>) {
            %masked_sort3A = arith.constant dense<true> : vector<16xi1>
            %masked_sort3A_931, %masked_sort3A_932, %masked_sort3A_933 = tpu.sort %get3A_600, %get3A_600 masked %masked_sort3A : (vector<16xf32>, vector<16xf32>, vector<16xi1>) -> (vector<16xi1>, vector<16xf32>, vector<16xf32>)
            %rev3A = arith.constant 15 : i32
            %rev3A_934 = vector.broadcast %rev3A : i32 to vector<16xi32>
            %rev3A_935 = tpu.iota {dimensions = array<i32: 0>} : vector<16xi32>
            %rev3A_936 = arith.subi %rev3A_934, %rev3A_935 : vector<16xi32>
            %rev3A_937 = tpu.dynamic_gather %masked_sort3A_932[%rev3A_936] in [0] : vector<16xf32>, vector<16xi32> -> vector<16xf32>
            %max3A = arith.maximumf %cond3A_594#0, %rev3A_937 : vector<16xf32>
            %masked_sort3A_938 = arith.constant dense<true> : vector<16xi1>
            %masked_sort3A_939, %masked_sort3A_940, %masked_sort3A_941 = tpu.sort %max3A, %max3A masked %masked_sort3A_938 : (vector<16xf32>, vector<16xf32>, vector<16xi1>) -> (vector<16xi1>, vector<16xf32>, vector<16xf32>)
            %masked_sort3A_942 = arith.constant dense<true> : vector<16xi1>
            %masked_sort3A_943, %masked_sort3A_944, %masked_sort3A_945 = tpu.sort %get3A_600, %get3A_600 masked %masked_sort3A_942 : (vector<16xf32>, vector<16xf32>, vector<16xi1>) -> (vector<16xi1>, vector<16xf32>, vector<16xf32>)
            %rev3A_946 = arith.constant 15 : i32
            %rev3A_947 = vector.broadcast %rev3A_946 : i32 to vector<16xi32>
            %rev3A_948 = tpu.iota {dimensions = array<i32: 0>} : vector<16xi32>
            %rev3A_949 = arith.subi %rev3A_947, %rev3A_948 : vector<16xi32>
            %rev3A_950 = tpu.dynamic_gather %masked_sort3A_944[%rev3A_949] in [0] : vector<16xf32>, vector<16xi32> -> vector<16xf32>
            %min3A_951 = arith.minimumf %cond3A_594#1, %rev3A_950 : vector<16xf32>
            %masked_sort3A_952 = arith.constant dense<true> : vector<16xi1>
            %masked_sort3A_953, %masked_sort3A_954, %masked_sort3A_955 = tpu.sort %min3A_951, %min3A_951 masked %masked_sort3A_952 : (vector<16xf32>, vector<16xf32>, vector<16xi1>) -> (vector<16xi1>, vector<16xf32>, vector<16xf32>)
            scf.yield %masked_sort3A_940, %masked_sort3A_954 : vector<16xf32>, vector<16xf32>
          } else {
            scf.yield %cond3A_594#0, %cond3A_594#1 : vector<16xf32>, vector<16xf32>
          }
          %mul3A_619 = arith.constant 512 : i32
          %mul3A_620 = arith.muli %scan3A_141, %mul3A_619 : i32
          %add3A_621 = arith.constant 304 : i32
          %add3A_622 = arith.addi %mul3A_620, %add3A_621 : i32
          %get3A_623 = arith.index_cast %add3A_622 : i32 to index
          %get3A_624 = tpu.vector_load %arg4[%get3A_623] {strides = array<i32>} : memref<50176xf32, #tpu.memory_space<vmem>>, vector<16xf32>,
          %ge3A_625 = arith.cmpf oge, %get3A_624, %gather3A_58 : vector<16xf32>
          %le3A_626 = arith.cmpf ole, %get3A_624, %gather3A_62 : vector<16xf32>
          %or3A_627 = arith.ori %ge3A_625, %le3A_626 : vector<16xi1>
          %reduce_or3A_628 = arith.constant 1.000000e+00 : f32
          %reduce_or3A_629 = arith.constant 0.000000e+00 : f32
          %reduce_or3A_630 = vector.broadcast %reduce_or3A_628 : f32 to vector<16xf32>
          %reduce_or3A_631 = vector.broadcast %reduce_or3A_629 : f32 to vector<16xf32>
          %reduce_or3A_632 = arith.select %or3A_627, %reduce_or3A_630, %reduce_or3A_631 : vector<16xi1>, vector<16xf32>
          %reduce_or3A_633 = arith.constant true
          %reduce_or3A_634 = vector.broadcast %reduce_or3A_633 : i1 to vector<16xi1>
          %reduce_or3A_635 = tpu.scan <max>, %reduce_or3A_632 masked %reduce_or3A_634 : vector<16xf32>, vector<16xi1> -> vector<16xf32>
          %reduce_or3A_636 = vector.extract %reduce_or3A_635[15] : f32 from vector<16xf32>
          %reduce_or3A_637 = arith.constant 0.000000e+00 : f32
          %reduce_or3A_638 = arith.cmpf ogt, %reduce_or3A_636, %reduce_or3A_637 : f32
          %convert_element_type3A_639 = arith.extui %reduce_or3A_638 : i1 to i32
          %cond3A_640 = arith.constant 0 : i32
          %cond3A_641 = arith.cmpi ne, %convert_element_type3A_639, %cond3A_640 : i32
          %cond3A_642:2 = scf.if %cond3A_641 -> (vector<16xf32>, vector<16xf32>) {
            %masked_sort3A = arith.constant dense<true> : vector<16xi1>
            %masked_sort3A_931, %masked_sort3A_932, %masked_sort3A_933 = tpu.sort %get3A_624, %get3A_624 masked %masked_sort3A : (vector<16xf32>, vector<16xf32>, vector<16xi1>) -> (vector<16xi1>, vector<16xf32>, vector<16xf32>)
            %rev3A = arith.constant 15 : i32
            %rev3A_934 = vector.broadcast %rev3A : i32 to vector<16xi32>
            %rev3A_935 = tpu.iota {dimensions = array<i32: 0>} : vector<16xi32>
            %rev3A_936 = arith.subi %rev3A_934, %rev3A_935 : vector<16xi32>
            %rev3A_937 = tpu.dynamic_gather %masked_sort3A_932[%rev3A_936] in [0] : vector<16xf32>, vector<16xi32> -> vector<16xf32>
            %max3A = arith.maximumf %cond3A_618#0, %rev3A_937 : vector<16xf32>
            %masked_sort3A_938 = arith.constant dense<true> : vector<16xi1>
            %masked_sort3A_939, %masked_sort3A_940, %masked_sort3A_941 = tpu.sort %max3A, %max3A masked %masked_sort3A_938 : (vector<16xf32>, vector<16xf32>, vector<16xi1>) -> (vector<16xi1>, vector<16xf32>, vector<16xf32>)
            %masked_sort3A_942 = arith.constant dense<true> : vector<16xi1>
            %masked_sort3A_943, %masked_sort3A_944, %masked_sort3A_945 = tpu.sort %get3A_624, %get3A_624 masked %masked_sort3A_942 : (vector<16xf32>, vector<16xf32>, vector<16xi1>) -> (vector<16xi1>, vector<16xf32>, vector<16xf32>)
            %rev3A_946 = arith.constant 15 : i32
            %rev3A_947 = vector.broadcast %rev3A_946 : i32 to vector<16xi32>
            %rev3A_948 = tpu.iota {dimensions = array<i32: 0>} : vector<16xi32>
            %rev3A_949 = arith.subi %rev3A_947, %rev3A_948 : vector<16xi32>
            %rev3A_950 = tpu.dynamic_gather %masked_sort3A_944[%rev3A_949] in [0] : vector<16xf32>, vector<16xi32> -> vector<16xf32>
            %min3A_951 = arith.minimumf %cond3A_618#1, %rev3A_950 : vector<16xf32>
            %masked_sort3A_952 = arith.constant dense<true> : vector<16xi1>
            %masked_sort3A_953, %masked_sort3A_954, %masked_sort3A_955 = tpu.sort %min3A_951, %min3A_951 masked %masked_sort3A_952 : (vector<16xf32>, vector<16xf32>, vector<16xi1>) -> (vector<16xi1>, vector<16xf32>, vector<16xf32>)
            scf.yield %masked_sort3A_940, %masked_sort3A_954 : vector<16xf32>, vector<16xf32>
          } else {
            scf.yield %cond3A_618#0, %cond3A_618#1 : vector<16xf32>, vector<16xf32>
          }
          %mul3A_643 = arith.constant 512 : i32
          %mul3A_644 = arith.muli %scan3A_141, %mul3A_643 : i32
          %add3A_645 = arith.constant 320 : i32
          %add3A_646 = arith.addi %mul3A_644, %add3A_645 : i32
          %get3A_647 = arith.index_cast %add3A_646 : i32 to index
          %get3A_648 = tpu.vector_load %arg4[%get3A_647] {strides = array<i32>} : memref<50176xf32, #tpu.memory_space<vmem>>, vector<16xf32>,
          %ge3A_649 = arith.cmpf oge, %get3A_648, %gather3A_58 : vector<16xf32>
          %le3A_650 = arith.cmpf ole, %get3A_648, %gather3A_62 : vector<16xf32>
          %or3A_651 = arith.ori %ge3A_649, %le3A_650 : vector<16xi1>
          %reduce_or3A_652 = arith.constant 1.000000e+00 : f32
          %reduce_or3A_653 = arith.constant 0.000000e+00 : f32
          %reduce_or3A_654 = vector.broadcast %reduce_or3A_652 : f32 to vector<16xf32>
          %reduce_or3A_655 = vector.broadcast %reduce_or3A_653 : f32 to vector<16xf32>
          %reduce_or3A_656 = arith.select %or3A_651, %reduce_or3A_654, %reduce_or3A_655 : vector<16xi1>, vector<16xf32>
          %reduce_or3A_657 = arith.constant true
          %reduce_or3A_658 = vector.broadcast %reduce_or3A_657 : i1 to vector<16xi1>
          %reduce_or3A_659 = tpu.scan <max>, %reduce_or3A_656 masked %reduce_or3A_658 : vector<16xf32>, vector<16xi1> -> vector<16xf32>
          %reduce_or3A_660 = vector.extract %reduce_or3A_659[15] : f32 from vector<16xf32>
          %reduce_or3A_661 = arith.constant 0.000000e+00 : f32
          %reduce_or3A_662 = arith.cmpf ogt, %reduce_or3A_660, %reduce_or3A_661 : f32
          %convert_element_type3A_663 = arith.extui %reduce_or3A_662 : i1 to i32
          %cond3A_664 = arith.constant 0 : i32
          %cond3A_665 = arith.cmpi ne, %convert_element_type3A_663, %cond3A_664 : i32
          %cond3A_666:2 = scf.if %cond3A_665 -> (vector<16xf32>, vector<16xf32>) {
            %masked_sort3A = arith.constant dense<true> : vector<16xi1>
            %masked_sort3A_931, %masked_sort3A_932, %masked_sort3A_933 = tpu.sort %get3A_648, %get3A_648 masked %masked_sort3A : (vector<16xf32>, vector<16xf32>, vector<16xi1>) -> (vector<16xi1>, vector<16xf32>, vector<16xf32>)
            %rev3A = arith.constant 15 : i32
            %rev3A_934 = vector.broadcast %rev3A : i32 to vector<16xi32>
            %rev3A_935 = tpu.iota {dimensions = array<i32: 0>} : vector<16xi32>
            %rev3A_936 = arith.subi %rev3A_934, %rev3A_935 : vector<16xi32>
            %rev3A_937 = tpu.dynamic_gather %masked_sort3A_932[%rev3A_936] in [0] : vector<16xf32>, vector<16xi32> -> vector<16xf32>
            %max3A = arith.maximumf %cond3A_642#0, %rev3A_937 : vector<16xf32>
            %masked_sort3A_938 = arith.constant dense<true> : vector<16xi1>
            %masked_sort3A_939, %masked_sort3A_940, %masked_sort3A_941 = tpu.sort %max3A, %max3A masked %masked_sort3A_938 : (vector<16xf32>, vector<16xf32>, vector<16xi1>) -> (vector<16xi1>, vector<16xf32>, vector<16xf32>)
            %masked_sort3A_942 = arith.constant dense<true> : vector<16xi1>
            %masked_sort3A_943, %masked_sort3A_944, %masked_sort3A_945 = tpu.sort %get3A_648, %get3A_648 masked %masked_sort3A_942 : (vector<16xf32>, vector<16xf32>, vector<16xi1>) -> (vector<16xi1>, vector<16xf32>, vector<16xf32>)
            %rev3A_946 = arith.constant 15 : i32
            %rev3A_947 = vector.broadcast %rev3A_946 : i32 to vector<16xi32>
            %rev3A_948 = tpu.iota {dimensions = array<i32: 0>} : vector<16xi32>
            %rev3A_949 = arith.subi %rev3A_947, %rev3A_948 : vector<16xi32>
            %rev3A_950 = tpu.dynamic_gather %masked_sort3A_944[%rev3A_949] in [0] : vector<16xf32>, vector<16xi32> -> vector<16xf32>
            %min3A_951 = arith.minimumf %cond3A_642#1, %rev3A_950 : vector<16xf32>
            %masked_sort3A_952 = arith.constant dense<true> : vector<16xi1>
            %masked_sort3A_953, %masked_sort3A_954, %masked_sort3A_955 = tpu.sort %min3A_951, %min3A_951 masked %masked_sort3A_952 : (vector<16xf32>, vector<16xf32>, vector<16xi1>) -> (vector<16xi1>, vector<16xf32>, vector<16xf32>)
            scf.yield %masked_sort3A_940, %masked_sort3A_954 : vector<16xf32>, vector<16xf32>
          } else {
            scf.yield %cond3A_642#0, %cond3A_642#1 : vector<16xf32>, vector<16xf32>
          }
          %mul3A_667 = arith.constant 512 : i32
          %mul3A_668 = arith.muli %scan3A_141, %mul3A_667 : i32
          %add3A_669 = arith.constant 336 : i32
          %add3A_670 = arith.addi %mul3A_668, %add3A_669 : i32
          %get3A_671 = arith.index_cast %add3A_670 : i32 to index
          %get3A_672 = tpu.vector_load %arg4[%get3A_671] {strides = array<i32>} : memref<50176xf32, #tpu.memory_space<vmem>>, vector<16xf32>,
          %ge3A_673 = arith.cmpf oge, %get3A_672, %gather3A_58 : vector<16xf32>
          %le3A_674 = arith.cmpf ole, %get3A_672, %gather3A_62 : vector<16xf32>
          %or3A_675 = arith.ori %ge3A_673, %le3A_674 : vector<16xi1>
          %reduce_or3A_676 = arith.constant 1.000000e+00 : f32
          %reduce_or3A_677 = arith.constant 0.000000e+00 : f32
          %reduce_or3A_678 = vector.broadcast %reduce_or3A_676 : f32 to vector<16xf32>
          %reduce_or3A_679 = vector.broadcast %reduce_or3A_677 : f32 to vector<16xf32>
          %reduce_or3A_680 = arith.select %or3A_675, %reduce_or3A_678, %reduce_or3A_679 : vector<16xi1>, vector<16xf32>
          %reduce_or3A_681 = arith.constant true
          %reduce_or3A_682 = vector.broadcast %reduce_or3A_681 : i1 to vector<16xi1>
          %reduce_or3A_683 = tpu.scan <max>, %reduce_or3A_680 masked %reduce_or3A_682 : vector<16xf32>, vector<16xi1> -> vector<16xf32>
          %reduce_or3A_684 = vector.extract %reduce_or3A_683[15] : f32 from vector<16xf32>
          %reduce_or3A_685 = arith.constant 0.000000e+00 : f32
          %reduce_or3A_686 = arith.cmpf ogt, %reduce_or3A_684, %reduce_or3A_685 : f32
          %convert_element_type3A_687 = arith.extui %reduce_or3A_686 : i1 to i32
          %cond3A_688 = arith.constant 0 : i32
          %cond3A_689 = arith.cmpi ne, %convert_element_type3A_687, %cond3A_688 : i32
          %cond3A_690:2 = scf.if %cond3A_689 -> (vector<16xf32>, vector<16xf32>) {
            %masked_sort3A = arith.constant dense<true> : vector<16xi1>
            %masked_sort3A_931, %masked_sort3A_932, %masked_sort3A_933 = tpu.sort %get3A_672, %get3A_672 masked %masked_sort3A : (vector<16xf32>, vector<16xf32>, vector<16xi1>) -> (vector<16xi1>, vector<16xf32>, vector<16xf32>)
            %rev3A = arith.constant 15 : i32
            %rev3A_934 = vector.broadcast %rev3A : i32 to vector<16xi32>
            %rev3A_935 = tpu.iota {dimensions = array<i32: 0>} : vector<16xi32>
            %rev3A_936 = arith.subi %rev3A_934, %rev3A_935 : vector<16xi32>
            %rev3A_937 = tpu.dynamic_gather %masked_sort3A_932[%rev3A_936] in [0] : vector<16xf32>, vector<16xi32> -> vector<16xf32>
            %max3A = arith.maximumf %cond3A_666#0, %rev3A_937 : vector<16xf32>
            %masked_sort3A_938 = arith.constant dense<true> : vector<16xi1>
            %masked_sort3A_939, %masked_sort3A_940, %masked_sort3A_941 = tpu.sort %max3A, %max3A masked %masked_sort3A_938 : (vector<16xf32>, vector<16xf32>, vector<16xi1>) -> (vector<16xi1>, vector<16xf32>, vector<16xf32>)
            %masked_sort3A_942 = arith.constant dense<true> : vector<16xi1>
            %masked_sort3A_943, %masked_sort3A_944, %masked_sort3A_945 = tpu.sort %get3A_672, %get3A_672 masked %masked_sort3A_942 : (vector<16xf32>, vector<16xf32>, vector<16xi1>) -> (vector<16xi1>, vector<16xf32>, vector<16xf32>)
            %rev3A_946 = arith.constant 15 : i32
            %rev3A_947 = vector.broadcast %rev3A_946 : i32 to vector<16xi32>
            %rev3A_948 = tpu.iota {dimensions = array<i32: 0>} : vector<16xi32>
            %rev3A_949 = arith.subi %rev3A_947, %rev3A_948 : vector<16xi32>
            %rev3A_950 = tpu.dynamic_gather %masked_sort3A_944[%rev3A_949] in [0] : vector<16xf32>, vector<16xi32> -> vector<16xf32>
            %min3A_951 = arith.minimumf %cond3A_666#1, %rev3A_950 : vector<16xf32>
            %masked_sort3A_952 = arith.constant dense<true> : vector<16xi1>
            %masked_sort3A_953, %masked_sort3A_954, %masked_sort3A_955 = tpu.sort %min3A_951, %min3A_951 masked %masked_sort3A_952 : (vector<16xf32>, vector<16xf32>, vector<16xi1>) -> (vector<16xi1>, vector<16xf32>, vector<16xf32>)
            scf.yield %masked_sort3A_940, %masked_sort3A_954 : vector<16xf32>, vector<16xf32>
          } else {
            scf.yield %cond3A_666#0, %cond3A_666#1 : vector<16xf32>, vector<16xf32>
          }
          %mul3A_691 = arith.constant 512 : i32
          %mul3A_692 = arith.muli %scan3A_141, %mul3A_691 : i32
          %add3A_693 = arith.constant 352 : i32
          %add3A_694 = arith.addi %mul3A_692, %add3A_693 : i32
          %get3A_695 = arith.index_cast %add3A_694 : i32 to index
          %get3A_696 = tpu.vector_load %arg4[%get3A_695] {strides = array<i32>} : memref<50176xf32, #tpu.memory_space<vmem>>, vector<16xf32>,
          %ge3A_697 = arith.cmpf oge, %get3A_696, %gather3A_58 : vector<16xf32>
          %le3A_698 = arith.cmpf ole, %get3A_696, %gather3A_62 : vector<16xf32>
          %or3A_699 = arith.ori %ge3A_697, %le3A_698 : vector<16xi1>
          %reduce_or3A_700 = arith.constant 1.000000e+00 : f32
          %reduce_or3A_701 = arith.constant 0.000000e+00 : f32
          %reduce_or3A_702 = vector.broadcast %reduce_or3A_700 : f32 to vector<16xf32>
          %reduce_or3A_703 = vector.broadcast %reduce_or3A_701 : f32 to vector<16xf32>
          %reduce_or3A_704 = arith.select %or3A_699, %reduce_or3A_702, %reduce_or3A_703 : vector<16xi1>, vector<16xf32>
          %reduce_or3A_705 = arith.constant true
          %reduce_or3A_706 = vector.broadcast %reduce_or3A_705 : i1 to vector<16xi1>
          %reduce_or3A_707 = tpu.scan <max>, %reduce_or3A_704 masked %reduce_or3A_706 : vector<16xf32>, vector<16xi1> -> vector<16xf32>
          %reduce_or3A_708 = vector.extract %reduce_or3A_707[15] : f32 from vector<16xf32>
          %reduce_or3A_709 = arith.constant 0.000000e+00 : f32
          %reduce_or3A_710 = arith.cmpf ogt, %reduce_or3A_708, %reduce_or3A_709 : f32
          %convert_element_type3A_711 = arith.extui %reduce_or3A_710 : i1 to i32
          %cond3A_712 = arith.constant 0 : i32
          %cond3A_713 = arith.cmpi ne, %convert_element_type3A_711, %cond3A_712 : i32
          %cond3A_714:2 = scf.if %cond3A_713 -> (vector<16xf32>, vector<16xf32>) {
            %masked_sort3A = arith.constant dense<true> : vector<16xi1>
            %masked_sort3A_931, %masked_sort3A_932, %masked_sort3A_933 = tpu.sort %get3A_696, %get3A_696 masked %masked_sort3A : (vector<16xf32>, vector<16xf32>, vector<16xi1>) -> (vector<16xi1>, vector<16xf32>, vector<16xf32>)
            %rev3A = arith.constant 15 : i32
            %rev3A_934 = vector.broadcast %rev3A : i32 to vector<16xi32>
            %rev3A_935 = tpu.iota {dimensions = array<i32: 0>} : vector<16xi32>
            %rev3A_936 = arith.subi %rev3A_934, %rev3A_935 : vector<16xi32>
            %rev3A_937 = tpu.dynamic_gather %masked_sort3A_932[%rev3A_936] in [0] : vector<16xf32>, vector<16xi32> -> vector<16xf32>
            %max3A = arith.maximumf %cond3A_690#0, %rev3A_937 : vector<16xf32>
            %masked_sort3A_938 = arith.constant dense<true> : vector<16xi1>
            %masked_sort3A_939, %masked_sort3A_940, %masked_sort3A_941 = tpu.sort %max3A, %max3A masked %masked_sort3A_938 : (vector<16xf32>, vector<16xf32>, vector<16xi1>) -> (vector<16xi1>, vector<16xf32>, vector<16xf32>)
            %masked_sort3A_942 = arith.constant dense<true> : vector<16xi1>
            %masked_sort3A_943, %masked_sort3A_944, %masked_sort3A_945 = tpu.sort %get3A_696, %get3A_696 masked %masked_sort3A_942 : (vector<16xf32>, vector<16xf32>, vector<16xi1>) -> (vector<16xi1>, vector<16xf32>, vector<16xf32>)
            %rev3A_946 = arith.constant 15 : i32
            %rev3A_947 = vector.broadcast %rev3A_946 : i32 to vector<16xi32>
            %rev3A_948 = tpu.iota {dimensions = array<i32: 0>} : vector<16xi32>
            %rev3A_949 = arith.subi %rev3A_947, %rev3A_948 : vector<16xi32>
            %rev3A_950 = tpu.dynamic_gather %masked_sort3A_944[%rev3A_949] in [0] : vector<16xf32>, vector<16xi32> -> vector<16xf32>
            %min3A_951 = arith.minimumf %cond3A_690#1, %rev3A_950 : vector<16xf32>
            %masked_sort3A_952 = arith.constant dense<true> : vector<16xi1>
            %masked_sort3A_953, %masked_sort3A_954, %masked_sort3A_955 = tpu.sort %min3A_951, %min3A_951 masked %masked_sort3A_952 : (vector<16xf32>, vector<16xf32>, vector<16xi1>) -> (vector<16xi1>, vector<16xf32>, vector<16xf32>)
            scf.yield %masked_sort3A_940, %masked_sort3A_954 : vector<16xf32>, vector<16xf32>
          } else {
            scf.yield %cond3A_690#0, %cond3A_690#1 : vector<16xf32>, vector<16xf32>
          }
          %mul3A_715 = arith.constant 512 : i32
          %mul3A_716 = arith.muli %scan3A_141, %mul3A_715 : i32
          %add3A_717 = arith.constant 368 : i32
          %add3A_718 = arith.addi %mul3A_716, %add3A_717 : i32
          %get3A_719 = arith.index_cast %add3A_718 : i32 to index
          %get3A_720 = tpu.vector_load %arg4[%get3A_719] {strides = array<i32>} : memref<50176xf32, #tpu.memory_space<vmem>>, vector<16xf32>,
          %ge3A_721 = arith.cmpf oge, %get3A_720, %gather3A_58 : vector<16xf32>
          %le3A_722 = arith.cmpf ole, %get3A_720, %gather3A_62 : vector<16xf32>
          %or3A_723 = arith.ori %ge3A_721, %le3A_722 : vector<16xi1>
          %reduce_or3A_724 = arith.constant 1.000000e+00 : f32
          %reduce_or3A_725 = arith.constant 0.000000e+00 : f32
          %reduce_or3A_726 = vector.broadcast %reduce_or3A_724 : f32 to vector<16xf32>
          %reduce_or3A_727 = vector.broadcast %reduce_or3A_725 : f32 to vector<16xf32>
          %reduce_or3A_728 = arith.select %or3A_723, %reduce_or3A_726, %reduce_or3A_727 : vector<16xi1>, vector<16xf32>
          %reduce_or3A_729 = arith.constant true
          %reduce_or3A_730 = vector.broadcast %reduce_or3A_729 : i1 to vector<16xi1>
          %reduce_or3A_731 = tpu.scan <max>, %reduce_or3A_728 masked %reduce_or3A_730 : vector<16xf32>, vector<16xi1> -> vector<16xf32>
          %reduce_or3A_732 = vector.extract %reduce_or3A_731[15] : f32 from vector<16xf32>
          %reduce_or3A_733 = arith.constant 0.000000e+00 : f32
          %reduce_or3A_734 = arith.cmpf ogt, %reduce_or3A_732, %reduce_or3A_733 : f32
          %convert_element_type3A_735 = arith.extui %reduce_or3A_734 : i1 to i32
          %cond3A_736 = arith.constant 0 : i32
          %cond3A_737 = arith.cmpi ne, %convert_element_type3A_735, %cond3A_736 : i32
          %cond3A_738:2 = scf.if %cond3A_737 -> (vector<16xf32>, vector<16xf32>) {
            %masked_sort3A = arith.constant dense<true> : vector<16xi1>
            %masked_sort3A_931, %masked_sort3A_932, %masked_sort3A_933 = tpu.sort %get3A_720, %get3A_720 masked %masked_sort3A : (vector<16xf32>, vector<16xf32>, vector<16xi1>) -> (vector<16xi1>, vector<16xf32>, vector<16xf32>)
            %rev3A = arith.constant 15 : i32
            %rev3A_934 = vector.broadcast %rev3A : i32 to vector<16xi32>
            %rev3A_935 = tpu.iota {dimensions = array<i32: 0>} : vector<16xi32>
            %rev3A_936 = arith.subi %rev3A_934, %rev3A_935 : vector<16xi32>
            %rev3A_937 = tpu.dynamic_gather %masked_sort3A_932[%rev3A_936] in [0] : vector<16xf32>, vector<16xi32> -> vector<16xf32>
            %max3A = arith.maximumf %cond3A_714#0, %rev3A_937 : vector<16xf32>
            %masked_sort3A_938 = arith.constant dense<true> : vector<16xi1>
            %masked_sort3A_939, %masked_sort3A_940, %masked_sort3A_941 = tpu.sort %max3A, %max3A masked %masked_sort3A_938 : (vector<16xf32>, vector<16xf32>, vector<16xi1>) -> (vector<16xi1>, vector<16xf32>, vector<16xf32>)
            %masked_sort3A_942 = arith.constant dense<true> : vector<16xi1>
            %masked_sort3A_943, %masked_sort3A_944, %masked_sort3A_945 = tpu.sort %get3A_720, %get3A_720 masked %masked_sort3A_942 : (vector<16xf32>, vector<16xf32>, vector<16xi1>) -> (vector<16xi1>, vector<16xf32>, vector<16xf32>)
            %rev3A_946 = arith.constant 15 : i32
            %rev3A_947 = vector.broadcast %rev3A_946 : i32 to vector<16xi32>
            %rev3A_948 = tpu.iota {dimensions = array<i32: 0>} : vector<16xi32>
            %rev3A_949 = arith.subi %rev3A_947, %rev3A_948 : vector<16xi32>
            %rev3A_950 = tpu.dynamic_gather %masked_sort3A_944[%rev3A_949] in [0] : vector<16xf32>, vector<16xi32> -> vector<16xf32>
            %min3A_951 = arith.minimumf %cond3A_714#1, %rev3A_950 : vector<16xf32>
            %masked_sort3A_952 = arith.constant dense<true> : vector<16xi1>
            %masked_sort3A_953, %masked_sort3A_954, %masked_sort3A_955 = tpu.sort %min3A_951, %min3A_951 masked %masked_sort3A_952 : (vector<16xf32>, vector<16xf32>, vector<16xi1>) -> (vector<16xi1>, vector<16xf32>, vector<16xf32>)
            scf.yield %masked_sort3A_940, %masked_sort3A_954 : vector<16xf32>, vector<16xf32>
          } else {
            scf.yield %cond3A_714#0, %cond3A_714#1 : vector<16xf32>, vector<16xf32>
          }
          %mul3A_739 = arith.constant 512 : i32
          %mul3A_740 = arith.muli %scan3A_141, %mul3A_739 : i32
          %add3A_741 = arith.constant 384 : i32
          %add3A_742 = arith.addi %mul3A_740, %add3A_741 : i32
          %get3A_743 = arith.index_cast %add3A_742 : i32 to index
          %get3A_744 = tpu.vector_load %arg4[%get3A_743] {strides = array<i32>} : memref<50176xf32, #tpu.memory_space<vmem>>, vector<16xf32>,
          %ge3A_745 = arith.cmpf oge, %get3A_744, %gather3A_58 : vector<16xf32>
          %le3A_746 = arith.cmpf ole, %get3A_744, %gather3A_62 : vector<16xf32>
          %or3A_747 = arith.ori %ge3A_745, %le3A_746 : vector<16xi1>
          %reduce_or3A_748 = arith.constant 1.000000e+00 : f32
          %reduce_or3A_749 = arith.constant 0.000000e+00 : f32
          %reduce_or3A_750 = vector.broadcast %reduce_or3A_748 : f32 to vector<16xf32>
          %reduce_or3A_751 = vector.broadcast %reduce_or3A_749 : f32 to vector<16xf32>
          %reduce_or3A_752 = arith.select %or3A_747, %reduce_or3A_750, %reduce_or3A_751 : vector<16xi1>, vector<16xf32>
          %reduce_or3A_753 = arith.constant true
          %reduce_or3A_754 = vector.broadcast %reduce_or3A_753 : i1 to vector<16xi1>
          %reduce_or3A_755 = tpu.scan <max>, %reduce_or3A_752 masked %reduce_or3A_754 : vector<16xf32>, vector<16xi1> -> vector<16xf32>
          %reduce_or3A_756 = vector.extract %reduce_or3A_755[15] : f32 from vector<16xf32>
          %reduce_or3A_757 = arith.constant 0.000000e+00 : f32
          %reduce_or3A_758 = arith.cmpf ogt, %reduce_or3A_756, %reduce_or3A_757 : f32
          %convert_element_type3A_759 = arith.extui %reduce_or3A_758 : i1 to i32
          %cond3A_760 = arith.constant 0 : i32
          %cond3A_761 = arith.cmpi ne, %convert_element_type3A_759, %cond3A_760 : i32
          %cond3A_762:2 = scf.if %cond3A_761 -> (vector<16xf32>, vector<16xf32>) {
            %masked_sort3A = arith.constant dense<true> : vector<16xi1>
            %masked_sort3A_931, %masked_sort3A_932, %masked_sort3A_933 = tpu.sort %get3A_744, %get3A_744 masked %masked_sort3A : (vector<16xf32>, vector<16xf32>, vector<16xi1>) -> (vector<16xi1>, vector<16xf32>, vector<16xf32>)
            %rev3A = arith.constant 15 : i32
            %rev3A_934 = vector.broadcast %rev3A : i32 to vector<16xi32>
            %rev3A_935 = tpu.iota {dimensions = array<i32: 0>} : vector<16xi32>
            %rev3A_936 = arith.subi %rev3A_934, %rev3A_935 : vector<16xi32>
            %rev3A_937 = tpu.dynamic_gather %masked_sort3A_932[%rev3A_936] in [0] : vector<16xf32>, vector<16xi32> -> vector<16xf32>
            %max3A = arith.maximumf %cond3A_738#0, %rev3A_937 : vector<16xf32>
            %masked_sort3A_938 = arith.constant dense<true> : vector<16xi1>
            %masked_sort3A_939, %masked_sort3A_940, %masked_sort3A_941 = tpu.sort %max3A, %max3A masked %masked_sort3A_938 : (vector<16xf32>, vector<16xf32>, vector<16xi1>) -> (vector<16xi1>, vector<16xf32>, vector<16xf32>)
            %masked_sort3A_942 = arith.constant dense<true> : vector<16xi1>
            %masked_sort3A_943, %masked_sort3A_944, %masked_sort3A_945 = tpu.sort %get3A_744, %get3A_744 masked %masked_sort3A_942 : (vector<16xf32>, vector<16xf32>, vector<16xi1>) -> (vector<16xi1>, vector<16xf32>, vector<16xf32>)
            %rev3A_946 = arith.constant 15 : i32
            %rev3A_947 = vector.broadcast %rev3A_946 : i32 to vector<16xi32>
            %rev3A_948 = tpu.iota {dimensions = array<i32: 0>} : vector<16xi32>
            %rev3A_949 = arith.subi %rev3A_947, %rev3A_948 : vector<16xi32>
            %rev3A_950 = tpu.dynamic_gather %masked_sort3A_944[%rev3A_949] in [0] : vector<16xf32>, vector<16xi32> -> vector<16xf32>
            %min3A_951 = arith.minimumf %cond3A_738#1, %rev3A_950 : vector<16xf32>
            %masked_sort3A_952 = arith.constant dense<true> : vector<16xi1>
            %masked_sort3A_953, %masked_sort3A_954, %masked_sort3A_955 = tpu.sort %min3A_951, %min3A_951 masked %masked_sort3A_952 : (vector<16xf32>, vector<16xf32>, vector<16xi1>) -> (vector<16xi1>, vector<16xf32>, vector<16xf32>)
            scf.yield %masked_sort3A_940, %masked_sort3A_954 : vector<16xf32>, vector<16xf32>
          } else {
            scf.yield %cond3A_738#0, %cond3A_738#1 : vector<16xf32>, vector<16xf32>
          }
          %mul3A_763 = arith.constant 512 : i32
          %mul3A_764 = arith.muli %scan3A_141, %mul3A_763 : i32
          %add3A_765 = arith.constant 400 : i32
          %add3A_766 = arith.addi %mul3A_764, %add3A_765 : i32
          %get3A_767 = arith.index_cast %add3A_766 : i32 to index
          %get3A_768 = tpu.vector_load %arg4[%get3A_767] {strides = array<i32>} : memref<50176xf32, #tpu.memory_space<vmem>>, vector<16xf32>,
          %ge3A_769 = arith.cmpf oge, %get3A_768, %gather3A_58 : vector<16xf32>
          %le3A_770 = arith.cmpf ole, %get3A_768, %gather3A_62 : vector<16xf32>
          %or3A_771 = arith.ori %ge3A_769, %le3A_770 : vector<16xi1>
          %reduce_or3A_772 = arith.constant 1.000000e+00 : f32
          %reduce_or3A_773 = arith.constant 0.000000e+00 : f32
          %reduce_or3A_774 = vector.broadcast %reduce_or3A_772 : f32 to vector<16xf32>
          %reduce_or3A_775 = vector.broadcast %reduce_or3A_773 : f32 to vector<16xf32>
          %reduce_or3A_776 = arith.select %or3A_771, %reduce_or3A_774, %reduce_or3A_775 : vector<16xi1>, vector<16xf32>
          %reduce_or3A_777 = arith.constant true
          %reduce_or3A_778 = vector.broadcast %reduce_or3A_777 : i1 to vector<16xi1>
          %reduce_or3A_779 = tpu.scan <max>, %reduce_or3A_776 masked %reduce_or3A_778 : vector<16xf32>, vector<16xi1> -> vector<16xf32>
          %reduce_or3A_780 = vector.extract %reduce_or3A_779[15] : f32 from vector<16xf32>
          %reduce_or3A_781 = arith.constant 0.000000e+00 : f32
          %reduce_or3A_782 = arith.cmpf ogt, %reduce_or3A_780, %reduce_or3A_781 : f32
          %convert_element_type3A_783 = arith.extui %reduce_or3A_782 : i1 to i32
          %cond3A_784 = arith.constant 0 : i32
          %cond3A_785 = arith.cmpi ne, %convert_element_type3A_783, %cond3A_784 : i32
          %cond3A_786:2 = scf.if %cond3A_785 -> (vector<16xf32>, vector<16xf32>) {
            %masked_sort3A = arith.constant dense<true> : vector<16xi1>
            %masked_sort3A_931, %masked_sort3A_932, %masked_sort3A_933 = tpu.sort %get3A_768, %get3A_768 masked %masked_sort3A : (vector<16xf32>, vector<16xf32>, vector<16xi1>) -> (vector<16xi1>, vector<16xf32>, vector<16xf32>)
            %rev3A = arith.constant 15 : i32
            %rev3A_934 = vector.broadcast %rev3A : i32 to vector<16xi32>
            %rev3A_935 = tpu.iota {dimensions = array<i32: 0>} : vector<16xi32>
            %rev3A_936 = arith.subi %rev3A_934, %rev3A_935 : vector<16xi32>
            %rev3A_937 = tpu.dynamic_gather %masked_sort3A_932[%rev3A_936] in [0] : vector<16xf32>, vector<16xi32> -> vector<16xf32>
            %max3A = arith.maximumf %cond3A_762#0, %rev3A_937 : vector<16xf32>
            %masked_sort3A_938 = arith.constant dense<true> : vector<16xi1>
            %masked_sort3A_939, %masked_sort3A_940, %masked_sort3A_941 = tpu.sort %max3A, %max3A masked %masked_sort3A_938 : (vector<16xf32>, vector<16xf32>, vector<16xi1>) -> (vector<16xi1>, vector<16xf32>, vector<16xf32>)
            %masked_sort3A_942 = arith.constant dense<true> : vector<16xi1>
            %masked_sort3A_943, %masked_sort3A_944, %masked_sort3A_945 = tpu.sort %get3A_768, %get3A_768 masked %masked_sort3A_942 : (vector<16xf32>, vector<16xf32>, vector<16xi1>) -> (vector<16xi1>, vector<16xf32>, vector<16xf32>)
            %rev3A_946 = arith.constant 15 : i32
            %rev3A_947 = vector.broadcast %rev3A_946 : i32 to vector<16xi32>
            %rev3A_948 = tpu.iota {dimensions = array<i32: 0>} : vector<16xi32>
            %rev3A_949 = arith.subi %rev3A_947, %rev3A_948 : vector<16xi32>
            %rev3A_950 = tpu.dynamic_gather %masked_sort3A_944[%rev3A_949] in [0] : vector<16xf32>, vector<16xi32> -> vector<16xf32>
            %min3A_951 = arith.minimumf %cond3A_762#1, %rev3A_950 : vector<16xf32>
            %masked_sort3A_952 = arith.constant dense<true> : vector<16xi1>
            %masked_sort3A_953, %masked_sort3A_954, %masked_sort3A_955 = tpu.sort %min3A_951, %min3A_951 masked %masked_sort3A_952 : (vector<16xf32>, vector<16xf32>, vector<16xi1>) -> (vector<16xi1>, vector<16xf32>, vector<16xf32>)
            scf.yield %masked_sort3A_940, %masked_sort3A_954 : vector<16xf32>, vector<16xf32>
          } else {
            scf.yield %cond3A_762#0, %cond3A_762#1 : vector<16xf32>, vector<16xf32>
          }
          %mul3A_787 = arith.constant 512 : i32
          %mul3A_788 = arith.muli %scan3A_141, %mul3A_787 : i32
          %add3A_789 = arith.constant 416 : i32
          %add3A_790 = arith.addi %mul3A_788, %add3A_789 : i32
          %get3A_791 = arith.index_cast %add3A_790 : i32 to index
          %get3A_792 = tpu.vector_load %arg4[%get3A_791] {strides = array<i32>} : memref<50176xf32, #tpu.memory_space<vmem>>, vector<16xf32>,
          %ge3A_793 = arith.cmpf oge, %get3A_792, %gather3A_58 : vector<16xf32>
          %le3A_794 = arith.cmpf ole, %get3A_792, %gather3A_62 : vector<16xf32>
          %or3A_795 = arith.ori %ge3A_793, %le3A_794 : vector<16xi1>
          %reduce_or3A_796 = arith.constant 1.000000e+00 : f32
          %reduce_or3A_797 = arith.constant 0.000000e+00 : f32
          %reduce_or3A_798 = vector.broadcast %reduce_or3A_796 : f32 to vector<16xf32>
          %reduce_or3A_799 = vector.broadcast %reduce_or3A_797 : f32 to vector<16xf32>
          %reduce_or3A_800 = arith.select %or3A_795, %reduce_or3A_798, %reduce_or3A_799 : vector<16xi1>, vector<16xf32>
          %reduce_or3A_801 = arith.constant true
          %reduce_or3A_802 = vector.broadcast %reduce_or3A_801 : i1 to vector<16xi1>
          %reduce_or3A_803 = tpu.scan <max>, %reduce_or3A_800 masked %reduce_or3A_802 : vector<16xf32>, vector<16xi1> -> vector<16xf32>
          %reduce_or3A_804 = vector.extract %reduce_or3A_803[15] : f32 from vector<16xf32>
          %reduce_or3A_805 = arith.constant 0.000000e+00 : f32
          %reduce_or3A_806 = arith.cmpf ogt, %reduce_or3A_804, %reduce_or3A_805 : f32
          %convert_element_type3A_807 = arith.extui %reduce_or3A_806 : i1 to i32
          %cond3A_808 = arith.constant 0 : i32
          %cond3A_809 = arith.cmpi ne, %convert_element_type3A_807, %cond3A_808 : i32
          %cond3A_810:2 = scf.if %cond3A_809 -> (vector<16xf32>, vector<16xf32>) {
            %masked_sort3A = arith.constant dense<true> : vector<16xi1>
            %masked_sort3A_931, %masked_sort3A_932, %masked_sort3A_933 = tpu.sort %get3A_792, %get3A_792 masked %masked_sort3A : (vector<16xf32>, vector<16xf32>, vector<16xi1>) -> (vector<16xi1>, vector<16xf32>, vector<16xf32>)
            %rev3A = arith.constant 15 : i32
            %rev3A_934 = vector.broadcast %rev3A : i32 to vector<16xi32>
            %rev3A_935 = tpu.iota {dimensions = array<i32: 0>} : vector<16xi32>
            %rev3A_936 = arith.subi %rev3A_934, %rev3A_935 : vector<16xi32>
            %rev3A_937 = tpu.dynamic_gather %masked_sort3A_932[%rev3A_936] in [0] : vector<16xf32>, vector<16xi32> -> vector<16xf32>
            %max3A = arith.maximumf %cond3A_786#0, %rev3A_937 : vector<16xf32>
            %masked_sort3A_938 = arith.constant dense<true> : vector<16xi1>
            %masked_sort3A_939, %masked_sort3A_940, %masked_sort3A_941 = tpu.sort %max3A, %max3A masked %masked_sort3A_938 : (vector<16xf32>, vector<16xf32>, vector<16xi1>) -> (vector<16xi1>, vector<16xf32>, vector<16xf32>)
            %masked_sort3A_942 = arith.constant dense<true> : vector<16xi1>
            %masked_sort3A_943, %masked_sort3A_944, %masked_sort3A_945 = tpu.sort %get3A_792, %get3A_792 masked %masked_sort3A_942 : (vector<16xf32>, vector<16xf32>, vector<16xi1>) -> (vector<16xi1>, vector<16xf32>, vector<16xf32>)
            %rev3A_946 = arith.constant 15 : i32
            %rev3A_947 = vector.broadcast %rev3A_946 : i32 to vector<16xi32>
            %rev3A_948 = tpu.iota {dimensions = array<i32: 0>} : vector<16xi32>
            %rev3A_949 = arith.subi %rev3A_947, %rev3A_948 : vector<16xi32>
            %rev3A_950 = tpu.dynamic_gather %masked_sort3A_944[%rev3A_949] in [0] : vector<16xf32>, vector<16xi32> -> vector<16xf32>
            %min3A_951 = arith.minimumf %cond3A_786#1, %rev3A_950 : vector<16xf32>
            %masked_sort3A_952 = arith.constant dense<true> : vector<16xi1>
            %masked_sort3A_953, %masked_sort3A_954, %masked_sort3A_955 = tpu.sort %min3A_951, %min3A_951 masked %masked_sort3A_952 : (vector<16xf32>, vector<16xf32>, vector<16xi1>) -> (vector<16xi1>, vector<16xf32>, vector<16xf32>)
            scf.yield %masked_sort3A_940, %masked_sort3A_954 : vector<16xf32>, vector<16xf32>
          } else {
            scf.yield %cond3A_786#0, %cond3A_786#1 : vector<16xf32>, vector<16xf32>
          }
          %mul3A_811 = arith.constant 512 : i32
          %mul3A_812 = arith.muli %scan3A_141, %mul3A_811 : i32
          %add3A_813 = arith.constant 432 : i32
          %add3A_814 = arith.addi %mul3A_812, %add3A_813 : i32
          %get3A_815 = arith.index_cast %add3A_814 : i32 to index
          %get3A_816 = tpu.vector_load %arg4[%get3A_815] {strides = array<i32>} : memref<50176xf32, #tpu.memory_space<vmem>>, vector<16xf32>,
          %ge3A_817 = arith.cmpf oge, %get3A_816, %gather3A_58 : vector<16xf32>
          %le3A_818 = arith.cmpf ole, %get3A_816, %gather3A_62 : vector<16xf32>
          %or3A_819 = arith.ori %ge3A_817, %le3A_818 : vector<16xi1>
          %reduce_or3A_820 = arith.constant 1.000000e+00 : f32
          %reduce_or3A_821 = arith.constant 0.000000e+00 : f32
          %reduce_or3A_822 = vector.broadcast %reduce_or3A_820 : f32 to vector<16xf32>
          %reduce_or3A_823 = vector.broadcast %reduce_or3A_821 : f32 to vector<16xf32>
          %reduce_or3A_824 = arith.select %or3A_819, %reduce_or3A_822, %reduce_or3A_823 : vector<16xi1>, vector<16xf32>
          %reduce_or3A_825 = arith.constant true
          %reduce_or3A_826 = vector.broadcast %reduce_or3A_825 : i1 to vector<16xi1>
          %reduce_or3A_827 = tpu.scan <max>, %reduce_or3A_824 masked %reduce_or3A_826 : vector<16xf32>, vector<16xi1> -> vector<16xf32>
          %reduce_or3A_828 = vector.extract %reduce_or3A_827[15] : f32 from vector<16xf32>
          %reduce_or3A_829 = arith.constant 0.000000e+00 : f32
          %reduce_or3A_830 = arith.cmpf ogt, %reduce_or3A_828, %reduce_or3A_829 : f32
          %convert_element_type3A_831 = arith.extui %reduce_or3A_830 : i1 to i32
          %cond3A_832 = arith.constant 0 : i32
          %cond3A_833 = arith.cmpi ne, %convert_element_type3A_831, %cond3A_832 : i32
          %cond3A_834:2 = scf.if %cond3A_833 -> (vector<16xf32>, vector<16xf32>) {
            %masked_sort3A = arith.constant dense<true> : vector<16xi1>
            %masked_sort3A_931, %masked_sort3A_932, %masked_sort3A_933 = tpu.sort %get3A_816, %get3A_816 masked %masked_sort3A : (vector<16xf32>, vector<16xf32>, vector<16xi1>) -> (vector<16xi1>, vector<16xf32>, vector<16xf32>)
            %rev3A = arith.constant 15 : i32
            %rev3A_934 = vector.broadcast %rev3A : i32 to vector<16xi32>
            %rev3A_935 = tpu.iota {dimensions = array<i32: 0>} : vector<16xi32>
            %rev3A_936 = arith.subi %rev3A_934, %rev3A_935 : vector<16xi32>
            %rev3A_937 = tpu.dynamic_gather %masked_sort3A_932[%rev3A_936] in [0] : vector<16xf32>, vector<16xi32> -> vector<16xf32>
            %max3A = arith.maximumf %cond3A_810#0, %rev3A_937 : vector<16xf32>
            %masked_sort3A_938 = arith.constant dense<true> : vector<16xi1>
            %masked_sort3A_939, %masked_sort3A_940, %masked_sort3A_941 = tpu.sort %max3A, %max3A masked %masked_sort3A_938 : (vector<16xf32>, vector<16xf32>, vector<16xi1>) -> (vector<16xi1>, vector<16xf32>, vector<16xf32>)
            %masked_sort3A_942 = arith.constant dense<true> : vector<16xi1>
            %masked_sort3A_943, %masked_sort3A_944, %masked_sort3A_945 = tpu.sort %get3A_816, %get3A_816 masked %masked_sort3A_942 : (vector<16xf32>, vector<16xf32>, vector<16xi1>) -> (vector<16xi1>, vector<16xf32>, vector<16xf32>)
            %rev3A_946 = arith.constant 15 : i32
            %rev3A_947 = vector.broadcast %rev3A_946 : i32 to vector<16xi32>
            %rev3A_948 = tpu.iota {dimensions = array<i32: 0>} : vector<16xi32>
            %rev3A_949 = arith.subi %rev3A_947, %rev3A_948 : vector<16xi32>
            %rev3A_950 = tpu.dynamic_gather %masked_sort3A_944[%rev3A_949] in [0] : vector<16xf32>, vector<16xi32> -> vector<16xf32>
            %min3A_951 = arith.minimumf %cond3A_810#1, %rev3A_950 : vector<16xf32>
            %masked_sort3A_952 = arith.constant dense<true> : vector<16xi1>
            %masked_sort3A_953, %masked_sort3A_954, %masked_sort3A_955 = tpu.sort %min3A_951, %min3A_951 masked %masked_sort3A_952 : (vector<16xf32>, vector<16xf32>, vector<16xi1>) -> (vector<16xi1>, vector<16xf32>, vector<16xf32>)
            scf.yield %masked_sort3A_940, %masked_sort3A_954 : vector<16xf32>, vector<16xf32>
          } else {
            scf.yield %cond3A_810#0, %cond3A_810#1 : vector<16xf32>, vector<16xf32>
          }
          %mul3A_835 = arith.constant 512 : i32
          %mul3A_836 = arith.muli %scan3A_141, %mul3A_835 : i32
          %add3A_837 = arith.constant 448 : i32
          %add3A_838 = arith.addi %mul3A_836, %add3A_837 : i32
          %get3A_839 = arith.index_cast %add3A_838 : i32 to index
          %get3A_840 = tpu.vector_load %arg4[%get3A_839] {strides = array<i32>} : memref<50176xf32, #tpu.memory_space<vmem>>, vector<16xf32>,
          %ge3A_841 = arith.cmpf oge, %get3A_840, %gather3A_58 : vector<16xf32>
          %le3A_842 = arith.cmpf ole, %get3A_840, %gather3A_62 : vector<16xf32>
          %or3A_843 = arith.ori %ge3A_841, %le3A_842 : vector<16xi1>
          %reduce_or3A_844 = arith.constant 1.000000e+00 : f32
          %reduce_or3A_845 = arith.constant 0.000000e+00 : f32
          %reduce_or3A_846 = vector.broadcast %reduce_or3A_844 : f32 to vector<16xf32>
          %reduce_or3A_847 = vector.broadcast %reduce_or3A_845 : f32 to vector<16xf32>
          %reduce_or3A_848 = arith.select %or3A_843, %reduce_or3A_846, %reduce_or3A_847 : vector<16xi1>, vector<16xf32>
          %reduce_or3A_849 = arith.constant true
          %reduce_or3A_850 = vector.broadcast %reduce_or3A_849 : i1 to vector<16xi1>
          %reduce_or3A_851 = tpu.scan <max>, %reduce_or3A_848 masked %reduce_or3A_850 : vector<16xf32>, vector<16xi1> -> vector<16xf32>
          %reduce_or3A_852 = vector.extract %reduce_or3A_851[15] : f32 from vector<16xf32>
          %reduce_or3A_853 = arith.constant 0.000000e+00 : f32
          %reduce_or3A_854 = arith.cmpf ogt, %reduce_or3A_852, %reduce_or3A_853 : f32
          %convert_element_type3A_855 = arith.extui %reduce_or3A_854 : i1 to i32
          %cond3A_856 = arith.constant 0 : i32
          %cond3A_857 = arith.cmpi ne, %convert_element_type3A_855, %cond3A_856 : i32
          %cond3A_858:2 = scf.if %cond3A_857 -> (vector<16xf32>, vector<16xf32>) {
            %masked_sort3A = arith.constant dense<true> : vector<16xi1>
            %masked_sort3A_931, %masked_sort3A_932, %masked_sort3A_933 = tpu.sort %get3A_840, %get3A_840 masked %masked_sort3A : (vector<16xf32>, vector<16xf32>, vector<16xi1>) -> (vector<16xi1>, vector<16xf32>, vector<16xf32>)
            %rev3A = arith.constant 15 : i32
            %rev3A_934 = vector.broadcast %rev3A : i32 to vector<16xi32>
            %rev3A_935 = tpu.iota {dimensions = array<i32: 0>} : vector<16xi32>
            %rev3A_936 = arith.subi %rev3A_934, %rev3A_935 : vector<16xi32>
            %rev3A_937 = tpu.dynamic_gather %masked_sort3A_932[%rev3A_936] in [0] : vector<16xf32>, vector<16xi32> -> vector<16xf32>
            %max3A = arith.maximumf %cond3A_834#0, %rev3A_937 : vector<16xf32>
            %masked_sort3A_938 = arith.constant dense<true> : vector<16xi1>
            %masked_sort3A_939, %masked_sort3A_940, %masked_sort3A_941 = tpu.sort %max3A, %max3A masked %masked_sort3A_938 : (vector<16xf32>, vector<16xf32>, vector<16xi1>) -> (vector<16xi1>, vector<16xf32>, vector<16xf32>)
            %masked_sort3A_942 = arith.constant dense<true> : vector<16xi1>
            %masked_sort3A_943, %masked_sort3A_944, %masked_sort3A_945 = tpu.sort %get3A_840, %get3A_840 masked %masked_sort3A_942 : (vector<16xf32>, vector<16xf32>, vector<16xi1>) -> (vector<16xi1>, vector<16xf32>, vector<16xf32>)
            %rev3A_946 = arith.constant 15 : i32
            %rev3A_947 = vector.broadcast %rev3A_946 : i32 to vector<16xi32>
            %rev3A_948 = tpu.iota {dimensions = array<i32: 0>} : vector<16xi32>
            %rev3A_949 = arith.subi %rev3A_947, %rev3A_948 : vector<16xi32>
            %rev3A_950 = tpu.dynamic_gather %masked_sort3A_944[%rev3A_949] in [0] : vector<16xf32>, vector<16xi32> -> vector<16xf32>
            %min3A_951 = arith.minimumf %cond3A_834#1, %rev3A_950 : vector<16xf32>
            %masked_sort3A_952 = arith.constant dense<true> : vector<16xi1>
            %masked_sort3A_953, %masked_sort3A_954, %masked_sort3A_955 = tpu.sort %min3A_951, %min3A_951 masked %masked_sort3A_952 : (vector<16xf32>, vector<16xf32>, vector<16xi1>) -> (vector<16xi1>, vector<16xf32>, vector<16xf32>)
            scf.yield %masked_sort3A_940, %masked_sort3A_954 : vector<16xf32>, vector<16xf32>
          } else {
            scf.yield %cond3A_834#0, %cond3A_834#1 : vector<16xf32>, vector<16xf32>
          }
          %mul3A_859 = arith.constant 512 : i32
          %mul3A_860 = arith.muli %scan3A_141, %mul3A_859 : i32
          %add3A_861 = arith.constant 464 : i32
          %add3A_862 = arith.addi %mul3A_860, %add3A_861 : i32
          %get3A_863 = arith.index_cast %add3A_862 : i32 to index
          %get3A_864 = tpu.vector_load %arg4[%get3A_863] {strides = array<i32>} : memref<50176xf32, #tpu.memory_space<vmem>>, vector<16xf32>,
          %ge3A_865 = arith.cmpf oge, %get3A_864, %gather3A_58 : vector<16xf32>
          %le3A_866 = arith.cmpf ole, %get3A_864, %gather3A_62 : vector<16xf32>
          %or3A_867 = arith.ori %ge3A_865, %le3A_866 : vector<16xi1>
          %reduce_or3A_868 = arith.constant 1.000000e+00 : f32
          %reduce_or3A_869 = arith.constant 0.000000e+00 : f32
          %reduce_or3A_870 = vector.broadcast %reduce_or3A_868 : f32 to vector<16xf32>
          %reduce_or3A_871 = vector.broadcast %reduce_or3A_869 : f32 to vector<16xf32>
          %reduce_or3A_872 = arith.select %or3A_867, %reduce_or3A_870, %reduce_or3A_871 : vector<16xi1>, vector<16xf32>
          %reduce_or3A_873 = arith.constant true
          %reduce_or3A_874 = vector.broadcast %reduce_or3A_873 : i1 to vector<16xi1>
          %reduce_or3A_875 = tpu.scan <max>, %reduce_or3A_872 masked %reduce_or3A_874 : vector<16xf32>, vector<16xi1> -> vector<16xf32>
          %reduce_or3A_876 = vector.extract %reduce_or3A_875[15] : f32 from vector<16xf32>
          %reduce_or3A_877 = arith.constant 0.000000e+00 : f32
          %reduce_or3A_878 = arith.cmpf ogt, %reduce_or3A_876, %reduce_or3A_877 : f32
          %convert_element_type3A_879 = arith.extui %reduce_or3A_878 : i1 to i32
          %cond3A_880 = arith.constant 0 : i32
          %cond3A_881 = arith.cmpi ne, %convert_element_type3A_879, %cond3A_880 : i32
          %cond3A_882:2 = scf.if %cond3A_881 -> (vector<16xf32>, vector<16xf32>) {
            %masked_sort3A = arith.constant dense<true> : vector<16xi1>
            %masked_sort3A_931, %masked_sort3A_932, %masked_sort3A_933 = tpu.sort %get3A_864, %get3A_864 masked %masked_sort3A : (vector<16xf32>, vector<16xf32>, vector<16xi1>) -> (vector<16xi1>, vector<16xf32>, vector<16xf32>)
            %rev3A = arith.constant 15 : i32
            %rev3A_934 = vector.broadcast %rev3A : i32 to vector<16xi32>
            %rev3A_935 = tpu.iota {dimensions = array<i32: 0>} : vector<16xi32>
            %rev3A_936 = arith.subi %rev3A_934, %rev3A_935 : vector<16xi32>
            %rev3A_937 = tpu.dynamic_gather %masked_sort3A_932[%rev3A_936] in [0] : vector<16xf32>, vector<16xi32> -> vector<16xf32>
            %max3A = arith.maximumf %cond3A_858#0, %rev3A_937 : vector<16xf32>
            %masked_sort3A_938 = arith.constant dense<true> : vector<16xi1>
            %masked_sort3A_939, %masked_sort3A_940, %masked_sort3A_941 = tpu.sort %max3A, %max3A masked %masked_sort3A_938 : (vector<16xf32>, vector<16xf32>, vector<16xi1>) -> (vector<16xi1>, vector<16xf32>, vector<16xf32>)
            %masked_sort3A_942 = arith.constant dense<true> : vector<16xi1>
            %masked_sort3A_943, %masked_sort3A_944, %masked_sort3A_945 = tpu.sort %get3A_864, %get3A_864 masked %masked_sort3A_942 : (vector<16xf32>, vector<16xf32>, vector<16xi1>) -> (vector<16xi1>, vector<16xf32>, vector<16xf32>)
            %rev3A_946 = arith.constant 15 : i32
            %rev3A_947 = vector.broadcast %rev3A_946 : i32 to vector<16xi32>
            %rev3A_948 = tpu.iota {dimensions = array<i32: 0>} : vector<16xi32>
            %rev3A_949 = arith.subi %rev3A_947, %rev3A_948 : vector<16xi32>
            %rev3A_950 = tpu.dynamic_gather %masked_sort3A_944[%rev3A_949] in [0] : vector<16xf32>, vector<16xi32> -> vector<16xf32>
            %min3A_951 = arith.minimumf %cond3A_858#1, %rev3A_950 : vector<16xf32>
            %masked_sort3A_952 = arith.constant dense<true> : vector<16xi1>
            %masked_sort3A_953, %masked_sort3A_954, %masked_sort3A_955 = tpu.sort %min3A_951, %min3A_951 masked %masked_sort3A_952 : (vector<16xf32>, vector<16xf32>, vector<16xi1>) -> (vector<16xi1>, vector<16xf32>, vector<16xf32>)
            scf.yield %masked_sort3A_940, %masked_sort3A_954 : vector<16xf32>, vector<16xf32>
          } else {
            scf.yield %cond3A_858#0, %cond3A_858#1 : vector<16xf32>, vector<16xf32>
          }
          %mul3A_883 = arith.constant 512 : i32
          %mul3A_884 = arith.muli %scan3A_141, %mul3A_883 : i32
          %add3A_885 = arith.constant 480 : i32
          %add3A_886 = arith.addi %mul3A_884, %add3A_885 : i32
          %get3A_887 = arith.index_cast %add3A_886 : i32 to index
          %get3A_888 = tpu.vector_load %arg4[%get3A_887] {strides = array<i32>} : memref<50176xf32, #tpu.memory_space<vmem>>, vector<16xf32>,
          %ge3A_889 = arith.cmpf oge, %get3A_888, %gather3A_58 : vector<16xf32>
          %le3A_890 = arith.cmpf ole, %get3A_888, %gather3A_62 : vector<16xf32>
          %or3A_891 = arith.ori %ge3A_889, %le3A_890 : vector<16xi1>
          %reduce_or3A_892 = arith.constant 1.000000e+00 : f32
          %reduce_or3A_893 = arith.constant 0.000000e+00 : f32
          %reduce_or3A_894 = vector.broadcast %reduce_or3A_892 : f32 to vector<16xf32>
          %reduce_or3A_895 = vector.broadcast %reduce_or3A_893 : f32 to vector<16xf32>
          %reduce_or3A_896 = arith.select %or3A_891, %reduce_or3A_894, %reduce_or3A_895 : vector<16xi1>, vector<16xf32>
          %reduce_or3A_897 = arith.constant true
          %reduce_or3A_898 = vector.broadcast %reduce_or3A_897 : i1 to vector<16xi1>
          %reduce_or3A_899 = tpu.scan <max>, %reduce_or3A_896 masked %reduce_or3A_898 : vector<16xf32>, vector<16xi1> -> vector<16xf32>
          %reduce_or3A_900 = vector.extract %reduce_or3A_899[15] : f32 from vector<16xf32>
          %reduce_or3A_901 = arith.constant 0.000000e+00 : f32
          %reduce_or3A_902 = arith.cmpf ogt, %reduce_or3A_900, %reduce_or3A_901 : f32
          %convert_element_type3A_903 = arith.extui %reduce_or3A_902 : i1 to i32
          %cond3A_904 = arith.constant 0 : i32
          %cond3A_905 = arith.cmpi ne, %convert_element_type3A_903, %cond3A_904 : i32
          %cond3A_906:2 = scf.if %cond3A_905 -> (vector<16xf32>, vector<16xf32>) {
            %masked_sort3A = arith.constant dense<true> : vector<16xi1>
            %masked_sort3A_931, %masked_sort3A_932, %masked_sort3A_933 = tpu.sort %get3A_888, %get3A_888 masked %masked_sort3A : (vector<16xf32>, vector<16xf32>, vector<16xi1>) -> (vector<16xi1>, vector<16xf32>, vector<16xf32>)
            %rev3A = arith.constant 15 : i32
            %rev3A_934 = vector.broadcast %rev3A : i32 to vector<16xi32>
            %rev3A_935 = tpu.iota {dimensions = array<i32: 0>} : vector<16xi32>
            %rev3A_936 = arith.subi %rev3A_934, %rev3A_935 : vector<16xi32>
            %rev3A_937 = tpu.dynamic_gather %masked_sort3A_932[%rev3A_936] in [0] : vector<16xf32>, vector<16xi32> -> vector<16xf32>
            %max3A = arith.maximumf %cond3A_882#0, %rev3A_937 : vector<16xf32>
            %masked_sort3A_938 = arith.constant dense<true> : vector<16xi1>
            %masked_sort3A_939, %masked_sort3A_940, %masked_sort3A_941 = tpu.sort %max3A, %max3A masked %masked_sort3A_938 : (vector<16xf32>, vector<16xf32>, vector<16xi1>) -> (vector<16xi1>, vector<16xf32>, vector<16xf32>)
            %masked_sort3A_942 = arith.constant dense<true> : vector<16xi1>
            %masked_sort3A_943, %masked_sort3A_944, %masked_sort3A_945 = tpu.sort %get3A_888, %get3A_888 masked %masked_sort3A_942 : (vector<16xf32>, vector<16xf32>, vector<16xi1>) -> (vector<16xi1>, vector<16xf32>, vector<16xf32>)
            %rev3A_946 = arith.constant 15 : i32
            %rev3A_947 = vector.broadcast %rev3A_946 : i32 to vector<16xi32>
            %rev3A_948 = tpu.iota {dimensions = array<i32: 0>} : vector<16xi32>
            %rev3A_949 = arith.subi %rev3A_947, %rev3A_948 : vector<16xi32>
            %rev3A_950 = tpu.dynamic_gather %masked_sort3A_944[%rev3A_949] in [0] : vector<16xf32>, vector<16xi32> -> vector<16xf32>
            %min3A_951 = arith.minimumf %cond3A_882#1, %rev3A_950 : vector<16xf32>
            %masked_sort3A_952 = arith.constant dense<true> : vector<16xi1>
            %masked_sort3A_953, %masked_sort3A_954, %masked_sort3A_955 = tpu.sort %min3A_951, %min3A_951 masked %masked_sort3A_952 : (vector<16xf32>, vector<16xf32>, vector<16xi1>) -> (vector<16xi1>, vector<16xf32>, vector<16xf32>)
            scf.yield %masked_sort3A_940, %masked_sort3A_954 : vector<16xf32>, vector<16xf32>
          } else {
            scf.yield %cond3A_882#0, %cond3A_882#1 : vector<16xf32>, vector<16xf32>
          }
          %mul3A_907 = arith.constant 512 : i32
          %mul3A_908 = arith.muli %scan3A_141, %mul3A_907 : i32
          %add3A_909 = arith.constant 496 : i32
          %add3A_910 = arith.addi %mul3A_908, %add3A_909 : i32
          %get3A_911 = arith.index_cast %add3A_910 : i32 to index
          %get3A_912 = tpu.vector_load %arg4[%get3A_911] {strides = array<i32>} : memref<50176xf32, #tpu.memory_space<vmem>>, vector<16xf32>,
          %ge3A_913 = arith.cmpf oge, %get3A_912, %gather3A_58 : vector<16xf32>
          %le3A_914 = arith.cmpf ole, %get3A_912, %gather3A_62 : vector<16xf32>
          %or3A_915 = arith.ori %ge3A_913, %le3A_914 : vector<16xi1>
          %reduce_or3A_916 = arith.constant 1.000000e+00 : f32
          %reduce_or3A_917 = arith.constant 0.000000e+00 : f32
          %reduce_or3A_918 = vector.broadcast %reduce_or3A_916 : f32 to vector<16xf32>
          %reduce_or3A_919 = vector.broadcast %reduce_or3A_917 : f32 to vector<16xf32>
          %reduce_or3A_920 = arith.select %or3A_915, %reduce_or3A_918, %reduce_or3A_919 : vector<16xi1>, vector<16xf32>
          %reduce_or3A_921 = arith.constant true
          %reduce_or3A_922 = vector.broadcast %reduce_or3A_921 : i1 to vector<16xi1>
          %reduce_or3A_923 = tpu.scan <max>, %reduce_or3A_920 masked %reduce_or3A_922 : vector<16xf32>, vector<16xi1> -> vector<16xf32>
          %reduce_or3A_924 = vector.extract %reduce_or3A_923[15] : f32 from vector<16xf32>
          %reduce_or3A_925 = arith.constant 0.000000e+00 : f32
          %reduce_or3A_926 = arith.cmpf ogt, %reduce_or3A_924, %reduce_or3A_925 : f32
          %convert_element_type3A_927 = arith.extui %reduce_or3A_926 : i1 to i32
          %cond3A_928 = arith.constant 0 : i32
          %cond3A_929 = arith.cmpi ne, %convert_element_type3A_927, %cond3A_928 : i32
          %cond3A_930:2 = scf.if %cond3A_929 -> (vector<16xf32>, vector<16xf32>) {
            %masked_sort3A = arith.constant dense<true> : vector<16xi1>
            %masked_sort3A_931, %masked_sort3A_932, %masked_sort3A_933 = tpu.sort %get3A_912, %get3A_912 masked %masked_sort3A : (vector<16xf32>, vector<16xf32>, vector<16xi1>) -> (vector<16xi1>, vector<16xf32>, vector<16xf32>)
            %rev3A = arith.constant 15 : i32
            %rev3A_934 = vector.broadcast %rev3A : i32 to vector<16xi32>
            %rev3A_935 = tpu.iota {dimensions = array<i32: 0>} : vector<16xi32>
            %rev3A_936 = arith.subi %rev3A_934, %rev3A_935 : vector<16xi32>
            %rev3A_937 = tpu.dynamic_gather %masked_sort3A_932[%rev3A_936] in [0] : vector<16xf32>, vector<16xi32> -> vector<16xf32>
            %max3A = arith.maximumf %cond3A_906#0, %rev3A_937 : vector<16xf32>
            %masked_sort3A_938 = arith.constant dense<true> : vector<16xi1>
            %masked_sort3A_939, %masked_sort3A_940, %masked_sort3A_941 = tpu.sort %max3A, %max3A masked %masked_sort3A_938 : (vector<16xf32>, vector<16xf32>, vector<16xi1>) -> (vector<16xi1>, vector<16xf32>, vector<16xf32>)
            %masked_sort3A_942 = arith.constant dense<true> : vector<16xi1>
            %masked_sort3A_943, %masked_sort3A_944, %masked_sort3A_945 = tpu.sort %get3A_912, %get3A_912 masked %masked_sort3A_942 : (vector<16xf32>, vector<16xf32>, vector<16xi1>) -> (vector<16xi1>, vector<16xf32>, vector<16xf32>)
            %rev3A_946 = arith.constant 15 : i32
            %rev3A_947 = vector.broadcast %rev3A_946 : i32 to vector<16xi32>
            %rev3A_948 = tpu.iota {dimensions = array<i32: 0>} : vector<16xi32>
            %rev3A_949 = arith.subi %rev3A_947, %rev3A_948 : vector<16xi32>
            %rev3A_950 = tpu.dynamic_gather %masked_sort3A_944[%rev3A_949] in [0] : vector<16xf32>, vector<16xi32> -> vector<16xf32>
            %min3A_951 = arith.minimumf %cond3A_906#1, %rev3A_950 : vector<16xf32>
            %masked_sort3A_952 = arith.constant dense<true> : vector<16xi1>
            %masked_sort3A_953, %masked_sort3A_954, %masked_sort3A_955 = tpu.sort %min3A_951, %min3A_951 masked %masked_sort3A_952 : (vector<16xf32>, vector<16xf32>, vector<16xi1>) -> (vector<16xi1>, vector<16xf32>, vector<16xf32>)
            scf.yield %masked_sort3A_940, %masked_sort3A_954 : vector<16xf32>, vector<16xf32>
          } else {
            scf.yield %cond3A_906#0, %cond3A_906#1 : vector<16xf32>, vector<16xf32>
          }
          scf.yield %cond3A_930#0, %cond3A_930#1 : vector<16xf32>, vector<16xf32>
        } else {
          scf.yield %scan3A_142, %scan3A_143 : vector<16xf32>, vector<16xf32>
        }
        scf.yield %cond3A_162#0, %cond3A_162#1 : vector<16xf32>, vector<16xf32>
      }
      %scan3A_72 = arith.constant 98 : i32
      %swap3A = arith.constant 0 : index
      %swap3A_73 = tpu.vector_load %arg8[%swap3A] {strides = array<i32>} : memref<48xf32, #tpu.memory_space<vmem>>, vector<16xf32>,
      tpu.vector_store %arg8[%swap3A], %scan3A_71#0 {strides = array<i32>} : memref<48xf32, #tpu.memory_space<vmem>>, vector<16xf32>,
      %swap3A_74 = arith.constant 16 : index
      %swap3A_75 = tpu.vector_load %arg8[%swap3A_74] {strides = array<i32>} : memref<48xf32, #tpu.memory_space<vmem>>, vector<16xf32>,
      tpu.vector_store %arg8[%swap3A_74], %scan3A_71#1 {strides = array<i32>} : memref<48xf32, #tpu.memory_space<vmem>>, vector<16xf32>,
      %swap3A_76 = arith.constant 32 : index
      %swap3A_77 = tpu.vector_load %arg8[%swap3A_76] {strides = array<i32>} : memref<48xf32, #tpu.memory_space<vmem>>, vector<16xf32>,
      tpu.vector_store %arg8[%swap3A_76], %scan3A_44 {strides = array<i32>} : memref<48xf32, #tpu.memory_space<vmem>>, vector<16xf32>,
      "tpu.region"() ({
        %run_scoped3A = tpu.sem_alloc : memref<!tpu.dma_semaphore, #tpu.memory_space<semaphore_mem>>
        %dma_start3A_141 = arith.constant 0 : i32
        %dma_start3A_142 = tpu.memref_slice %arg3[%add3A_23, %dma_start3A_141] : memref<768x48xf32, #tpu.memory_space<hbm>> -> memref<1x48xf32, #tpu.memory_space<hbm>>
        %dma_start3A_143 = tpu.memref_squeeze %dma_start3A_142 : memref<1x48xf32, #tpu.memory_space<hbm>> -> memref<48xf32, #tpu.memory_space<hbm>>
        %dma_start3A_144 = arith.constant 0 : i32
        %dma_start3A_145 = tpu.memref_slice %arg3[%add3A_23, %dma_start3A_144] : memref<768x48xf32, #tpu.memory_space<hbm>> -> memref<1x48xf32, #tpu.memory_space<hbm>>
        %dma_start3A_146 = tpu.memref_squeeze %dma_start3A_145 : memref<1x48xf32, #tpu.memory_space<hbm>> -> memref<48xf32, #tpu.memory_space<hbm>>
        tpu.enqueue_dma source(%arg8 : memref<48xf32, #tpu.memory_space<vmem>>) target(%dma_start3A_146 : memref<48xf32, #tpu.memory_space<hbm>>) target_semaphore(%run_scoped3A : memref<!tpu.dma_semaphore, #tpu.memory_space<semaphore_mem>>)
        %dma_wait3A_147 = arith.constant 0 : i32
        %dma_wait3A_148 = tpu.memref_slice %arg3[%add3A_23, %dma_wait3A_147] : memref<768x48xf32, #tpu.memory_space<hbm>> -> memref<1x48xf32, #tpu.memory_space<hbm>>
        %dma_wait3A_149 = tpu.memref_squeeze %dma_wait3A_148 : memref<1x48xf32, #tpu.memory_space<hbm>> -> memref<48xf32, #tpu.memory_space<hbm>>
        %dma_wait3A_150 = arith.constant 0 : i32
        %dma_wait3A_151 = tpu.memref_slice %arg3[%add3A_23, %dma_wait3A_150] : memref<768x48xf32, #tpu.memory_space<hbm>> -> memref<1x48xf32, #tpu.memory_space<hbm>>
        %dma_wait3A_152 = tpu.memref_squeeze %dma_wait3A_151 : memref<1x48xf32, #tpu.memory_space<hbm>> -> memref<48xf32, #tpu.memory_space<hbm>>
        tpu.wait_dma2 semaphore(%run_scoped3A : memref<!tpu.dma_semaphore, #tpu.memory_space<semaphore_mem>>) src(%arg8 : memref<48xf32, #tpu.memory_space<vmem>>) dst(%dma_wait3A_152 : memref<48xf32, #tpu.memory_space<hbm>>)
        tpu.yield
      }) : () -> ()
      %mul3A_78 = arith.constant 2 : i32
      %mul3A_79 = arith.muli %scan3A_18, %mul3A_78 : i32
      %add3A_80 = arith.addi %mul3A_2, %mul3A_79 : i32
      %add3A_81 = arith.constant 1 : i32
      %add3A_82 = arith.addi %add3A_80, %add3A_81 : i32
      %add3A_83 = arith.constant 1 : i32
      %add3A_84 = arith.addi %add3A_82, %add3A_83 : i32
      %min3A_85 = arith.constant 767 : i32
      %min3A_86 = arith.minsi %add3A_84, %min3A_85 : i32
      %dma_start3A_87 = arith.constant 0 : i32
      %dma_start3A_88 = tpu.memref_slice %arg2[%min3A_86, %dma_start3A_87] : memref<768x50176xf32, #tpu.memory_space<hbm>> -> memref<1x50176xf32, #tpu.memory_space<hbm>>
      %dma_start3A_89 = tpu.memref_squeeze %dma_start3A_88 : memref<1x50176xf32, #tpu.memory_space<hbm>> -> memref<50176xf32, #tpu.memory_space<hbm>>
      %dma_start3A_90 = arith.constant 0 : i32
      %dma_start3A_91 = tpu.memref_slice %arg2[%min3A_86, %dma_start3A_90] : memref<768x50176xf32, #tpu.memory_space<hbm>> -> memref<1x50176xf32, #tpu.memory_space<hbm>>
      %dma_start3A_92 = tpu.memref_squeeze %dma_start3A_91 : memref<1x50176xf32, #tpu.memory_space<hbm>> -> memref<50176xf32, #tpu.memory_space<hbm>>
      tpu.enqueue_dma source(%dma_start3A_92 : memref<50176xf32, #tpu.memory_space<hbm>>) target(%arg4 : memref<50176xf32, #tpu.memory_space<vmem>>) target_semaphore(%arg9 : memref<!tpu.dma_semaphore, #tpu.memory_space<semaphore_mem>>)
      %dma_wait3A_93 = arith.constant 0 : i32
      %dma_wait3A_94 = tpu.memref_slice %arg2[%add3A_82, %dma_wait3A_93] : memref<768x50176xf32, #tpu.memory_space<hbm>> -> memref<1x50176xf32, #tpu.memory_space<hbm>>
      %dma_wait3A_95 = tpu.memref_squeeze %dma_wait3A_94 : memref<1x50176xf32, #tpu.memory_space<hbm>> -> memref<50176xf32, #tpu.memory_space<hbm>>
      %dma_wait3A_96 = arith.constant 0 : i32
      %dma_wait3A_97 = tpu.memref_slice %arg2[%add3A_82, %dma_wait3A_96] : memref<768x50176xf32, #tpu.memory_space<hbm>> -> memref<1x50176xf32, #tpu.memory_space<hbm>>
      %dma_wait3A_98 = tpu.memref_squeeze %dma_wait3A_97 : memref<1x50176xf32, #tpu.memory_space<hbm>> -> memref<50176xf32, #tpu.memory_space<hbm>>
      tpu.wait_dma2 semaphore(%arg10 : memref<!tpu.dma_semaphore, #tpu.memory_space<semaphore_mem>>) src(%dma_wait3A_98 : memref<50176xf32, #tpu.memory_space<hbm>>) dst(%arg5 : memref<50176xf32, #tpu.memory_space<vmem>>)
      %broadcast_in_dim3A_99 = arith.constant 0.000000e+00 : f32
      %broadcast_in_dim3A_100 = vector.broadcast %broadcast_in_dim3A_99 : f32 to vector<16xf32>
      %scan3A_101 = arith.constant 0 : i32
      %scan3A_102 = arith.constant 98 : i32
      %scan3A_103 = arith.addi %scan3A_101, %scan3A_102 : i32
      %scan3A_104 = arith.constant 1 : i32
      %scan3A_105 = scf.for %scan3A_141 = %scan3A_101 to %scan3A_103 step %scan3A_104 iter_args(%scan3A_142 = %broadcast_in_dim3A_100) -> (vector<16xf32>)  : i32 {
        %mul3A_143 = arith.constant 512 : i32
        %mul3A_144 = arith.muli %scan3A_141, %mul3A_143 : i32
        %get3A = arith.index_cast %mul3A_144 : i32 to index
        %get3A_145 = tpu.vector_load %arg5[%get3A] {strides = array<i32>} : memref<50176xf32, #tpu.memory_space<vmem>>, vector<16xf32>,
        %add3A_146 = arith.addf %scan3A_142, %get3A_145 : vector<16xf32>
        %broadcast_in_dim3A_147 = arith.constant 0.000000e+00 : f32
        %broadcast_in_dim3A_148 = vector.broadcast %broadcast_in_dim3A_147 : f32 to vector<16xf32>
        %add3A_149 = arith.constant 16 : i32
        %add3A_150 = arith.addi %mul3A_144, %add3A_149 : i32
        %get3A_151 = arith.index_cast %add3A_150 : i32 to index
        %get3A_152 = tpu.vector_load %arg5[%get3A_151] {strides = array<i32>} : memref<50176xf32, #tpu.memory_space<vmem>>, vector<16xf32>,
        %add3A_153 = arith.addf %broadcast_in_dim3A_148, %get3A_152 : vector<16xf32>
        %max3A = arith.maximumf %get3A_145, %get3A_152 : vector<16xf32>
        %min3A_154 = arith.minimumf %get3A_145, %get3A_152 : vector<16xf32>
        %add3A_155 = arith.constant 32 : i32
        %add3A_156 = arith.addi %mul3A_144, %add3A_155 : i32
        %get3A_157 = arith.index_cast %add3A_156 : i32 to index
        %get3A_158 = tpu.vector_load %arg5[%get3A_157] {strides = array<i32>} : memref<50176xf32, #tpu.memory_space<vmem>>, vector<16xf32>,
        %add3A_159 = arith.addf %add3A_146, %get3A_158 : vector<16xf32>
        %max3A_160 = arith.maximumf %max3A, %get3A_158 : vector<16xf32>
        %min3A_161 = arith.minimumf %min3A_154, %get3A_158 : vector<16xf32>
        %add3A_162 = arith.constant 48 : i32
        %add3A_163 = arith.addi %mul3A_144, %add3A_162 : i32
        %get3A_164 = arith.index_cast %add3A_163 : i32 to index
        %get3A_165 = tpu.vector_load %arg5[%get3A_164] {strides = array<i32>} : memref<50176xf32, #tpu.memory_space<vmem>>, vector<16xf32>,
        %add3A_166 = arith.addf %add3A_153, %get3A_165 : vector<16xf32>
        %max3A_167 = arith.maximumf %max3A_160, %get3A_165 : vector<16xf32>
        %min3A_168 = arith.minimumf %min3A_161, %get3A_165 : vector<16xf32>
        %add3A_169 = arith.constant 64 : i32
        %add3A_170 = arith.addi %mul3A_144, %add3A_169 : i32
        %get3A_171 = arith.index_cast %add3A_170 : i32 to index
        %get3A_172 = tpu.vector_load %arg5[%get3A_171] {strides = array<i32>} : memref<50176xf32, #tpu.memory_space<vmem>>, vector<16xf32>,
        %add3A_173 = arith.addf %add3A_159, %get3A_172 : vector<16xf32>
        %max3A_174 = arith.maximumf %max3A_167, %get3A_172 : vector<16xf32>
        %min3A_175 = arith.minimumf %min3A_168, %get3A_172 : vector<16xf32>
        %add3A_176 = arith.constant 80 : i32
        %add3A_177 = arith.addi %mul3A_144, %add3A_176 : i32
        %get3A_178 = arith.index_cast %add3A_177 : i32 to index
        %get3A_179 = tpu.vector_load %arg5[%get3A_178] {strides = array<i32>} : memref<50176xf32, #tpu.memory_space<vmem>>, vector<16xf32>,
        %add3A_180 = arith.addf %add3A_166, %get3A_179 : vector<16xf32>
        %max3A_181 = arith.maximumf %max3A_174, %get3A_179 : vector<16xf32>
        %min3A_182 = arith.minimumf %min3A_175, %get3A_179 : vector<16xf32>
        %add3A_183 = arith.constant 96 : i32
        %add3A_184 = arith.addi %mul3A_144, %add3A_183 : i32
        %get3A_185 = arith.index_cast %add3A_184 : i32 to index
        %get3A_186 = tpu.vector_load %arg5[%get3A_185] {strides = array<i32>} : memref<50176xf32, #tpu.memory_space<vmem>>, vector<16xf32>,
        %add3A_187 = arith.addf %add3A_173, %get3A_186 : vector<16xf32>
        %max3A_188 = arith.maximumf %max3A_181, %get3A_186 : vector<16xf32>
        %min3A_189 = arith.minimumf %min3A_182, %get3A_186 : vector<16xf32>
        %add3A_190 = arith.constant 112 : i32
        %add3A_191 = arith.addi %mul3A_144, %add3A_190 : i32
        %get3A_192 = arith.index_cast %add3A_191 : i32 to index
        %get3A_193 = tpu.vector_load %arg5[%get3A_192] {strides = array<i32>} : memref<50176xf32, #tpu.memory_space<vmem>>, vector<16xf32>,
        %add3A_194 = arith.addf %add3A_180, %get3A_193 : vector<16xf32>
        %max3A_195 = arith.maximumf %max3A_188, %get3A_193 : vector<16xf32>
        %min3A_196 = arith.minimumf %min3A_189, %get3A_193 : vector<16xf32>
        %add3A_197 = arith.constant 128 : i32
        %add3A_198 = arith.addi %mul3A_144, %add3A_197 : i32
        %get3A_199 = arith.index_cast %add3A_198 : i32 to index
        %get3A_200 = tpu.vector_load %arg5[%get3A_199] {strides = array<i32>} : memref<50176xf32, #tpu.memory_space<vmem>>, vector<16xf32>,
        %add3A_201 = arith.addf %add3A_187, %get3A_200 : vector<16xf32>
        %max3A_202 = arith.maximumf %max3A_195, %get3A_200 : vector<16xf32>
        %min3A_203 = arith.minimumf %min3A_196, %get3A_200 : vector<16xf32>
        %add3A_204 = arith.constant 144 : i32
        %add3A_205 = arith.addi %mul3A_144, %add3A_204 : i32
        %get3A_206 = arith.index_cast %add3A_205 : i32 to index
        %get3A_207 = tpu.vector_load %arg5[%get3A_206] {strides = array<i32>} : memref<50176xf32, #tpu.memory_space<vmem>>, vector<16xf32>,
        %add3A_208 = arith.addf %add3A_194, %get3A_207 : vector<16xf32>
        %max3A_209 = arith.maximumf %max3A_202, %get3A_207 : vector<16xf32>
        %min3A_210 = arith.minimumf %min3A_203, %get3A_207 : vector<16xf32>
        %add3A_211 = arith.constant 160 : i32
        %add3A_212 = arith.addi %mul3A_144, %add3A_211 : i32
        %get3A_213 = arith.index_cast %add3A_212 : i32 to index
        %get3A_214 = tpu.vector_load %arg5[%get3A_213] {strides = array<i32>} : memref<50176xf32, #tpu.memory_space<vmem>>, vector<16xf32>,
        %add3A_215 = arith.addf %add3A_201, %get3A_214 : vector<16xf32>
        %max3A_216 = arith.maximumf %max3A_209, %get3A_214 : vector<16xf32>
        %min3A_217 = arith.minimumf %min3A_210, %get3A_214 : vector<16xf32>
        %add3A_218 = arith.constant 176 : i32
        %add3A_219 = arith.addi %mul3A_144, %add3A_218 : i32
        %get3A_220 = arith.index_cast %add3A_219 : i32 to index
        %get3A_221 = tpu.vector_load %arg5[%get3A_220] {strides = array<i32>} : memref<50176xf32, #tpu.memory_space<vmem>>, vector<16xf32>,
        %add3A_222 = arith.addf %add3A_208, %get3A_221 : vector<16xf32>
        %max3A_223 = arith.maximumf %max3A_216, %get3A_221 : vector<16xf32>
        %min3A_224 = arith.minimumf %min3A_217, %get3A_221 : vector<16xf32>
        %add3A_225 = arith.constant 192 : i32
        %add3A_226 = arith.addi %mul3A_144, %add3A_225 : i32
        %get3A_227 = arith.index_cast %add3A_226 : i32 to index
        %get3A_228 = tpu.vector_load %arg5[%get3A_227] {strides = array<i32>} : memref<50176xf32, #tpu.memory_space<vmem>>, vector<16xf32>,
        %add3A_229 = arith.addf %add3A_215, %get3A_228 : vector<16xf32>
        %max3A_230 = arith.maximumf %max3A_223, %get3A_228 : vector<16xf32>
        %min3A_231 = arith.minimumf %min3A_224, %get3A_228 : vector<16xf32>
        %add3A_232 = arith.constant 208 : i32
        %add3A_233 = arith.addi %mul3A_144, %add3A_232 : i32
        %get3A_234 = arith.index_cast %add3A_233 : i32 to index
        %get3A_235 = tpu.vector_load %arg5[%get3A_234] {strides = array<i32>} : memref<50176xf32, #tpu.memory_space<vmem>>, vector<16xf32>,
        %add3A_236 = arith.addf %add3A_222, %get3A_235 : vector<16xf32>
        %max3A_237 = arith.maximumf %max3A_230, %get3A_235 : vector<16xf32>
        %min3A_238 = arith.minimumf %min3A_231, %get3A_235 : vector<16xf32>
        %add3A_239 = arith.constant 224 : i32
        %add3A_240 = arith.addi %mul3A_144, %add3A_239 : i32
        %get3A_241 = arith.index_cast %add3A_240 : i32 to index
        %get3A_242 = tpu.vector_load %arg5[%get3A_241] {strides = array<i32>} : memref<50176xf32, #tpu.memory_space<vmem>>, vector<16xf32>,
        %add3A_243 = arith.addf %add3A_229, %get3A_242 : vector<16xf32>
        %max3A_244 = arith.maximumf %max3A_237, %get3A_242 : vector<16xf32>
        %min3A_245 = arith.minimumf %min3A_238, %get3A_242 : vector<16xf32>
        %add3A_246 = arith.constant 240 : i32
        %add3A_247 = arith.addi %mul3A_144, %add3A_246 : i32
        %get3A_248 = arith.index_cast %add3A_247 : i32 to index
        %get3A_249 = tpu.vector_load %arg5[%get3A_248] {strides = array<i32>} : memref<50176xf32, #tpu.memory_space<vmem>>, vector<16xf32>,
        %add3A_250 = arith.addf %add3A_236, %get3A_249 : vector<16xf32>
        %max3A_251 = arith.maximumf %max3A_244, %get3A_249 : vector<16xf32>
        %min3A_252 = arith.minimumf %min3A_245, %get3A_249 : vector<16xf32>
        %add3A_253 = arith.constant 256 : i32
        %add3A_254 = arith.addi %mul3A_144, %add3A_253 : i32
        %get3A_255 = arith.index_cast %add3A_254 : i32 to index
        %get3A_256 = tpu.vector_load %arg5[%get3A_255] {strides = array<i32>} : memref<50176xf32, #tpu.memory_space<vmem>>, vector<16xf32>,
        %add3A_257 = arith.addf %add3A_243, %get3A_256 : vector<16xf32>
        %max3A_258 = arith.maximumf %max3A_251, %get3A_256 : vector<16xf32>
        %min3A_259 = arith.minimumf %min3A_252, %get3A_256 : vector<16xf32>
        %add3A_260 = arith.constant 272 : i32
        %add3A_261 = arith.addi %mul3A_144, %add3A_260 : i32
        %get3A_262 = arith.index_cast %add3A_261 : i32 to index
        %get3A_263 = tpu.vector_load %arg5[%get3A_262] {strides = array<i32>} : memref<50176xf32, #tpu.memory_space<vmem>>, vector<16xf32>,
        %add3A_264 = arith.addf %add3A_250, %get3A_263 : vector<16xf32>
        %max3A_265 = arith.maximumf %max3A_258, %get3A_263 : vector<16xf32>
        %min3A_266 = arith.minimumf %min3A_259, %get3A_263 : vector<16xf32>
        %add3A_267 = arith.constant 288 : i32
        %add3A_268 = arith.addi %mul3A_144, %add3A_267 : i32
        %get3A_269 = arith.index_cast %add3A_268 : i32 to index
        %get3A_270 = tpu.vector_load %arg5[%get3A_269] {strides = array<i32>} : memref<50176xf32, #tpu.memory_space<vmem>>, vector<16xf32>,
        %add3A_271 = arith.addf %add3A_257, %get3A_270 : vector<16xf32>
        %max3A_272 = arith.maximumf %max3A_265, %get3A_270 : vector<16xf32>
        %min3A_273 = arith.minimumf %min3A_266, %get3A_270 : vector<16xf32>
        %add3A_274 = arith.constant 304 : i32
        %add3A_275 = arith.addi %mul3A_144, %add3A_274 : i32
        %get3A_276 = arith.index_cast %add3A_275 : i32 to index
        %get3A_277 = tpu.vector_load %arg5[%get3A_276] {strides = array<i32>} : memref<50176xf32, #tpu.memory_space<vmem>>, vector<16xf32>,
        %add3A_278 = arith.addf %add3A_264, %get3A_277 : vector<16xf32>
        %max3A_279 = arith.maximumf %max3A_272, %get3A_277 : vector<16xf32>
        %min3A_280 = arith.minimumf %min3A_273, %get3A_277 : vector<16xf32>
        %add3A_281 = arith.constant 320 : i32
        %add3A_282 = arith.addi %mul3A_144, %add3A_281 : i32
        %get3A_283 = arith.index_cast %add3A_282 : i32 to index
        %get3A_284 = tpu.vector_load %arg5[%get3A_283] {strides = array<i32>} : memref<50176xf32, #tpu.memory_space<vmem>>, vector<16xf32>,
        %add3A_285 = arith.addf %add3A_271, %get3A_284 : vector<16xf32>
        %max3A_286 = arith.maximumf %max3A_279, %get3A_284 : vector<16xf32>
        %min3A_287 = arith.minimumf %min3A_280, %get3A_284 : vector<16xf32>
        %add3A_288 = arith.constant 336 : i32
        %add3A_289 = arith.addi %mul3A_144, %add3A_288 : i32
        %get3A_290 = arith.index_cast %add3A_289 : i32 to index
        %get3A_291 = tpu.vector_load %arg5[%get3A_290] {strides = array<i32>} : memref<50176xf32, #tpu.memory_space<vmem>>, vector<16xf32>,
        %add3A_292 = arith.addf %add3A_278, %get3A_291 : vector<16xf32>
        %max3A_293 = arith.maximumf %max3A_286, %get3A_291 : vector<16xf32>
        %min3A_294 = arith.minimumf %min3A_287, %get3A_291 : vector<16xf32>
        %add3A_295 = arith.constant 352 : i32
        %add3A_296 = arith.addi %mul3A_144, %add3A_295 : i32
        %get3A_297 = arith.index_cast %add3A_296 : i32 to index
        %get3A_298 = tpu.vector_load %arg5[%get3A_297] {strides = array<i32>} : memref<50176xf32, #tpu.memory_space<vmem>>, vector<16xf32>,
        %add3A_299 = arith.addf %add3A_285, %get3A_298 : vector<16xf32>
        %max3A_300 = arith.maximumf %max3A_293, %get3A_298 : vector<16xf32>
        %min3A_301 = arith.minimumf %min3A_294, %get3A_298 : vector<16xf32>
        %add3A_302 = arith.constant 368 : i32
        %add3A_303 = arith.addi %mul3A_144, %add3A_302 : i32
        %get3A_304 = arith.index_cast %add3A_303 : i32 to index
        %get3A_305 = tpu.vector_load %arg5[%get3A_304] {strides = array<i32>} : memref<50176xf32, #tpu.memory_space<vmem>>, vector<16xf32>,
        %add3A_306 = arith.addf %add3A_292, %get3A_305 : vector<16xf32>
        %max3A_307 = arith.maximumf %max3A_300, %get3A_305 : vector<16xf32>
        %min3A_308 = arith.minimumf %min3A_301, %get3A_305 : vector<16xf32>
        %add3A_309 = arith.constant 384 : i32
        %add3A_310 = arith.addi %mul3A_144, %add3A_309 : i32
        %get3A_311 = arith.index_cast %add3A_310 : i32 to index
        %get3A_312 = tpu.vector_load %arg5[%get3A_311] {strides = array<i32>} : memref<50176xf32, #tpu.memory_space<vmem>>, vector<16xf32>,
        %add3A_313 = arith.addf %add3A_299, %get3A_312 : vector<16xf32>
        %max3A_314 = arith.maximumf %max3A_307, %get3A_312 : vector<16xf32>
        %min3A_315 = arith.minimumf %min3A_308, %get3A_312 : vector<16xf32>
        %add3A_316 = arith.constant 400 : i32
        %add3A_317 = arith.addi %mul3A_144, %add3A_316 : i32
        %get3A_318 = arith.index_cast %add3A_317 : i32 to index
        %get3A_319 = tpu.vector_load %arg5[%get3A_318] {strides = array<i32>} : memref<50176xf32, #tpu.memory_space<vmem>>, vector<16xf32>,
        %add3A_320 = arith.addf %add3A_306, %get3A_319 : vector<16xf32>
        %max3A_321 = arith.maximumf %max3A_314, %get3A_319 : vector<16xf32>
        %min3A_322 = arith.minimumf %min3A_315, %get3A_319 : vector<16xf32>
        %add3A_323 = arith.constant 416 : i32
        %add3A_324 = arith.addi %mul3A_144, %add3A_323 : i32
        %get3A_325 = arith.index_cast %add3A_324 : i32 to index
        %get3A_326 = tpu.vector_load %arg5[%get3A_325] {strides = array<i32>} : memref<50176xf32, #tpu.memory_space<vmem>>, vector<16xf32>,
        %add3A_327 = arith.addf %add3A_313, %get3A_326 : vector<16xf32>
        %max3A_328 = arith.maximumf %max3A_321, %get3A_326 : vector<16xf32>
        %min3A_329 = arith.minimumf %min3A_322, %get3A_326 : vector<16xf32>
        %add3A_330 = arith.constant 432 : i32
        %add3A_331 = arith.addi %mul3A_144, %add3A_330 : i32
        %get3A_332 = arith.index_cast %add3A_331 : i32 to index
        %get3A_333 = tpu.vector_load %arg5[%get3A_332] {strides = array<i32>} : memref<50176xf32, #tpu.memory_space<vmem>>, vector<16xf32>,
        %add3A_334 = arith.addf %add3A_320, %get3A_333 : vector<16xf32>
        %max3A_335 = arith.maximumf %max3A_328, %get3A_333 : vector<16xf32>
        %min3A_336 = arith.minimumf %min3A_329, %get3A_333 : vector<16xf32>
        %add3A_337 = arith.constant 448 : i32
        %add3A_338 = arith.addi %mul3A_144, %add3A_337 : i32
        %get3A_339 = arith.index_cast %add3A_338 : i32 to index
        %get3A_340 = tpu.vector_load %arg5[%get3A_339] {strides = array<i32>} : memref<50176xf32, #tpu.memory_space<vmem>>, vector<16xf32>,
        %add3A_341 = arith.addf %add3A_327, %get3A_340 : vector<16xf32>
        %max3A_342 = arith.maximumf %max3A_335, %get3A_340 : vector<16xf32>
        %min3A_343 = arith.minimumf %min3A_336, %get3A_340 : vector<16xf32>
        %add3A_344 = arith.constant 464 : i32
        %add3A_345 = arith.addi %mul3A_144, %add3A_344 : i32
        %get3A_346 = arith.index_cast %add3A_345 : i32 to index
        %get3A_347 = tpu.vector_load %arg5[%get3A_346] {strides = array<i32>} : memref<50176xf32, #tpu.memory_space<vmem>>, vector<16xf32>,
        %add3A_348 = arith.addf %add3A_334, %get3A_347 : vector<16xf32>
        %max3A_349 = arith.maximumf %max3A_342, %get3A_347 : vector<16xf32>
        %min3A_350 = arith.minimumf %min3A_343, %get3A_347 : vector<16xf32>
        %add3A_351 = arith.constant 480 : i32
        %add3A_352 = arith.addi %mul3A_144, %add3A_351 : i32
        %get3A_353 = arith.index_cast %add3A_352 : i32 to index
        %get3A_354 = tpu.vector_load %arg5[%get3A_353] {strides = array<i32>} : memref<50176xf32, #tpu.memory_space<vmem>>, vector<16xf32>,
        %add3A_355 = arith.addf %add3A_341, %get3A_354 : vector<16xf32>
        %max3A_356 = arith.maximumf %max3A_349, %get3A_354 : vector<16xf32>
        %min3A_357 = arith.minimumf %min3A_350, %get3A_354 : vector<16xf32>
        %add3A_358 = arith.constant 496 : i32
        %add3A_359 = arith.addi %mul3A_144, %add3A_358 : i32
        %get3A_360 = arith.index_cast %add3A_359 : i32 to index
        %get3A_361 = tpu.vector_load %arg5[%get3A_360] {strides = array<i32>} : memref<50176xf32, #tpu.memory_space<vmem>>, vector<16xf32>,
        %add3A_362 = arith.addf %add3A_348, %get3A_361 : vector<16xf32>
        %max3A_363 = arith.maximumf %max3A_356, %get3A_361 : vector<16xf32>
        %min3A_364 = arith.minimumf %min3A_357, %get3A_361 : vector<16xf32>
        %mul3A_365 = arith.constant 16 : i32
        %mul3A_366 = arith.muli %scan3A_141, %mul3A_365 : i32
        %swap3A_367 = arith.index_cast %mul3A_366 : i32 to index
        %swap3A_368 = tpu.vector_load %arg6[%swap3A_367] {strides = array<i32>} : memref<1568xf32, #tpu.memory_space<vmem>>, vector<16xf32>,
        tpu.vector_store %arg6[%swap3A_367], %max3A_363 {strides = array<i32>} : memref<1568xf32, #tpu.memory_space<vmem>>, vector<16xf32>,
        %mul3A_369 = arith.constant 16 : i32
        %mul3A_370 = arith.muli %scan3A_141, %mul3A_369 : i32
        %swap3A_371 = arith.index_cast %mul3A_370 : i32 to index
        %swap3A_372 = tpu.vector_load %arg7[%swap3A_371] {strides = array<i32>} : memref<1568xf32, #tpu.memory_space<vmem>>, vector<16xf32>,
        tpu.vector_store %arg7[%swap3A_371], %min3A_364 {strides = array<i32>} : memref<1568xf32, #tpu.memory_space<vmem>>, vector<16xf32>,
        %add3A_373 = arith.addf %add3A_355, %add3A_362 : vector<16xf32>
        scf.yield %add3A_373 : vector<16xf32>
      }
      %scan3A_106 = arith.constant 98 : i32
      %broadcast_in_dim3A_107 = arith.constant -3.000000e+38 : f32
      %broadcast_in_dim3A_108 = vector.broadcast %broadcast_in_dim3A_107 : f32 to vector<16xf32>
      %broadcast_in_dim3A_109 = arith.constant 3.000000e+38 : f32
      %broadcast_in_dim3A_110 = vector.broadcast %broadcast_in_dim3A_109 : f32 to vector<16xf32>
      %scan3A_111 = arith.constant 0 : i32
      %scan3A_112 = arith.constant 98 : i32
      %scan3A_113 = arith.addi %scan3A_111, %scan3A_112 : i32
      %scan3A_114 = arith.constant 1 : i32
      %scan3A_115:2 = scf.for %scan3A_141 = %scan3A_111 to %scan3A_113 step %scan3A_114 iter_args(%scan3A_142 = %broadcast_in_dim3A_108, %scan3A_143 = %broadcast_in_dim3A_110) -> (vector<16xf32>, vector<16xf32>)  : i32 {
        %mul3A_144 = arith.constant 16 : i32
        %mul3A_145 = arith.muli %scan3A_141, %mul3A_144 : i32
        %get3A = arith.index_cast %mul3A_145 : i32 to index
        %get3A_146 = tpu.vector_load %arg6[%get3A] {strides = array<i32>} : memref<1568xf32, #tpu.memory_space<vmem>>, vector<16xf32>,
        %masked_sort3A = arith.constant dense<true> : vector<16xi1>
        %masked_sort3A_147, %masked_sort3A_148, %masked_sort3A_149 = tpu.sort %get3A_146, %get3A_146 masked %masked_sort3A : (vector<16xf32>, vector<16xf32>, vector<16xi1>) -> (vector<16xi1>, vector<16xf32>, vector<16xf32>)
        %rev3A = arith.constant 15 : i32
        %rev3A_150 = vector.broadcast %rev3A : i32 to vector<16xi32>
        %rev3A_151 = tpu.iota {dimensions = array<i32: 0>} : vector<16xi32>
        %rev3A_152 = arith.subi %rev3A_150, %rev3A_151 : vector<16xi32>
        %rev3A_153 = tpu.dynamic_gather %masked_sort3A_148[%rev3A_152] in [0] : vector<16xf32>, vector<16xi32> -> vector<16xf32>
        %max3A = arith.maximumf %scan3A_142, %rev3A_153 : vector<16xf32>
        %masked_sort3A_154 = arith.constant dense<true> : vector<16xi1>
        %masked_sort3A_155, %masked_sort3A_156, %masked_sort3A_157 = tpu.sort %max3A, %max3A masked %masked_sort3A_154 : (vector<16xf32>, vector<16xf32>, vector<16xi1>) -> (vector<16xi1>, vector<16xf32>, vector<16xf32>)
        %mul3A_158 = arith.constant 16 : i32
        %mul3A_159 = arith.muli %scan3A_141, %mul3A_158 : i32
        %get3A_160 = arith.index_cast %mul3A_159 : i32 to index
        %get3A_161 = tpu.vector_load %arg7[%get3A_160] {strides = array<i32>} : memref<1568xf32, #tpu.memory_space<vmem>>, vector<16xf32>,
        %masked_sort3A_162 = arith.constant dense<true> : vector<16xi1>
        %masked_sort3A_163, %masked_sort3A_164, %masked_sort3A_165 = tpu.sort %get3A_161, %get3A_161 masked %masked_sort3A_162 : (vector<16xf32>, vector<16xf32>, vector<16xi1>) -> (vector<16xi1>, vector<16xf32>, vector<16xf32>)
        %rev3A_166 = arith.constant 15 : i32
        %rev3A_167 = vector.broadcast %rev3A_166 : i32 to vector<16xi32>
        %rev3A_168 = tpu.iota {dimensions = array<i32: 0>} : vector<16xi32>
        %rev3A_169 = arith.subi %rev3A_167, %rev3A_168 : vector<16xi32>
        %rev3A_170 = tpu.dynamic_gather %masked_sort3A_164[%rev3A_169] in [0] : vector<16xf32>, vector<16xi32> -> vector<16xf32>
        %min3A_171 = arith.minimumf %scan3A_143, %rev3A_170 : vector<16xf32>
        %masked_sort3A_172 = arith.constant dense<true> : vector<16xi1>
        %masked_sort3A_173, %masked_sort3A_174, %masked_sort3A_175 = tpu.sort %min3A_171, %min3A_171 masked %masked_sort3A_172 : (vector<16xf32>, vector<16xf32>, vector<16xi1>) -> (vector<16xi1>, vector<16xf32>, vector<16xf32>)
        scf.yield %masked_sort3A_156, %masked_sort3A_174 : vector<16xf32>, vector<16xf32>
      }
      %scan3A_116 = arith.constant 98 : i32
      %broadcast_in_dim3A_117 = arith.constant 6 : i32
      %broadcast_in_dim3A_118 = vector.broadcast %broadcast_in_dim3A_117 : i32 to vector<16x1xi32>
      %gather3A_119 = vector.shape_cast %broadcast_in_dim3A_118 : vector<16x1xi32> to vector<16xi32>
      %gather3A_120 = tpu.dynamic_gather %scan3A_115#0[%gather3A_119] in [0] : vector<16xf32>, vector<16xi32> -> vector<16xf32>
      %broadcast_in_dim3A_121 = arith.constant 9 : i32
      %broadcast_in_dim3A_122 = vector.broadcast %broadcast_in_dim3A_121 : i32 to vector<16x1xi32>
      %gather3A_123 = vector.shape_cast %broadcast_in_dim3A_122 : vector<16x1xi32> to vector<16xi32>
      %gather3A_124 = tpu.dynamic_gather %scan3A_115#1[%gather3A_123] in [0] : vector<16xf32>, vector<16xi32> -> vector<16xf32>
      %broadcast_in_dim3A_125 = arith.constant -3.000000e+38 : f32
      %broadcast_in_dim3A_126 = vector.broadcast %broadcast_in_dim3A_125 : f32 to vector<16xf32>
      %broadcast_in_dim3A_127 = arith.constant 3.000000e+38 : f32
      %broadcast_in_dim3A_128 = vector.broadcast %broadcast_in_dim3A_127 : f32 to vector<16xf32>
      %scan3A_129 = arith.constant 0 : i32
      %scan3A_130 = arith.constant 98 : i32
      %scan3A_131 = arith.addi %scan3A_129, %scan3A_130 : i32
      %scan3A_132 = arith.constant 1 : i32
      %scan3A_133:2 = scf.for %scan3A_141 = %scan3A_129 to %scan3A_131 step %scan3A_132 iter_args(%scan3A_142 = %broadcast_in_dim3A_126, %scan3A_143 = %broadcast_in_dim3A_128) -> (vector<16xf32>, vector<16xf32>)  : i32 {
        %mul3A_144 = arith.constant 16 : i32
        %mul3A_145 = arith.muli %scan3A_141, %mul3A_144 : i32
        %get3A = arith.index_cast %mul3A_145 : i32 to index
        %get3A_146 = tpu.vector_load %arg6[%get3A] {strides = array<i32>} : memref<1568xf32, #tpu.memory_space<vmem>>, vector<16xf32>,
        %ge3A = arith.cmpf oge, %get3A_146, %gather3A_120 : vector<16xf32>
        %mul3A_147 = arith.constant 16 : i32
        %mul3A_148 = arith.muli %scan3A_141, %mul3A_147 : i32
        %get3A_149 = arith.index_cast %mul3A_148 : i32 to index
        %get3A_150 = tpu.vector_load %arg7[%get3A_149] {strides = array<i32>} : memref<1568xf32, #tpu.memory_space<vmem>>, vector<16xf32>,
        %le3A = arith.cmpf ole, %get3A_150, %gather3A_124 : vector<16xf32>
        %or3A = arith.ori %ge3A, %le3A : vector<16xi1>
        %reduce_or3A = arith.constant 1.000000e+00 : f32
        %reduce_or3A_151 = arith.constant 0.000000e+00 : f32
        %reduce_or3A_152 = vector.broadcast %reduce_or3A : f32 to vector<16xf32>
        %reduce_or3A_153 = vector.broadcast %reduce_or3A_151 : f32 to vector<16xf32>
        %reduce_or3A_154 = arith.select %or3A, %reduce_or3A_152, %reduce_or3A_153 : vector<16xi1>, vector<16xf32>
        %reduce_or3A_155 = arith.constant true
        %reduce_or3A_156 = vector.broadcast %reduce_or3A_155 : i1 to vector<16xi1>
        %reduce_or3A_157 = tpu.scan <max>, %reduce_or3A_154 masked %reduce_or3A_156 : vector<16xf32>, vector<16xi1> -> vector<16xf32>
        %reduce_or3A_158 = vector.extract %reduce_or3A_157[15] : f32 from vector<16xf32>
        %reduce_or3A_159 = arith.constant 0.000000e+00 : f32
        %reduce_or3A_160 = arith.cmpf ogt, %reduce_or3A_158, %reduce_or3A_159 : f32
        %convert_element_type3A = arith.extui %reduce_or3A_160 : i1 to i32
        %cond3A = arith.constant 0 : i32
        %cond3A_161 = arith.cmpi ne, %convert_element_type3A, %cond3A : i32
        %cond3A_162:2 = scf.if %cond3A_161 -> (vector<16xf32>, vector<16xf32>) {
          %mul3A_163 = arith.constant 512 : i32
          %mul3A_164 = arith.muli %scan3A_141, %mul3A_163 : i32
          %add3A_165 = arith.constant 0 : i32
          %add3A_166 = arith.addi %mul3A_164, %add3A_165 : i32
          %get3A_167 = arith.index_cast %add3A_166 : i32 to index
          %get3A_168 = tpu.vector_load %arg5[%get3A_167] {strides = array<i32>} : memref<50176xf32, #tpu.memory_space<vmem>>, vector<16xf32>,
          %ge3A_169 = arith.cmpf oge, %get3A_168, %gather3A_120 : vector<16xf32>
          %le3A_170 = arith.cmpf ole, %get3A_168, %gather3A_124 : vector<16xf32>
          %or3A_171 = arith.ori %ge3A_169, %le3A_170 : vector<16xi1>
          %reduce_or3A_172 = arith.constant 1.000000e+00 : f32
          %reduce_or3A_173 = arith.constant 0.000000e+00 : f32
          %reduce_or3A_174 = vector.broadcast %reduce_or3A_172 : f32 to vector<16xf32>
          %reduce_or3A_175 = vector.broadcast %reduce_or3A_173 : f32 to vector<16xf32>
          %reduce_or3A_176 = arith.select %or3A_171, %reduce_or3A_174, %reduce_or3A_175 : vector<16xi1>, vector<16xf32>
          %reduce_or3A_177 = arith.constant true
          %reduce_or3A_178 = vector.broadcast %reduce_or3A_177 : i1 to vector<16xi1>
          %reduce_or3A_179 = tpu.scan <max>, %reduce_or3A_176 masked %reduce_or3A_178 : vector<16xf32>, vector<16xi1> -> vector<16xf32>
          %reduce_or3A_180 = vector.extract %reduce_or3A_179[15] : f32 from vector<16xf32>
          %reduce_or3A_181 = arith.constant 0.000000e+00 : f32
          %reduce_or3A_182 = arith.cmpf ogt, %reduce_or3A_180, %reduce_or3A_181 : f32
          %convert_element_type3A_183 = arith.extui %reduce_or3A_182 : i1 to i32
          %cond3A_184 = arith.constant 0 : i32
          %cond3A_185 = arith.cmpi ne, %convert_element_type3A_183, %cond3A_184 : i32
          %cond3A_186:2 = scf.if %cond3A_185 -> (vector<16xf32>, vector<16xf32>) {
            %masked_sort3A = arith.constant dense<true> : vector<16xi1>
            %masked_sort3A_931, %masked_sort3A_932, %masked_sort3A_933 = tpu.sort %get3A_168, %get3A_168 masked %masked_sort3A : (vector<16xf32>, vector<16xf32>, vector<16xi1>) -> (vector<16xi1>, vector<16xf32>, vector<16xf32>)
            %rev3A = arith.constant 15 : i32
            %rev3A_934 = vector.broadcast %rev3A : i32 to vector<16xi32>
            %rev3A_935 = tpu.iota {dimensions = array<i32: 0>} : vector<16xi32>
            %rev3A_936 = arith.subi %rev3A_934, %rev3A_935 : vector<16xi32>
            %rev3A_937 = tpu.dynamic_gather %masked_sort3A_932[%rev3A_936] in [0] : vector<16xf32>, vector<16xi32> -> vector<16xf32>
            %max3A = arith.maximumf %scan3A_142, %rev3A_937 : vector<16xf32>
            %masked_sort3A_938 = arith.constant dense<true> : vector<16xi1>
            %masked_sort3A_939, %masked_sort3A_940, %masked_sort3A_941 = tpu.sort %max3A, %max3A masked %masked_sort3A_938 : (vector<16xf32>, vector<16xf32>, vector<16xi1>) -> (vector<16xi1>, vector<16xf32>, vector<16xf32>)
            %masked_sort3A_942 = arith.constant dense<true> : vector<16xi1>
            %masked_sort3A_943, %masked_sort3A_944, %masked_sort3A_945 = tpu.sort %get3A_168, %get3A_168 masked %masked_sort3A_942 : (vector<16xf32>, vector<16xf32>, vector<16xi1>) -> (vector<16xi1>, vector<16xf32>, vector<16xf32>)
            %rev3A_946 = arith.constant 15 : i32
            %rev3A_947 = vector.broadcast %rev3A_946 : i32 to vector<16xi32>
            %rev3A_948 = tpu.iota {dimensions = array<i32: 0>} : vector<16xi32>
            %rev3A_949 = arith.subi %rev3A_947, %rev3A_948 : vector<16xi32>
            %rev3A_950 = tpu.dynamic_gather %masked_sort3A_944[%rev3A_949] in [0] : vector<16xf32>, vector<16xi32> -> vector<16xf32>
            %min3A_951 = arith.minimumf %scan3A_143, %rev3A_950 : vector<16xf32>
            %masked_sort3A_952 = arith.constant dense<true> : vector<16xi1>
            %masked_sort3A_953, %masked_sort3A_954, %masked_sort3A_955 = tpu.sort %min3A_951, %min3A_951 masked %masked_sort3A_952 : (vector<16xf32>, vector<16xf32>, vector<16xi1>) -> (vector<16xi1>, vector<16xf32>, vector<16xf32>)
            scf.yield %masked_sort3A_940, %masked_sort3A_954 : vector<16xf32>, vector<16xf32>
          } else {
            scf.yield %scan3A_142, %scan3A_143 : vector<16xf32>, vector<16xf32>
          }
          %mul3A_187 = arith.constant 512 : i32
          %mul3A_188 = arith.muli %scan3A_141, %mul3A_187 : i32
          %add3A_189 = arith.constant 16 : i32
          %add3A_190 = arith.addi %mul3A_188, %add3A_189 : i32
          %get3A_191 = arith.index_cast %add3A_190 : i32 to index
          %get3A_192 = tpu.vector_load %arg5[%get3A_191] {strides = array<i32>} : memref<50176xf32, #tpu.memory_space<vmem>>, vector<16xf32>,
          %ge3A_193 = arith.cmpf oge, %get3A_192, %gather3A_120 : vector<16xf32>
          %le3A_194 = arith.cmpf ole, %get3A_192, %gather3A_124 : vector<16xf32>
          %or3A_195 = arith.ori %ge3A_193, %le3A_194 : vector<16xi1>
          %reduce_or3A_196 = arith.constant 1.000000e+00 : f32
          %reduce_or3A_197 = arith.constant 0.000000e+00 : f32
          %reduce_or3A_198 = vector.broadcast %reduce_or3A_196 : f32 to vector<16xf32>
          %reduce_or3A_199 = vector.broadcast %reduce_or3A_197 : f32 to vector<16xf32>
          %reduce_or3A_200 = arith.select %or3A_195, %reduce_or3A_198, %reduce_or3A_199 : vector<16xi1>, vector<16xf32>
          %reduce_or3A_201 = arith.constant true
          %reduce_or3A_202 = vector.broadcast %reduce_or3A_201 : i1 to vector<16xi1>
          %reduce_or3A_203 = tpu.scan <max>, %reduce_or3A_200 masked %reduce_or3A_202 : vector<16xf32>, vector<16xi1> -> vector<16xf32>
          %reduce_or3A_204 = vector.extract %reduce_or3A_203[15] : f32 from vector<16xf32>
          %reduce_or3A_205 = arith.constant 0.000000e+00 : f32
          %reduce_or3A_206 = arith.cmpf ogt, %reduce_or3A_204, %reduce_or3A_205 : f32
          %convert_element_type3A_207 = arith.extui %reduce_or3A_206 : i1 to i32
          %cond3A_208 = arith.constant 0 : i32
          %cond3A_209 = arith.cmpi ne, %convert_element_type3A_207, %cond3A_208 : i32
          %cond3A_210:2 = scf.if %cond3A_209 -> (vector<16xf32>, vector<16xf32>) {
            %masked_sort3A = arith.constant dense<true> : vector<16xi1>
            %masked_sort3A_931, %masked_sort3A_932, %masked_sort3A_933 = tpu.sort %get3A_192, %get3A_192 masked %masked_sort3A : (vector<16xf32>, vector<16xf32>, vector<16xi1>) -> (vector<16xi1>, vector<16xf32>, vector<16xf32>)
            %rev3A = arith.constant 15 : i32
            %rev3A_934 = vector.broadcast %rev3A : i32 to vector<16xi32>
            %rev3A_935 = tpu.iota {dimensions = array<i32: 0>} : vector<16xi32>
            %rev3A_936 = arith.subi %rev3A_934, %rev3A_935 : vector<16xi32>
            %rev3A_937 = tpu.dynamic_gather %masked_sort3A_932[%rev3A_936] in [0] : vector<16xf32>, vector<16xi32> -> vector<16xf32>
            %max3A = arith.maximumf %cond3A_186#0, %rev3A_937 : vector<16xf32>
            %masked_sort3A_938 = arith.constant dense<true> : vector<16xi1>
            %masked_sort3A_939, %masked_sort3A_940, %masked_sort3A_941 = tpu.sort %max3A, %max3A masked %masked_sort3A_938 : (vector<16xf32>, vector<16xf32>, vector<16xi1>) -> (vector<16xi1>, vector<16xf32>, vector<16xf32>)
            %masked_sort3A_942 = arith.constant dense<true> : vector<16xi1>
            %masked_sort3A_943, %masked_sort3A_944, %masked_sort3A_945 = tpu.sort %get3A_192, %get3A_192 masked %masked_sort3A_942 : (vector<16xf32>, vector<16xf32>, vector<16xi1>) -> (vector<16xi1>, vector<16xf32>, vector<16xf32>)
            %rev3A_946 = arith.constant 15 : i32
            %rev3A_947 = vector.broadcast %rev3A_946 : i32 to vector<16xi32>
            %rev3A_948 = tpu.iota {dimensions = array<i32: 0>} : vector<16xi32>
            %rev3A_949 = arith.subi %rev3A_947, %rev3A_948 : vector<16xi32>
            %rev3A_950 = tpu.dynamic_gather %masked_sort3A_944[%rev3A_949] in [0] : vector<16xf32>, vector<16xi32> -> vector<16xf32>
            %min3A_951 = arith.minimumf %cond3A_186#1, %rev3A_950 : vector<16xf32>
            %masked_sort3A_952 = arith.constant dense<true> : vector<16xi1>
            %masked_sort3A_953, %masked_sort3A_954, %masked_sort3A_955 = tpu.sort %min3A_951, %min3A_951 masked %masked_sort3A_952 : (vector<16xf32>, vector<16xf32>, vector<16xi1>) -> (vector<16xi1>, vector<16xf32>, vector<16xf32>)
            scf.yield %masked_sort3A_940, %masked_sort3A_954 : vector<16xf32>, vector<16xf32>
          } else {
            scf.yield %cond3A_186#0, %cond3A_186#1 : vector<16xf32>, vector<16xf32>
          }
          %mul3A_211 = arith.constant 512 : i32
          %mul3A_212 = arith.muli %scan3A_141, %mul3A_211 : i32
          %add3A_213 = arith.constant 32 : i32
          %add3A_214 = arith.addi %mul3A_212, %add3A_213 : i32
          %get3A_215 = arith.index_cast %add3A_214 : i32 to index
          %get3A_216 = tpu.vector_load %arg5[%get3A_215] {strides = array<i32>} : memref<50176xf32, #tpu.memory_space<vmem>>, vector<16xf32>,
          %ge3A_217 = arith.cmpf oge, %get3A_216, %gather3A_120 : vector<16xf32>
          %le3A_218 = arith.cmpf ole, %get3A_216, %gather3A_124 : vector<16xf32>
          %or3A_219 = arith.ori %ge3A_217, %le3A_218 : vector<16xi1>
          %reduce_or3A_220 = arith.constant 1.000000e+00 : f32
          %reduce_or3A_221 = arith.constant 0.000000e+00 : f32
          %reduce_or3A_222 = vector.broadcast %reduce_or3A_220 : f32 to vector<16xf32>
          %reduce_or3A_223 = vector.broadcast %reduce_or3A_221 : f32 to vector<16xf32>
          %reduce_or3A_224 = arith.select %or3A_219, %reduce_or3A_222, %reduce_or3A_223 : vector<16xi1>, vector<16xf32>
          %reduce_or3A_225 = arith.constant true
          %reduce_or3A_226 = vector.broadcast %reduce_or3A_225 : i1 to vector<16xi1>
          %reduce_or3A_227 = tpu.scan <max>, %reduce_or3A_224 masked %reduce_or3A_226 : vector<16xf32>, vector<16xi1> -> vector<16xf32>
          %reduce_or3A_228 = vector.extract %reduce_or3A_227[15] : f32 from vector<16xf32>
          %reduce_or3A_229 = arith.constant 0.000000e+00 : f32
          %reduce_or3A_230 = arith.cmpf ogt, %reduce_or3A_228, %reduce_or3A_229 : f32
          %convert_element_type3A_231 = arith.extui %reduce_or3A_230 : i1 to i32
          %cond3A_232 = arith.constant 0 : i32
          %cond3A_233 = arith.cmpi ne, %convert_element_type3A_231, %cond3A_232 : i32
          %cond3A_234:2 = scf.if %cond3A_233 -> (vector<16xf32>, vector<16xf32>) {
            %masked_sort3A = arith.constant dense<true> : vector<16xi1>
            %masked_sort3A_931, %masked_sort3A_932, %masked_sort3A_933 = tpu.sort %get3A_216, %get3A_216 masked %masked_sort3A : (vector<16xf32>, vector<16xf32>, vector<16xi1>) -> (vector<16xi1>, vector<16xf32>, vector<16xf32>)
            %rev3A = arith.constant 15 : i32
            %rev3A_934 = vector.broadcast %rev3A : i32 to vector<16xi32>
            %rev3A_935 = tpu.iota {dimensions = array<i32: 0>} : vector<16xi32>
            %rev3A_936 = arith.subi %rev3A_934, %rev3A_935 : vector<16xi32>
            %rev3A_937 = tpu.dynamic_gather %masked_sort3A_932[%rev3A_936] in [0] : vector<16xf32>, vector<16xi32> -> vector<16xf32>
            %max3A = arith.maximumf %cond3A_210#0, %rev3A_937 : vector<16xf32>
            %masked_sort3A_938 = arith.constant dense<true> : vector<16xi1>
            %masked_sort3A_939, %masked_sort3A_940, %masked_sort3A_941 = tpu.sort %max3A, %max3A masked %masked_sort3A_938 : (vector<16xf32>, vector<16xf32>, vector<16xi1>) -> (vector<16xi1>, vector<16xf32>, vector<16xf32>)
            %masked_sort3A_942 = arith.constant dense<true> : vector<16xi1>
            %masked_sort3A_943, %masked_sort3A_944, %masked_sort3A_945 = tpu.sort %get3A_216, %get3A_216 masked %masked_sort3A_942 : (vector<16xf32>, vector<16xf32>, vector<16xi1>) -> (vector<16xi1>, vector<16xf32>, vector<16xf32>)
            %rev3A_946 = arith.constant 15 : i32
            %rev3A_947 = vector.broadcast %rev3A_946 : i32 to vector<16xi32>
            %rev3A_948 = tpu.iota {dimensions = array<i32: 0>} : vector<16xi32>
            %rev3A_949 = arith.subi %rev3A_947, %rev3A_948 : vector<16xi32>
            %rev3A_950 = tpu.dynamic_gather %masked_sort3A_944[%rev3A_949] in [0] : vector<16xf32>, vector<16xi32> -> vector<16xf32>
            %min3A_951 = arith.minimumf %cond3A_210#1, %rev3A_950 : vector<16xf32>
            %masked_sort3A_952 = arith.constant dense<true> : vector<16xi1>
            %masked_sort3A_953, %masked_sort3A_954, %masked_sort3A_955 = tpu.sort %min3A_951, %min3A_951 masked %masked_sort3A_952 : (vector<16xf32>, vector<16xf32>, vector<16xi1>) -> (vector<16xi1>, vector<16xf32>, vector<16xf32>)
            scf.yield %masked_sort3A_940, %masked_sort3A_954 : vector<16xf32>, vector<16xf32>
          } else {
            scf.yield %cond3A_210#0, %cond3A_210#1 : vector<16xf32>, vector<16xf32>
          }
          %mul3A_235 = arith.constant 512 : i32
          %mul3A_236 = arith.muli %scan3A_141, %mul3A_235 : i32
          %add3A_237 = arith.constant 48 : i32
          %add3A_238 = arith.addi %mul3A_236, %add3A_237 : i32
          %get3A_239 = arith.index_cast %add3A_238 : i32 to index
          %get3A_240 = tpu.vector_load %arg5[%get3A_239] {strides = array<i32>} : memref<50176xf32, #tpu.memory_space<vmem>>, vector<16xf32>,
          %ge3A_241 = arith.cmpf oge, %get3A_240, %gather3A_120 : vector<16xf32>
          %le3A_242 = arith.cmpf ole, %get3A_240, %gather3A_124 : vector<16xf32>
          %or3A_243 = arith.ori %ge3A_241, %le3A_242 : vector<16xi1>
          %reduce_or3A_244 = arith.constant 1.000000e+00 : f32
          %reduce_or3A_245 = arith.constant 0.000000e+00 : f32
          %reduce_or3A_246 = vector.broadcast %reduce_or3A_244 : f32 to vector<16xf32>
          %reduce_or3A_247 = vector.broadcast %reduce_or3A_245 : f32 to vector<16xf32>
          %reduce_or3A_248 = arith.select %or3A_243, %reduce_or3A_246, %reduce_or3A_247 : vector<16xi1>, vector<16xf32>
          %reduce_or3A_249 = arith.constant true
          %reduce_or3A_250 = vector.broadcast %reduce_or3A_249 : i1 to vector<16xi1>
          %reduce_or3A_251 = tpu.scan <max>, %reduce_or3A_248 masked %reduce_or3A_250 : vector<16xf32>, vector<16xi1> -> vector<16xf32>
          %reduce_or3A_252 = vector.extract %reduce_or3A_251[15] : f32 from vector<16xf32>
          %reduce_or3A_253 = arith.constant 0.000000e+00 : f32
          %reduce_or3A_254 = arith.cmpf ogt, %reduce_or3A_252, %reduce_or3A_253 : f32
          %convert_element_type3A_255 = arith.extui %reduce_or3A_254 : i1 to i32
          %cond3A_256 = arith.constant 0 : i32
          %cond3A_257 = arith.cmpi ne, %convert_element_type3A_255, %cond3A_256 : i32
          %cond3A_258:2 = scf.if %cond3A_257 -> (vector<16xf32>, vector<16xf32>) {
            %masked_sort3A = arith.constant dense<true> : vector<16xi1>
            %masked_sort3A_931, %masked_sort3A_932, %masked_sort3A_933 = tpu.sort %get3A_240, %get3A_240 masked %masked_sort3A : (vector<16xf32>, vector<16xf32>, vector<16xi1>) -> (vector<16xi1>, vector<16xf32>, vector<16xf32>)
            %rev3A = arith.constant 15 : i32
            %rev3A_934 = vector.broadcast %rev3A : i32 to vector<16xi32>
            %rev3A_935 = tpu.iota {dimensions = array<i32: 0>} : vector<16xi32>
            %rev3A_936 = arith.subi %rev3A_934, %rev3A_935 : vector<16xi32>
            %rev3A_937 = tpu.dynamic_gather %masked_sort3A_932[%rev3A_936] in [0] : vector<16xf32>, vector<16xi32> -> vector<16xf32>
            %max3A = arith.maximumf %cond3A_234#0, %rev3A_937 : vector<16xf32>
            %masked_sort3A_938 = arith.constant dense<true> : vector<16xi1>
            %masked_sort3A_939, %masked_sort3A_940, %masked_sort3A_941 = tpu.sort %max3A, %max3A masked %masked_sort3A_938 : (vector<16xf32>, vector<16xf32>, vector<16xi1>) -> (vector<16xi1>, vector<16xf32>, vector<16xf32>)
            %masked_sort3A_942 = arith.constant dense<true> : vector<16xi1>
            %masked_sort3A_943, %masked_sort3A_944, %masked_sort3A_945 = tpu.sort %get3A_240, %get3A_240 masked %masked_sort3A_942 : (vector<16xf32>, vector<16xf32>, vector<16xi1>) -> (vector<16xi1>, vector<16xf32>, vector<16xf32>)
            %rev3A_946 = arith.constant 15 : i32
            %rev3A_947 = vector.broadcast %rev3A_946 : i32 to vector<16xi32>
            %rev3A_948 = tpu.iota {dimensions = array<i32: 0>} : vector<16xi32>
            %rev3A_949 = arith.subi %rev3A_947, %rev3A_948 : vector<16xi32>
            %rev3A_950 = tpu.dynamic_gather %masked_sort3A_944[%rev3A_949] in [0] : vector<16xf32>, vector<16xi32> -> vector<16xf32>
            %min3A_951 = arith.minimumf %cond3A_234#1, %rev3A_950 : vector<16xf32>
            %masked_sort3A_952 = arith.constant dense<true> : vector<16xi1>
            %masked_sort3A_953, %masked_sort3A_954, %masked_sort3A_955 = tpu.sort %min3A_951, %min3A_951 masked %masked_sort3A_952 : (vector<16xf32>, vector<16xf32>, vector<16xi1>) -> (vector<16xi1>, vector<16xf32>, vector<16xf32>)
            scf.yield %masked_sort3A_940, %masked_sort3A_954 : vector<16xf32>, vector<16xf32>
          } else {
            scf.yield %cond3A_234#0, %cond3A_234#1 : vector<16xf32>, vector<16xf32>
          }
          %mul3A_259 = arith.constant 512 : i32
          %mul3A_260 = arith.muli %scan3A_141, %mul3A_259 : i32
          %add3A_261 = arith.constant 64 : i32
          %add3A_262 = arith.addi %mul3A_260, %add3A_261 : i32
          %get3A_263 = arith.index_cast %add3A_262 : i32 to index
          %get3A_264 = tpu.vector_load %arg5[%get3A_263] {strides = array<i32>} : memref<50176xf32, #tpu.memory_space<vmem>>, vector<16xf32>,
          %ge3A_265 = arith.cmpf oge, %get3A_264, %gather3A_120 : vector<16xf32>
          %le3A_266 = arith.cmpf ole, %get3A_264, %gather3A_124 : vector<16xf32>
          %or3A_267 = arith.ori %ge3A_265, %le3A_266 : vector<16xi1>
          %reduce_or3A_268 = arith.constant 1.000000e+00 : f32
          %reduce_or3A_269 = arith.constant 0.000000e+00 : f32
          %reduce_or3A_270 = vector.broadcast %reduce_or3A_268 : f32 to vector<16xf32>
          %reduce_or3A_271 = vector.broadcast %reduce_or3A_269 : f32 to vector<16xf32>
          %reduce_or3A_272 = arith.select %or3A_267, %reduce_or3A_270, %reduce_or3A_271 : vector<16xi1>, vector<16xf32>
          %reduce_or3A_273 = arith.constant true
          %reduce_or3A_274 = vector.broadcast %reduce_or3A_273 : i1 to vector<16xi1>
          %reduce_or3A_275 = tpu.scan <max>, %reduce_or3A_272 masked %reduce_or3A_274 : vector<16xf32>, vector<16xi1> -> vector<16xf32>
          %reduce_or3A_276 = vector.extract %reduce_or3A_275[15] : f32 from vector<16xf32>
          %reduce_or3A_277 = arith.constant 0.000000e+00 : f32
          %reduce_or3A_278 = arith.cmpf ogt, %reduce_or3A_276, %reduce_or3A_277 : f32
          %convert_element_type3A_279 = arith.extui %reduce_or3A_278 : i1 to i32
          %cond3A_280 = arith.constant 0 : i32
          %cond3A_281 = arith.cmpi ne, %convert_element_type3A_279, %cond3A_280 : i32
          %cond3A_282:2 = scf.if %cond3A_281 -> (vector<16xf32>, vector<16xf32>) {
            %masked_sort3A = arith.constant dense<true> : vector<16xi1>
            %masked_sort3A_931, %masked_sort3A_932, %masked_sort3A_933 = tpu.sort %get3A_264, %get3A_264 masked %masked_sort3A : (vector<16xf32>, vector<16xf32>, vector<16xi1>) -> (vector<16xi1>, vector<16xf32>, vector<16xf32>)
            %rev3A = arith.constant 15 : i32
            %rev3A_934 = vector.broadcast %rev3A : i32 to vector<16xi32>
            %rev3A_935 = tpu.iota {dimensions = array<i32: 0>} : vector<16xi32>
            %rev3A_936 = arith.subi %rev3A_934, %rev3A_935 : vector<16xi32>
            %rev3A_937 = tpu.dynamic_gather %masked_sort3A_932[%rev3A_936] in [0] : vector<16xf32>, vector<16xi32> -> vector<16xf32>
            %max3A = arith.maximumf %cond3A_258#0, %rev3A_937 : vector<16xf32>
            %masked_sort3A_938 = arith.constant dense<true> : vector<16xi1>
            %masked_sort3A_939, %masked_sort3A_940, %masked_sort3A_941 = tpu.sort %max3A, %max3A masked %masked_sort3A_938 : (vector<16xf32>, vector<16xf32>, vector<16xi1>) -> (vector<16xi1>, vector<16xf32>, vector<16xf32>)
            %masked_sort3A_942 = arith.constant dense<true> : vector<16xi1>
            %masked_sort3A_943, %masked_sort3A_944, %masked_sort3A_945 = tpu.sort %get3A_264, %get3A_264 masked %masked_sort3A_942 : (vector<16xf32>, vector<16xf32>, vector<16xi1>) -> (vector<16xi1>, vector<16xf32>, vector<16xf32>)
            %rev3A_946 = arith.constant 15 : i32
            %rev3A_947 = vector.broadcast %rev3A_946 : i32 to vector<16xi32>
            %rev3A_948 = tpu.iota {dimensions = array<i32: 0>} : vector<16xi32>
            %rev3A_949 = arith.subi %rev3A_947, %rev3A_948 : vector<16xi32>
            %rev3A_950 = tpu.dynamic_gather %masked_sort3A_944[%rev3A_949] in [0] : vector<16xf32>, vector<16xi32> -> vector<16xf32>
            %min3A_951 = arith.minimumf %cond3A_258#1, %rev3A_950 : vector<16xf32>
            %masked_sort3A_952 = arith.constant dense<true> : vector<16xi1>
            %masked_sort3A_953, %masked_sort3A_954, %masked_sort3A_955 = tpu.sort %min3A_951, %min3A_951 masked %masked_sort3A_952 : (vector<16xf32>, vector<16xf32>, vector<16xi1>) -> (vector<16xi1>, vector<16xf32>, vector<16xf32>)
            scf.yield %masked_sort3A_940, %masked_sort3A_954 : vector<16xf32>, vector<16xf32>
          } else {
            scf.yield %cond3A_258#0, %cond3A_258#1 : vector<16xf32>, vector<16xf32>
          }
          %mul3A_283 = arith.constant 512 : i32
          %mul3A_284 = arith.muli %scan3A_141, %mul3A_283 : i32
          %add3A_285 = arith.constant 80 : i32
          %add3A_286 = arith.addi %mul3A_284, %add3A_285 : i32
          %get3A_287 = arith.index_cast %add3A_286 : i32 to index
          %get3A_288 = tpu.vector_load %arg5[%get3A_287] {strides = array<i32>} : memref<50176xf32, #tpu.memory_space<vmem>>, vector<16xf32>,
          %ge3A_289 = arith.cmpf oge, %get3A_288, %gather3A_120 : vector<16xf32>
          %le3A_290 = arith.cmpf ole, %get3A_288, %gather3A_124 : vector<16xf32>
          %or3A_291 = arith.ori %ge3A_289, %le3A_290 : vector<16xi1>
          %reduce_or3A_292 = arith.constant 1.000000e+00 : f32
          %reduce_or3A_293 = arith.constant 0.000000e+00 : f32
          %reduce_or3A_294 = vector.broadcast %reduce_or3A_292 : f32 to vector<16xf32>
          %reduce_or3A_295 = vector.broadcast %reduce_or3A_293 : f32 to vector<16xf32>
          %reduce_or3A_296 = arith.select %or3A_291, %reduce_or3A_294, %reduce_or3A_295 : vector<16xi1>, vector<16xf32>
          %reduce_or3A_297 = arith.constant true
          %reduce_or3A_298 = vector.broadcast %reduce_or3A_297 : i1 to vector<16xi1>
          %reduce_or3A_299 = tpu.scan <max>, %reduce_or3A_296 masked %reduce_or3A_298 : vector<16xf32>, vector<16xi1> -> vector<16xf32>
          %reduce_or3A_300 = vector.extract %reduce_or3A_299[15] : f32 from vector<16xf32>
          %reduce_or3A_301 = arith.constant 0.000000e+00 : f32
          %reduce_or3A_302 = arith.cmpf ogt, %reduce_or3A_300, %reduce_or3A_301 : f32
          %convert_element_type3A_303 = arith.extui %reduce_or3A_302 : i1 to i32
          %cond3A_304 = arith.constant 0 : i32
          %cond3A_305 = arith.cmpi ne, %convert_element_type3A_303, %cond3A_304 : i32
          %cond3A_306:2 = scf.if %cond3A_305 -> (vector<16xf32>, vector<16xf32>) {
            %masked_sort3A = arith.constant dense<true> : vector<16xi1>
            %masked_sort3A_931, %masked_sort3A_932, %masked_sort3A_933 = tpu.sort %get3A_288, %get3A_288 masked %masked_sort3A : (vector<16xf32>, vector<16xf32>, vector<16xi1>) -> (vector<16xi1>, vector<16xf32>, vector<16xf32>)
            %rev3A = arith.constant 15 : i32
            %rev3A_934 = vector.broadcast %rev3A : i32 to vector<16xi32>
            %rev3A_935 = tpu.iota {dimensions = array<i32: 0>} : vector<16xi32>
            %rev3A_936 = arith.subi %rev3A_934, %rev3A_935 : vector<16xi32>
            %rev3A_937 = tpu.dynamic_gather %masked_sort3A_932[%rev3A_936] in [0] : vector<16xf32>, vector<16xi32> -> vector<16xf32>
            %max3A = arith.maximumf %cond3A_282#0, %rev3A_937 : vector<16xf32>
            %masked_sort3A_938 = arith.constant dense<true> : vector<16xi1>
            %masked_sort3A_939, %masked_sort3A_940, %masked_sort3A_941 = tpu.sort %max3A, %max3A masked %masked_sort3A_938 : (vector<16xf32>, vector<16xf32>, vector<16xi1>) -> (vector<16xi1>, vector<16xf32>, vector<16xf32>)
            %masked_sort3A_942 = arith.constant dense<true> : vector<16xi1>
            %masked_sort3A_943, %masked_sort3A_944, %masked_sort3A_945 = tpu.sort %get3A_288, %get3A_288 masked %masked_sort3A_942 : (vector<16xf32>, vector<16xf32>, vector<16xi1>) -> (vector<16xi1>, vector<16xf32>, vector<16xf32>)
            %rev3A_946 = arith.constant 15 : i32
            %rev3A_947 = vector.broadcast %rev3A_946 : i32 to vector<16xi32>
            %rev3A_948 = tpu.iota {dimensions = array<i32: 0>} : vector<16xi32>
            %rev3A_949 = arith.subi %rev3A_947, %rev3A_948 : vector<16xi32>
            %rev3A_950 = tpu.dynamic_gather %masked_sort3A_944[%rev3A_949] in [0] : vector<16xf32>, vector<16xi32> -> vector<16xf32>
            %min3A_951 = arith.minimumf %cond3A_282#1, %rev3A_950 : vector<16xf32>
            %masked_sort3A_952 = arith.constant dense<true> : vector<16xi1>
            %masked_sort3A_953, %masked_sort3A_954, %masked_sort3A_955 = tpu.sort %min3A_951, %min3A_951 masked %masked_sort3A_952 : (vector<16xf32>, vector<16xf32>, vector<16xi1>) -> (vector<16xi1>, vector<16xf32>, vector<16xf32>)
            scf.yield %masked_sort3A_940, %masked_sort3A_954 : vector<16xf32>, vector<16xf32>
          } else {
            scf.yield %cond3A_282#0, %cond3A_282#1 : vector<16xf32>, vector<16xf32>
          }
          %mul3A_307 = arith.constant 512 : i32
          %mul3A_308 = arith.muli %scan3A_141, %mul3A_307 : i32
          %add3A_309 = arith.constant 96 : i32
          %add3A_310 = arith.addi %mul3A_308, %add3A_309 : i32
          %get3A_311 = arith.index_cast %add3A_310 : i32 to index
          %get3A_312 = tpu.vector_load %arg5[%get3A_311] {strides = array<i32>} : memref<50176xf32, #tpu.memory_space<vmem>>, vector<16xf32>,
          %ge3A_313 = arith.cmpf oge, %get3A_312, %gather3A_120 : vector<16xf32>
          %le3A_314 = arith.cmpf ole, %get3A_312, %gather3A_124 : vector<16xf32>
          %or3A_315 = arith.ori %ge3A_313, %le3A_314 : vector<16xi1>
          %reduce_or3A_316 = arith.constant 1.000000e+00 : f32
          %reduce_or3A_317 = arith.constant 0.000000e+00 : f32
          %reduce_or3A_318 = vector.broadcast %reduce_or3A_316 : f32 to vector<16xf32>
          %reduce_or3A_319 = vector.broadcast %reduce_or3A_317 : f32 to vector<16xf32>
          %reduce_or3A_320 = arith.select %or3A_315, %reduce_or3A_318, %reduce_or3A_319 : vector<16xi1>, vector<16xf32>
          %reduce_or3A_321 = arith.constant true
          %reduce_or3A_322 = vector.broadcast %reduce_or3A_321 : i1 to vector<16xi1>
          %reduce_or3A_323 = tpu.scan <max>, %reduce_or3A_320 masked %reduce_or3A_322 : vector<16xf32>, vector<16xi1> -> vector<16xf32>
          %reduce_or3A_324 = vector.extract %reduce_or3A_323[15] : f32 from vector<16xf32>
          %reduce_or3A_325 = arith.constant 0.000000e+00 : f32
          %reduce_or3A_326 = arith.cmpf ogt, %reduce_or3A_324, %reduce_or3A_325 : f32
          %convert_element_type3A_327 = arith.extui %reduce_or3A_326 : i1 to i32
          %cond3A_328 = arith.constant 0 : i32
          %cond3A_329 = arith.cmpi ne, %convert_element_type3A_327, %cond3A_328 : i32
          %cond3A_330:2 = scf.if %cond3A_329 -> (vector<16xf32>, vector<16xf32>) {
            %masked_sort3A = arith.constant dense<true> : vector<16xi1>
            %masked_sort3A_931, %masked_sort3A_932, %masked_sort3A_933 = tpu.sort %get3A_312, %get3A_312 masked %masked_sort3A : (vector<16xf32>, vector<16xf32>, vector<16xi1>) -> (vector<16xi1>, vector<16xf32>, vector<16xf32>)
            %rev3A = arith.constant 15 : i32
            %rev3A_934 = vector.broadcast %rev3A : i32 to vector<16xi32>
            %rev3A_935 = tpu.iota {dimensions = array<i32: 0>} : vector<16xi32>
            %rev3A_936 = arith.subi %rev3A_934, %rev3A_935 : vector<16xi32>
            %rev3A_937 = tpu.dynamic_gather %masked_sort3A_932[%rev3A_936] in [0] : vector<16xf32>, vector<16xi32> -> vector<16xf32>
            %max3A = arith.maximumf %cond3A_306#0, %rev3A_937 : vector<16xf32>
            %masked_sort3A_938 = arith.constant dense<true> : vector<16xi1>
            %masked_sort3A_939, %masked_sort3A_940, %masked_sort3A_941 = tpu.sort %max3A, %max3A masked %masked_sort3A_938 : (vector<16xf32>, vector<16xf32>, vector<16xi1>) -> (vector<16xi1>, vector<16xf32>, vector<16xf32>)
            %masked_sort3A_942 = arith.constant dense<true> : vector<16xi1>
            %masked_sort3A_943, %masked_sort3A_944, %masked_sort3A_945 = tpu.sort %get3A_312, %get3A_312 masked %masked_sort3A_942 : (vector<16xf32>, vector<16xf32>, vector<16xi1>) -> (vector<16xi1>, vector<16xf32>, vector<16xf32>)
            %rev3A_946 = arith.constant 15 : i32
            %rev3A_947 = vector.broadcast %rev3A_946 : i32 to vector<16xi32>
            %rev3A_948 = tpu.iota {dimensions = array<i32: 0>} : vector<16xi32>
            %rev3A_949 = arith.subi %rev3A_947, %rev3A_948 : vector<16xi32>
            %rev3A_950 = tpu.dynamic_gather %masked_sort3A_944[%rev3A_949] in [0] : vector<16xf32>, vector<16xi32> -> vector<16xf32>
            %min3A_951 = arith.minimumf %cond3A_306#1, %rev3A_950 : vector<16xf32>
            %masked_sort3A_952 = arith.constant dense<true> : vector<16xi1>
            %masked_sort3A_953, %masked_sort3A_954, %masked_sort3A_955 = tpu.sort %min3A_951, %min3A_951 masked %masked_sort3A_952 : (vector<16xf32>, vector<16xf32>, vector<16xi1>) -> (vector<16xi1>, vector<16xf32>, vector<16xf32>)
            scf.yield %masked_sort3A_940, %masked_sort3A_954 : vector<16xf32>, vector<16xf32>
          } else {
            scf.yield %cond3A_306#0, %cond3A_306#1 : vector<16xf32>, vector<16xf32>
          }
          %mul3A_331 = arith.constant 512 : i32
          %mul3A_332 = arith.muli %scan3A_141, %mul3A_331 : i32
          %add3A_333 = arith.constant 112 : i32
          %add3A_334 = arith.addi %mul3A_332, %add3A_333 : i32
          %get3A_335 = arith.index_cast %add3A_334 : i32 to index
          %get3A_336 = tpu.vector_load %arg5[%get3A_335] {strides = array<i32>} : memref<50176xf32, #tpu.memory_space<vmem>>, vector<16xf32>,
          %ge3A_337 = arith.cmpf oge, %get3A_336, %gather3A_120 : vector<16xf32>
          %le3A_338 = arith.cmpf ole, %get3A_336, %gather3A_124 : vector<16xf32>
          %or3A_339 = arith.ori %ge3A_337, %le3A_338 : vector<16xi1>
          %reduce_or3A_340 = arith.constant 1.000000e+00 : f32
          %reduce_or3A_341 = arith.constant 0.000000e+00 : f32
          %reduce_or3A_342 = vector.broadcast %reduce_or3A_340 : f32 to vector<16xf32>
          %reduce_or3A_343 = vector.broadcast %reduce_or3A_341 : f32 to vector<16xf32>
          %reduce_or3A_344 = arith.select %or3A_339, %reduce_or3A_342, %reduce_or3A_343 : vector<16xi1>, vector<16xf32>
          %reduce_or3A_345 = arith.constant true
          %reduce_or3A_346 = vector.broadcast %reduce_or3A_345 : i1 to vector<16xi1>
          %reduce_or3A_347 = tpu.scan <max>, %reduce_or3A_344 masked %reduce_or3A_346 : vector<16xf32>, vector<16xi1> -> vector<16xf32>
          %reduce_or3A_348 = vector.extract %reduce_or3A_347[15] : f32 from vector<16xf32>
          %reduce_or3A_349 = arith.constant 0.000000e+00 : f32
          %reduce_or3A_350 = arith.cmpf ogt, %reduce_or3A_348, %reduce_or3A_349 : f32
          %convert_element_type3A_351 = arith.extui %reduce_or3A_350 : i1 to i32
          %cond3A_352 = arith.constant 0 : i32
          %cond3A_353 = arith.cmpi ne, %convert_element_type3A_351, %cond3A_352 : i32
          %cond3A_354:2 = scf.if %cond3A_353 -> (vector<16xf32>, vector<16xf32>) {
            %masked_sort3A = arith.constant dense<true> : vector<16xi1>
            %masked_sort3A_931, %masked_sort3A_932, %masked_sort3A_933 = tpu.sort %get3A_336, %get3A_336 masked %masked_sort3A : (vector<16xf32>, vector<16xf32>, vector<16xi1>) -> (vector<16xi1>, vector<16xf32>, vector<16xf32>)
            %rev3A = arith.constant 15 : i32
            %rev3A_934 = vector.broadcast %rev3A : i32 to vector<16xi32>
            %rev3A_935 = tpu.iota {dimensions = array<i32: 0>} : vector<16xi32>
            %rev3A_936 = arith.subi %rev3A_934, %rev3A_935 : vector<16xi32>
            %rev3A_937 = tpu.dynamic_gather %masked_sort3A_932[%rev3A_936] in [0] : vector<16xf32>, vector<16xi32> -> vector<16xf32>
            %max3A = arith.maximumf %cond3A_330#0, %rev3A_937 : vector<16xf32>
            %masked_sort3A_938 = arith.constant dense<true> : vector<16xi1>
            %masked_sort3A_939, %masked_sort3A_940, %masked_sort3A_941 = tpu.sort %max3A, %max3A masked %masked_sort3A_938 : (vector<16xf32>, vector<16xf32>, vector<16xi1>) -> (vector<16xi1>, vector<16xf32>, vector<16xf32>)
            %masked_sort3A_942 = arith.constant dense<true> : vector<16xi1>
            %masked_sort3A_943, %masked_sort3A_944, %masked_sort3A_945 = tpu.sort %get3A_336, %get3A_336 masked %masked_sort3A_942 : (vector<16xf32>, vector<16xf32>, vector<16xi1>) -> (vector<16xi1>, vector<16xf32>, vector<16xf32>)
            %rev3A_946 = arith.constant 15 : i32
            %rev3A_947 = vector.broadcast %rev3A_946 : i32 to vector<16xi32>
            %rev3A_948 = tpu.iota {dimensions = array<i32: 0>} : vector<16xi32>
            %rev3A_949 = arith.subi %rev3A_947, %rev3A_948 : vector<16xi32>
            %rev3A_950 = tpu.dynamic_gather %masked_sort3A_944[%rev3A_949] in [0] : vector<16xf32>, vector<16xi32> -> vector<16xf32>
            %min3A_951 = arith.minimumf %cond3A_330#1, %rev3A_950 : vector<16xf32>
            %masked_sort3A_952 = arith.constant dense<true> : vector<16xi1>
            %masked_sort3A_953, %masked_sort3A_954, %masked_sort3A_955 = tpu.sort %min3A_951, %min3A_951 masked %masked_sort3A_952 : (vector<16xf32>, vector<16xf32>, vector<16xi1>) -> (vector<16xi1>, vector<16xf32>, vector<16xf32>)
            scf.yield %masked_sort3A_940, %masked_sort3A_954 : vector<16xf32>, vector<16xf32>
          } else {
            scf.yield %cond3A_330#0, %cond3A_330#1 : vector<16xf32>, vector<16xf32>
          }
          %mul3A_355 = arith.constant 512 : i32
          %mul3A_356 = arith.muli %scan3A_141, %mul3A_355 : i32
          %add3A_357 = arith.constant 128 : i32
          %add3A_358 = arith.addi %mul3A_356, %add3A_357 : i32
          %get3A_359 = arith.index_cast %add3A_358 : i32 to index
          %get3A_360 = tpu.vector_load %arg5[%get3A_359] {strides = array<i32>} : memref<50176xf32, #tpu.memory_space<vmem>>, vector<16xf32>,
          %ge3A_361 = arith.cmpf oge, %get3A_360, %gather3A_120 : vector<16xf32>
          %le3A_362 = arith.cmpf ole, %get3A_360, %gather3A_124 : vector<16xf32>
          %or3A_363 = arith.ori %ge3A_361, %le3A_362 : vector<16xi1>
          %reduce_or3A_364 = arith.constant 1.000000e+00 : f32
          %reduce_or3A_365 = arith.constant 0.000000e+00 : f32
          %reduce_or3A_366 = vector.broadcast %reduce_or3A_364 : f32 to vector<16xf32>
          %reduce_or3A_367 = vector.broadcast %reduce_or3A_365 : f32 to vector<16xf32>
          %reduce_or3A_368 = arith.select %or3A_363, %reduce_or3A_366, %reduce_or3A_367 : vector<16xi1>, vector<16xf32>
          %reduce_or3A_369 = arith.constant true
          %reduce_or3A_370 = vector.broadcast %reduce_or3A_369 : i1 to vector<16xi1>
          %reduce_or3A_371 = tpu.scan <max>, %reduce_or3A_368 masked %reduce_or3A_370 : vector<16xf32>, vector<16xi1> -> vector<16xf32>
          %reduce_or3A_372 = vector.extract %reduce_or3A_371[15] : f32 from vector<16xf32>
          %reduce_or3A_373 = arith.constant 0.000000e+00 : f32
          %reduce_or3A_374 = arith.cmpf ogt, %reduce_or3A_372, %reduce_or3A_373 : f32
          %convert_element_type3A_375 = arith.extui %reduce_or3A_374 : i1 to i32
          %cond3A_376 = arith.constant 0 : i32
          %cond3A_377 = arith.cmpi ne, %convert_element_type3A_375, %cond3A_376 : i32
          %cond3A_378:2 = scf.if %cond3A_377 -> (vector<16xf32>, vector<16xf32>) {
            %masked_sort3A = arith.constant dense<true> : vector<16xi1>
            %masked_sort3A_931, %masked_sort3A_932, %masked_sort3A_933 = tpu.sort %get3A_360, %get3A_360 masked %masked_sort3A : (vector<16xf32>, vector<16xf32>, vector<16xi1>) -> (vector<16xi1>, vector<16xf32>, vector<16xf32>)
            %rev3A = arith.constant 15 : i32
            %rev3A_934 = vector.broadcast %rev3A : i32 to vector<16xi32>
            %rev3A_935 = tpu.iota {dimensions = array<i32: 0>} : vector<16xi32>
            %rev3A_936 = arith.subi %rev3A_934, %rev3A_935 : vector<16xi32>
            %rev3A_937 = tpu.dynamic_gather %masked_sort3A_932[%rev3A_936] in [0] : vector<16xf32>, vector<16xi32> -> vector<16xf32>
            %max3A = arith.maximumf %cond3A_354#0, %rev3A_937 : vector<16xf32>
            %masked_sort3A_938 = arith.constant dense<true> : vector<16xi1>
            %masked_sort3A_939, %masked_sort3A_940, %masked_sort3A_941 = tpu.sort %max3A, %max3A masked %masked_sort3A_938 : (vector<16xf32>, vector<16xf32>, vector<16xi1>) -> (vector<16xi1>, vector<16xf32>, vector<16xf32>)
            %masked_sort3A_942 = arith.constant dense<true> : vector<16xi1>
            %masked_sort3A_943, %masked_sort3A_944, %masked_sort3A_945 = tpu.sort %get3A_360, %get3A_360 masked %masked_sort3A_942 : (vector<16xf32>, vector<16xf32>, vector<16xi1>) -> (vector<16xi1>, vector<16xf32>, vector<16xf32>)
            %rev3A_946 = arith.constant 15 : i32
            %rev3A_947 = vector.broadcast %rev3A_946 : i32 to vector<16xi32>
            %rev3A_948 = tpu.iota {dimensions = array<i32: 0>} : vector<16xi32>
            %rev3A_949 = arith.subi %rev3A_947, %rev3A_948 : vector<16xi32>
            %rev3A_950 = tpu.dynamic_gather %masked_sort3A_944[%rev3A_949] in [0] : vector<16xf32>, vector<16xi32> -> vector<16xf32>
            %min3A_951 = arith.minimumf %cond3A_354#1, %rev3A_950 : vector<16xf32>
            %masked_sort3A_952 = arith.constant dense<true> : vector<16xi1>
            %masked_sort3A_953, %masked_sort3A_954, %masked_sort3A_955 = tpu.sort %min3A_951, %min3A_951 masked %masked_sort3A_952 : (vector<16xf32>, vector<16xf32>, vector<16xi1>) -> (vector<16xi1>, vector<16xf32>, vector<16xf32>)
            scf.yield %masked_sort3A_940, %masked_sort3A_954 : vector<16xf32>, vector<16xf32>
          } else {
            scf.yield %cond3A_354#0, %cond3A_354#1 : vector<16xf32>, vector<16xf32>
          }
          %mul3A_379 = arith.constant 512 : i32
          %mul3A_380 = arith.muli %scan3A_141, %mul3A_379 : i32
          %add3A_381 = arith.constant 144 : i32
          %add3A_382 = arith.addi %mul3A_380, %add3A_381 : i32
          %get3A_383 = arith.index_cast %add3A_382 : i32 to index
          %get3A_384 = tpu.vector_load %arg5[%get3A_383] {strides = array<i32>} : memref<50176xf32, #tpu.memory_space<vmem>>, vector<16xf32>,
          %ge3A_385 = arith.cmpf oge, %get3A_384, %gather3A_120 : vector<16xf32>
          %le3A_386 = arith.cmpf ole, %get3A_384, %gather3A_124 : vector<16xf32>
          %or3A_387 = arith.ori %ge3A_385, %le3A_386 : vector<16xi1>
          %reduce_or3A_388 = arith.constant 1.000000e+00 : f32
          %reduce_or3A_389 = arith.constant 0.000000e+00 : f32
          %reduce_or3A_390 = vector.broadcast %reduce_or3A_388 : f32 to vector<16xf32>
          %reduce_or3A_391 = vector.broadcast %reduce_or3A_389 : f32 to vector<16xf32>
          %reduce_or3A_392 = arith.select %or3A_387, %reduce_or3A_390, %reduce_or3A_391 : vector<16xi1>, vector<16xf32>
          %reduce_or3A_393 = arith.constant true
          %reduce_or3A_394 = vector.broadcast %reduce_or3A_393 : i1 to vector<16xi1>
          %reduce_or3A_395 = tpu.scan <max>, %reduce_or3A_392 masked %reduce_or3A_394 : vector<16xf32>, vector<16xi1> -> vector<16xf32>
          %reduce_or3A_396 = vector.extract %reduce_or3A_395[15] : f32 from vector<16xf32>
          %reduce_or3A_397 = arith.constant 0.000000e+00 : f32
          %reduce_or3A_398 = arith.cmpf ogt, %reduce_or3A_396, %reduce_or3A_397 : f32
          %convert_element_type3A_399 = arith.extui %reduce_or3A_398 : i1 to i32
          %cond3A_400 = arith.constant 0 : i32
          %cond3A_401 = arith.cmpi ne, %convert_element_type3A_399, %cond3A_400 : i32
          %cond3A_402:2 = scf.if %cond3A_401 -> (vector<16xf32>, vector<16xf32>) {
            %masked_sort3A = arith.constant dense<true> : vector<16xi1>
            %masked_sort3A_931, %masked_sort3A_932, %masked_sort3A_933 = tpu.sort %get3A_384, %get3A_384 masked %masked_sort3A : (vector<16xf32>, vector<16xf32>, vector<16xi1>) -> (vector<16xi1>, vector<16xf32>, vector<16xf32>)
            %rev3A = arith.constant 15 : i32
            %rev3A_934 = vector.broadcast %rev3A : i32 to vector<16xi32>
            %rev3A_935 = tpu.iota {dimensions = array<i32: 0>} : vector<16xi32>
            %rev3A_936 = arith.subi %rev3A_934, %rev3A_935 : vector<16xi32>
            %rev3A_937 = tpu.dynamic_gather %masked_sort3A_932[%rev3A_936] in [0] : vector<16xf32>, vector<16xi32> -> vector<16xf32>
            %max3A = arith.maximumf %cond3A_378#0, %rev3A_937 : vector<16xf32>
            %masked_sort3A_938 = arith.constant dense<true> : vector<16xi1>
            %masked_sort3A_939, %masked_sort3A_940, %masked_sort3A_941 = tpu.sort %max3A, %max3A masked %masked_sort3A_938 : (vector<16xf32>, vector<16xf32>, vector<16xi1>) -> (vector<16xi1>, vector<16xf32>, vector<16xf32>)
            %masked_sort3A_942 = arith.constant dense<true> : vector<16xi1>
            %masked_sort3A_943, %masked_sort3A_944, %masked_sort3A_945 = tpu.sort %get3A_384, %get3A_384 masked %masked_sort3A_942 : (vector<16xf32>, vector<16xf32>, vector<16xi1>) -> (vector<16xi1>, vector<16xf32>, vector<16xf32>)
            %rev3A_946 = arith.constant 15 : i32
            %rev3A_947 = vector.broadcast %rev3A_946 : i32 to vector<16xi32>
            %rev3A_948 = tpu.iota {dimensions = array<i32: 0>} : vector<16xi32>
            %rev3A_949 = arith.subi %rev3A_947, %rev3A_948 : vector<16xi32>
            %rev3A_950 = tpu.dynamic_gather %masked_sort3A_944[%rev3A_949] in [0] : vector<16xf32>, vector<16xi32> -> vector<16xf32>
            %min3A_951 = arith.minimumf %cond3A_378#1, %rev3A_950 : vector<16xf32>
            %masked_sort3A_952 = arith.constant dense<true> : vector<16xi1>
            %masked_sort3A_953, %masked_sort3A_954, %masked_sort3A_955 = tpu.sort %min3A_951, %min3A_951 masked %masked_sort3A_952 : (vector<16xf32>, vector<16xf32>, vector<16xi1>) -> (vector<16xi1>, vector<16xf32>, vector<16xf32>)
            scf.yield %masked_sort3A_940, %masked_sort3A_954 : vector<16xf32>, vector<16xf32>
          } else {
            scf.yield %cond3A_378#0, %cond3A_378#1 : vector<16xf32>, vector<16xf32>
          }
          %mul3A_403 = arith.constant 512 : i32
          %mul3A_404 = arith.muli %scan3A_141, %mul3A_403 : i32
          %add3A_405 = arith.constant 160 : i32
          %add3A_406 = arith.addi %mul3A_404, %add3A_405 : i32
          %get3A_407 = arith.index_cast %add3A_406 : i32 to index
          %get3A_408 = tpu.vector_load %arg5[%get3A_407] {strides = array<i32>} : memref<50176xf32, #tpu.memory_space<vmem>>, vector<16xf32>,
          %ge3A_409 = arith.cmpf oge, %get3A_408, %gather3A_120 : vector<16xf32>
          %le3A_410 = arith.cmpf ole, %get3A_408, %gather3A_124 : vector<16xf32>
          %or3A_411 = arith.ori %ge3A_409, %le3A_410 : vector<16xi1>
          %reduce_or3A_412 = arith.constant 1.000000e+00 : f32
          %reduce_or3A_413 = arith.constant 0.000000e+00 : f32
          %reduce_or3A_414 = vector.broadcast %reduce_or3A_412 : f32 to vector<16xf32>
          %reduce_or3A_415 = vector.broadcast %reduce_or3A_413 : f32 to vector<16xf32>
          %reduce_or3A_416 = arith.select %or3A_411, %reduce_or3A_414, %reduce_or3A_415 : vector<16xi1>, vector<16xf32>
          %reduce_or3A_417 = arith.constant true
          %reduce_or3A_418 = vector.broadcast %reduce_or3A_417 : i1 to vector<16xi1>
          %reduce_or3A_419 = tpu.scan <max>, %reduce_or3A_416 masked %reduce_or3A_418 : vector<16xf32>, vector<16xi1> -> vector<16xf32>
          %reduce_or3A_420 = vector.extract %reduce_or3A_419[15] : f32 from vector<16xf32>
          %reduce_or3A_421 = arith.constant 0.000000e+00 : f32
          %reduce_or3A_422 = arith.cmpf ogt, %reduce_or3A_420, %reduce_or3A_421 : f32
          %convert_element_type3A_423 = arith.extui %reduce_or3A_422 : i1 to i32
          %cond3A_424 = arith.constant 0 : i32
          %cond3A_425 = arith.cmpi ne, %convert_element_type3A_423, %cond3A_424 : i32
          %cond3A_426:2 = scf.if %cond3A_425 -> (vector<16xf32>, vector<16xf32>) {
            %masked_sort3A = arith.constant dense<true> : vector<16xi1>
            %masked_sort3A_931, %masked_sort3A_932, %masked_sort3A_933 = tpu.sort %get3A_408, %get3A_408 masked %masked_sort3A : (vector<16xf32>, vector<16xf32>, vector<16xi1>) -> (vector<16xi1>, vector<16xf32>, vector<16xf32>)
            %rev3A = arith.constant 15 : i32
            %rev3A_934 = vector.broadcast %rev3A : i32 to vector<16xi32>
            %rev3A_935 = tpu.iota {dimensions = array<i32: 0>} : vector<16xi32>
            %rev3A_936 = arith.subi %rev3A_934, %rev3A_935 : vector<16xi32>
            %rev3A_937 = tpu.dynamic_gather %masked_sort3A_932[%rev3A_936] in [0] : vector<16xf32>, vector<16xi32> -> vector<16xf32>
            %max3A = arith.maximumf %cond3A_402#0, %rev3A_937 : vector<16xf32>
            %masked_sort3A_938 = arith.constant dense<true> : vector<16xi1>
            %masked_sort3A_939, %masked_sort3A_940, %masked_sort3A_941 = tpu.sort %max3A, %max3A masked %masked_sort3A_938 : (vector<16xf32>, vector<16xf32>, vector<16xi1>) -> (vector<16xi1>, vector<16xf32>, vector<16xf32>)
            %masked_sort3A_942 = arith.constant dense<true> : vector<16xi1>
            %masked_sort3A_943, %masked_sort3A_944, %masked_sort3A_945 = tpu.sort %get3A_408, %get3A_408 masked %masked_sort3A_942 : (vector<16xf32>, vector<16xf32>, vector<16xi1>) -> (vector<16xi1>, vector<16xf32>, vector<16xf32>)
            %rev3A_946 = arith.constant 15 : i32
            %rev3A_947 = vector.broadcast %rev3A_946 : i32 to vector<16xi32>
            %rev3A_948 = tpu.iota {dimensions = array<i32: 0>} : vector<16xi32>
            %rev3A_949 = arith.subi %rev3A_947, %rev3A_948 : vector<16xi32>
            %rev3A_950 = tpu.dynamic_gather %masked_sort3A_944[%rev3A_949] in [0] : vector<16xf32>, vector<16xi32> -> vector<16xf32>
            %min3A_951 = arith.minimumf %cond3A_402#1, %rev3A_950 : vector<16xf32>
            %masked_sort3A_952 = arith.constant dense<true> : vector<16xi1>
            %masked_sort3A_953, %masked_sort3A_954, %masked_sort3A_955 = tpu.sort %min3A_951, %min3A_951 masked %masked_sort3A_952 : (vector<16xf32>, vector<16xf32>, vector<16xi1>) -> (vector<16xi1>, vector<16xf32>, vector<16xf32>)
            scf.yield %masked_sort3A_940, %masked_sort3A_954 : vector<16xf32>, vector<16xf32>
          } else {
            scf.yield %cond3A_402#0, %cond3A_402#1 : vector<16xf32>, vector<16xf32>
          }
          %mul3A_427 = arith.constant 512 : i32
          %mul3A_428 = arith.muli %scan3A_141, %mul3A_427 : i32
          %add3A_429 = arith.constant 176 : i32
          %add3A_430 = arith.addi %mul3A_428, %add3A_429 : i32
          %get3A_431 = arith.index_cast %add3A_430 : i32 to index
          %get3A_432 = tpu.vector_load %arg5[%get3A_431] {strides = array<i32>} : memref<50176xf32, #tpu.memory_space<vmem>>, vector<16xf32>,
          %ge3A_433 = arith.cmpf oge, %get3A_432, %gather3A_120 : vector<16xf32>
          %le3A_434 = arith.cmpf ole, %get3A_432, %gather3A_124 : vector<16xf32>
          %or3A_435 = arith.ori %ge3A_433, %le3A_434 : vector<16xi1>
          %reduce_or3A_436 = arith.constant 1.000000e+00 : f32
          %reduce_or3A_437 = arith.constant 0.000000e+00 : f32
          %reduce_or3A_438 = vector.broadcast %reduce_or3A_436 : f32 to vector<16xf32>
          %reduce_or3A_439 = vector.broadcast %reduce_or3A_437 : f32 to vector<16xf32>
          %reduce_or3A_440 = arith.select %or3A_435, %reduce_or3A_438, %reduce_or3A_439 : vector<16xi1>, vector<16xf32>
          %reduce_or3A_441 = arith.constant true
          %reduce_or3A_442 = vector.broadcast %reduce_or3A_441 : i1 to vector<16xi1>
          %reduce_or3A_443 = tpu.scan <max>, %reduce_or3A_440 masked %reduce_or3A_442 : vector<16xf32>, vector<16xi1> -> vector<16xf32>
          %reduce_or3A_444 = vector.extract %reduce_or3A_443[15] : f32 from vector<16xf32>
          %reduce_or3A_445 = arith.constant 0.000000e+00 : f32
          %reduce_or3A_446 = arith.cmpf ogt, %reduce_or3A_444, %reduce_or3A_445 : f32
          %convert_element_type3A_447 = arith.extui %reduce_or3A_446 : i1 to i32
          %cond3A_448 = arith.constant 0 : i32
          %cond3A_449 = arith.cmpi ne, %convert_element_type3A_447, %cond3A_448 : i32
          %cond3A_450:2 = scf.if %cond3A_449 -> (vector<16xf32>, vector<16xf32>) {
            %masked_sort3A = arith.constant dense<true> : vector<16xi1>
            %masked_sort3A_931, %masked_sort3A_932, %masked_sort3A_933 = tpu.sort %get3A_432, %get3A_432 masked %masked_sort3A : (vector<16xf32>, vector<16xf32>, vector<16xi1>) -> (vector<16xi1>, vector<16xf32>, vector<16xf32>)
            %rev3A = arith.constant 15 : i32
            %rev3A_934 = vector.broadcast %rev3A : i32 to vector<16xi32>
            %rev3A_935 = tpu.iota {dimensions = array<i32: 0>} : vector<16xi32>
            %rev3A_936 = arith.subi %rev3A_934, %rev3A_935 : vector<16xi32>
            %rev3A_937 = tpu.dynamic_gather %masked_sort3A_932[%rev3A_936] in [0] : vector<16xf32>, vector<16xi32> -> vector<16xf32>
            %max3A = arith.maximumf %cond3A_426#0, %rev3A_937 : vector<16xf32>
            %masked_sort3A_938 = arith.constant dense<true> : vector<16xi1>
            %masked_sort3A_939, %masked_sort3A_940, %masked_sort3A_941 = tpu.sort %max3A, %max3A masked %masked_sort3A_938 : (vector<16xf32>, vector<16xf32>, vector<16xi1>) -> (vector<16xi1>, vector<16xf32>, vector<16xf32>)
            %masked_sort3A_942 = arith.constant dense<true> : vector<16xi1>
            %masked_sort3A_943, %masked_sort3A_944, %masked_sort3A_945 = tpu.sort %get3A_432, %get3A_432 masked %masked_sort3A_942 : (vector<16xf32>, vector<16xf32>, vector<16xi1>) -> (vector<16xi1>, vector<16xf32>, vector<16xf32>)
            %rev3A_946 = arith.constant 15 : i32
            %rev3A_947 = vector.broadcast %rev3A_946 : i32 to vector<16xi32>
            %rev3A_948 = tpu.iota {dimensions = array<i32: 0>} : vector<16xi32>
            %rev3A_949 = arith.subi %rev3A_947, %rev3A_948 : vector<16xi32>
            %rev3A_950 = tpu.dynamic_gather %masked_sort3A_944[%rev3A_949] in [0] : vector<16xf32>, vector<16xi32> -> vector<16xf32>
            %min3A_951 = arith.minimumf %cond3A_426#1, %rev3A_950 : vector<16xf32>
            %masked_sort3A_952 = arith.constant dense<true> : vector<16xi1>
            %masked_sort3A_953, %masked_sort3A_954, %masked_sort3A_955 = tpu.sort %min3A_951, %min3A_951 masked %masked_sort3A_952 : (vector<16xf32>, vector<16xf32>, vector<16xi1>) -> (vector<16xi1>, vector<16xf32>, vector<16xf32>)
            scf.yield %masked_sort3A_940, %masked_sort3A_954 : vector<16xf32>, vector<16xf32>
          } else {
            scf.yield %cond3A_426#0, %cond3A_426#1 : vector<16xf32>, vector<16xf32>
          }
          %mul3A_451 = arith.constant 512 : i32
          %mul3A_452 = arith.muli %scan3A_141, %mul3A_451 : i32
          %add3A_453 = arith.constant 192 : i32
          %add3A_454 = arith.addi %mul3A_452, %add3A_453 : i32
          %get3A_455 = arith.index_cast %add3A_454 : i32 to index
          %get3A_456 = tpu.vector_load %arg5[%get3A_455] {strides = array<i32>} : memref<50176xf32, #tpu.memory_space<vmem>>, vector<16xf32>,
          %ge3A_457 = arith.cmpf oge, %get3A_456, %gather3A_120 : vector<16xf32>
          %le3A_458 = arith.cmpf ole, %get3A_456, %gather3A_124 : vector<16xf32>
          %or3A_459 = arith.ori %ge3A_457, %le3A_458 : vector<16xi1>
          %reduce_or3A_460 = arith.constant 1.000000e+00 : f32
          %reduce_or3A_461 = arith.constant 0.000000e+00 : f32
          %reduce_or3A_462 = vector.broadcast %reduce_or3A_460 : f32 to vector<16xf32>
          %reduce_or3A_463 = vector.broadcast %reduce_or3A_461 : f32 to vector<16xf32>
          %reduce_or3A_464 = arith.select %or3A_459, %reduce_or3A_462, %reduce_or3A_463 : vector<16xi1>, vector<16xf32>
          %reduce_or3A_465 = arith.constant true
          %reduce_or3A_466 = vector.broadcast %reduce_or3A_465 : i1 to vector<16xi1>
          %reduce_or3A_467 = tpu.scan <max>, %reduce_or3A_464 masked %reduce_or3A_466 : vector<16xf32>, vector<16xi1> -> vector<16xf32>
          %reduce_or3A_468 = vector.extract %reduce_or3A_467[15] : f32 from vector<16xf32>
          %reduce_or3A_469 = arith.constant 0.000000e+00 : f32
          %reduce_or3A_470 = arith.cmpf ogt, %reduce_or3A_468, %reduce_or3A_469 : f32
          %convert_element_type3A_471 = arith.extui %reduce_or3A_470 : i1 to i32
          %cond3A_472 = arith.constant 0 : i32
          %cond3A_473 = arith.cmpi ne, %convert_element_type3A_471, %cond3A_472 : i32
          %cond3A_474:2 = scf.if %cond3A_473 -> (vector<16xf32>, vector<16xf32>) {
            %masked_sort3A = arith.constant dense<true> : vector<16xi1>
            %masked_sort3A_931, %masked_sort3A_932, %masked_sort3A_933 = tpu.sort %get3A_456, %get3A_456 masked %masked_sort3A : (vector<16xf32>, vector<16xf32>, vector<16xi1>) -> (vector<16xi1>, vector<16xf32>, vector<16xf32>)
            %rev3A = arith.constant 15 : i32
            %rev3A_934 = vector.broadcast %rev3A : i32 to vector<16xi32>
            %rev3A_935 = tpu.iota {dimensions = array<i32: 0>} : vector<16xi32>
            %rev3A_936 = arith.subi %rev3A_934, %rev3A_935 : vector<16xi32>
            %rev3A_937 = tpu.dynamic_gather %masked_sort3A_932[%rev3A_936] in [0] : vector<16xf32>, vector<16xi32> -> vector<16xf32>
            %max3A = arith.maximumf %cond3A_450#0, %rev3A_937 : vector<16xf32>
            %masked_sort3A_938 = arith.constant dense<true> : vector<16xi1>
            %masked_sort3A_939, %masked_sort3A_940, %masked_sort3A_941 = tpu.sort %max3A, %max3A masked %masked_sort3A_938 : (vector<16xf32>, vector<16xf32>, vector<16xi1>) -> (vector<16xi1>, vector<16xf32>, vector<16xf32>)
            %masked_sort3A_942 = arith.constant dense<true> : vector<16xi1>
            %masked_sort3A_943, %masked_sort3A_944, %masked_sort3A_945 = tpu.sort %get3A_456, %get3A_456 masked %masked_sort3A_942 : (vector<16xf32>, vector<16xf32>, vector<16xi1>) -> (vector<16xi1>, vector<16xf32>, vector<16xf32>)
            %rev3A_946 = arith.constant 15 : i32
            %rev3A_947 = vector.broadcast %rev3A_946 : i32 to vector<16xi32>
            %rev3A_948 = tpu.iota {dimensions = array<i32: 0>} : vector<16xi32>
            %rev3A_949 = arith.subi %rev3A_947, %rev3A_948 : vector<16xi32>
            %rev3A_950 = tpu.dynamic_gather %masked_sort3A_944[%rev3A_949] in [0] : vector<16xf32>, vector<16xi32> -> vector<16xf32>
            %min3A_951 = arith.minimumf %cond3A_450#1, %rev3A_950 : vector<16xf32>
            %masked_sort3A_952 = arith.constant dense<true> : vector<16xi1>
            %masked_sort3A_953, %masked_sort3A_954, %masked_sort3A_955 = tpu.sort %min3A_951, %min3A_951 masked %masked_sort3A_952 : (vector<16xf32>, vector<16xf32>, vector<16xi1>) -> (vector<16xi1>, vector<16xf32>, vector<16xf32>)
            scf.yield %masked_sort3A_940, %masked_sort3A_954 : vector<16xf32>, vector<16xf32>
          } else {
            scf.yield %cond3A_450#0, %cond3A_450#1 : vector<16xf32>, vector<16xf32>
          }
          %mul3A_475 = arith.constant 512 : i32
          %mul3A_476 = arith.muli %scan3A_141, %mul3A_475 : i32
          %add3A_477 = arith.constant 208 : i32
          %add3A_478 = arith.addi %mul3A_476, %add3A_477 : i32
          %get3A_479 = arith.index_cast %add3A_478 : i32 to index
          %get3A_480 = tpu.vector_load %arg5[%get3A_479] {strides = array<i32>} : memref<50176xf32, #tpu.memory_space<vmem>>, vector<16xf32>,
          %ge3A_481 = arith.cmpf oge, %get3A_480, %gather3A_120 : vector<16xf32>
          %le3A_482 = arith.cmpf ole, %get3A_480, %gather3A_124 : vector<16xf32>
          %or3A_483 = arith.ori %ge3A_481, %le3A_482 : vector<16xi1>
          %reduce_or3A_484 = arith.constant 1.000000e+00 : f32
          %reduce_or3A_485 = arith.constant 0.000000e+00 : f32
          %reduce_or3A_486 = vector.broadcast %reduce_or3A_484 : f32 to vector<16xf32>
          %reduce_or3A_487 = vector.broadcast %reduce_or3A_485 : f32 to vector<16xf32>
          %reduce_or3A_488 = arith.select %or3A_483, %reduce_or3A_486, %reduce_or3A_487 : vector<16xi1>, vector<16xf32>
          %reduce_or3A_489 = arith.constant true
          %reduce_or3A_490 = vector.broadcast %reduce_or3A_489 : i1 to vector<16xi1>
          %reduce_or3A_491 = tpu.scan <max>, %reduce_or3A_488 masked %reduce_or3A_490 : vector<16xf32>, vector<16xi1> -> vector<16xf32>
          %reduce_or3A_492 = vector.extract %reduce_or3A_491[15] : f32 from vector<16xf32>
          %reduce_or3A_493 = arith.constant 0.000000e+00 : f32
          %reduce_or3A_494 = arith.cmpf ogt, %reduce_or3A_492, %reduce_or3A_493 : f32
          %convert_element_type3A_495 = arith.extui %reduce_or3A_494 : i1 to i32
          %cond3A_496 = arith.constant 0 : i32
          %cond3A_497 = arith.cmpi ne, %convert_element_type3A_495, %cond3A_496 : i32
          %cond3A_498:2 = scf.if %cond3A_497 -> (vector<16xf32>, vector<16xf32>) {
            %masked_sort3A = arith.constant dense<true> : vector<16xi1>
            %masked_sort3A_931, %masked_sort3A_932, %masked_sort3A_933 = tpu.sort %get3A_480, %get3A_480 masked %masked_sort3A : (vector<16xf32>, vector<16xf32>, vector<16xi1>) -> (vector<16xi1>, vector<16xf32>, vector<16xf32>)
            %rev3A = arith.constant 15 : i32
            %rev3A_934 = vector.broadcast %rev3A : i32 to vector<16xi32>
            %rev3A_935 = tpu.iota {dimensions = array<i32: 0>} : vector<16xi32>
            %rev3A_936 = arith.subi %rev3A_934, %rev3A_935 : vector<16xi32>
            %rev3A_937 = tpu.dynamic_gather %masked_sort3A_932[%rev3A_936] in [0] : vector<16xf32>, vector<16xi32> -> vector<16xf32>
            %max3A = arith.maximumf %cond3A_474#0, %rev3A_937 : vector<16xf32>
            %masked_sort3A_938 = arith.constant dense<true> : vector<16xi1>
            %masked_sort3A_939, %masked_sort3A_940, %masked_sort3A_941 = tpu.sort %max3A, %max3A masked %masked_sort3A_938 : (vector<16xf32>, vector<16xf32>, vector<16xi1>) -> (vector<16xi1>, vector<16xf32>, vector<16xf32>)
            %masked_sort3A_942 = arith.constant dense<true> : vector<16xi1>
            %masked_sort3A_943, %masked_sort3A_944, %masked_sort3A_945 = tpu.sort %get3A_480, %get3A_480 masked %masked_sort3A_942 : (vector<16xf32>, vector<16xf32>, vector<16xi1>) -> (vector<16xi1>, vector<16xf32>, vector<16xf32>)
            %rev3A_946 = arith.constant 15 : i32
            %rev3A_947 = vector.broadcast %rev3A_946 : i32 to vector<16xi32>
            %rev3A_948 = tpu.iota {dimensions = array<i32: 0>} : vector<16xi32>
            %rev3A_949 = arith.subi %rev3A_947, %rev3A_948 : vector<16xi32>
            %rev3A_950 = tpu.dynamic_gather %masked_sort3A_944[%rev3A_949] in [0] : vector<16xf32>, vector<16xi32> -> vector<16xf32>
            %min3A_951 = arith.minimumf %cond3A_474#1, %rev3A_950 : vector<16xf32>
            %masked_sort3A_952 = arith.constant dense<true> : vector<16xi1>
            %masked_sort3A_953, %masked_sort3A_954, %masked_sort3A_955 = tpu.sort %min3A_951, %min3A_951 masked %masked_sort3A_952 : (vector<16xf32>, vector<16xf32>, vector<16xi1>) -> (vector<16xi1>, vector<16xf32>, vector<16xf32>)
            scf.yield %masked_sort3A_940, %masked_sort3A_954 : vector<16xf32>, vector<16xf32>
          } else {
            scf.yield %cond3A_474#0, %cond3A_474#1 : vector<16xf32>, vector<16xf32>
          }
          %mul3A_499 = arith.constant 512 : i32
          %mul3A_500 = arith.muli %scan3A_141, %mul3A_499 : i32
          %add3A_501 = arith.constant 224 : i32
          %add3A_502 = arith.addi %mul3A_500, %add3A_501 : i32
          %get3A_503 = arith.index_cast %add3A_502 : i32 to index
          %get3A_504 = tpu.vector_load %arg5[%get3A_503] {strides = array<i32>} : memref<50176xf32, #tpu.memory_space<vmem>>, vector<16xf32>,
          %ge3A_505 = arith.cmpf oge, %get3A_504, %gather3A_120 : vector<16xf32>
          %le3A_506 = arith.cmpf ole, %get3A_504, %gather3A_124 : vector<16xf32>
          %or3A_507 = arith.ori %ge3A_505, %le3A_506 : vector<16xi1>
          %reduce_or3A_508 = arith.constant 1.000000e+00 : f32
          %reduce_or3A_509 = arith.constant 0.000000e+00 : f32
          %reduce_or3A_510 = vector.broadcast %reduce_or3A_508 : f32 to vector<16xf32>
          %reduce_or3A_511 = vector.broadcast %reduce_or3A_509 : f32 to vector<16xf32>
          %reduce_or3A_512 = arith.select %or3A_507, %reduce_or3A_510, %reduce_or3A_511 : vector<16xi1>, vector<16xf32>
          %reduce_or3A_513 = arith.constant true
          %reduce_or3A_514 = vector.broadcast %reduce_or3A_513 : i1 to vector<16xi1>
          %reduce_or3A_515 = tpu.scan <max>, %reduce_or3A_512 masked %reduce_or3A_514 : vector<16xf32>, vector<16xi1> -> vector<16xf32>
          %reduce_or3A_516 = vector.extract %reduce_or3A_515[15] : f32 from vector<16xf32>
          %reduce_or3A_517 = arith.constant 0.000000e+00 : f32
          %reduce_or3A_518 = arith.cmpf ogt, %reduce_or3A_516, %reduce_or3A_517 : f32
          %convert_element_type3A_519 = arith.extui %reduce_or3A_518 : i1 to i32
          %cond3A_520 = arith.constant 0 : i32
          %cond3A_521 = arith.cmpi ne, %convert_element_type3A_519, %cond3A_520 : i32
          %cond3A_522:2 = scf.if %cond3A_521 -> (vector<16xf32>, vector<16xf32>) {
            %masked_sort3A = arith.constant dense<true> : vector<16xi1>
            %masked_sort3A_931, %masked_sort3A_932, %masked_sort3A_933 = tpu.sort %get3A_504, %get3A_504 masked %masked_sort3A : (vector<16xf32>, vector<16xf32>, vector<16xi1>) -> (vector<16xi1>, vector<16xf32>, vector<16xf32>)
            %rev3A = arith.constant 15 : i32
            %rev3A_934 = vector.broadcast %rev3A : i32 to vector<16xi32>
            %rev3A_935 = tpu.iota {dimensions = array<i32: 0>} : vector<16xi32>
            %rev3A_936 = arith.subi %rev3A_934, %rev3A_935 : vector<16xi32>
            %rev3A_937 = tpu.dynamic_gather %masked_sort3A_932[%rev3A_936] in [0] : vector<16xf32>, vector<16xi32> -> vector<16xf32>
            %max3A = arith.maximumf %cond3A_498#0, %rev3A_937 : vector<16xf32>
            %masked_sort3A_938 = arith.constant dense<true> : vector<16xi1>
            %masked_sort3A_939, %masked_sort3A_940, %masked_sort3A_941 = tpu.sort %max3A, %max3A masked %masked_sort3A_938 : (vector<16xf32>, vector<16xf32>, vector<16xi1>) -> (vector<16xi1>, vector<16xf32>, vector<16xf32>)
            %masked_sort3A_942 = arith.constant dense<true> : vector<16xi1>
            %masked_sort3A_943, %masked_sort3A_944, %masked_sort3A_945 = tpu.sort %get3A_504, %get3A_504 masked %masked_sort3A_942 : (vector<16xf32>, vector<16xf32>, vector<16xi1>) -> (vector<16xi1>, vector<16xf32>, vector<16xf32>)
            %rev3A_946 = arith.constant 15 : i32
            %rev3A_947 = vector.broadcast %rev3A_946 : i32 to vector<16xi32>
            %rev3A_948 = tpu.iota {dimensions = array<i32: 0>} : vector<16xi32>
            %rev3A_949 = arith.subi %rev3A_947, %rev3A_948 : vector<16xi32>
            %rev3A_950 = tpu.dynamic_gather %masked_sort3A_944[%rev3A_949] in [0] : vector<16xf32>, vector<16xi32> -> vector<16xf32>
            %min3A_951 = arith.minimumf %cond3A_498#1, %rev3A_950 : vector<16xf32>
            %masked_sort3A_952 = arith.constant dense<true> : vector<16xi1>
            %masked_sort3A_953, %masked_sort3A_954, %masked_sort3A_955 = tpu.sort %min3A_951, %min3A_951 masked %masked_sort3A_952 : (vector<16xf32>, vector<16xf32>, vector<16xi1>) -> (vector<16xi1>, vector<16xf32>, vector<16xf32>)
            scf.yield %masked_sort3A_940, %masked_sort3A_954 : vector<16xf32>, vector<16xf32>
          } else {
            scf.yield %cond3A_498#0, %cond3A_498#1 : vector<16xf32>, vector<16xf32>
          }
          %mul3A_523 = arith.constant 512 : i32
          %mul3A_524 = arith.muli %scan3A_141, %mul3A_523 : i32
          %add3A_525 = arith.constant 240 : i32
          %add3A_526 = arith.addi %mul3A_524, %add3A_525 : i32
          %get3A_527 = arith.index_cast %add3A_526 : i32 to index
          %get3A_528 = tpu.vector_load %arg5[%get3A_527] {strides = array<i32>} : memref<50176xf32, #tpu.memory_space<vmem>>, vector<16xf32>,
          %ge3A_529 = arith.cmpf oge, %get3A_528, %gather3A_120 : vector<16xf32>
          %le3A_530 = arith.cmpf ole, %get3A_528, %gather3A_124 : vector<16xf32>
          %or3A_531 = arith.ori %ge3A_529, %le3A_530 : vector<16xi1>
          %reduce_or3A_532 = arith.constant 1.000000e+00 : f32
          %reduce_or3A_533 = arith.constant 0.000000e+00 : f32
          %reduce_or3A_534 = vector.broadcast %reduce_or3A_532 : f32 to vector<16xf32>
          %reduce_or3A_535 = vector.broadcast %reduce_or3A_533 : f32 to vector<16xf32>
          %reduce_or3A_536 = arith.select %or3A_531, %reduce_or3A_534, %reduce_or3A_535 : vector<16xi1>, vector<16xf32>
          %reduce_or3A_537 = arith.constant true
          %reduce_or3A_538 = vector.broadcast %reduce_or3A_537 : i1 to vector<16xi1>
          %reduce_or3A_539 = tpu.scan <max>, %reduce_or3A_536 masked %reduce_or3A_538 : vector<16xf32>, vector<16xi1> -> vector<16xf32>
          %reduce_or3A_540 = vector.extract %reduce_or3A_539[15] : f32 from vector<16xf32>
          %reduce_or3A_541 = arith.constant 0.000000e+00 : f32
          %reduce_or3A_542 = arith.cmpf ogt, %reduce_or3A_540, %reduce_or3A_541 : f32
          %convert_element_type3A_543 = arith.extui %reduce_or3A_542 : i1 to i32
          %cond3A_544 = arith.constant 0 : i32
          %cond3A_545 = arith.cmpi ne, %convert_element_type3A_543, %cond3A_544 : i32
          %cond3A_546:2 = scf.if %cond3A_545 -> (vector<16xf32>, vector<16xf32>) {
            %masked_sort3A = arith.constant dense<true> : vector<16xi1>
            %masked_sort3A_931, %masked_sort3A_932, %masked_sort3A_933 = tpu.sort %get3A_528, %get3A_528 masked %masked_sort3A : (vector<16xf32>, vector<16xf32>, vector<16xi1>) -> (vector<16xi1>, vector<16xf32>, vector<16xf32>)
            %rev3A = arith.constant 15 : i32
            %rev3A_934 = vector.broadcast %rev3A : i32 to vector<16xi32>
            %rev3A_935 = tpu.iota {dimensions = array<i32: 0>} : vector<16xi32>
            %rev3A_936 = arith.subi %rev3A_934, %rev3A_935 : vector<16xi32>
            %rev3A_937 = tpu.dynamic_gather %masked_sort3A_932[%rev3A_936] in [0] : vector<16xf32>, vector<16xi32> -> vector<16xf32>
            %max3A = arith.maximumf %cond3A_522#0, %rev3A_937 : vector<16xf32>
            %masked_sort3A_938 = arith.constant dense<true> : vector<16xi1>
            %masked_sort3A_939, %masked_sort3A_940, %masked_sort3A_941 = tpu.sort %max3A, %max3A masked %masked_sort3A_938 : (vector<16xf32>, vector<16xf32>, vector<16xi1>) -> (vector<16xi1>, vector<16xf32>, vector<16xf32>)
            %masked_sort3A_942 = arith.constant dense<true> : vector<16xi1>
            %masked_sort3A_943, %masked_sort3A_944, %masked_sort3A_945 = tpu.sort %get3A_528, %get3A_528 masked %masked_sort3A_942 : (vector<16xf32>, vector<16xf32>, vector<16xi1>) -> (vector<16xi1>, vector<16xf32>, vector<16xf32>)
            %rev3A_946 = arith.constant 15 : i32
            %rev3A_947 = vector.broadcast %rev3A_946 : i32 to vector<16xi32>
            %rev3A_948 = tpu.iota {dimensions = array<i32: 0>} : vector<16xi32>
            %rev3A_949 = arith.subi %rev3A_947, %rev3A_948 : vector<16xi32>
            %rev3A_950 = tpu.dynamic_gather %masked_sort3A_944[%rev3A_949] in [0] : vector<16xf32>, vector<16xi32> -> vector<16xf32>
            %min3A_951 = arith.minimumf %cond3A_522#1, %rev3A_950 : vector<16xf32>
            %masked_sort3A_952 = arith.constant dense<true> : vector<16xi1>
            %masked_sort3A_953, %masked_sort3A_954, %masked_sort3A_955 = tpu.sort %min3A_951, %min3A_951 masked %masked_sort3A_952 : (vector<16xf32>, vector<16xf32>, vector<16xi1>) -> (vector<16xi1>, vector<16xf32>, vector<16xf32>)
            scf.yield %masked_sort3A_940, %masked_sort3A_954 : vector<16xf32>, vector<16xf32>
          } else {
            scf.yield %cond3A_522#0, %cond3A_522#1 : vector<16xf32>, vector<16xf32>
          }
          %mul3A_547 = arith.constant 512 : i32
          %mul3A_548 = arith.muli %scan3A_141, %mul3A_547 : i32
          %add3A_549 = arith.constant 256 : i32
          %add3A_550 = arith.addi %mul3A_548, %add3A_549 : i32
          %get3A_551 = arith.index_cast %add3A_550 : i32 to index
          %get3A_552 = tpu.vector_load %arg5[%get3A_551] {strides = array<i32>} : memref<50176xf32, #tpu.memory_space<vmem>>, vector<16xf32>,
          %ge3A_553 = arith.cmpf oge, %get3A_552, %gather3A_120 : vector<16xf32>
          %le3A_554 = arith.cmpf ole, %get3A_552, %gather3A_124 : vector<16xf32>
          %or3A_555 = arith.ori %ge3A_553, %le3A_554 : vector<16xi1>
          %reduce_or3A_556 = arith.constant 1.000000e+00 : f32
          %reduce_or3A_557 = arith.constant 0.000000e+00 : f32
          %reduce_or3A_558 = vector.broadcast %reduce_or3A_556 : f32 to vector<16xf32>
          %reduce_or3A_559 = vector.broadcast %reduce_or3A_557 : f32 to vector<16xf32>
          %reduce_or3A_560 = arith.select %or3A_555, %reduce_or3A_558, %reduce_or3A_559 : vector<16xi1>, vector<16xf32>
          %reduce_or3A_561 = arith.constant true
          %reduce_or3A_562 = vector.broadcast %reduce_or3A_561 : i1 to vector<16xi1>
          %reduce_or3A_563 = tpu.scan <max>, %reduce_or3A_560 masked %reduce_or3A_562 : vector<16xf32>, vector<16xi1> -> vector<16xf32>
          %reduce_or3A_564 = vector.extract %reduce_or3A_563[15] : f32 from vector<16xf32>
          %reduce_or3A_565 = arith.constant 0.000000e+00 : f32
          %reduce_or3A_566 = arith.cmpf ogt, %reduce_or3A_564, %reduce_or3A_565 : f32
          %convert_element_type3A_567 = arith.extui %reduce_or3A_566 : i1 to i32
          %cond3A_568 = arith.constant 0 : i32
          %cond3A_569 = arith.cmpi ne, %convert_element_type3A_567, %cond3A_568 : i32
          %cond3A_570:2 = scf.if %cond3A_569 -> (vector<16xf32>, vector<16xf32>) {
            %masked_sort3A = arith.constant dense<true> : vector<16xi1>
            %masked_sort3A_931, %masked_sort3A_932, %masked_sort3A_933 = tpu.sort %get3A_552, %get3A_552 masked %masked_sort3A : (vector<16xf32>, vector<16xf32>, vector<16xi1>) -> (vector<16xi1>, vector<16xf32>, vector<16xf32>)
            %rev3A = arith.constant 15 : i32
            %rev3A_934 = vector.broadcast %rev3A : i32 to vector<16xi32>
            %rev3A_935 = tpu.iota {dimensions = array<i32: 0>} : vector<16xi32>
            %rev3A_936 = arith.subi %rev3A_934, %rev3A_935 : vector<16xi32>
            %rev3A_937 = tpu.dynamic_gather %masked_sort3A_932[%rev3A_936] in [0] : vector<16xf32>, vector<16xi32> -> vector<16xf32>
            %max3A = arith.maximumf %cond3A_546#0, %rev3A_937 : vector<16xf32>
            %masked_sort3A_938 = arith.constant dense<true> : vector<16xi1>
            %masked_sort3A_939, %masked_sort3A_940, %masked_sort3A_941 = tpu.sort %max3A, %max3A masked %masked_sort3A_938 : (vector<16xf32>, vector<16xf32>, vector<16xi1>) -> (vector<16xi1>, vector<16xf32>, vector<16xf32>)
            %masked_sort3A_942 = arith.constant dense<true> : vector<16xi1>
            %masked_sort3A_943, %masked_sort3A_944, %masked_sort3A_945 = tpu.sort %get3A_552, %get3A_552 masked %masked_sort3A_942 : (vector<16xf32>, vector<16xf32>, vector<16xi1>) -> (vector<16xi1>, vector<16xf32>, vector<16xf32>)
            %rev3A_946 = arith.constant 15 : i32
            %rev3A_947 = vector.broadcast %rev3A_946 : i32 to vector<16xi32>
            %rev3A_948 = tpu.iota {dimensions = array<i32: 0>} : vector<16xi32>
            %rev3A_949 = arith.subi %rev3A_947, %rev3A_948 : vector<16xi32>
            %rev3A_950 = tpu.dynamic_gather %masked_sort3A_944[%rev3A_949] in [0] : vector<16xf32>, vector<16xi32> -> vector<16xf32>
            %min3A_951 = arith.minimumf %cond3A_546#1, %rev3A_950 : vector<16xf32>
            %masked_sort3A_952 = arith.constant dense<true> : vector<16xi1>
            %masked_sort3A_953, %masked_sort3A_954, %masked_sort3A_955 = tpu.sort %min3A_951, %min3A_951 masked %masked_sort3A_952 : (vector<16xf32>, vector<16xf32>, vector<16xi1>) -> (vector<16xi1>, vector<16xf32>, vector<16xf32>)
            scf.yield %masked_sort3A_940, %masked_sort3A_954 : vector<16xf32>, vector<16xf32>
          } else {
            scf.yield %cond3A_546#0, %cond3A_546#1 : vector<16xf32>, vector<16xf32>
          }
          %mul3A_571 = arith.constant 512 : i32
          %mul3A_572 = arith.muli %scan3A_141, %mul3A_571 : i32
          %add3A_573 = arith.constant 272 : i32
          %add3A_574 = arith.addi %mul3A_572, %add3A_573 : i32
          %get3A_575 = arith.index_cast %add3A_574 : i32 to index
          %get3A_576 = tpu.vector_load %arg5[%get3A_575] {strides = array<i32>} : memref<50176xf32, #tpu.memory_space<vmem>>, vector<16xf32>,
          %ge3A_577 = arith.cmpf oge, %get3A_576, %gather3A_120 : vector<16xf32>
          %le3A_578 = arith.cmpf ole, %get3A_576, %gather3A_124 : vector<16xf32>
          %or3A_579 = arith.ori %ge3A_577, %le3A_578 : vector<16xi1>
          %reduce_or3A_580 = arith.constant 1.000000e+00 : f32
          %reduce_or3A_581 = arith.constant 0.000000e+00 : f32
          %reduce_or3A_582 = vector.broadcast %reduce_or3A_580 : f32 to vector<16xf32>
          %reduce_or3A_583 = vector.broadcast %reduce_or3A_581 : f32 to vector<16xf32>
          %reduce_or3A_584 = arith.select %or3A_579, %reduce_or3A_582, %reduce_or3A_583 : vector<16xi1>, vector<16xf32>
          %reduce_or3A_585 = arith.constant true
          %reduce_or3A_586 = vector.broadcast %reduce_or3A_585 : i1 to vector<16xi1>
          %reduce_or3A_587 = tpu.scan <max>, %reduce_or3A_584 masked %reduce_or3A_586 : vector<16xf32>, vector<16xi1> -> vector<16xf32>
          %reduce_or3A_588 = vector.extract %reduce_or3A_587[15] : f32 from vector<16xf32>
          %reduce_or3A_589 = arith.constant 0.000000e+00 : f32
          %reduce_or3A_590 = arith.cmpf ogt, %reduce_or3A_588, %reduce_or3A_589 : f32
          %convert_element_type3A_591 = arith.extui %reduce_or3A_590 : i1 to i32
          %cond3A_592 = arith.constant 0 : i32
          %cond3A_593 = arith.cmpi ne, %convert_element_type3A_591, %cond3A_592 : i32
          %cond3A_594:2 = scf.if %cond3A_593 -> (vector<16xf32>, vector<16xf32>) {
            %masked_sort3A = arith.constant dense<true> : vector<16xi1>
            %masked_sort3A_931, %masked_sort3A_932, %masked_sort3A_933 = tpu.sort %get3A_576, %get3A_576 masked %masked_sort3A : (vector<16xf32>, vector<16xf32>, vector<16xi1>) -> (vector<16xi1>, vector<16xf32>, vector<16xf32>)
            %rev3A = arith.constant 15 : i32
            %rev3A_934 = vector.broadcast %rev3A : i32 to vector<16xi32>
            %rev3A_935 = tpu.iota {dimensions = array<i32: 0>} : vector<16xi32>
            %rev3A_936 = arith.subi %rev3A_934, %rev3A_935 : vector<16xi32>
            %rev3A_937 = tpu.dynamic_gather %masked_sort3A_932[%rev3A_936] in [0] : vector<16xf32>, vector<16xi32> -> vector<16xf32>
            %max3A = arith.maximumf %cond3A_570#0, %rev3A_937 : vector<16xf32>
            %masked_sort3A_938 = arith.constant dense<true> : vector<16xi1>
            %masked_sort3A_939, %masked_sort3A_940, %masked_sort3A_941 = tpu.sort %max3A, %max3A masked %masked_sort3A_938 : (vector<16xf32>, vector<16xf32>, vector<16xi1>) -> (vector<16xi1>, vector<16xf32>, vector<16xf32>)
            %masked_sort3A_942 = arith.constant dense<true> : vector<16xi1>
            %masked_sort3A_943, %masked_sort3A_944, %masked_sort3A_945 = tpu.sort %get3A_576, %get3A_576 masked %masked_sort3A_942 : (vector<16xf32>, vector<16xf32>, vector<16xi1>) -> (vector<16xi1>, vector<16xf32>, vector<16xf32>)
            %rev3A_946 = arith.constant 15 : i32
            %rev3A_947 = vector.broadcast %rev3A_946 : i32 to vector<16xi32>
            %rev3A_948 = tpu.iota {dimensions = array<i32: 0>} : vector<16xi32>
            %rev3A_949 = arith.subi %rev3A_947, %rev3A_948 : vector<16xi32>
            %rev3A_950 = tpu.dynamic_gather %masked_sort3A_944[%rev3A_949] in [0] : vector<16xf32>, vector<16xi32> -> vector<16xf32>
            %min3A_951 = arith.minimumf %cond3A_570#1, %rev3A_950 : vector<16xf32>
            %masked_sort3A_952 = arith.constant dense<true> : vector<16xi1>
            %masked_sort3A_953, %masked_sort3A_954, %masked_sort3A_955 = tpu.sort %min3A_951, %min3A_951 masked %masked_sort3A_952 : (vector<16xf32>, vector<16xf32>, vector<16xi1>) -> (vector<16xi1>, vector<16xf32>, vector<16xf32>)
            scf.yield %masked_sort3A_940, %masked_sort3A_954 : vector<16xf32>, vector<16xf32>
          } else {
            scf.yield %cond3A_570#0, %cond3A_570#1 : vector<16xf32>, vector<16xf32>
          }
          %mul3A_595 = arith.constant 512 : i32
          %mul3A_596 = arith.muli %scan3A_141, %mul3A_595 : i32
          %add3A_597 = arith.constant 288 : i32
          %add3A_598 = arith.addi %mul3A_596, %add3A_597 : i32
          %get3A_599 = arith.index_cast %add3A_598 : i32 to index
          %get3A_600 = tpu.vector_load %arg5[%get3A_599] {strides = array<i32>} : memref<50176xf32, #tpu.memory_space<vmem>>, vector<16xf32>,
          %ge3A_601 = arith.cmpf oge, %get3A_600, %gather3A_120 : vector<16xf32>
          %le3A_602 = arith.cmpf ole, %get3A_600, %gather3A_124 : vector<16xf32>
          %or3A_603 = arith.ori %ge3A_601, %le3A_602 : vector<16xi1>
          %reduce_or3A_604 = arith.constant 1.000000e+00 : f32
          %reduce_or3A_605 = arith.constant 0.000000e+00 : f32
          %reduce_or3A_606 = vector.broadcast %reduce_or3A_604 : f32 to vector<16xf32>
          %reduce_or3A_607 = vector.broadcast %reduce_or3A_605 : f32 to vector<16xf32>
          %reduce_or3A_608 = arith.select %or3A_603, %reduce_or3A_606, %reduce_or3A_607 : vector<16xi1>, vector<16xf32>
          %reduce_or3A_609 = arith.constant true
          %reduce_or3A_610 = vector.broadcast %reduce_or3A_609 : i1 to vector<16xi1>
          %reduce_or3A_611 = tpu.scan <max>, %reduce_or3A_608 masked %reduce_or3A_610 : vector<16xf32>, vector<16xi1> -> vector<16xf32>
          %reduce_or3A_612 = vector.extract %reduce_or3A_611[15] : f32 from vector<16xf32>
          %reduce_or3A_613 = arith.constant 0.000000e+00 : f32
          %reduce_or3A_614 = arith.cmpf ogt, %reduce_or3A_612, %reduce_or3A_613 : f32
          %convert_element_type3A_615 = arith.extui %reduce_or3A_614 : i1 to i32
          %cond3A_616 = arith.constant 0 : i32
          %cond3A_617 = arith.cmpi ne, %convert_element_type3A_615, %cond3A_616 : i32
          %cond3A_618:2 = scf.if %cond3A_617 -> (vector<16xf32>, vector<16xf32>) {
            %masked_sort3A = arith.constant dense<true> : vector<16xi1>
            %masked_sort3A_931, %masked_sort3A_932, %masked_sort3A_933 = tpu.sort %get3A_600, %get3A_600 masked %masked_sort3A : (vector<16xf32>, vector<16xf32>, vector<16xi1>) -> (vector<16xi1>, vector<16xf32>, vector<16xf32>)
            %rev3A = arith.constant 15 : i32
            %rev3A_934 = vector.broadcast %rev3A : i32 to vector<16xi32>
            %rev3A_935 = tpu.iota {dimensions = array<i32: 0>} : vector<16xi32>
            %rev3A_936 = arith.subi %rev3A_934, %rev3A_935 : vector<16xi32>
            %rev3A_937 = tpu.dynamic_gather %masked_sort3A_932[%rev3A_936] in [0] : vector<16xf32>, vector<16xi32> -> vector<16xf32>
            %max3A = arith.maximumf %cond3A_594#0, %rev3A_937 : vector<16xf32>
            %masked_sort3A_938 = arith.constant dense<true> : vector<16xi1>
            %masked_sort3A_939, %masked_sort3A_940, %masked_sort3A_941 = tpu.sort %max3A, %max3A masked %masked_sort3A_938 : (vector<16xf32>, vector<16xf32>, vector<16xi1>) -> (vector<16xi1>, vector<16xf32>, vector<16xf32>)
            %masked_sort3A_942 = arith.constant dense<true> : vector<16xi1>
            %masked_sort3A_943, %masked_sort3A_944, %masked_sort3A_945 = tpu.sort %get3A_600, %get3A_600 masked %masked_sort3A_942 : (vector<16xf32>, vector<16xf32>, vector<16xi1>) -> (vector<16xi1>, vector<16xf32>, vector<16xf32>)
            %rev3A_946 = arith.constant 15 : i32
            %rev3A_947 = vector.broadcast %rev3A_946 : i32 to vector<16xi32>
            %rev3A_948 = tpu.iota {dimensions = array<i32: 0>} : vector<16xi32>
            %rev3A_949 = arith.subi %rev3A_947, %rev3A_948 : vector<16xi32>
            %rev3A_950 = tpu.dynamic_gather %masked_sort3A_944[%rev3A_949] in [0] : vector<16xf32>, vector<16xi32> -> vector<16xf32>
            %min3A_951 = arith.minimumf %cond3A_594#1, %rev3A_950 : vector<16xf32>
            %masked_sort3A_952 = arith.constant dense<true> : vector<16xi1>
            %masked_sort3A_953, %masked_sort3A_954, %masked_sort3A_955 = tpu.sort %min3A_951, %min3A_951 masked %masked_sort3A_952 : (vector<16xf32>, vector<16xf32>, vector<16xi1>) -> (vector<16xi1>, vector<16xf32>, vector<16xf32>)
            scf.yield %masked_sort3A_940, %masked_sort3A_954 : vector<16xf32>, vector<16xf32>
          } else {
            scf.yield %cond3A_594#0, %cond3A_594#1 : vector<16xf32>, vector<16xf32>
          }
          %mul3A_619 = arith.constant 512 : i32
          %mul3A_620 = arith.muli %scan3A_141, %mul3A_619 : i32
          %add3A_621 = arith.constant 304 : i32
          %add3A_622 = arith.addi %mul3A_620, %add3A_621 : i32
          %get3A_623 = arith.index_cast %add3A_622 : i32 to index
          %get3A_624 = tpu.vector_load %arg5[%get3A_623] {strides = array<i32>} : memref<50176xf32, #tpu.memory_space<vmem>>, vector<16xf32>,
          %ge3A_625 = arith.cmpf oge, %get3A_624, %gather3A_120 : vector<16xf32>
          %le3A_626 = arith.cmpf ole, %get3A_624, %gather3A_124 : vector<16xf32>
          %or3A_627 = arith.ori %ge3A_625, %le3A_626 : vector<16xi1>
          %reduce_or3A_628 = arith.constant 1.000000e+00 : f32
          %reduce_or3A_629 = arith.constant 0.000000e+00 : f32
          %reduce_or3A_630 = vector.broadcast %reduce_or3A_628 : f32 to vector<16xf32>
          %reduce_or3A_631 = vector.broadcast %reduce_or3A_629 : f32 to vector<16xf32>
          %reduce_or3A_632 = arith.select %or3A_627, %reduce_or3A_630, %reduce_or3A_631 : vector<16xi1>, vector<16xf32>
          %reduce_or3A_633 = arith.constant true
          %reduce_or3A_634 = vector.broadcast %reduce_or3A_633 : i1 to vector<16xi1>
          %reduce_or3A_635 = tpu.scan <max>, %reduce_or3A_632 masked %reduce_or3A_634 : vector<16xf32>, vector<16xi1> -> vector<16xf32>
          %reduce_or3A_636 = vector.extract %reduce_or3A_635[15] : f32 from vector<16xf32>
          %reduce_or3A_637 = arith.constant 0.000000e+00 : f32
          %reduce_or3A_638 = arith.cmpf ogt, %reduce_or3A_636, %reduce_or3A_637 : f32
          %convert_element_type3A_639 = arith.extui %reduce_or3A_638 : i1 to i32
          %cond3A_640 = arith.constant 0 : i32
          %cond3A_641 = arith.cmpi ne, %convert_element_type3A_639, %cond3A_640 : i32
          %cond3A_642:2 = scf.if %cond3A_641 -> (vector<16xf32>, vector<16xf32>) {
            %masked_sort3A = arith.constant dense<true> : vector<16xi1>
            %masked_sort3A_931, %masked_sort3A_932, %masked_sort3A_933 = tpu.sort %get3A_624, %get3A_624 masked %masked_sort3A : (vector<16xf32>, vector<16xf32>, vector<16xi1>) -> (vector<16xi1>, vector<16xf32>, vector<16xf32>)
            %rev3A = arith.constant 15 : i32
            %rev3A_934 = vector.broadcast %rev3A : i32 to vector<16xi32>
            %rev3A_935 = tpu.iota {dimensions = array<i32: 0>} : vector<16xi32>
            %rev3A_936 = arith.subi %rev3A_934, %rev3A_935 : vector<16xi32>
            %rev3A_937 = tpu.dynamic_gather %masked_sort3A_932[%rev3A_936] in [0] : vector<16xf32>, vector<16xi32> -> vector<16xf32>
            %max3A = arith.maximumf %cond3A_618#0, %rev3A_937 : vector<16xf32>
            %masked_sort3A_938 = arith.constant dense<true> : vector<16xi1>
            %masked_sort3A_939, %masked_sort3A_940, %masked_sort3A_941 = tpu.sort %max3A, %max3A masked %masked_sort3A_938 : (vector<16xf32>, vector<16xf32>, vector<16xi1>) -> (vector<16xi1>, vector<16xf32>, vector<16xf32>)
            %masked_sort3A_942 = arith.constant dense<true> : vector<16xi1>
            %masked_sort3A_943, %masked_sort3A_944, %masked_sort3A_945 = tpu.sort %get3A_624, %get3A_624 masked %masked_sort3A_942 : (vector<16xf32>, vector<16xf32>, vector<16xi1>) -> (vector<16xi1>, vector<16xf32>, vector<16xf32>)
            %rev3A_946 = arith.constant 15 : i32
            %rev3A_947 = vector.broadcast %rev3A_946 : i32 to vector<16xi32>
            %rev3A_948 = tpu.iota {dimensions = array<i32: 0>} : vector<16xi32>
            %rev3A_949 = arith.subi %rev3A_947, %rev3A_948 : vector<16xi32>
            %rev3A_950 = tpu.dynamic_gather %masked_sort3A_944[%rev3A_949] in [0] : vector<16xf32>, vector<16xi32> -> vector<16xf32>
            %min3A_951 = arith.minimumf %cond3A_618#1, %rev3A_950 : vector<16xf32>
            %masked_sort3A_952 = arith.constant dense<true> : vector<16xi1>
            %masked_sort3A_953, %masked_sort3A_954, %masked_sort3A_955 = tpu.sort %min3A_951, %min3A_951 masked %masked_sort3A_952 : (vector<16xf32>, vector<16xf32>, vector<16xi1>) -> (vector<16xi1>, vector<16xf32>, vector<16xf32>)
            scf.yield %masked_sort3A_940, %masked_sort3A_954 : vector<16xf32>, vector<16xf32>
          } else {
            scf.yield %cond3A_618#0, %cond3A_618#1 : vector<16xf32>, vector<16xf32>
          }
          %mul3A_643 = arith.constant 512 : i32
          %mul3A_644 = arith.muli %scan3A_141, %mul3A_643 : i32
          %add3A_645 = arith.constant 320 : i32
          %add3A_646 = arith.addi %mul3A_644, %add3A_645 : i32
          %get3A_647 = arith.index_cast %add3A_646 : i32 to index
          %get3A_648 = tpu.vector_load %arg5[%get3A_647] {strides = array<i32>} : memref<50176xf32, #tpu.memory_space<vmem>>, vector<16xf32>,
          %ge3A_649 = arith.cmpf oge, %get3A_648, %gather3A_120 : vector<16xf32>
          %le3A_650 = arith.cmpf ole, %get3A_648, %gather3A_124 : vector<16xf32>
          %or3A_651 = arith.ori %ge3A_649, %le3A_650 : vector<16xi1>
          %reduce_or3A_652 = arith.constant 1.000000e+00 : f32
          %reduce_or3A_653 = arith.constant 0.000000e+00 : f32
          %reduce_or3A_654 = vector.broadcast %reduce_or3A_652 : f32 to vector<16xf32>
          %reduce_or3A_655 = vector.broadcast %reduce_or3A_653 : f32 to vector<16xf32>
          %reduce_or3A_656 = arith.select %or3A_651, %reduce_or3A_654, %reduce_or3A_655 : vector<16xi1>, vector<16xf32>
          %reduce_or3A_657 = arith.constant true
          %reduce_or3A_658 = vector.broadcast %reduce_or3A_657 : i1 to vector<16xi1>
          %reduce_or3A_659 = tpu.scan <max>, %reduce_or3A_656 masked %reduce_or3A_658 : vector<16xf32>, vector<16xi1> -> vector<16xf32>
          %reduce_or3A_660 = vector.extract %reduce_or3A_659[15] : f32 from vector<16xf32>
          %reduce_or3A_661 = arith.constant 0.000000e+00 : f32
          %reduce_or3A_662 = arith.cmpf ogt, %reduce_or3A_660, %reduce_or3A_661 : f32
          %convert_element_type3A_663 = arith.extui %reduce_or3A_662 : i1 to i32
          %cond3A_664 = arith.constant 0 : i32
          %cond3A_665 = arith.cmpi ne, %convert_element_type3A_663, %cond3A_664 : i32
          %cond3A_666:2 = scf.if %cond3A_665 -> (vector<16xf32>, vector<16xf32>) {
            %masked_sort3A = arith.constant dense<true> : vector<16xi1>
            %masked_sort3A_931, %masked_sort3A_932, %masked_sort3A_933 = tpu.sort %get3A_648, %get3A_648 masked %masked_sort3A : (vector<16xf32>, vector<16xf32>, vector<16xi1>) -> (vector<16xi1>, vector<16xf32>, vector<16xf32>)
            %rev3A = arith.constant 15 : i32
            %rev3A_934 = vector.broadcast %rev3A : i32 to vector<16xi32>
            %rev3A_935 = tpu.iota {dimensions = array<i32: 0>} : vector<16xi32>
            %rev3A_936 = arith.subi %rev3A_934, %rev3A_935 : vector<16xi32>
            %rev3A_937 = tpu.dynamic_gather %masked_sort3A_932[%rev3A_936] in [0] : vector<16xf32>, vector<16xi32> -> vector<16xf32>
            %max3A = arith.maximumf %cond3A_642#0, %rev3A_937 : vector<16xf32>
            %masked_sort3A_938 = arith.constant dense<true> : vector<16xi1>
            %masked_sort3A_939, %masked_sort3A_940, %masked_sort3A_941 = tpu.sort %max3A, %max3A masked %masked_sort3A_938 : (vector<16xf32>, vector<16xf32>, vector<16xi1>) -> (vector<16xi1>, vector<16xf32>, vector<16xf32>)
            %masked_sort3A_942 = arith.constant dense<true> : vector<16xi1>
            %masked_sort3A_943, %masked_sort3A_944, %masked_sort3A_945 = tpu.sort %get3A_648, %get3A_648 masked %masked_sort3A_942 : (vector<16xf32>, vector<16xf32>, vector<16xi1>) -> (vector<16xi1>, vector<16xf32>, vector<16xf32>)
            %rev3A_946 = arith.constant 15 : i32
            %rev3A_947 = vector.broadcast %rev3A_946 : i32 to vector<16xi32>
            %rev3A_948 = tpu.iota {dimensions = array<i32: 0>} : vector<16xi32>
            %rev3A_949 = arith.subi %rev3A_947, %rev3A_948 : vector<16xi32>
            %rev3A_950 = tpu.dynamic_gather %masked_sort3A_944[%rev3A_949] in [0] : vector<16xf32>, vector<16xi32> -> vector<16xf32>
            %min3A_951 = arith.minimumf %cond3A_642#1, %rev3A_950 : vector<16xf32>
            %masked_sort3A_952 = arith.constant dense<true> : vector<16xi1>
            %masked_sort3A_953, %masked_sort3A_954, %masked_sort3A_955 = tpu.sort %min3A_951, %min3A_951 masked %masked_sort3A_952 : (vector<16xf32>, vector<16xf32>, vector<16xi1>) -> (vector<16xi1>, vector<16xf32>, vector<16xf32>)
            scf.yield %masked_sort3A_940, %masked_sort3A_954 : vector<16xf32>, vector<16xf32>
          } else {
            scf.yield %cond3A_642#0, %cond3A_642#1 : vector<16xf32>, vector<16xf32>
          }
          %mul3A_667 = arith.constant 512 : i32
          %mul3A_668 = arith.muli %scan3A_141, %mul3A_667 : i32
          %add3A_669 = arith.constant 336 : i32
          %add3A_670 = arith.addi %mul3A_668, %add3A_669 : i32
          %get3A_671 = arith.index_cast %add3A_670 : i32 to index
          %get3A_672 = tpu.vector_load %arg5[%get3A_671] {strides = array<i32>} : memref<50176xf32, #tpu.memory_space<vmem>>, vector<16xf32>,
          %ge3A_673 = arith.cmpf oge, %get3A_672, %gather3A_120 : vector<16xf32>
          %le3A_674 = arith.cmpf ole, %get3A_672, %gather3A_124 : vector<16xf32>
          %or3A_675 = arith.ori %ge3A_673, %le3A_674 : vector<16xi1>
          %reduce_or3A_676 = arith.constant 1.000000e+00 : f32
          %reduce_or3A_677 = arith.constant 0.000000e+00 : f32
          %reduce_or3A_678 = vector.broadcast %reduce_or3A_676 : f32 to vector<16xf32>
          %reduce_or3A_679 = vector.broadcast %reduce_or3A_677 : f32 to vector<16xf32>
          %reduce_or3A_680 = arith.select %or3A_675, %reduce_or3A_678, %reduce_or3A_679 : vector<16xi1>, vector<16xf32>
          %reduce_or3A_681 = arith.constant true
          %reduce_or3A_682 = vector.broadcast %reduce_or3A_681 : i1 to vector<16xi1>
          %reduce_or3A_683 = tpu.scan <max>, %reduce_or3A_680 masked %reduce_or3A_682 : vector<16xf32>, vector<16xi1> -> vector<16xf32>
          %reduce_or3A_684 = vector.extract %reduce_or3A_683[15] : f32 from vector<16xf32>
          %reduce_or3A_685 = arith.constant 0.000000e+00 : f32
          %reduce_or3A_686 = arith.cmpf ogt, %reduce_or3A_684, %reduce_or3A_685 : f32
          %convert_element_type3A_687 = arith.extui %reduce_or3A_686 : i1 to i32
          %cond3A_688 = arith.constant 0 : i32
          %cond3A_689 = arith.cmpi ne, %convert_element_type3A_687, %cond3A_688 : i32
          %cond3A_690:2 = scf.if %cond3A_689 -> (vector<16xf32>, vector<16xf32>) {
            %masked_sort3A = arith.constant dense<true> : vector<16xi1>
            %masked_sort3A_931, %masked_sort3A_932, %masked_sort3A_933 = tpu.sort %get3A_672, %get3A_672 masked %masked_sort3A : (vector<16xf32>, vector<16xf32>, vector<16xi1>) -> (vector<16xi1>, vector<16xf32>, vector<16xf32>)
            %rev3A = arith.constant 15 : i32
            %rev3A_934 = vector.broadcast %rev3A : i32 to vector<16xi32>
            %rev3A_935 = tpu.iota {dimensions = array<i32: 0>} : vector<16xi32>
            %rev3A_936 = arith.subi %rev3A_934, %rev3A_935 : vector<16xi32>
            %rev3A_937 = tpu.dynamic_gather %masked_sort3A_932[%rev3A_936] in [0] : vector<16xf32>, vector<16xi32> -> vector<16xf32>
            %max3A = arith.maximumf %cond3A_666#0, %rev3A_937 : vector<16xf32>
            %masked_sort3A_938 = arith.constant dense<true> : vector<16xi1>
            %masked_sort3A_939, %masked_sort3A_940, %masked_sort3A_941 = tpu.sort %max3A, %max3A masked %masked_sort3A_938 : (vector<16xf32>, vector<16xf32>, vector<16xi1>) -> (vector<16xi1>, vector<16xf32>, vector<16xf32>)
            %masked_sort3A_942 = arith.constant dense<true> : vector<16xi1>
            %masked_sort3A_943, %masked_sort3A_944, %masked_sort3A_945 = tpu.sort %get3A_672, %get3A_672 masked %masked_sort3A_942 : (vector<16xf32>, vector<16xf32>, vector<16xi1>) -> (vector<16xi1>, vector<16xf32>, vector<16xf32>)
            %rev3A_946 = arith.constant 15 : i32
            %rev3A_947 = vector.broadcast %rev3A_946 : i32 to vector<16xi32>
            %rev3A_948 = tpu.iota {dimensions = array<i32: 0>} : vector<16xi32>
            %rev3A_949 = arith.subi %rev3A_947, %rev3A_948 : vector<16xi32>
            %rev3A_950 = tpu.dynamic_gather %masked_sort3A_944[%rev3A_949] in [0] : vector<16xf32>, vector<16xi32> -> vector<16xf32>
            %min3A_951 = arith.minimumf %cond3A_666#1, %rev3A_950 : vector<16xf32>
            %masked_sort3A_952 = arith.constant dense<true> : vector<16xi1>
            %masked_sort3A_953, %masked_sort3A_954, %masked_sort3A_955 = tpu.sort %min3A_951, %min3A_951 masked %masked_sort3A_952 : (vector<16xf32>, vector<16xf32>, vector<16xi1>) -> (vector<16xi1>, vector<16xf32>, vector<16xf32>)
            scf.yield %masked_sort3A_940, %masked_sort3A_954 : vector<16xf32>, vector<16xf32>
          } else {
            scf.yield %cond3A_666#0, %cond3A_666#1 : vector<16xf32>, vector<16xf32>
          }
          %mul3A_691 = arith.constant 512 : i32
          %mul3A_692 = arith.muli %scan3A_141, %mul3A_691 : i32
          %add3A_693 = arith.constant 352 : i32
          %add3A_694 = arith.addi %mul3A_692, %add3A_693 : i32
          %get3A_695 = arith.index_cast %add3A_694 : i32 to index
          %get3A_696 = tpu.vector_load %arg5[%get3A_695] {strides = array<i32>} : memref<50176xf32, #tpu.memory_space<vmem>>, vector<16xf32>,
          %ge3A_697 = arith.cmpf oge, %get3A_696, %gather3A_120 : vector<16xf32>
          %le3A_698 = arith.cmpf ole, %get3A_696, %gather3A_124 : vector<16xf32>
          %or3A_699 = arith.ori %ge3A_697, %le3A_698 : vector<16xi1>
          %reduce_or3A_700 = arith.constant 1.000000e+00 : f32
          %reduce_or3A_701 = arith.constant 0.000000e+00 : f32
          %reduce_or3A_702 = vector.broadcast %reduce_or3A_700 : f32 to vector<16xf32>
          %reduce_or3A_703 = vector.broadcast %reduce_or3A_701 : f32 to vector<16xf32>
          %reduce_or3A_704 = arith.select %or3A_699, %reduce_or3A_702, %reduce_or3A_703 : vector<16xi1>, vector<16xf32>
          %reduce_or3A_705 = arith.constant true
          %reduce_or3A_706 = vector.broadcast %reduce_or3A_705 : i1 to vector<16xi1>
          %reduce_or3A_707 = tpu.scan <max>, %reduce_or3A_704 masked %reduce_or3A_706 : vector<16xf32>, vector<16xi1> -> vector<16xf32>
          %reduce_or3A_708 = vector.extract %reduce_or3A_707[15] : f32 from vector<16xf32>
          %reduce_or3A_709 = arith.constant 0.000000e+00 : f32
          %reduce_or3A_710 = arith.cmpf ogt, %reduce_or3A_708, %reduce_or3A_709 : f32
          %convert_element_type3A_711 = arith.extui %reduce_or3A_710 : i1 to i32
          %cond3A_712 = arith.constant 0 : i32
          %cond3A_713 = arith.cmpi ne, %convert_element_type3A_711, %cond3A_712 : i32
          %cond3A_714:2 = scf.if %cond3A_713 -> (vector<16xf32>, vector<16xf32>) {
            %masked_sort3A = arith.constant dense<true> : vector<16xi1>
            %masked_sort3A_931, %masked_sort3A_932, %masked_sort3A_933 = tpu.sort %get3A_696, %get3A_696 masked %masked_sort3A : (vector<16xf32>, vector<16xf32>, vector<16xi1>) -> (vector<16xi1>, vector<16xf32>, vector<16xf32>)
            %rev3A = arith.constant 15 : i32
            %rev3A_934 = vector.broadcast %rev3A : i32 to vector<16xi32>
            %rev3A_935 = tpu.iota {dimensions = array<i32: 0>} : vector<16xi32>
            %rev3A_936 = arith.subi %rev3A_934, %rev3A_935 : vector<16xi32>
            %rev3A_937 = tpu.dynamic_gather %masked_sort3A_932[%rev3A_936] in [0] : vector<16xf32>, vector<16xi32> -> vector<16xf32>
            %max3A = arith.maximumf %cond3A_690#0, %rev3A_937 : vector<16xf32>
            %masked_sort3A_938 = arith.constant dense<true> : vector<16xi1>
            %masked_sort3A_939, %masked_sort3A_940, %masked_sort3A_941 = tpu.sort %max3A, %max3A masked %masked_sort3A_938 : (vector<16xf32>, vector<16xf32>, vector<16xi1>) -> (vector<16xi1>, vector<16xf32>, vector<16xf32>)
            %masked_sort3A_942 = arith.constant dense<true> : vector<16xi1>
            %masked_sort3A_943, %masked_sort3A_944, %masked_sort3A_945 = tpu.sort %get3A_696, %get3A_696 masked %masked_sort3A_942 : (vector<16xf32>, vector<16xf32>, vector<16xi1>) -> (vector<16xi1>, vector<16xf32>, vector<16xf32>)
            %rev3A_946 = arith.constant 15 : i32
            %rev3A_947 = vector.broadcast %rev3A_946 : i32 to vector<16xi32>
            %rev3A_948 = tpu.iota {dimensions = array<i32: 0>} : vector<16xi32>
            %rev3A_949 = arith.subi %rev3A_947, %rev3A_948 : vector<16xi32>
            %rev3A_950 = tpu.dynamic_gather %masked_sort3A_944[%rev3A_949] in [0] : vector<16xf32>, vector<16xi32> -> vector<16xf32>
            %min3A_951 = arith.minimumf %cond3A_690#1, %rev3A_950 : vector<16xf32>
            %masked_sort3A_952 = arith.constant dense<true> : vector<16xi1>
            %masked_sort3A_953, %masked_sort3A_954, %masked_sort3A_955 = tpu.sort %min3A_951, %min3A_951 masked %masked_sort3A_952 : (vector<16xf32>, vector<16xf32>, vector<16xi1>) -> (vector<16xi1>, vector<16xf32>, vector<16xf32>)
            scf.yield %masked_sort3A_940, %masked_sort3A_954 : vector<16xf32>, vector<16xf32>
          } else {
            scf.yield %cond3A_690#0, %cond3A_690#1 : vector<16xf32>, vector<16xf32>
          }
          %mul3A_715 = arith.constant 512 : i32
          %mul3A_716 = arith.muli %scan3A_141, %mul3A_715 : i32
          %add3A_717 = arith.constant 368 : i32
          %add3A_718 = arith.addi %mul3A_716, %add3A_717 : i32
          %get3A_719 = arith.index_cast %add3A_718 : i32 to index
          %get3A_720 = tpu.vector_load %arg5[%get3A_719] {strides = array<i32>} : memref<50176xf32, #tpu.memory_space<vmem>>, vector<16xf32>,
          %ge3A_721 = arith.cmpf oge, %get3A_720, %gather3A_120 : vector<16xf32>
          %le3A_722 = arith.cmpf ole, %get3A_720, %gather3A_124 : vector<16xf32>
          %or3A_723 = arith.ori %ge3A_721, %le3A_722 : vector<16xi1>
          %reduce_or3A_724 = arith.constant 1.000000e+00 : f32
          %reduce_or3A_725 = arith.constant 0.000000e+00 : f32
          %reduce_or3A_726 = vector.broadcast %reduce_or3A_724 : f32 to vector<16xf32>
          %reduce_or3A_727 = vector.broadcast %reduce_or3A_725 : f32 to vector<16xf32>
          %reduce_or3A_728 = arith.select %or3A_723, %reduce_or3A_726, %reduce_or3A_727 : vector<16xi1>, vector<16xf32>
          %reduce_or3A_729 = arith.constant true
          %reduce_or3A_730 = vector.broadcast %reduce_or3A_729 : i1 to vector<16xi1>
          %reduce_or3A_731 = tpu.scan <max>, %reduce_or3A_728 masked %reduce_or3A_730 : vector<16xf32>, vector<16xi1> -> vector<16xf32>
          %reduce_or3A_732 = vector.extract %reduce_or3A_731[15] : f32 from vector<16xf32>
          %reduce_or3A_733 = arith.constant 0.000000e+00 : f32
          %reduce_or3A_734 = arith.cmpf ogt, %reduce_or3A_732, %reduce_or3A_733 : f32
          %convert_element_type3A_735 = arith.extui %reduce_or3A_734 : i1 to i32
          %cond3A_736 = arith.constant 0 : i32
          %cond3A_737 = arith.cmpi ne, %convert_element_type3A_735, %cond3A_736 : i32
          %cond3A_738:2 = scf.if %cond3A_737 -> (vector<16xf32>, vector<16xf32>) {
            %masked_sort3A = arith.constant dense<true> : vector<16xi1>
            %masked_sort3A_931, %masked_sort3A_932, %masked_sort3A_933 = tpu.sort %get3A_720, %get3A_720 masked %masked_sort3A : (vector<16xf32>, vector<16xf32>, vector<16xi1>) -> (vector<16xi1>, vector<16xf32>, vector<16xf32>)
            %rev3A = arith.constant 15 : i32
            %rev3A_934 = vector.broadcast %rev3A : i32 to vector<16xi32>
            %rev3A_935 = tpu.iota {dimensions = array<i32: 0>} : vector<16xi32>
            %rev3A_936 = arith.subi %rev3A_934, %rev3A_935 : vector<16xi32>
            %rev3A_937 = tpu.dynamic_gather %masked_sort3A_932[%rev3A_936] in [0] : vector<16xf32>, vector<16xi32> -> vector<16xf32>
            %max3A = arith.maximumf %cond3A_714#0, %rev3A_937 : vector<16xf32>
            %masked_sort3A_938 = arith.constant dense<true> : vector<16xi1>
            %masked_sort3A_939, %masked_sort3A_940, %masked_sort3A_941 = tpu.sort %max3A, %max3A masked %masked_sort3A_938 : (vector<16xf32>, vector<16xf32>, vector<16xi1>) -> (vector<16xi1>, vector<16xf32>, vector<16xf32>)
            %masked_sort3A_942 = arith.constant dense<true> : vector<16xi1>
            %masked_sort3A_943, %masked_sort3A_944, %masked_sort3A_945 = tpu.sort %get3A_720, %get3A_720 masked %masked_sort3A_942 : (vector<16xf32>, vector<16xf32>, vector<16xi1>) -> (vector<16xi1>, vector<16xf32>, vector<16xf32>)
            %rev3A_946 = arith.constant 15 : i32
            %rev3A_947 = vector.broadcast %rev3A_946 : i32 to vector<16xi32>
            %rev3A_948 = tpu.iota {dimensions = array<i32: 0>} : vector<16xi32>
            %rev3A_949 = arith.subi %rev3A_947, %rev3A_948 : vector<16xi32>
            %rev3A_950 = tpu.dynamic_gather %masked_sort3A_944[%rev3A_949] in [0] : vector<16xf32>, vector<16xi32> -> vector<16xf32>
            %min3A_951 = arith.minimumf %cond3A_714#1, %rev3A_950 : vector<16xf32>
            %masked_sort3A_952 = arith.constant dense<true> : vector<16xi1>
            %masked_sort3A_953, %masked_sort3A_954, %masked_sort3A_955 = tpu.sort %min3A_951, %min3A_951 masked %masked_sort3A_952 : (vector<16xf32>, vector<16xf32>, vector<16xi1>) -> (vector<16xi1>, vector<16xf32>, vector<16xf32>)
            scf.yield %masked_sort3A_940, %masked_sort3A_954 : vector<16xf32>, vector<16xf32>
          } else {
            scf.yield %cond3A_714#0, %cond3A_714#1 : vector<16xf32>, vector<16xf32>
          }
          %mul3A_739 = arith.constant 512 : i32
          %mul3A_740 = arith.muli %scan3A_141, %mul3A_739 : i32
          %add3A_741 = arith.constant 384 : i32
          %add3A_742 = arith.addi %mul3A_740, %add3A_741 : i32
          %get3A_743 = arith.index_cast %add3A_742 : i32 to index
          %get3A_744 = tpu.vector_load %arg5[%get3A_743] {strides = array<i32>} : memref<50176xf32, #tpu.memory_space<vmem>>, vector<16xf32>,
          %ge3A_745 = arith.cmpf oge, %get3A_744, %gather3A_120 : vector<16xf32>
          %le3A_746 = arith.cmpf ole, %get3A_744, %gather3A_124 : vector<16xf32>
          %or3A_747 = arith.ori %ge3A_745, %le3A_746 : vector<16xi1>
          %reduce_or3A_748 = arith.constant 1.000000e+00 : f32
          %reduce_or3A_749 = arith.constant 0.000000e+00 : f32
          %reduce_or3A_750 = vector.broadcast %reduce_or3A_748 : f32 to vector<16xf32>
          %reduce_or3A_751 = vector.broadcast %reduce_or3A_749 : f32 to vector<16xf32>
          %reduce_or3A_752 = arith.select %or3A_747, %reduce_or3A_750, %reduce_or3A_751 : vector<16xi1>, vector<16xf32>
          %reduce_or3A_753 = arith.constant true
          %reduce_or3A_754 = vector.broadcast %reduce_or3A_753 : i1 to vector<16xi1>
          %reduce_or3A_755 = tpu.scan <max>, %reduce_or3A_752 masked %reduce_or3A_754 : vector<16xf32>, vector<16xi1> -> vector<16xf32>
          %reduce_or3A_756 = vector.extract %reduce_or3A_755[15] : f32 from vector<16xf32>
          %reduce_or3A_757 = arith.constant 0.000000e+00 : f32
          %reduce_or3A_758 = arith.cmpf ogt, %reduce_or3A_756, %reduce_or3A_757 : f32
          %convert_element_type3A_759 = arith.extui %reduce_or3A_758 : i1 to i32
          %cond3A_760 = arith.constant 0 : i32
          %cond3A_761 = arith.cmpi ne, %convert_element_type3A_759, %cond3A_760 : i32
          %cond3A_762:2 = scf.if %cond3A_761 -> (vector<16xf32>, vector<16xf32>) {
            %masked_sort3A = arith.constant dense<true> : vector<16xi1>
            %masked_sort3A_931, %masked_sort3A_932, %masked_sort3A_933 = tpu.sort %get3A_744, %get3A_744 masked %masked_sort3A : (vector<16xf32>, vector<16xf32>, vector<16xi1>) -> (vector<16xi1>, vector<16xf32>, vector<16xf32>)
            %rev3A = arith.constant 15 : i32
            %rev3A_934 = vector.broadcast %rev3A : i32 to vector<16xi32>
            %rev3A_935 = tpu.iota {dimensions = array<i32: 0>} : vector<16xi32>
            %rev3A_936 = arith.subi %rev3A_934, %rev3A_935 : vector<16xi32>
            %rev3A_937 = tpu.dynamic_gather %masked_sort3A_932[%rev3A_936] in [0] : vector<16xf32>, vector<16xi32> -> vector<16xf32>
            %max3A = arith.maximumf %cond3A_738#0, %rev3A_937 : vector<16xf32>
            %masked_sort3A_938 = arith.constant dense<true> : vector<16xi1>
            %masked_sort3A_939, %masked_sort3A_940, %masked_sort3A_941 = tpu.sort %max3A, %max3A masked %masked_sort3A_938 : (vector<16xf32>, vector<16xf32>, vector<16xi1>) -> (vector<16xi1>, vector<16xf32>, vector<16xf32>)
            %masked_sort3A_942 = arith.constant dense<true> : vector<16xi1>
            %masked_sort3A_943, %masked_sort3A_944, %masked_sort3A_945 = tpu.sort %get3A_744, %get3A_744 masked %masked_sort3A_942 : (vector<16xf32>, vector<16xf32>, vector<16xi1>) -> (vector<16xi1>, vector<16xf32>, vector<16xf32>)
            %rev3A_946 = arith.constant 15 : i32
            %rev3A_947 = vector.broadcast %rev3A_946 : i32 to vector<16xi32>
            %rev3A_948 = tpu.iota {dimensions = array<i32: 0>} : vector<16xi32>
            %rev3A_949 = arith.subi %rev3A_947, %rev3A_948 : vector<16xi32>
            %rev3A_950 = tpu.dynamic_gather %masked_sort3A_944[%rev3A_949] in [0] : vector<16xf32>, vector<16xi32> -> vector<16xf32>
            %min3A_951 = arith.minimumf %cond3A_738#1, %rev3A_950 : vector<16xf32>
            %masked_sort3A_952 = arith.constant dense<true> : vector<16xi1>
            %masked_sort3A_953, %masked_sort3A_954, %masked_sort3A_955 = tpu.sort %min3A_951, %min3A_951 masked %masked_sort3A_952 : (vector<16xf32>, vector<16xf32>, vector<16xi1>) -> (vector<16xi1>, vector<16xf32>, vector<16xf32>)
            scf.yield %masked_sort3A_940, %masked_sort3A_954 : vector<16xf32>, vector<16xf32>
          } else {
            scf.yield %cond3A_738#0, %cond3A_738#1 : vector<16xf32>, vector<16xf32>
          }
          %mul3A_763 = arith.constant 512 : i32
          %mul3A_764 = arith.muli %scan3A_141, %mul3A_763 : i32
          %add3A_765 = arith.constant 400 : i32
          %add3A_766 = arith.addi %mul3A_764, %add3A_765 : i32
          %get3A_767 = arith.index_cast %add3A_766 : i32 to index
          %get3A_768 = tpu.vector_load %arg5[%get3A_767] {strides = array<i32>} : memref<50176xf32, #tpu.memory_space<vmem>>, vector<16xf32>,
          %ge3A_769 = arith.cmpf oge, %get3A_768, %gather3A_120 : vector<16xf32>
          %le3A_770 = arith.cmpf ole, %get3A_768, %gather3A_124 : vector<16xf32>
          %or3A_771 = arith.ori %ge3A_769, %le3A_770 : vector<16xi1>
          %reduce_or3A_772 = arith.constant 1.000000e+00 : f32
          %reduce_or3A_773 = arith.constant 0.000000e+00 : f32
          %reduce_or3A_774 = vector.broadcast %reduce_or3A_772 : f32 to vector<16xf32>
          %reduce_or3A_775 = vector.broadcast %reduce_or3A_773 : f32 to vector<16xf32>
          %reduce_or3A_776 = arith.select %or3A_771, %reduce_or3A_774, %reduce_or3A_775 : vector<16xi1>, vector<16xf32>
          %reduce_or3A_777 = arith.constant true
          %reduce_or3A_778 = vector.broadcast %reduce_or3A_777 : i1 to vector<16xi1>
          %reduce_or3A_779 = tpu.scan <max>, %reduce_or3A_776 masked %reduce_or3A_778 : vector<16xf32>, vector<16xi1> -> vector<16xf32>
          %reduce_or3A_780 = vector.extract %reduce_or3A_779[15] : f32 from vector<16xf32>
          %reduce_or3A_781 = arith.constant 0.000000e+00 : f32
          %reduce_or3A_782 = arith.cmpf ogt, %reduce_or3A_780, %reduce_or3A_781 : f32
          %convert_element_type3A_783 = arith.extui %reduce_or3A_782 : i1 to i32
          %cond3A_784 = arith.constant 0 : i32
          %cond3A_785 = arith.cmpi ne, %convert_element_type3A_783, %cond3A_784 : i32
          %cond3A_786:2 = scf.if %cond3A_785 -> (vector<16xf32>, vector<16xf32>) {
            %masked_sort3A = arith.constant dense<true> : vector<16xi1>
            %masked_sort3A_931, %masked_sort3A_932, %masked_sort3A_933 = tpu.sort %get3A_768, %get3A_768 masked %masked_sort3A : (vector<16xf32>, vector<16xf32>, vector<16xi1>) -> (vector<16xi1>, vector<16xf32>, vector<16xf32>)
            %rev3A = arith.constant 15 : i32
            %rev3A_934 = vector.broadcast %rev3A : i32 to vector<16xi32>
            %rev3A_935 = tpu.iota {dimensions = array<i32: 0>} : vector<16xi32>
            %rev3A_936 = arith.subi %rev3A_934, %rev3A_935 : vector<16xi32>
            %rev3A_937 = tpu.dynamic_gather %masked_sort3A_932[%rev3A_936] in [0] : vector<16xf32>, vector<16xi32> -> vector<16xf32>
            %max3A = arith.maximumf %cond3A_762#0, %rev3A_937 : vector<16xf32>
            %masked_sort3A_938 = arith.constant dense<true> : vector<16xi1>
            %masked_sort3A_939, %masked_sort3A_940, %masked_sort3A_941 = tpu.sort %max3A, %max3A masked %masked_sort3A_938 : (vector<16xf32>, vector<16xf32>, vector<16xi1>) -> (vector<16xi1>, vector<16xf32>, vector<16xf32>)
            %masked_sort3A_942 = arith.constant dense<true> : vector<16xi1>
            %masked_sort3A_943, %masked_sort3A_944, %masked_sort3A_945 = tpu.sort %get3A_768, %get3A_768 masked %masked_sort3A_942 : (vector<16xf32>, vector<16xf32>, vector<16xi1>) -> (vector<16xi1>, vector<16xf32>, vector<16xf32>)
            %rev3A_946 = arith.constant 15 : i32
            %rev3A_947 = vector.broadcast %rev3A_946 : i32 to vector<16xi32>
            %rev3A_948 = tpu.iota {dimensions = array<i32: 0>} : vector<16xi32>
            %rev3A_949 = arith.subi %rev3A_947, %rev3A_948 : vector<16xi32>
            %rev3A_950 = tpu.dynamic_gather %masked_sort3A_944[%rev3A_949] in [0] : vector<16xf32>, vector<16xi32> -> vector<16xf32>
            %min3A_951 = arith.minimumf %cond3A_762#1, %rev3A_950 : vector<16xf32>
            %masked_sort3A_952 = arith.constant dense<true> : vector<16xi1>
            %masked_sort3A_953, %masked_sort3A_954, %masked_sort3A_955 = tpu.sort %min3A_951, %min3A_951 masked %masked_sort3A_952 : (vector<16xf32>, vector<16xf32>, vector<16xi1>) -> (vector<16xi1>, vector<16xf32>, vector<16xf32>)
            scf.yield %masked_sort3A_940, %masked_sort3A_954 : vector<16xf32>, vector<16xf32>
          } else {
            scf.yield %cond3A_762#0, %cond3A_762#1 : vector<16xf32>, vector<16xf32>
          }
          %mul3A_787 = arith.constant 512 : i32
          %mul3A_788 = arith.muli %scan3A_141, %mul3A_787 : i32
          %add3A_789 = arith.constant 416 : i32
          %add3A_790 = arith.addi %mul3A_788, %add3A_789 : i32
          %get3A_791 = arith.index_cast %add3A_790 : i32 to index
          %get3A_792 = tpu.vector_load %arg5[%get3A_791] {strides = array<i32>} : memref<50176xf32, #tpu.memory_space<vmem>>, vector<16xf32>,
          %ge3A_793 = arith.cmpf oge, %get3A_792, %gather3A_120 : vector<16xf32>
          %le3A_794 = arith.cmpf ole, %get3A_792, %gather3A_124 : vector<16xf32>
          %or3A_795 = arith.ori %ge3A_793, %le3A_794 : vector<16xi1>
          %reduce_or3A_796 = arith.constant 1.000000e+00 : f32
          %reduce_or3A_797 = arith.constant 0.000000e+00 : f32
          %reduce_or3A_798 = vector.broadcast %reduce_or3A_796 : f32 to vector<16xf32>
          %reduce_or3A_799 = vector.broadcast %reduce_or3A_797 : f32 to vector<16xf32>
          %reduce_or3A_800 = arith.select %or3A_795, %reduce_or3A_798, %reduce_or3A_799 : vector<16xi1>, vector<16xf32>
          %reduce_or3A_801 = arith.constant true
          %reduce_or3A_802 = vector.broadcast %reduce_or3A_801 : i1 to vector<16xi1>
          %reduce_or3A_803 = tpu.scan <max>, %reduce_or3A_800 masked %reduce_or3A_802 : vector<16xf32>, vector<16xi1> -> vector<16xf32>
          %reduce_or3A_804 = vector.extract %reduce_or3A_803[15] : f32 from vector<16xf32>
          %reduce_or3A_805 = arith.constant 0.000000e+00 : f32
          %reduce_or3A_806 = arith.cmpf ogt, %reduce_or3A_804, %reduce_or3A_805 : f32
          %convert_element_type3A_807 = arith.extui %reduce_or3A_806 : i1 to i32
          %cond3A_808 = arith.constant 0 : i32
          %cond3A_809 = arith.cmpi ne, %convert_element_type3A_807, %cond3A_808 : i32
          %cond3A_810:2 = scf.if %cond3A_809 -> (vector<16xf32>, vector<16xf32>) {
            %masked_sort3A = arith.constant dense<true> : vector<16xi1>
            %masked_sort3A_931, %masked_sort3A_932, %masked_sort3A_933 = tpu.sort %get3A_792, %get3A_792 masked %masked_sort3A : (vector<16xf32>, vector<16xf32>, vector<16xi1>) -> (vector<16xi1>, vector<16xf32>, vector<16xf32>)
            %rev3A = arith.constant 15 : i32
            %rev3A_934 = vector.broadcast %rev3A : i32 to vector<16xi32>
            %rev3A_935 = tpu.iota {dimensions = array<i32: 0>} : vector<16xi32>
            %rev3A_936 = arith.subi %rev3A_934, %rev3A_935 : vector<16xi32>
            %rev3A_937 = tpu.dynamic_gather %masked_sort3A_932[%rev3A_936] in [0] : vector<16xf32>, vector<16xi32> -> vector<16xf32>
            %max3A = arith.maximumf %cond3A_786#0, %rev3A_937 : vector<16xf32>
            %masked_sort3A_938 = arith.constant dense<true> : vector<16xi1>
            %masked_sort3A_939, %masked_sort3A_940, %masked_sort3A_941 = tpu.sort %max3A, %max3A masked %masked_sort3A_938 : (vector<16xf32>, vector<16xf32>, vector<16xi1>) -> (vector<16xi1>, vector<16xf32>, vector<16xf32>)
            %masked_sort3A_942 = arith.constant dense<true> : vector<16xi1>
            %masked_sort3A_943, %masked_sort3A_944, %masked_sort3A_945 = tpu.sort %get3A_792, %get3A_792 masked %masked_sort3A_942 : (vector<16xf32>, vector<16xf32>, vector<16xi1>) -> (vector<16xi1>, vector<16xf32>, vector<16xf32>)
            %rev3A_946 = arith.constant 15 : i32
            %rev3A_947 = vector.broadcast %rev3A_946 : i32 to vector<16xi32>
            %rev3A_948 = tpu.iota {dimensions = array<i32: 0>} : vector<16xi32>
            %rev3A_949 = arith.subi %rev3A_947, %rev3A_948 : vector<16xi32>
            %rev3A_950 = tpu.dynamic_gather %masked_sort3A_944[%rev3A_949] in [0] : vector<16xf32>, vector<16xi32> -> vector<16xf32>
            %min3A_951 = arith.minimumf %cond3A_786#1, %rev3A_950 : vector<16xf32>
            %masked_sort3A_952 = arith.constant dense<true> : vector<16xi1>
            %masked_sort3A_953, %masked_sort3A_954, %masked_sort3A_955 = tpu.sort %min3A_951, %min3A_951 masked %masked_sort3A_952 : (vector<16xf32>, vector<16xf32>, vector<16xi1>) -> (vector<16xi1>, vector<16xf32>, vector<16xf32>)
            scf.yield %masked_sort3A_940, %masked_sort3A_954 : vector<16xf32>, vector<16xf32>
          } else {
            scf.yield %cond3A_786#0, %cond3A_786#1 : vector<16xf32>, vector<16xf32>
          }
          %mul3A_811 = arith.constant 512 : i32
          %mul3A_812 = arith.muli %scan3A_141, %mul3A_811 : i32
          %add3A_813 = arith.constant 432 : i32
          %add3A_814 = arith.addi %mul3A_812, %add3A_813 : i32
          %get3A_815 = arith.index_cast %add3A_814 : i32 to index
          %get3A_816 = tpu.vector_load %arg5[%get3A_815] {strides = array<i32>} : memref<50176xf32, #tpu.memory_space<vmem>>, vector<16xf32>,
          %ge3A_817 = arith.cmpf oge, %get3A_816, %gather3A_120 : vector<16xf32>
          %le3A_818 = arith.cmpf ole, %get3A_816, %gather3A_124 : vector<16xf32>
          %or3A_819 = arith.ori %ge3A_817, %le3A_818 : vector<16xi1>
          %reduce_or3A_820 = arith.constant 1.000000e+00 : f32
          %reduce_or3A_821 = arith.constant 0.000000e+00 : f32
          %reduce_or3A_822 = vector.broadcast %reduce_or3A_820 : f32 to vector<16xf32>
          %reduce_or3A_823 = vector.broadcast %reduce_or3A_821 : f32 to vector<16xf32>
          %reduce_or3A_824 = arith.select %or3A_819, %reduce_or3A_822, %reduce_or3A_823 : vector<16xi1>, vector<16xf32>
          %reduce_or3A_825 = arith.constant true
          %reduce_or3A_826 = vector.broadcast %reduce_or3A_825 : i1 to vector<16xi1>
          %reduce_or3A_827 = tpu.scan <max>, %reduce_or3A_824 masked %reduce_or3A_826 : vector<16xf32>, vector<16xi1> -> vector<16xf32>
          %reduce_or3A_828 = vector.extract %reduce_or3A_827[15] : f32 from vector<16xf32>
          %reduce_or3A_829 = arith.constant 0.000000e+00 : f32
          %reduce_or3A_830 = arith.cmpf ogt, %reduce_or3A_828, %reduce_or3A_829 : f32
          %convert_element_type3A_831 = arith.extui %reduce_or3A_830 : i1 to i32
          %cond3A_832 = arith.constant 0 : i32
          %cond3A_833 = arith.cmpi ne, %convert_element_type3A_831, %cond3A_832 : i32
          %cond3A_834:2 = scf.if %cond3A_833 -> (vector<16xf32>, vector<16xf32>) {
            %masked_sort3A = arith.constant dense<true> : vector<16xi1>
            %masked_sort3A_931, %masked_sort3A_932, %masked_sort3A_933 = tpu.sort %get3A_816, %get3A_816 masked %masked_sort3A : (vector<16xf32>, vector<16xf32>, vector<16xi1>) -> (vector<16xi1>, vector<16xf32>, vector<16xf32>)
            %rev3A = arith.constant 15 : i32
            %rev3A_934 = vector.broadcast %rev3A : i32 to vector<16xi32>
            %rev3A_935 = tpu.iota {dimensions = array<i32: 0>} : vector<16xi32>
            %rev3A_936 = arith.subi %rev3A_934, %rev3A_935 : vector<16xi32>
            %rev3A_937 = tpu.dynamic_gather %masked_sort3A_932[%rev3A_936] in [0] : vector<16xf32>, vector<16xi32> -> vector<16xf32>
            %max3A = arith.maximumf %cond3A_810#0, %rev3A_937 : vector<16xf32>
            %masked_sort3A_938 = arith.constant dense<true> : vector<16xi1>
            %masked_sort3A_939, %masked_sort3A_940, %masked_sort3A_941 = tpu.sort %max3A, %max3A masked %masked_sort3A_938 : (vector<16xf32>, vector<16xf32>, vector<16xi1>) -> (vector<16xi1>, vector<16xf32>, vector<16xf32>)
            %masked_sort3A_942 = arith.constant dense<true> : vector<16xi1>
            %masked_sort3A_943, %masked_sort3A_944, %masked_sort3A_945 = tpu.sort %get3A_816, %get3A_816 masked %masked_sort3A_942 : (vector<16xf32>, vector<16xf32>, vector<16xi1>) -> (vector<16xi1>, vector<16xf32>, vector<16xf32>)
            %rev3A_946 = arith.constant 15 : i32
            %rev3A_947 = vector.broadcast %rev3A_946 : i32 to vector<16xi32>
            %rev3A_948 = tpu.iota {dimensions = array<i32: 0>} : vector<16xi32>
            %rev3A_949 = arith.subi %rev3A_947, %rev3A_948 : vector<16xi32>
            %rev3A_950 = tpu.dynamic_gather %masked_sort3A_944[%rev3A_949] in [0] : vector<16xf32>, vector<16xi32> -> vector<16xf32>
            %min3A_951 = arith.minimumf %cond3A_810#1, %rev3A_950 : vector<16xf32>
            %masked_sort3A_952 = arith.constant dense<true> : vector<16xi1>
            %masked_sort3A_953, %masked_sort3A_954, %masked_sort3A_955 = tpu.sort %min3A_951, %min3A_951 masked %masked_sort3A_952 : (vector<16xf32>, vector<16xf32>, vector<16xi1>) -> (vector<16xi1>, vector<16xf32>, vector<16xf32>)
            scf.yield %masked_sort3A_940, %masked_sort3A_954 : vector<16xf32>, vector<16xf32>
          } else {
            scf.yield %cond3A_810#0, %cond3A_810#1 : vector<16xf32>, vector<16xf32>
          }
          %mul3A_835 = arith.constant 512 : i32
          %mul3A_836 = arith.muli %scan3A_141, %mul3A_835 : i32
          %add3A_837 = arith.constant 448 : i32
          %add3A_838 = arith.addi %mul3A_836, %add3A_837 : i32
          %get3A_839 = arith.index_cast %add3A_838 : i32 to index
          %get3A_840 = tpu.vector_load %arg5[%get3A_839] {strides = array<i32>} : memref<50176xf32, #tpu.memory_space<vmem>>, vector<16xf32>,
          %ge3A_841 = arith.cmpf oge, %get3A_840, %gather3A_120 : vector<16xf32>
          %le3A_842 = arith.cmpf ole, %get3A_840, %gather3A_124 : vector<16xf32>
          %or3A_843 = arith.ori %ge3A_841, %le3A_842 : vector<16xi1>
          %reduce_or3A_844 = arith.constant 1.000000e+00 : f32
          %reduce_or3A_845 = arith.constant 0.000000e+00 : f32
          %reduce_or3A_846 = vector.broadcast %reduce_or3A_844 : f32 to vector<16xf32>
          %reduce_or3A_847 = vector.broadcast %reduce_or3A_845 : f32 to vector<16xf32>
          %reduce_or3A_848 = arith.select %or3A_843, %reduce_or3A_846, %reduce_or3A_847 : vector<16xi1>, vector<16xf32>
          %reduce_or3A_849 = arith.constant true
          %reduce_or3A_850 = vector.broadcast %reduce_or3A_849 : i1 to vector<16xi1>
          %reduce_or3A_851 = tpu.scan <max>, %reduce_or3A_848 masked %reduce_or3A_850 : vector<16xf32>, vector<16xi1> -> vector<16xf32>
          %reduce_or3A_852 = vector.extract %reduce_or3A_851[15] : f32 from vector<16xf32>
          %reduce_or3A_853 = arith.constant 0.000000e+00 : f32
          %reduce_or3A_854 = arith.cmpf ogt, %reduce_or3A_852, %reduce_or3A_853 : f32
          %convert_element_type3A_855 = arith.extui %reduce_or3A_854 : i1 to i32
          %cond3A_856 = arith.constant 0 : i32
          %cond3A_857 = arith.cmpi ne, %convert_element_type3A_855, %cond3A_856 : i32
          %cond3A_858:2 = scf.if %cond3A_857 -> (vector<16xf32>, vector<16xf32>) {
            %masked_sort3A = arith.constant dense<true> : vector<16xi1>
            %masked_sort3A_931, %masked_sort3A_932, %masked_sort3A_933 = tpu.sort %get3A_840, %get3A_840 masked %masked_sort3A : (vector<16xf32>, vector<16xf32>, vector<16xi1>) -> (vector<16xi1>, vector<16xf32>, vector<16xf32>)
            %rev3A = arith.constant 15 : i32
            %rev3A_934 = vector.broadcast %rev3A : i32 to vector<16xi32>
            %rev3A_935 = tpu.iota {dimensions = array<i32: 0>} : vector<16xi32>
            %rev3A_936 = arith.subi %rev3A_934, %rev3A_935 : vector<16xi32>
            %rev3A_937 = tpu.dynamic_gather %masked_sort3A_932[%rev3A_936] in [0] : vector<16xf32>, vector<16xi32> -> vector<16xf32>
            %max3A = arith.maximumf %cond3A_834#0, %rev3A_937 : vector<16xf32>
            %masked_sort3A_938 = arith.constant dense<true> : vector<16xi1>
            %masked_sort3A_939, %masked_sort3A_940, %masked_sort3A_941 = tpu.sort %max3A, %max3A masked %masked_sort3A_938 : (vector<16xf32>, vector<16xf32>, vector<16xi1>) -> (vector<16xi1>, vector<16xf32>, vector<16xf32>)
            %masked_sort3A_942 = arith.constant dense<true> : vector<16xi1>
            %masked_sort3A_943, %masked_sort3A_944, %masked_sort3A_945 = tpu.sort %get3A_840, %get3A_840 masked %masked_sort3A_942 : (vector<16xf32>, vector<16xf32>, vector<16xi1>) -> (vector<16xi1>, vector<16xf32>, vector<16xf32>)
            %rev3A_946 = arith.constant 15 : i32
            %rev3A_947 = vector.broadcast %rev3A_946 : i32 to vector<16xi32>
            %rev3A_948 = tpu.iota {dimensions = array<i32: 0>} : vector<16xi32>
            %rev3A_949 = arith.subi %rev3A_947, %rev3A_948 : vector<16xi32>
            %rev3A_950 = tpu.dynamic_gather %masked_sort3A_944[%rev3A_949] in [0] : vector<16xf32>, vector<16xi32> -> vector<16xf32>
            %min3A_951 = arith.minimumf %cond3A_834#1, %rev3A_950 : vector<16xf32>
            %masked_sort3A_952 = arith.constant dense<true> : vector<16xi1>
            %masked_sort3A_953, %masked_sort3A_954, %masked_sort3A_955 = tpu.sort %min3A_951, %min3A_951 masked %masked_sort3A_952 : (vector<16xf32>, vector<16xf32>, vector<16xi1>) -> (vector<16xi1>, vector<16xf32>, vector<16xf32>)
            scf.yield %masked_sort3A_940, %masked_sort3A_954 : vector<16xf32>, vector<16xf32>
          } else {
            scf.yield %cond3A_834#0, %cond3A_834#1 : vector<16xf32>, vector<16xf32>
          }
          %mul3A_859 = arith.constant 512 : i32
          %mul3A_860 = arith.muli %scan3A_141, %mul3A_859 : i32
          %add3A_861 = arith.constant 464 : i32
          %add3A_862 = arith.addi %mul3A_860, %add3A_861 : i32
          %get3A_863 = arith.index_cast %add3A_862 : i32 to index
          %get3A_864 = tpu.vector_load %arg5[%get3A_863] {strides = array<i32>} : memref<50176xf32, #tpu.memory_space<vmem>>, vector<16xf32>,
          %ge3A_865 = arith.cmpf oge, %get3A_864, %gather3A_120 : vector<16xf32>
          %le3A_866 = arith.cmpf ole, %get3A_864, %gather3A_124 : vector<16xf32>
          %or3A_867 = arith.ori %ge3A_865, %le3A_866 : vector<16xi1>
          %reduce_or3A_868 = arith.constant 1.000000e+00 : f32
          %reduce_or3A_869 = arith.constant 0.000000e+00 : f32
          %reduce_or3A_870 = vector.broadcast %reduce_or3A_868 : f32 to vector<16xf32>
          %reduce_or3A_871 = vector.broadcast %reduce_or3A_869 : f32 to vector<16xf32>
          %reduce_or3A_872 = arith.select %or3A_867, %reduce_or3A_870, %reduce_or3A_871 : vector<16xi1>, vector<16xf32>
          %reduce_or3A_873 = arith.constant true
          %reduce_or3A_874 = vector.broadcast %reduce_or3A_873 : i1 to vector<16xi1>
          %reduce_or3A_875 = tpu.scan <max>, %reduce_or3A_872 masked %reduce_or3A_874 : vector<16xf32>, vector<16xi1> -> vector<16xf32>
          %reduce_or3A_876 = vector.extract %reduce_or3A_875[15] : f32 from vector<16xf32>
          %reduce_or3A_877 = arith.constant 0.000000e+00 : f32
          %reduce_or3A_878 = arith.cmpf ogt, %reduce_or3A_876, %reduce_or3A_877 : f32
          %convert_element_type3A_879 = arith.extui %reduce_or3A_878 : i1 to i32
          %cond3A_880 = arith.constant 0 : i32
          %cond3A_881 = arith.cmpi ne, %convert_element_type3A_879, %cond3A_880 : i32
          %cond3A_882:2 = scf.if %cond3A_881 -> (vector<16xf32>, vector<16xf32>) {
            %masked_sort3A = arith.constant dense<true> : vector<16xi1>
            %masked_sort3A_931, %masked_sort3A_932, %masked_sort3A_933 = tpu.sort %get3A_864, %get3A_864 masked %masked_sort3A : (vector<16xf32>, vector<16xf32>, vector<16xi1>) -> (vector<16xi1>, vector<16xf32>, vector<16xf32>)
            %rev3A = arith.constant 15 : i32
            %rev3A_934 = vector.broadcast %rev3A : i32 to vector<16xi32>
            %rev3A_935 = tpu.iota {dimensions = array<i32: 0>} : vector<16xi32>
            %rev3A_936 = arith.subi %rev3A_934, %rev3A_935 : vector<16xi32>
            %rev3A_937 = tpu.dynamic_gather %masked_sort3A_932[%rev3A_936] in [0] : vector<16xf32>, vector<16xi32> -> vector<16xf32>
            %max3A = arith.maximumf %cond3A_858#0, %rev3A_937 : vector<16xf32>
            %masked_sort3A_938 = arith.constant dense<true> : vector<16xi1>
            %masked_sort3A_939, %masked_sort3A_940, %masked_sort3A_941 = tpu.sort %max3A, %max3A masked %masked_sort3A_938 : (vector<16xf32>, vector<16xf32>, vector<16xi1>) -> (vector<16xi1>, vector<16xf32>, vector<16xf32>)
            %masked_sort3A_942 = arith.constant dense<true> : vector<16xi1>
            %masked_sort3A_943, %masked_sort3A_944, %masked_sort3A_945 = tpu.sort %get3A_864, %get3A_864 masked %masked_sort3A_942 : (vector<16xf32>, vector<16xf32>, vector<16xi1>) -> (vector<16xi1>, vector<16xf32>, vector<16xf32>)
            %rev3A_946 = arith.constant 15 : i32
            %rev3A_947 = vector.broadcast %rev3A_946 : i32 to vector<16xi32>
            %rev3A_948 = tpu.iota {dimensions = array<i32: 0>} : vector<16xi32>
            %rev3A_949 = arith.subi %rev3A_947, %rev3A_948 : vector<16xi32>
            %rev3A_950 = tpu.dynamic_gather %masked_sort3A_944[%rev3A_949] in [0] : vector<16xf32>, vector<16xi32> -> vector<16xf32>
            %min3A_951 = arith.minimumf %cond3A_858#1, %rev3A_950 : vector<16xf32>
            %masked_sort3A_952 = arith.constant dense<true> : vector<16xi1>
            %masked_sort3A_953, %masked_sort3A_954, %masked_sort3A_955 = tpu.sort %min3A_951, %min3A_951 masked %masked_sort3A_952 : (vector<16xf32>, vector<16xf32>, vector<16xi1>) -> (vector<16xi1>, vector<16xf32>, vector<16xf32>)
            scf.yield %masked_sort3A_940, %masked_sort3A_954 : vector<16xf32>, vector<16xf32>
          } else {
            scf.yield %cond3A_858#0, %cond3A_858#1 : vector<16xf32>, vector<16xf32>
          }
          %mul3A_883 = arith.constant 512 : i32
          %mul3A_884 = arith.muli %scan3A_141, %mul3A_883 : i32
          %add3A_885 = arith.constant 480 : i32
          %add3A_886 = arith.addi %mul3A_884, %add3A_885 : i32
          %get3A_887 = arith.index_cast %add3A_886 : i32 to index
          %get3A_888 = tpu.vector_load %arg5[%get3A_887] {strides = array<i32>} : memref<50176xf32, #tpu.memory_space<vmem>>, vector<16xf32>,
          %ge3A_889 = arith.cmpf oge, %get3A_888, %gather3A_120 : vector<16xf32>
          %le3A_890 = arith.cmpf ole, %get3A_888, %gather3A_124 : vector<16xf32>
          %or3A_891 = arith.ori %ge3A_889, %le3A_890 : vector<16xi1>
          %reduce_or3A_892 = arith.constant 1.000000e+00 : f32
          %reduce_or3A_893 = arith.constant 0.000000e+00 : f32
          %reduce_or3A_894 = vector.broadcast %reduce_or3A_892 : f32 to vector<16xf32>
          %reduce_or3A_895 = vector.broadcast %reduce_or3A_893 : f32 to vector<16xf32>
          %reduce_or3A_896 = arith.select %or3A_891, %reduce_or3A_894, %reduce_or3A_895 : vector<16xi1>, vector<16xf32>
          %reduce_or3A_897 = arith.constant true
          %reduce_or3A_898 = vector.broadcast %reduce_or3A_897 : i1 to vector<16xi1>
          %reduce_or3A_899 = tpu.scan <max>, %reduce_or3A_896 masked %reduce_or3A_898 : vector<16xf32>, vector<16xi1> -> vector<16xf32>
          %reduce_or3A_900 = vector.extract %reduce_or3A_899[15] : f32 from vector<16xf32>
          %reduce_or3A_901 = arith.constant 0.000000e+00 : f32
          %reduce_or3A_902 = arith.cmpf ogt, %reduce_or3A_900, %reduce_or3A_901 : f32
          %convert_element_type3A_903 = arith.extui %reduce_or3A_902 : i1 to i32
          %cond3A_904 = arith.constant 0 : i32
          %cond3A_905 = arith.cmpi ne, %convert_element_type3A_903, %cond3A_904 : i32
          %cond3A_906:2 = scf.if %cond3A_905 -> (vector<16xf32>, vector<16xf32>) {
            %masked_sort3A = arith.constant dense<true> : vector<16xi1>
            %masked_sort3A_931, %masked_sort3A_932, %masked_sort3A_933 = tpu.sort %get3A_888, %get3A_888 masked %masked_sort3A : (vector<16xf32>, vector<16xf32>, vector<16xi1>) -> (vector<16xi1>, vector<16xf32>, vector<16xf32>)
            %rev3A = arith.constant 15 : i32
            %rev3A_934 = vector.broadcast %rev3A : i32 to vector<16xi32>
            %rev3A_935 = tpu.iota {dimensions = array<i32: 0>} : vector<16xi32>
            %rev3A_936 = arith.subi %rev3A_934, %rev3A_935 : vector<16xi32>
            %rev3A_937 = tpu.dynamic_gather %masked_sort3A_932[%rev3A_936] in [0] : vector<16xf32>, vector<16xi32> -> vector<16xf32>
            %max3A = arith.maximumf %cond3A_882#0, %rev3A_937 : vector<16xf32>
            %masked_sort3A_938 = arith.constant dense<true> : vector<16xi1>
            %masked_sort3A_939, %masked_sort3A_940, %masked_sort3A_941 = tpu.sort %max3A, %max3A masked %masked_sort3A_938 : (vector<16xf32>, vector<16xf32>, vector<16xi1>) -> (vector<16xi1>, vector<16xf32>, vector<16xf32>)
            %masked_sort3A_942 = arith.constant dense<true> : vector<16xi1>
            %masked_sort3A_943, %masked_sort3A_944, %masked_sort3A_945 = tpu.sort %get3A_888, %get3A_888 masked %masked_sort3A_942 : (vector<16xf32>, vector<16xf32>, vector<16xi1>) -> (vector<16xi1>, vector<16xf32>, vector<16xf32>)
            %rev3A_946 = arith.constant 15 : i32
            %rev3A_947 = vector.broadcast %rev3A_946 : i32 to vector<16xi32>
            %rev3A_948 = tpu.iota {dimensions = array<i32: 0>} : vector<16xi32>
            %rev3A_949 = arith.subi %rev3A_947, %rev3A_948 : vector<16xi32>
            %rev3A_950 = tpu.dynamic_gather %masked_sort3A_944[%rev3A_949] in [0] : vector<16xf32>, vector<16xi32> -> vector<16xf32>
            %min3A_951 = arith.minimumf %cond3A_882#1, %rev3A_950 : vector<16xf32>
            %masked_sort3A_952 = arith.constant dense<true> : vector<16xi1>
            %masked_sort3A_953, %masked_sort3A_954, %masked_sort3A_955 = tpu.sort %min3A_951, %min3A_951 masked %masked_sort3A_952 : (vector<16xf32>, vector<16xf32>, vector<16xi1>) -> (vector<16xi1>, vector<16xf32>, vector<16xf32>)
            scf.yield %masked_sort3A_940, %masked_sort3A_954 : vector<16xf32>, vector<16xf32>
          } else {
            scf.yield %cond3A_882#0, %cond3A_882#1 : vector<16xf32>, vector<16xf32>
          }
          %mul3A_907 = arith.constant 512 : i32
          %mul3A_908 = arith.muli %scan3A_141, %mul3A_907 : i32
          %add3A_909 = arith.constant 496 : i32
          %add3A_910 = arith.addi %mul3A_908, %add3A_909 : i32
          %get3A_911 = arith.index_cast %add3A_910 : i32 to index
          %get3A_912 = tpu.vector_load %arg5[%get3A_911] {strides = array<i32>} : memref<50176xf32, #tpu.memory_space<vmem>>, vector<16xf32>,
          %ge3A_913 = arith.cmpf oge, %get3A_912, %gather3A_120 : vector<16xf32>
          %le3A_914 = arith.cmpf ole, %get3A_912, %gather3A_124 : vector<16xf32>
          %or3A_915 = arith.ori %ge3A_913, %le3A_914 : vector<16xi1>
          %reduce_or3A_916 = arith.constant 1.000000e+00 : f32
          %reduce_or3A_917 = arith.constant 0.000000e+00 : f32
          %reduce_or3A_918 = vector.broadcast %reduce_or3A_916 : f32 to vector<16xf32>
          %reduce_or3A_919 = vector.broadcast %reduce_or3A_917 : f32 to vector<16xf32>
          %reduce_or3A_920 = arith.select %or3A_915, %reduce_or3A_918, %reduce_or3A_919 : vector<16xi1>, vector<16xf32>
          %reduce_or3A_921 = arith.constant true
          %reduce_or3A_922 = vector.broadcast %reduce_or3A_921 : i1 to vector<16xi1>
          %reduce_or3A_923 = tpu.scan <max>, %reduce_or3A_920 masked %reduce_or3A_922 : vector<16xf32>, vector<16xi1> -> vector<16xf32>
          %reduce_or3A_924 = vector.extract %reduce_or3A_923[15] : f32 from vector<16xf32>
          %reduce_or3A_925 = arith.constant 0.000000e+00 : f32
          %reduce_or3A_926 = arith.cmpf ogt, %reduce_or3A_924, %reduce_or3A_925 : f32
          %convert_element_type3A_927 = arith.extui %reduce_or3A_926 : i1 to i32
          %cond3A_928 = arith.constant 0 : i32
          %cond3A_929 = arith.cmpi ne, %convert_element_type3A_927, %cond3A_928 : i32
          %cond3A_930:2 = scf.if %cond3A_929 -> (vector<16xf32>, vector<16xf32>) {
            %masked_sort3A = arith.constant dense<true> : vector<16xi1>
            %masked_sort3A_931, %masked_sort3A_932, %masked_sort3A_933 = tpu.sort %get3A_912, %get3A_912 masked %masked_sort3A : (vector<16xf32>, vector<16xf32>, vector<16xi1>) -> (vector<16xi1>, vector<16xf32>, vector<16xf32>)
            %rev3A = arith.constant 15 : i32
            %rev3A_934 = vector.broadcast %rev3A : i32 to vector<16xi32>
            %rev3A_935 = tpu.iota {dimensions = array<i32: 0>} : vector<16xi32>
            %rev3A_936 = arith.subi %rev3A_934, %rev3A_935 : vector<16xi32>
            %rev3A_937 = tpu.dynamic_gather %masked_sort3A_932[%rev3A_936] in [0] : vector<16xf32>, vector<16xi32> -> vector<16xf32>
            %max3A = arith.maximumf %cond3A_906#0, %rev3A_937 : vector<16xf32>
            %masked_sort3A_938 = arith.constant dense<true> : vector<16xi1>
            %masked_sort3A_939, %masked_sort3A_940, %masked_sort3A_941 = tpu.sort %max3A, %max3A masked %masked_sort3A_938 : (vector<16xf32>, vector<16xf32>, vector<16xi1>) -> (vector<16xi1>, vector<16xf32>, vector<16xf32>)
            %masked_sort3A_942 = arith.constant dense<true> : vector<16xi1>
            %masked_sort3A_943, %masked_sort3A_944, %masked_sort3A_945 = tpu.sort %get3A_912, %get3A_912 masked %masked_sort3A_942 : (vector<16xf32>, vector<16xf32>, vector<16xi1>) -> (vector<16xi1>, vector<16xf32>, vector<16xf32>)
            %rev3A_946 = arith.constant 15 : i32
            %rev3A_947 = vector.broadcast %rev3A_946 : i32 to vector<16xi32>
            %rev3A_948 = tpu.iota {dimensions = array<i32: 0>} : vector<16xi32>
            %rev3A_949 = arith.subi %rev3A_947, %rev3A_948 : vector<16xi32>
            %rev3A_950 = tpu.dynamic_gather %masked_sort3A_944[%rev3A_949] in [0] : vector<16xf32>, vector<16xi32> -> vector<16xf32>
            %min3A_951 = arith.minimumf %cond3A_906#1, %rev3A_950 : vector<16xf32>
            %masked_sort3A_952 = arith.constant dense<true> : vector<16xi1>
            %masked_sort3A_953, %masked_sort3A_954, %masked_sort3A_955 = tpu.sort %min3A_951, %min3A_951 masked %masked_sort3A_952 : (vector<16xf32>, vector<16xf32>, vector<16xi1>) -> (vector<16xi1>, vector<16xf32>, vector<16xf32>)
            scf.yield %masked_sort3A_940, %masked_sort3A_954 : vector<16xf32>, vector<16xf32>
          } else {
            scf.yield %cond3A_906#0, %cond3A_906#1 : vector<16xf32>, vector<16xf32>
          }
          scf.yield %cond3A_930#0, %cond3A_930#1 : vector<16xf32>, vector<16xf32>
        } else {
          scf.yield %scan3A_142, %scan3A_143 : vector<16xf32>, vector<16xf32>
        }
        scf.yield %cond3A_162#0, %cond3A_162#1 : vector<16xf32>, vector<16xf32>
      }
      %scan3A_134 = arith.constant 98 : i32
      %swap3A_135 = arith.constant 0 : index
      %swap3A_136 = tpu.vector_load %arg8[%swap3A_135] {strides = array<i32>} : memref<48xf32, #tpu.memory_space<vmem>>, vector<16xf32>,
      tpu.vector_store %arg8[%swap3A_135], %scan3A_133#0 {strides = array<i32>} : memref<48xf32, #tpu.memory_space<vmem>>, vector<16xf32>,
      %swap3A_137 = arith.constant 16 : index
      %swap3A_138 = tpu.vector_load %arg8[%swap3A_137] {strides = array<i32>} : memref<48xf32, #tpu.memory_space<vmem>>, vector<16xf32>,
      tpu.vector_store %arg8[%swap3A_137], %scan3A_133#1 {strides = array<i32>} : memref<48xf32, #tpu.memory_space<vmem>>, vector<16xf32>,
      %swap3A_139 = arith.constant 32 : index
      %swap3A_140 = tpu.vector_load %arg8[%swap3A_139] {strides = array<i32>} : memref<48xf32, #tpu.memory_space<vmem>>, vector<16xf32>,
      tpu.vector_store %arg8[%swap3A_139], %scan3A_105 {strides = array<i32>} : memref<48xf32, #tpu.memory_space<vmem>>, vector<16xf32>,
      "tpu.region"() ({
        %run_scoped3A = tpu.sem_alloc : memref<!tpu.dma_semaphore, #tpu.memory_space<semaphore_mem>>
        %dma_start3A_141 = arith.constant 0 : i32
        %dma_start3A_142 = tpu.memref_slice %arg3[%add3A_82, %dma_start3A_141] : memref<768x48xf32, #tpu.memory_space<hbm>> -> memref<1x48xf32, #tpu.memory_space<hbm>>
        %dma_start3A_143 = tpu.memref_squeeze %dma_start3A_142 : memref<1x48xf32, #tpu.memory_space<hbm>> -> memref<48xf32, #tpu.memory_space<hbm>>
        %dma_start3A_144 = arith.constant 0 : i32
        %dma_start3A_145 = tpu.memref_slice %arg3[%add3A_82, %dma_start3A_144] : memref<768x48xf32, #tpu.memory_space<hbm>> -> memref<1x48xf32, #tpu.memory_space<hbm>>
        %dma_start3A_146 = tpu.memref_squeeze %dma_start3A_145 : memref<1x48xf32, #tpu.memory_space<hbm>> -> memref<48xf32, #tpu.memory_space<hbm>>
        tpu.enqueue_dma source(%arg8 : memref<48xf32, #tpu.memory_space<vmem>>) target(%dma_start3A_146 : memref<48xf32, #tpu.memory_space<hbm>>) target_semaphore(%run_scoped3A : memref<!tpu.dma_semaphore, #tpu.memory_space<semaphore_mem>>)
        %dma_wait3A_147 = arith.constant 0 : i32
        %dma_wait3A_148 = tpu.memref_slice %arg3[%add3A_82, %dma_wait3A_147] : memref<768x48xf32, #tpu.memory_space<hbm>> -> memref<1x48xf32, #tpu.memory_space<hbm>>
        %dma_wait3A_149 = tpu.memref_squeeze %dma_wait3A_148 : memref<1x48xf32, #tpu.memory_space<hbm>> -> memref<48xf32, #tpu.memory_space<hbm>>
        %dma_wait3A_150 = arith.constant 0 : i32
        %dma_wait3A_151 = tpu.memref_slice %arg3[%add3A_82, %dma_wait3A_150] : memref<768x48xf32, #tpu.memory_space<hbm>> -> memref<1x48xf32, #tpu.memory_space<hbm>>
        %dma_wait3A_152 = tpu.memref_squeeze %dma_wait3A_151 : memref<1x48xf32, #tpu.memory_space<hbm>> -> memref<48xf32, #tpu.memory_space<hbm>>
        tpu.wait_dma2 semaphore(%run_scoped3A : memref<!tpu.dma_semaphore, #tpu.memory_space<semaphore_mem>>) src(%arg8 : memref<48xf32, #tpu.memory_space<vmem>>) dst(%dma_wait3A_152 : memref<48xf32, #tpu.memory_space<hbm>>)
        tpu.yield
      }) : () -> ()
    }
    %scan3A_12 = arith.constant 12 : i32
    %dma_wait3A = arith.constant 0 : i32
    %dma_wait3A_13 = tpu.memref_slice %arg2[%mul3A_2, %dma_wait3A] : memref<768x50176xf32, #tpu.memory_space<hbm>> -> memref<1x50176xf32, #tpu.memory_space<hbm>>
    %dma_wait3A_14 = tpu.memref_squeeze %dma_wait3A_13 : memref<1x50176xf32, #tpu.memory_space<hbm>> -> memref<50176xf32, #tpu.memory_space<hbm>>
    %dma_wait3A_15 = arith.constant 0 : i32
    %dma_wait3A_16 = tpu.memref_slice %arg2[%mul3A_2, %dma_wait3A_15] : memref<768x50176xf32, #tpu.memory_space<hbm>> -> memref<1x50176xf32, #tpu.memory_space<hbm>>
    %dma_wait3A_17 = tpu.memref_squeeze %dma_wait3A_16 : memref<1x50176xf32, #tpu.memory_space<hbm>> -> memref<50176xf32, #tpu.memory_space<hbm>>
    tpu.wait_dma2 semaphore(%arg9 : memref<!tpu.dma_semaphore, #tpu.memory_space<semaphore_mem>>) src(%dma_wait3A_17 : memref<50176xf32, #tpu.memory_space<hbm>>) dst(%arg4 : memref<50176xf32, #tpu.memory_space<vmem>>)
    return
  }
}

module attributes {stable_mosaic.version = 14 : i64} {
  func.func @_fin_body(%arg0: memref<8x96x48xf32, #tpu.memory_space<vmem>>, %arg1: memref<1x96xf32, #tpu.memory_space<vmem>>, %arg2: memref<1x96xf32, #tpu.memory_space<vmem>>, %arg3: memref<1x96xf32, #tpu.memory_space<vmem>>, %arg4: memref<1x96xf32, #tpu.memory_space<vmem>>, %arg5: memref<1x96xf32, #tpu.memory_space<vmem>>) attributes {dimension_semantics = [], scalar_prefetch = 0 : i64, scratch_operands = 0 : i64, tpu.core_type = #tpu.core_type<tc>} {
    %get3A = arith.constant 0 : index
    %get3A_0 = arith.constant 0 : index
    %get3A_1 = arith.constant 0 : index
    %get3A_2 = vector.load %arg0[%get3A, %get3A_0, %get3A_1] : memref<8x96x48xf32, #tpu.memory_space<vmem>>, vector<8x96x48xf32>
    %slice3A = vector.extract_strided_slice %get3A_2 {offsets = [0, 0, 32], sizes = [8, 96, 16], strides = [1, 1, 1]} : vector<8x96x48xf32> to vector<8x96x16xf32>
    %reduce_sum3A = arith.constant dense<0.000000e+00> : vector<8x96xf32>
    %reduce_sum3A_3 = vector.multi_reduction <add>, %slice3A, %reduce_sum3A [2] : vector<8x96x16xf32> to vector<8x96xf32>
    %reduce_sum3A_4 = arith.constant dense<0.000000e+00> : vector<96xf32>
    %reduce_sum3A_5 = vector.multi_reduction <add>, %reduce_sum3A_3, %reduce_sum3A_4 [0] : vector<8x96xf32> to vector<96xf32>
    %div3A = arith.constant 4.014080e+05 : f32
    %div3A_6 = vector.broadcast %div3A : f32 to vector<96xf32>
    %div3A_7 = arith.divf %reduce_sum3A_5, %div3A_6 : vector<96xf32>
    %slice3A_8 = vector.extract_strided_slice %get3A_2 {offsets = [0, 0, 0], sizes = [8, 96, 32], strides = [1, 1, 1]} : vector<8x96x48xf32> to vector<8x96x32xf32>
    %broadcast_in_dim3A = vector.shape_cast %div3A_7 : vector<96xf32> to vector<1x96x1xf32>
    %sub3A = vector.broadcast %broadcast_in_dim3A : vector<1x96x1xf32> to vector<8x96x32xf32>
    %sub3A_9 = arith.subf %slice3A_8, %sub3A : vector<8x96x32xf32>
    %abs3A = math.absf %sub3A_9 : vector<8x96x32xf32>
    %iota3A = tpu.iota {dimensions = array<i32: 0>} : vector<8x96x32xi32>
    %mul3A = arith.constant 32 : i32
    %mul3A_10 = vector.broadcast %mul3A : i32 to vector<8x96x32xi32>
    %mul3A_11 = arith.muli %iota3A, %mul3A_10 : vector<8x96x32xi32>
    %iota3A_12 = tpu.iota {dimensions = array<i32: 2>} : vector<8x96x32xi32>
    %add3A = arith.addi %mul3A_11, %iota3A_12 : vector<8x96x32xi32>
    %broadcast_in_dim3A_13 = arith.constant 0.000000e+00 : f32
    %broadcast_in_dim3A_14 = vector.broadcast %broadcast_in_dim3A_13 : f32 to vector<96xf32>
    %reduce_max3A = arith.constant dense<0xFF800000> : vector<8x96xf32>
    %reduce_max3A_15 = vector.multi_reduction <maximumf>, %abs3A, %reduce_max3A [2] : vector<8x96x32xf32> to vector<8x96xf32>
    %reduce_max3A_16 = arith.constant dense<0xFF800000> : vector<96xf32>
    %reduce_max3A_17 = vector.multi_reduction <maximumf>, %reduce_max3A_15, %reduce_max3A_16 [0] : vector<8x96xf32> to vector<96xf32>
    %broadcast_in_dim3A_18 = vector.shape_cast %reduce_max3A_17 : vector<96xf32> to vector<1x96x1xf32>
    %eq3A = vector.broadcast %broadcast_in_dim3A_18 : vector<1x96x1xf32> to vector<8x96x32xf32>
    %eq3A_19 = arith.cmpf oeq, %abs3A, %eq3A : vector<8x96x32xf32>
    %jit3A = arith.constant 257 : i32
    %broadcast_in_dim3A_20 = vector.broadcast %jit3A : i32 to vector<8x96x32xi32>
    %select_n3A = arith.select %eq3A_19, %add3A, %broadcast_in_dim3A_20 : vector<8x96x32xi1>, vector<8x96x32xi32>
    %reduce_min3A = arith.constant dense<2147483647> : vector<8x96xi32>
    %reduce_min3A_21 = vector.multi_reduction <minsi>, %select_n3A, %reduce_min3A [2] : vector<8x96x32xi32> to vector<8x96xi32>
    %reduce_min3A_22 = arith.constant dense<2147483647> : vector<96xi32>
    %reduce_min3A_23 = vector.multi_reduction <minsi>, %reduce_min3A_21, %reduce_min3A_22 [0] : vector<8x96xi32> to vector<96xi32>
    %broadcast_in_dim3A_24 = vector.shape_cast %reduce_min3A_23 : vector<96xi32> to vector<1x96x1xi32>
    %eq3A_25 = vector.broadcast %broadcast_in_dim3A_24 : vector<1x96x1xi32> to vector<8x96x32xi32>
    %eq3A_26 = arith.cmpi eq, %add3A, %eq3A_25 : vector<8x96x32xi32>
    %jit3A_27 = arith.constant -1.000000e+00 : f32
    %broadcast_in_dim3A_28 = vector.broadcast %jit3A_27 : f32 to vector<8x96x32xf32>
    %select_n3A_29 = arith.select %eq3A_26, %broadcast_in_dim3A_28, %abs3A : vector<8x96x32xi1>, vector<8x96x32xf32>
    %add3A_30 = arith.addf %broadcast_in_dim3A_14, %reduce_max3A_17 : vector<96xf32>
    %reduce_max3A_31 = arith.constant dense<0xFF800000> : vector<8x96xf32>
    %reduce_max3A_32 = vector.multi_reduction <maximumf>, %select_n3A_29, %reduce_max3A_31 [2] : vector<8x96x32xf32> to vector<8x96xf32>
    %reduce_max3A_33 = arith.constant dense<0xFF800000> : vector<96xf32>
    %reduce_max3A_34 = vector.multi_reduction <maximumf>, %reduce_max3A_32, %reduce_max3A_33 [0] : vector<8x96xf32> to vector<96xf32>
    %broadcast_in_dim3A_35 = vector.shape_cast %reduce_max3A_34 : vector<96xf32> to vector<1x96x1xf32>
    %eq3A_36 = vector.broadcast %broadcast_in_dim3A_35 : vector<1x96x1xf32> to vector<8x96x32xf32>
    %eq3A_37 = arith.cmpf oeq, %select_n3A_29, %eq3A_36 : vector<8x96x32xf32>
    %jit3A_38 = arith.constant 257 : i32
    %broadcast_in_dim3A_39 = vector.broadcast %jit3A_38 : i32 to vector<8x96x32xi32>
    %select_n3A_40 = arith.select %eq3A_37, %add3A, %broadcast_in_dim3A_39 : vector<8x96x32xi1>, vector<8x96x32xi32>
    %reduce_min3A_41 = arith.constant dense<2147483647> : vector<8x96xi32>
    %reduce_min3A_42 = vector.multi_reduction <minsi>, %select_n3A_40, %reduce_min3A_41 [2] : vector<8x96x32xi32> to vector<8x96xi32>
    %reduce_min3A_43 = arith.constant dense<2147483647> : vector<96xi32>
    %reduce_min3A_44 = vector.multi_reduction <minsi>, %reduce_min3A_42, %reduce_min3A_43 [0] : vector<8x96xi32> to vector<96xi32>
    %broadcast_in_dim3A_45 = vector.shape_cast %reduce_min3A_44 : vector<96xi32> to vector<1x96x1xi32>
    %eq3A_46 = vector.broadcast %broadcast_in_dim3A_45 : vector<1x96x1xi32> to vector<8x96x32xi32>
    %eq3A_47 = arith.cmpi eq, %add3A, %eq3A_46 : vector<8x96x32xi32>
    %jit3A_48 = arith.constant -1.000000e+00 : f32
    %broadcast_in_dim3A_49 = vector.broadcast %jit3A_48 : f32 to vector<8x96x32xf32>
    %select_n3A_50 = arith.select %eq3A_47, %broadcast_in_dim3A_49, %select_n3A_29 : vector<8x96x32xi1>, vector<8x96x32xf32>
    %add3A_51 = arith.addf %add3A_30, %reduce_max3A_34 : vector<96xf32>
    %reduce_max3A_52 = arith.constant dense<0xFF800000> : vector<8x96xf32>
    %reduce_max3A_53 = vector.multi_reduction <maximumf>, %select_n3A_50, %reduce_max3A_52 [2] : vector<8x96x32xf32> to vector<8x96xf32>
    %reduce_max3A_54 = arith.constant dense<0xFF800000> : vector<96xf32>
    %reduce_max3A_55 = vector.multi_reduction <maximumf>, %reduce_max3A_53, %reduce_max3A_54 [0] : vector<8x96xf32> to vector<96xf32>
    %broadcast_in_dim3A_56 = vector.shape_cast %reduce_max3A_55 : vector<96xf32> to vector<1x96x1xf32>
    %eq3A_57 = vector.broadcast %broadcast_in_dim3A_56 : vector<1x96x1xf32> to vector<8x96x32xf32>
    %eq3A_58 = arith.cmpf oeq, %select_n3A_50, %eq3A_57 : vector<8x96x32xf32>
    %jit3A_59 = arith.constant 257 : i32
    %broadcast_in_dim3A_60 = vector.broadcast %jit3A_59 : i32 to vector<8x96x32xi32>
    %select_n3A_61 = arith.select %eq3A_58, %add3A, %broadcast_in_dim3A_60 : vector<8x96x32xi1>, vector<8x96x32xi32>
    %reduce_min3A_62 = arith.constant dense<2147483647> : vector<8x96xi32>
    %reduce_min3A_63 = vector.multi_reduction <minsi>, %select_n3A_61, %reduce_min3A_62 [2] : vector<8x96x32xi32> to vector<8x96xi32>
    %reduce_min3A_64 = arith.constant dense<2147483647> : vector<96xi32>
    %reduce_min3A_65 = vector.multi_reduction <minsi>, %reduce_min3A_63, %reduce_min3A_64 [0] : vector<8x96xi32> to vector<96xi32>
    %broadcast_in_dim3A_66 = vector.shape_cast %reduce_min3A_65 : vector<96xi32> to vector<1x96x1xi32>
    %eq3A_67 = vector.broadcast %broadcast_in_dim3A_66 : vector<1x96x1xi32> to vector<8x96x32xi32>
    %eq3A_68 = arith.cmpi eq, %add3A, %eq3A_67 : vector<8x96x32xi32>
    %jit3A_69 = arith.constant -1.000000e+00 : f32
    %broadcast_in_dim3A_70 = vector.broadcast %jit3A_69 : f32 to vector<8x96x32xf32>
    %select_n3A_71 = arith.select %eq3A_68, %broadcast_in_dim3A_70, %select_n3A_50 : vector<8x96x32xi1>, vector<8x96x32xf32>
    %add3A_72 = arith.addf %add3A_51, %reduce_max3A_55 : vector<96xf32>
    %reduce_max3A_73 = arith.constant dense<0xFF800000> : vector<8x96xf32>
    %reduce_max3A_74 = vector.multi_reduction <maximumf>, %select_n3A_71, %reduce_max3A_73 [2] : vector<8x96x32xf32> to vector<8x96xf32>
    %reduce_max3A_75 = arith.constant dense<0xFF800000> : vector<96xf32>
    %reduce_max3A_76 = vector.multi_reduction <maximumf>, %reduce_max3A_74, %reduce_max3A_75 [0] : vector<8x96xf32> to vector<96xf32>
    %broadcast_in_dim3A_77 = vector.shape_cast %reduce_max3A_76 : vector<96xf32> to vector<1x96x1xf32>
    %eq3A_78 = vector.broadcast %broadcast_in_dim3A_77 : vector<1x96x1xf32> to vector<8x96x32xf32>
    %eq3A_79 = arith.cmpf oeq, %select_n3A_71, %eq3A_78 : vector<8x96x32xf32>
    %jit3A_80 = arith.constant 257 : i32
    %broadcast_in_dim3A_81 = vector.broadcast %jit3A_80 : i32 to vector<8x96x32xi32>
    %select_n3A_82 = arith.select %eq3A_79, %add3A, %broadcast_in_dim3A_81 : vector<8x96x32xi1>, vector<8x96x32xi32>
    %reduce_min3A_83 = arith.constant dense<2147483647> : vector<8x96xi32>
    %reduce_min3A_84 = vector.multi_reduction <minsi>, %select_n3A_82, %reduce_min3A_83 [2] : vector<8x96x32xi32> to vector<8x96xi32>
    %reduce_min3A_85 = arith.constant dense<2147483647> : vector<96xi32>
    %reduce_min3A_86 = vector.multi_reduction <minsi>, %reduce_min3A_84, %reduce_min3A_85 [0] : vector<8x96xi32> to vector<96xi32>
    %broadcast_in_dim3A_87 = vector.shape_cast %reduce_min3A_86 : vector<96xi32> to vector<1x96x1xi32>
    %eq3A_88 = vector.broadcast %broadcast_in_dim3A_87 : vector<1x96x1xi32> to vector<8x96x32xi32>
    %eq3A_89 = arith.cmpi eq, %add3A, %eq3A_88 : vector<8x96x32xi32>
    %jit3A_90 = arith.constant -1.000000e+00 : f32
    %broadcast_in_dim3A_91 = vector.broadcast %jit3A_90 : f32 to vector<8x96x32xf32>
    %select_n3A_92 = arith.select %eq3A_89, %broadcast_in_dim3A_91, %select_n3A_71 : vector<8x96x32xi1>, vector<8x96x32xf32>
    %add3A_93 = arith.addf %add3A_72, %reduce_max3A_76 : vector<96xf32>
    %reduce_max3A_94 = arith.constant dense<0xFF800000> : vector<8x96xf32>
    %reduce_max3A_95 = vector.multi_reduction <maximumf>, %select_n3A_92, %reduce_max3A_94 [2] : vector<8x96x32xf32> to vector<8x96xf32>
    %reduce_max3A_96 = arith.constant dense<0xFF800000> : vector<96xf32>
    %reduce_max3A_97 = vector.multi_reduction <maximumf>, %reduce_max3A_95, %reduce_max3A_96 [0] : vector<8x96xf32> to vector<96xf32>
    %broadcast_in_dim3A_98 = vector.shape_cast %reduce_max3A_97 : vector<96xf32> to vector<1x96x1xf32>
    %eq3A_99 = vector.broadcast %broadcast_in_dim3A_98 : vector<1x96x1xf32> to vector<8x96x32xf32>
    %eq3A_100 = arith.cmpf oeq, %select_n3A_92, %eq3A_99 : vector<8x96x32xf32>
    %jit3A_101 = arith.constant 257 : i32
    %broadcast_in_dim3A_102 = vector.broadcast %jit3A_101 : i32 to vector<8x96x32xi32>
    %select_n3A_103 = arith.select %eq3A_100, %add3A, %broadcast_in_dim3A_102 : vector<8x96x32xi1>, vector<8x96x32xi32>
    %reduce_min3A_104 = arith.constant dense<2147483647> : vector<8x96xi32>
    %reduce_min3A_105 = vector.multi_reduction <minsi>, %select_n3A_103, %reduce_min3A_104 [2] : vector<8x96x32xi32> to vector<8x96xi32>
    %reduce_min3A_106 = arith.constant dense<2147483647> : vector<96xi32>
    %reduce_min3A_107 = vector.multi_reduction <minsi>, %reduce_min3A_105, %reduce_min3A_106 [0] : vector<8x96xi32> to vector<96xi32>
    %broadcast_in_dim3A_108 = vector.shape_cast %reduce_min3A_107 : vector<96xi32> to vector<1x96x1xi32>
    %eq3A_109 = vector.broadcast %broadcast_in_dim3A_108 : vector<1x96x1xi32> to vector<8x96x32xi32>
    %eq3A_110 = arith.cmpi eq, %add3A, %eq3A_109 : vector<8x96x32xi32>
    %jit3A_111 = arith.constant -1.000000e+00 : f32
    %broadcast_in_dim3A_112 = vector.broadcast %jit3A_111 : f32 to vector<8x96x32xf32>
    %select_n3A_113 = arith.select %eq3A_110, %broadcast_in_dim3A_112, %select_n3A_92 : vector<8x96x32xi1>, vector<8x96x32xf32>
    %add3A_114 = arith.addf %add3A_93, %reduce_max3A_97 : vector<96xf32>
    %reduce_max3A_115 = arith.constant dense<0xFF800000> : vector<8x96xf32>
    %reduce_max3A_116 = vector.multi_reduction <maximumf>, %select_n3A_113, %reduce_max3A_115 [2] : vector<8x96x32xf32> to vector<8x96xf32>
    %reduce_max3A_117 = arith.constant dense<0xFF800000> : vector<96xf32>
    %reduce_max3A_118 = vector.multi_reduction <maximumf>, %reduce_max3A_116, %reduce_max3A_117 [0] : vector<8x96xf32> to vector<96xf32>
    %broadcast_in_dim3A_119 = vector.shape_cast %reduce_max3A_118 : vector<96xf32> to vector<1x96x1xf32>
    %eq3A_120 = vector.broadcast %broadcast_in_dim3A_119 : vector<1x96x1xf32> to vector<8x96x32xf32>
    %eq3A_121 = arith.cmpf oeq, %select_n3A_113, %eq3A_120 : vector<8x96x32xf32>
    %jit3A_122 = arith.constant 257 : i32
    %broadcast_in_dim3A_123 = vector.broadcast %jit3A_122 : i32 to vector<8x96x32xi32>
    %select_n3A_124 = arith.select %eq3A_121, %add3A, %broadcast_in_dim3A_123 : vector<8x96x32xi1>, vector<8x96x32xi32>
    %reduce_min3A_125 = arith.constant dense<2147483647> : vector<8x96xi32>
    %reduce_min3A_126 = vector.multi_reduction <minsi>, %select_n3A_124, %reduce_min3A_125 [2] : vector<8x96x32xi32> to vector<8x96xi32>
    %reduce_min3A_127 = arith.constant dense<2147483647> : vector<96xi32>
    %reduce_min3A_128 = vector.multi_reduction <minsi>, %reduce_min3A_126, %reduce_min3A_127 [0] : vector<8x96xi32> to vector<96xi32>
    %broadcast_in_dim3A_129 = vector.shape_cast %reduce_min3A_128 : vector<96xi32> to vector<1x96x1xi32>
    %eq3A_130 = vector.broadcast %broadcast_in_dim3A_129 : vector<1x96x1xi32> to vector<8x96x32xi32>
    %eq3A_131 = arith.cmpi eq, %add3A, %eq3A_130 : vector<8x96x32xi32>
    %jit3A_132 = arith.constant -1.000000e+00 : f32
    %broadcast_in_dim3A_133 = vector.broadcast %jit3A_132 : f32 to vector<8x96x32xf32>
    %select_n3A_134 = arith.select %eq3A_131, %broadcast_in_dim3A_133, %select_n3A_113 : vector<8x96x32xi1>, vector<8x96x32xf32>
    %add3A_135 = arith.addf %add3A_114, %reduce_max3A_118 : vector<96xf32>
    %reduce_max3A_136 = arith.constant dense<0xFF800000> : vector<8x96xf32>
    %reduce_max3A_137 = vector.multi_reduction <maximumf>, %select_n3A_134, %reduce_max3A_136 [2] : vector<8x96x32xf32> to vector<8x96xf32>
    %reduce_max3A_138 = arith.constant dense<0xFF800000> : vector<96xf32>
    %reduce_max3A_139 = vector.multi_reduction <maximumf>, %reduce_max3A_137, %reduce_max3A_138 [0] : vector<8x96xf32> to vector<96xf32>
    %broadcast_in_dim3A_140 = vector.shape_cast %reduce_max3A_139 : vector<96xf32> to vector<1x96x1xf32>
    %eq3A_141 = vector.broadcast %broadcast_in_dim3A_140 : vector<1x96x1xf32> to vector<8x96x32xf32>
    %eq3A_142 = arith.cmpf oeq, %select_n3A_134, %eq3A_141 : vector<8x96x32xf32>
    %jit3A_143 = arith.constant 257 : i32
    %broadcast_in_dim3A_144 = vector.broadcast %jit3A_143 : i32 to vector<8x96x32xi32>
    %select_n3A_145 = arith.select %eq3A_142, %add3A, %broadcast_in_dim3A_144 : vector<8x96x32xi1>, vector<8x96x32xi32>
    %reduce_min3A_146 = arith.constant dense<2147483647> : vector<8x96xi32>
    %reduce_min3A_147 = vector.multi_reduction <minsi>, %select_n3A_145, %reduce_min3A_146 [2] : vector<8x96x32xi32> to vector<8x96xi32>
    %reduce_min3A_148 = arith.constant dense<2147483647> : vector<96xi32>
    %reduce_min3A_149 = vector.multi_reduction <minsi>, %reduce_min3A_147, %reduce_min3A_148 [0] : vector<8x96xi32> to vector<96xi32>
    %broadcast_in_dim3A_150 = vector.shape_cast %reduce_min3A_149 : vector<96xi32> to vector<1x96x1xi32>
    %eq3A_151 = vector.broadcast %broadcast_in_dim3A_150 : vector<1x96x1xi32> to vector<8x96x32xi32>
    %eq3A_152 = arith.cmpi eq, %add3A, %eq3A_151 : vector<8x96x32xi32>
    %jit3A_153 = arith.constant -1.000000e+00 : f32
    %broadcast_in_dim3A_154 = vector.broadcast %jit3A_153 : f32 to vector<8x96x32xf32>
    %select_n3A_155 = arith.select %eq3A_152, %broadcast_in_dim3A_154, %select_n3A_134 : vector<8x96x32xi1>, vector<8x96x32xf32>
    %add3A_156 = arith.addf %add3A_135, %reduce_max3A_139 : vector<96xf32>
    %reduce_max3A_157 = arith.constant dense<0xFF800000> : vector<8x96xf32>
    %reduce_max3A_158 = vector.multi_reduction <maximumf>, %select_n3A_155, %reduce_max3A_157 [2] : vector<8x96x32xf32> to vector<8x96xf32>
    %reduce_max3A_159 = arith.constant dense<0xFF800000> : vector<96xf32>
    %reduce_max3A_160 = vector.multi_reduction <maximumf>, %reduce_max3A_158, %reduce_max3A_159 [0] : vector<8x96xf32> to vector<96xf32>
    %broadcast_in_dim3A_161 = vector.shape_cast %reduce_max3A_160 : vector<96xf32> to vector<1x96x1xf32>
    %eq3A_162 = vector.broadcast %broadcast_in_dim3A_161 : vector<1x96x1xf32> to vector<8x96x32xf32>
    %eq3A_163 = arith.cmpf oeq, %select_n3A_155, %eq3A_162 : vector<8x96x32xf32>
    %jit3A_164 = arith.constant 257 : i32
    %broadcast_in_dim3A_165 = vector.broadcast %jit3A_164 : i32 to vector<8x96x32xi32>
    %select_n3A_166 = arith.select %eq3A_163, %add3A, %broadcast_in_dim3A_165 : vector<8x96x32xi1>, vector<8x96x32xi32>
    %reduce_min3A_167 = arith.constant dense<2147483647> : vector<8x96xi32>
    %reduce_min3A_168 = vector.multi_reduction <minsi>, %select_n3A_166, %reduce_min3A_167 [2] : vector<8x96x32xi32> to vector<8x96xi32>
    %reduce_min3A_169 = arith.constant dense<2147483647> : vector<96xi32>
    %reduce_min3A_170 = vector.multi_reduction <minsi>, %reduce_min3A_168, %reduce_min3A_169 [0] : vector<8x96xi32> to vector<96xi32>
    %broadcast_in_dim3A_171 = vector.shape_cast %reduce_min3A_170 : vector<96xi32> to vector<1x96x1xi32>
    %eq3A_172 = vector.broadcast %broadcast_in_dim3A_171 : vector<1x96x1xi32> to vector<8x96x32xi32>
    %eq3A_173 = arith.cmpi eq, %add3A, %eq3A_172 : vector<8x96x32xi32>
    %jit3A_174 = arith.constant -1.000000e+00 : f32
    %broadcast_in_dim3A_175 = vector.broadcast %jit3A_174 : f32 to vector<8x96x32xf32>
    %select_n3A_176 = arith.select %eq3A_173, %broadcast_in_dim3A_175, %select_n3A_155 : vector<8x96x32xi1>, vector<8x96x32xf32>
    %add3A_177 = arith.addf %add3A_156, %reduce_max3A_160 : vector<96xf32>
    %reduce_max3A_178 = arith.constant dense<0xFF800000> : vector<8x96xf32>
    %reduce_max3A_179 = vector.multi_reduction <maximumf>, %select_n3A_176, %reduce_max3A_178 [2] : vector<8x96x32xf32> to vector<8x96xf32>
    %reduce_max3A_180 = arith.constant dense<0xFF800000> : vector<96xf32>
    %reduce_max3A_181 = vector.multi_reduction <maximumf>, %reduce_max3A_179, %reduce_max3A_180 [0] : vector<8x96xf32> to vector<96xf32>
    %broadcast_in_dim3A_182 = vector.shape_cast %reduce_max3A_181 : vector<96xf32> to vector<1x96x1xf32>
    %eq3A_183 = vector.broadcast %broadcast_in_dim3A_182 : vector<1x96x1xf32> to vector<8x96x32xf32>
    %eq3A_184 = arith.cmpf oeq, %select_n3A_176, %eq3A_183 : vector<8x96x32xf32>
    %jit3A_185 = arith.constant 257 : i32
    %broadcast_in_dim3A_186 = vector.broadcast %jit3A_185 : i32 to vector<8x96x32xi32>
    %select_n3A_187 = arith.select %eq3A_184, %add3A, %broadcast_in_dim3A_186 : vector<8x96x32xi1>, vector<8x96x32xi32>
    %reduce_min3A_188 = arith.constant dense<2147483647> : vector<8x96xi32>
    %reduce_min3A_189 = vector.multi_reduction <minsi>, %select_n3A_187, %reduce_min3A_188 [2] : vector<8x96x32xi32> to vector<8x96xi32>
    %reduce_min3A_190 = arith.constant dense<2147483647> : vector<96xi32>
    %reduce_min3A_191 = vector.multi_reduction <minsi>, %reduce_min3A_189, %reduce_min3A_190 [0] : vector<8x96xi32> to vector<96xi32>
    %broadcast_in_dim3A_192 = vector.shape_cast %reduce_min3A_191 : vector<96xi32> to vector<1x96x1xi32>
    %eq3A_193 = vector.broadcast %broadcast_in_dim3A_192 : vector<1x96x1xi32> to vector<8x96x32xi32>
    %eq3A_194 = arith.cmpi eq, %add3A, %eq3A_193 : vector<8x96x32xi32>
    %jit3A_195 = arith.constant -1.000000e+00 : f32
    %broadcast_in_dim3A_196 = vector.broadcast %jit3A_195 : f32 to vector<8x96x32xf32>
    %select_n3A_197 = arith.select %eq3A_194, %broadcast_in_dim3A_196, %select_n3A_176 : vector<8x96x32xi1>, vector<8x96x32xf32>
    %add3A_198 = arith.addf %add3A_177, %reduce_max3A_181 : vector<96xf32>
    %reduce_max3A_199 = arith.constant dense<0xFF800000> : vector<8x96xf32>
    %reduce_max3A_200 = vector.multi_reduction <maximumf>, %select_n3A_197, %reduce_max3A_199 [2] : vector<8x96x32xf32> to vector<8x96xf32>
    %reduce_max3A_201 = arith.constant dense<0xFF800000> : vector<96xf32>
    %reduce_max3A_202 = vector.multi_reduction <maximumf>, %reduce_max3A_200, %reduce_max3A_201 [0] : vector<8x96xf32> to vector<96xf32>
    %add3A_203 = arith.addf %add3A_198, %reduce_max3A_202 : vector<96xf32>
    %div3A_204 = arith.constant 1.000000e+01 : f32
    %div3A_205 = vector.broadcast %div3A_204 : f32 to vector<96xf32>
    %div3A_206 = arith.divf %add3A_203, %div3A_205 : vector<96xf32>
    %get3A_207 = arith.constant 0 : index
    %get3A_208 = arith.constant 0 : index
    %get3A_209 = vector.load %arg3[%get3A_207, %get3A_208] : memref<1x96xf32, #tpu.memory_space<vmem>>, vector<1x96xf32>
    %get3A_210 = vector.shape_cast %get3A_209 : vector<1x96xf32> to vector<96xf32>
    %mul3A_211 = arith.constant 7.500000e-01 : f32
    %mul3A_212 = vector.broadcast %mul3A_211 : f32 to vector<96xf32>
    %mul3A_213 = arith.mulf %mul3A_212, %get3A_210 : vector<96xf32>
    %mul3A_214 = arith.constant 2.500000e-01 : f32
    %mul3A_215 = vector.broadcast %mul3A_214 : f32 to vector<96xf32>
    %mul3A_216 = arith.mulf %mul3A_215, %div3A_206 : vector<96xf32>
    %add3A_217 = arith.addf %mul3A_213, %mul3A_216 : vector<96xf32>
    %mul3A_218 = arith.constant 0.303834707 : f32
    %mul3A_219 = vector.broadcast %mul3A_218 : f32 to vector<96xf32>
    %mul3A_220 = arith.mulf %add3A_217, %mul3A_219 : vector<96xf32>
    %add3A_221 = arith.constant 9.99999974E-6 : f32
    %add3A_222 = vector.broadcast %add3A_221 : f32 to vector<96xf32>
    %add3A_223 = arith.addf %mul3A_220, %add3A_222 : vector<96xf32>
    %div3A_224 = arith.constant 1.000000e+00 : f32
    %div3A_225 = vector.broadcast %div3A_224 : f32 to vector<96xf32>
    %div3A_226 = arith.divf %div3A_225, %add3A_223 : vector<96xf32>
    %get3A_227 = arith.constant 0 : index
    %get3A_228 = arith.constant 0 : index
    %get3A_229 = vector.load %arg1[%get3A_227, %get3A_228] : memref<1x96xf32, #tpu.memory_space<vmem>>, vector<1x96xf32>
    %get3A_230 = vector.shape_cast %get3A_229 : vector<1x96xf32> to vector<96xf32>
    %mul3A_231 = arith.mulf %div3A_226, %get3A_230 : vector<96xf32>
    %swap3A = arith.constant 0 : index
    %swap3A_232 = arith.constant 0 : index
    %swap3A_233 = vector.load %arg4[%swap3A, %swap3A_232] : memref<1x96xf32, #tpu.memory_space<vmem>>, vector<1x96xf32>
    %swap3A_234 = vector.shape_cast %swap3A_233 : vector<1x96xf32> to vector<96xf32>
    %swap3A_235 = vector.shape_cast %mul3A_231 : vector<96xf32> to vector<1x96xf32>
    tpu.vector_store %arg4[%swap3A, %swap3A_232], %swap3A_235 {strides = array<i32>} : memref<1x96xf32, #tpu.memory_space<vmem>>, vector<1x96xf32>,
    %get3A_236 = arith.constant 0 : index
    %get3A_237 = arith.constant 0 : index
    %get3A_238 = vector.load %arg2[%get3A_236, %get3A_237] : memref<1x96xf32, #tpu.memory_space<vmem>>, vector<1x96xf32>
    %get3A_239 = vector.shape_cast %get3A_238 : vector<1x96xf32> to vector<96xf32>
    %mul3A_240 = arith.mulf %div3A_7, %mul3A_231 : vector<96xf32>
    %sub3A_241 = arith.subf %get3A_239, %mul3A_240 : vector<96xf32>
    %swap3A_242 = arith.constant 0 : index
    %swap3A_243 = arith.constant 0 : index
    %swap3A_244 = vector.load %arg5[%swap3A_242, %swap3A_243] : memref<1x96xf32, #tpu.memory_space<vmem>>, vector<1x96xf32>
    %swap3A_245 = vector.shape_cast %swap3A_244 : vector<1x96xf32> to vector<96xf32>
    %swap3A_246 = vector.shape_cast %sub3A_241 : vector<96xf32> to vector<1x96xf32>
    tpu.vector_store %arg5[%swap3A_242, %swap3A_243], %swap3A_246 {strides = array<i32>} : memref<1x96xf32, #tpu.memory_space<vmem>>, vector<1x96xf32>,
    return
  }
}

module attributes {stable_mosaic.version = 14 : i64} {
  func.func @_pass2_body(%arg0: i32, %arg1: i32, %arg2: memref<1x32x50176xf32, #tpu.memory_space<vmem>>, %arg3: memref<1x1x32xf32, #tpu.memory_space<vmem>>, %arg4: memref<1x1x32xf32, #tpu.memory_space<vmem>>, %arg5: memref<1x32x50176xf32, #tpu.memory_space<vmem>>) attributes {dimension_semantics = [#tpu.dimension_semantics<arbitrary>, #tpu.dimension_semantics<arbitrary>], iteration_bounds = array<i64: 8, 3>, scalar_prefetch = 0 : i64, scratch_operands = 0 : i64, tpu.core_type = #tpu.core_type<tc>, window_params = [{transform_indices = @transform_0, window_bounds = array<i64: 1, 32, 50176>}, {transform_indices = @transform_1, window_bounds = array<i64: 1, 1, 32>}, {transform_indices = @transform_2, window_bounds = array<i64: 1, 1, 32>}, {transform_indices = @transform_3, window_bounds = array<i64: 1, 32, 50176>}]} {
    %get3A = arith.constant 0 : index
    %get3A_0 = arith.constant 0 : index
    %get3A_1 = arith.constant 0 : index
    %get3A_2 = vector.load %arg3[%get3A, %get3A_0, %get3A_1] : memref<1x1x32xf32, #tpu.memory_space<vmem>>, vector<1x1x32xf32>
    %get3A_3 = vector.shape_cast %get3A_2 : vector<1x1x32xf32> to vector<32xf32>
    %get3A_4 = arith.constant 0 : index
    %get3A_5 = arith.constant 0 : index
    %get3A_6 = arith.constant 0 : index
    %get3A_7 = vector.load %arg4[%get3A_4, %get3A_5, %get3A_6] : memref<1x1x32xf32, #tpu.memory_space<vmem>>, vector<1x1x32xf32>
    %get3A_8 = vector.shape_cast %get3A_7 : vector<1x1x32xf32> to vector<32xf32>
    %get3A_9 = arith.constant 0 : index
    %get3A_10 = arith.constant 0 : index
    %get3A_11 = arith.constant 0 : index
    %get3A_12 = vector.load %arg2[%get3A_9, %get3A_10, %get3A_11] : memref<1x32x50176xf32, #tpu.memory_space<vmem>>, vector<1x32x50176xf32>
    %get3A_13 = vector.shape_cast %get3A_12 : vector<1x32x50176xf32> to vector<32x50176xf32>
    %broadcast_in_dim3A = vector.shape_cast %get3A_3 : vector<32xf32> to vector<32x1xf32>
    %mul3A = vector.broadcast %broadcast_in_dim3A : vector<32x1xf32> to vector<32x50176xf32>
    %mul3A_14 = arith.mulf %get3A_13, %mul3A : vector<32x50176xf32>
    %broadcast_in_dim3A_15 = vector.shape_cast %get3A_8 : vector<32xf32> to vector<32x1xf32>
    %add3A = vector.broadcast %broadcast_in_dim3A_15 : vector<32x1xf32> to vector<32x50176xf32>
    %add3A_16 = arith.addf %mul3A_14, %add3A : vector<32x50176xf32>
    %swap3A = arith.constant 0 : index
    %swap3A_17 = arith.constant 0 : index
    %swap3A_18 = arith.constant 0 : index
    %swap3A_19 = vector.load %arg5[%swap3A, %swap3A_17, %swap3A_18] : memref<1x32x50176xf32, #tpu.memory_space<vmem>>, vector<1x32x50176xf32>
    %swap3A_20 = vector.shape_cast %swap3A_19 : vector<1x32x50176xf32> to vector<32x50176xf32>
    %swap3A_21 = vector.shape_cast %add3A_16 : vector<32x50176xf32> to vector<1x32x50176xf32>
    tpu.vector_store %arg5[%swap3A, %swap3A_17, %swap3A_18], %swap3A_21 {strides = array<i32>} : memref<1x32x50176xf32, #tpu.memory_space<vmem>>, vector<1x32x50176xf32>,
    return
  }
  func.func @transform_0(%arg0: i32, %arg1: i32) -> (i32, i32, i32) {
    %c0_i32 = arith.constant 0 : i32
    %c0_i32_0 = arith.constant 0 : i32
    return %arg0, %arg1, %c0_i32 : i32, i32, i32
  }
  func.func @transform_1(%arg0: i32, %arg1: i32) -> (i32, i32, i32) {
    %c0_i32 = arith.constant 0 : i32
    %c0_i32_0 = arith.constant 0 : i32
    %c0_i32_1 = arith.constant 0 : i32
    return %arg1, %c0_i32, %c0_i32_0 : i32, i32, i32
  }
  func.func @transform_2(%arg0: i32, %arg1: i32) -> (i32, i32, i32) {
    %c0_i32 = arith.constant 0 : i32
    %c0_i32_0 = arith.constant 0 : i32
    %c0_i32_1 = arith.constant 0 : i32
    return %arg1, %c0_i32, %c0_i32_0 : i32, i32, i32
  }
  func.func @transform_3(%arg0: i32, %arg1: i32) -> (i32, i32, i32) {
    %c0_i32 = arith.constant 0 : i32
    %c0_i32_0 = arith.constant 0 : i32
    return %arg0, %arg1, %c0_i32 : i32, i32, i32
  }
}

</mosaic_0001>

<sc_bundles>
// kernel: kernel.5.cloned.1.call-start
scs
__scs_entry_jumppad:
0x0: {  	(pc) =	sbr.rel $0x88, $3  }
0x1: {  	(tag) =	ssettag $0x0;
	lr =	simm.s32 $0x1  }
0x2: {  	[smem:$0x3F9D] =	sst lr;
	_ =	strace $0xD0000000  }
0x3: {  	_ = 	snop  }
0x4: {  	_ = 	snop  }
0x5: {  	_ = 	snop  }
0x6: {  	_ = 	snop  }
0x7: {  	_ = 	snop  }
__scs_overlays_trampoline_lowered:
0x8: {  	[smem:$0x3FAC] =	sst s0  }
0x9: {  	[smem:$0x3FAD] =	sst s1  }
0xa: {  	[smem:$0x3FAE] =	sst s2  }
0xb: {  	[smem:$0x3FAF] =	sst s3  }
0xc: {  	[smem:$0x3FB0] =	sst s4  }
0xd: {  	[smem:$0x3FB1] =	sst s5  }
0xe: {  	[smem:$0x3FB2] =	sst s6  }
0xf: {  	[smem:$0x3FB3] =	sst s7  }
0x10: {  	[smem:$0x3FB4] =	sst s8  }
0x11: {  	[smem:$0x3FB5] =	sst s9;
	s0 =	simm.s32 @!p0 $0x0  }
0x12: {  	s1 =	sld [smem:$0x3F9B];
	s0 =	simm.s32 @p0 $0x1  }
0x13: {  	[smem:$0x3FB6] =	sst s0;
	s0 =	simm.s32 @!p1 $0x0  }
0x14: {  	s2 =	sld [smem:$0x3F9A];
	s0 =	simm.s32 @p1 $0x1  }
0x15: {  	[smem:$0x3FB7] =	sst s0;
	s0 =	simm.s32 @!p2 $0x0  }
0x16: {  	s3 =	sld [smem:$0x3FDB];
	s0 =	simm.s32 @p2 $0x1  }
0x17: {  	s4 =	simm.s32 $0x1BF5;
	[smem:$0x3FB9] =	sst s0  }
0x18: {  	s0 =	sld [smem:$0x3F9C];
	_ =	swait.ge [sflag:s4], $0x0  }
0x19: {  	s7 =	sld [smem:$0x3F9D]  }
0x1a: {  	s8 =	sadd.s32 $0xFFFFE003, lr  }
0x1b: {  	s9 =	sadd.s32 $0xFFFFFEF7, lr;
	s5 =	simm.s32 $0xFFFFFFFF;
	p2 =	slt.u32 s8, $0xFFFFF086  }
0x1c: {  	p1 =	slt.u32 s9, $0xF7A;
	s5 =	simm.s32 @!p2 $0x0  }
0x1d: {  	s5 =	simm.s32 @p1 $0x1;
	p0 =	seq.s32 s7, s2  }
0x1e: {  	s7 =	smul.u32 @!p0 $0xF7A, s2;
	p2 =	seq.s32 @!p0 s5, $0x0  }
0x1f: {  	s9 =	smul.u32 $0xF7A, s1;
	s8 =	simm.s32 @!p0 $0x1BF5;
	p2 =	por !p2, p0  }
0x20: {  	[sflag:s8] =	ssyncset.s32 @!p0 $0xFFFFF086;
	s6 =	sadd.s32 @!p0 s3, s7;
	s7 =	simm.s32 @!p0 $0x108  }
0x21: {  	s3 =	sadd.s32 s3, s9;
	s6 =	sadd.s32 @!p0 $0x88, s6;
	s7 =	simm.s32 @p2 $0x1082  }
0x22: {  	[simem:s7], [sflag:s8] =	dma.local @!p0 [hbm:s6], $0xF7A  }
0x23: {  	s9 =	sor.u32 $0xD0000000, s2;
	s6 =	simm.s32 $0x108;
	_ =	swait.ge @!p0 [sflag:s8], $0x0  }
0x24: {  	s3 =	sadd.s32 $0x88, s3;
	s6 =	simm.s32 @!p1 $0x1082;
	[sflag:s4] =	ssyncset.s32 $0xFFFFF086  }
0x25: {  	[simem:s6], [sflag:s4] =	dma.local [hbm:s3], $0xF7A  }
0x26: {  	[smem:$0x3F9D] =	sst s1;
	(tag) =	ssettag s2;
	_ =	strace s9  }
0x27: {  	s1 =	sld [smem:$0x3FAD]  }
0x28: {  	s2 =	sld [smem:$0x3FAE]  }
0x29: {  	s4 =	sld [smem:$0x3FB0]  }
0x2a: {  	p0 =	seq.s32 s5, $0x0;
	s5 =	sld [smem:$0x3FB1]  }
0x2b: {  	s6 =	sld [smem:$0x3FB2]  }
0x2c: {  	s7 =	sld [smem:$0x3FB3]  }
0x2d: {  	s3 =	simm.s32 $0x108;
	s8 =	sld [smem:$0x3FB4]  }
0x2e: {  	s3 =	simm.s32 @!p0 $0x1082;
	s9 =	sld [smem:$0x3FB5]  }
0x2f: {  	lr =	sadd.s32 s0, s3;
	s0 =	sld [smem:$0x3FAC]  }
0x30: {  	s3 =	sld [smem:$0x3FAF]  }
0x31: {  	[smem:$0x3FB8] =	sst s10  }
0x32: {  	s10 =	sld [smem:$0x3FB6];
	_ =	sdelay $0x3  }
0x33: {  	p0 =	seq.s32 s10, $0x1;
	s10 =	sld [smem:$0x3FB8];
	_ =	sdelay $0x3  }
0x34: {  	[smem:$0x3FB8] =	sst s10  }
0x35: {  	s10 =	sld [smem:$0x3FB7];
	_ =	sdelay $0x3  }
0x36: {  	p1 =	seq.s32 s10, $0x1;
	s10 =	sld [smem:$0x3FB8];
	_ =	sdelay $0x3  }
0x37: {  	[smem:$0x3FB8] =	sst s10  }
0x38: {  	s10 =	sld [smem:$0x3FB9]  }
0x39: {  	_ = 	snop;
	(pc) =	sbr.ind lr, $3  }
0x3a: {  	_ = 	snop  }
0x3b: {  	_ = 	snop  }
0x3c: {  	p2 =	seq.s32 s10, $0x1;
	s10 =	sld [smem:$0x3FB8]  }
0x3d: {  	_ =	shalt  }
0x3e: {  	_ =	shalt  }
0x3f: {  	_ =	shalt  }
0x40: {  	_ =	shalt  }
0x41: {  	_ =	shalt  }
0x42: {  	_ =	shalt  }
0x43: {  	_ =	shalt  }
0x44: {  	_ =	shalt  }
0x45: {  	_ =	shalt  }
0x46: {  	_ =	shalt  }
0x47: {  	_ =	shalt  }
0x48: {  	_ =	shalt  }
0x49: {  	_ =	shalt  }
0x4a: {  	_ =	shalt  }
0x4b: {  	_ =	shalt  }
0x4c: {  	_ =	shalt  }
0x4d: {  	_ =	shalt  }
0x4e: {  	_ =	shalt  }
0x4f: {  	_ =	shalt  }
0x50: {  	_ =	shalt  }
0x51: {  	_ =	shalt  }
0x52: {  	_ =	shalt  }
0x53: {  	_ =	shalt  }
0x54: {  	_ =	shalt  }
0x55: {  	_ =	shalt  }
0x56: {  	_ =	shalt  }
0x57: {  	_ =	shalt  }
0x58: {  	_ =	shalt  }
0x59: {  	_ =	shalt  }
0x5a: {  	_ =	shalt  }
0x5b: {  	_ =	shalt  }
0x5c: {  	_ =	shalt  }
0x5d: {  	_ =	shalt  }
0x5e: {  	_ =	shalt  }
0x5f: {  	_ =	shalt  }
0x60: {  	_ =	shalt  }
0x61: {  	_ =	shalt  }
0x62: {  	_ =	shalt  }
0x63: {  	_ =	shalt  }
0x64: {  	_ =	shalt  }
0x65: {  	_ =	shalt  }
0x66: {  	_ =	shalt  }
0x67: {  	_ =	shalt  }
0x68: {  	_ =	shalt  }
0x69: {  	_ =	shalt  }
0x6a: {  	_ =	shalt  }
0x6b: {  	_ =	shalt  }
0x6c: {  	_ =	shalt  }
0x6d: {  	_ =	shalt  }
0x6e: {  	_ =	shalt  }
0x6f: {  	_ =	shalt  }
0x70: {  	_ =	shalt  }
0x71: {  	_ =	shalt  }
0x72: {  	_ =	shalt  }
0x73: {  	_ =	shalt  }
0x74: {  	_ =	shalt  }
0x75: {  	_ =	shalt  }
0x76: {  	_ =	shalt  }
0x77: {  	_ =	shalt  }
0x78: {  	_ =	shalt  }
0x79: {  	_ =	shalt  }
0x7a: {  	_ =	shalt  }
0x7b: {  	_ =	shalt  }
0x7c: {  	_ =	shalt  }
0x7d: {  	_ =	shalt  }
0x7e: {  	_ =	shalt  }
0x7f: {  	_ =	shalt  }
0x80: {  	_ =	shalt  }
0x81: {  	_ =	shalt  }
0x82: {  	_ =	shalt  }
0x83: {  	_ =	shalt  }
0x84: {  	_ =	shalt  }
0x85: {  	_ =	shalt  }
0x86: {  	_ =	shalt  }
0x87: {  	_ =	shalt  }
.Lfunc_end0:
.L_simem_size_0:
called_computation_lowered:
.L_overlay_start_0:
0x88: {  	s2 =	sld [smem:$0x3FD9]  }
0x89: {  	s3 =	sld [smem:$0x3FFE];
	_ =	sdelay $0x1  }
0x8a: {  	s1 =	srdreg.scid  }
0x8b: {  	s0 =	sand.u32 $0x1, s1  }
0x8c: {  	s16 =	sshll.u32 s0, $0xA;
	s2 =	sadd.s32 s3, s2  }
0x8d: {  	s2 =	sadd.s32 s2, s16  }
0x8e: {  	[smem:$0x3FC4] =	sst s2  }
0x8f: {  	_ = 	snop  }
0x90: {  	(tm) =	ssettm $0x1  }
0x91: {  	s17 =	sld [smem:$0x3FFB];
	_ =	sdelay $0x3  }
0x92: {  	_ =	strace s17  }
0x93: {  	s2 =	sld [smem:$0x3FFC];
	_ =	sdelay $0x3  }
0x94: {  	_ =	strace s2  }
0x95: {  	s2 =	sld [smem:$0x3FFD];
	_ =	sdelay $0x3  }
0x96: {  	_ =	strace s2  }
0x97: {  	_ =	strace $0x8FFFFFFF  }
0x98: {  	s18 =	sld [smem:$0x3FDB];
	_ =	sdelay $0x1  }
0x99: {  	s19 =	simm.s32 $_scs_section_size  }
0x9a: {  	s4 =	simm.s32 $_size__tile_overlayer_lowered;
	s5 =	simm.s32 $_tile_overlayer_lowered  }
0x9b: {  	s22 =	simm.s32 $0x1BFF;
	s21 =	sshll.u32 s5, $0x1;
	s2 =	sadd.s32 s19, s18  }
0x9c: {  	s6 =	simm.s32 $0x0;
	s20 =	sshll.u32 s4, $0x1;
	s4 =	sadd.s32 s21, s2  }
0x9d: {  	[timem:s6], [sflag:s22] =	dma.local [hbm:s4], s20  }
0x9e: {  	_ =	swait.ge [sflag:s22], s20  }
0x9f: {  	s3 =	ssub.s32 $0x0, s20;
	[sflag:s22] =	ssyncset.done $0x0  }
0xa0: {  	[sflag:s22] =	ssyncadd.s32 s3;
	_ =	sdelay $0x1  }
0xa1: {  	s23 =	simm.s32 $0x1B8B  }
0xa2: {  	_ =	swait.ge [sflag:s23], $0x1  }
0xa3: {  	[sflag:s23] =	ssyncset.done $0x0  }
0xa4: {  	s25 =	simm.s32 $0x1B8E;
	s24 =	sld [smem:$0x3FFE];
	[sflag:s23] =	ssyncadd.s32 $0xFFFFFFFF  }
0xa5: {  	s26 =	simm.s32 $execute0_lowered;
	[smem:$0x3FD2] =	sst s25  }
0xa6: {  	s4 =	sshll.u32 s26, $0x1;
	_ =	strace $0x80000046;
	[dreg:$0x1] =	wrdreg $0xFFFFFFFF  }
0xa7: {  	s28 =	simm.s32 $_size_execute0_lowered;
	s2 =	sadd.s32 s2, s4;
	[dreg:$0x0] =	wrdreg $0x0  }
0xa8: {  	s4 =	sshll.u32 s28, $0x1;
	[dreg:$0x2] =	wrdreg s2  }
0xa9: {  	[dreg:$0x3] =	wrdreg s4  }
0xaa: {  	[dreg:$0x4] =	wrdreg $0xC0  }
0xab: {  	_ =	task [dreg:s6], $0x5FFFF  }
0xac: {  	[dreg:$0x1] =	wrdreg $0xFFFFFFFF  }
0xad: {  	[dreg:$0x0] =	wrdreg $0x60  }
0xae: {  	[dreg:$0x2] =	wrdreg s24  }
0xaf: {  	[dreg:$0x3] =	wrdreg $0x9  }
0xb0: {  	_ =	task.clear_ibuf [dreg:s6], $0x4FFFF;
	_ =	strace $0x90000046  }
0xb1: {  	s29 =	simm.s32 $0x9;
	_ =	strace $0x80000048  }
0xb2: {  	_ =	swait.ge [sflag:s29], $0x1  }
0xb3: {  	[sflag:s29] =	ssyncadd.s32 $0xFFFFFFFF  }
0xb4: {  	_ =	strace $0x90000048  }
0xb5: {  	_ =	sfence  }
0xb6: {  	s30 =	sld [smem:$0x0];
	_ =	sdelay $0x2  }
0xb7: {  	s31 =	sshll.u32 s1, $0xD;
	s1 =	sshrl.u32 s1, $0x2  }
0xb8: {  	s3 =	sand.u32 $0x4000, s31;
	s1 =	sadd.s32 s1, s30  }
0xb9: {  	s0 =	sor.u32 s3, s0;
	s1 =	sshll.u32 s1, $0x11  }
0xba: {  	s0 =	sor.u32 s1, s0  }
0xbb: {  	s0 =	sadd.s32 $0x8F2B, s0  }
0xbc: {  	[sflag:s0] =	ssyncadd.remote.s32 $0x1  }
0xbd: {  	_ =	sfence.sel $0xFFFF  }
0xbe: {  	[dreg:$0x0] =	wrdreg $0xFFFFFFFF;
	(pc) =	sbr.abs _section_cstart, $3  }
0xbf: {  	[dreg:$0x1] =	wrdreg $0xFFFFFFFF  }
0xc0: {  	_ =	task.clear_ibuf [dreg:s6], $0x2FFFF;
	_ =	strace $0x9FFFFFFF  }
0xc1: {  	(tm) =	ssettm $0x7FFFFFFF  }
tec
execute0_lowered:
.L_overlay_start_1:
0x0: {  	(tag) =	ssettag $0x1  }
0x1: {  	s1 =	srdreg.scid;
	s0 =	stileid.u32  }
0x2: {  	s5 =	rddreg [dreg:$0x0];
	s3 =	simm.s32 $0x0;
	s9 =	simm.s32 $0x400  }
0x3: {  	s10 =	simm.s32 $0xC400;
	s4 =	sand.u32 $0x1, s1;
	s31 =	sshll.u32 s0, $0x1  }
0x4: {  	s11 =	simm.s32 $0x1;
	s12 =	simm.s32 $0x19500;
	s1 =	sor.u32 s4, s31  }
0x5: {  	s13 =	simm.s32 $0x3;
	s14 =	simm.s32 $0x2;
	s2 =	smul.u32 $0x18, s1  }
.Ltmp0:
0x6: {  	s15 =	simm.s32 $0x0;
	[smem:$0x7FF] =	sst s3;
	(pc) =	sbr.rel .LBB2_1-.Ltmp0, $4  }
0x7: {  	v0 =	vlaneseq.u32;
	s7 =	ssub.s32 $0x2, s4;
	s4 =	sadd.s32 $0x400, s5;
	s6 =	sshrl.u32 s2, $0x3  }
0x8: {  	v0 =	vmul.u32 $0xFFFFFFFF, v0;
	s5 =	sadd.s32 $0x498400, s5;
	s8 =	sshrl.u32 s7, $0x1;
	s6 =	smul.u32 $0xC400, s6  }
0x9: {  	v1 =	vimm.s32 $0x6;
	s1 =	rddreg [dreg:$0x1];
	_ =	strace $0x80000047;
	s7 =	ssub.s32 s7, s8  }
0xa: {  	v2 =	vimm.s32 $0x9;
	v3 =	vimm.f32 $0.0e+00;
	v0 =	vadd.s32 $0xF, v0;
	s8 =	simm.s32 $0x80;
	s7 =	smax.u32 s7, $0x1;
	s6 =	sadd.s32 s4, s6  }
.LBB2_19:
0xb: {  	s15 =	sadd.s32 $0x1, s15  }
0xc: {  	p0 =	sne.s32 s15, s7  }
.Ltmp1:
0xd: {  	_ = 	snop;
	(pc) =	sbr.rel @!p0 .LBB2_20-.Ltmp1, $4  }
0xe: {  	_ = 	snop  }
0xf: {  	_ =	swait.ge [sflag:s11], $0xC400  }
0x10: {  	[sflag:s11] =	ssyncset.done $0x0  }
0x11: {  	[sflag:s11] =	ssyncadd.s32 $0xFFFF3C00  }
.LBB2_1:
.Ltmp2:
0x12: {  	(pc) =	sbr.rel .LBB2_2-.Ltmp2, $3  }
0x13: {  	_ =	sdelay $0x1  }
0x14: {  	[tilespmem:s3], [sflag:$0x1] =	stream.strided.gather [hbm4b:s6+s8], $0xC400, s9, s8, $0x38;
	[tilespmem:$0x19580] =	vst v63  }
0x15: {  	s16 =	simm.s32 $0x0  }
.LBB2_18:
0x16: {  	s17 =	sshll.u32 s17, $0x4;
	[tilespmem:$0x19500] =	vst v8;
	s16 =	sadd.s32 $0x1, s16  }
0x17: {  	[tilespmem:$0x19510] =	vst v7;
	s18 =	sadd.s32 s5, s18;
	s17 =	sand.u32 $0x70, s17;
	p0 =	sne.s32 s16, $0xC  }
.Ltmp3:
0x18: {  	[tilespmem:$0x19520] =	vst v4;
	s17 =	sadd.s32 s17, s18;
	(pc) =	sbr.rel @!p0 .LBB2_19-.Ltmp3, $4  }
0x19: {  	[hbm4b:s17+s3] =	stream.linear.scatter [tilespmem:s12], [sflag:$0x3], $0x80, $0x38;
	[tilespmem:$0x19580] =	vst v63  }
0x1a: {  	_ =	swait.ge [sflag:s13], $0x80  }
0x1b: {  	[sflag:s13] =	ssyncset.done $0x0  }
0x1c: {  	[sflag:s13] =	ssyncadd.s32 $0xFFFFFF80  }
.LBB2_2:
0x1d: {  	s17 =	sshll.u32 s16, $0x1  }
0x1e: {  	s19 =	sadd.s32 s2, s17  }
0x1f: {  	s17 =	sor.u32 $0x1, s19;
	s18 =	sshrl.u32 s19, $0x3  }
0x20: {  	s18 =	smul.u32 $0x62000, s18;
	s20 =	sshll.u32 s17, $0x7  }
0x21: {  	s20 =	sand.u32 $0x380, s20  }
0x22: {  	s18 =	sor.u32 s20, s18  }
0x23: {  	s18 =	sshrl.u32 s18, $0x3  }
0x24: {  	s18 =	sadd.s32 s4, s18  }
0x25: {  	[tilespmem:s10], [sflag:$0x2] =	stream.strided.gather [hbm4b:s18+s8], $0xC400, s9, s8, $0x38;
	[tilespmem:$0x19580] =	vst v63  }
0x26: {  	_ =	swait.ge [sflag:s11], $0xC400  }
0x27: {  	[sflag:s11] =	ssyncset.done $0x0  }
0x28: {  	s18 =	simm.s32 $0x100;
	[sflag:s11] =	ssyncadd.s32 $0xFFFF3C00  }
0x29: {  	v4 =	vld [tilespmem:s18+$0xFFFFFF00]  }
0x2a: {  	v5 =	vld [tilespmem:s18+$0xFFFFFF10]  }
0x2b: {  	v6 =	vld [tilespmem:s18+$0xFFFFFF20]  }
0x2c: {  	v7 =	vld [tilespmem:s18+$0xFFFFFF30]  }
0x2d: {  	v8 =	vld [tilespmem:s18+$0xFFFFFF40]  }
0x2e: {  	v9 =	vimm.f32 $0.0e+00;
	v10 =	vld [tilespmem:s18+$0xFFFFFF50]  }
0x2f: {  	v12 =	vld [tilespmem:s18+$0xFFFFFF60];
	v9 =	vadd.f32 v4, v9;
	v11 =	vmax.f32 v4, v5  }
0x30: {  	v50 =	vld [tilespmem:s18+$0xFFFFFF70];
	v13 =	vadd.f32 $0.0e+00, v5;
	v4 =	vmin.f32 v4, v5;
	v5 =	vmax.f32 v11, v6  }
0x31: {  	v4 =	vmin.f32 v4, v6;
	v9 =	vadd.f32 v6, v9;
	v5 =	vmax.f32 v5, v7;
	v6 =	vld [tilespmem:s18+$0xFFFFFF80]  }
0x32: {  	v13 =	vadd.f32 v7, v13;
	v4 =	vmin.f32 v4, v7;
	v7 =	vld [tilespmem:s18+$0xFFFFFF90];
	v5 =	vmax.f32 v5, v8  }
0x33: {  	v4 =	vmin.f32 v4, v8;
	v9 =	vadd.f32 v8, v9;
	v5 =	vmax.f32 v5, v10;
	v8 =	vld [tilespmem:s18+$0xFFFFFFA0]  }
0x34: {  	v51 =	vld [tilespmem:s18+$0xFFFFFFB0];
	v13 =	vadd.f32 v10, v13;
	v4 =	vmin.f32 v4, v10;
	v5 =	vmax.f32 v5, v12  }
0x35: {  	v52 =	vld [tilespmem:s18+$0xFFFFFFC0];
	v4 =	vmin.f32 v4, v12;
	v9 =	vadd.f32 v12, v9;
	v5 =	vmax.f32 v5, v50  }
0x36: {  	v53 =	vld [tilespmem:s18+$0xFFFFFFD0];
	v13 =	vadd.f32 v50, v13;
	v4 =	vmin.f32 v4, v50;
	v5 =	vmax.f32 v5, v6  }
0x37: {  	v4 =	vmin.f32 v4, v6;
	v9 =	vadd.f32 v6, v9;
	v5 =	vmax.f32 v5, v7;
	v6 =	vld [tilespmem:s18+$0xFFFFFFE0]  }
0x38: {  	v13 =	vadd.f32 v7, v13;
	v4 =	vmin.f32 v4, v7;
	v7 =	vld [tilespmem:s18+$0xFFFFFFF0];
	v5 =	vmax.f32 v5, v8  }
0x39: {  	v4 =	vmin.f32 v4, v8;
	v9 =	vadd.f32 v8, v9;
	v5 =	vmax.f32 v5, v51;
	v8 =	vld [tilespmem:s18+$0x0]  }
0x3a: {  	v54 =	vld [tilespmem:s18+$0x10];
	v13 =	vadd.f32 v51, v13;
	v4 =	vmin.f32 v4, v51;
	v5 =	vmax.f32 v5, v52  }
0x3b: {  	v55 =	vld [tilespmem:s18+$0x20];
	v4 =	vmin.f32 v4, v52;
	v9 =	vadd.f32 v52, v9;
	v5 =	vmax.f32 v5, v53  }
0x3c: {  	v56 =	vld [tilespmem:s18+$0x30];
	v13 =	vadd.f32 v53, v13;
	v4 =	vmin.f32 v4, v53;
	v5 =	vmax.f32 v5, v6  }
0x3d: {  	v4 =	vmin.f32 v4, v6;
	v9 =	vadd.f32 v6, v9;
	v5 =	vmax.f32 v5, v7;
	v6 =	vld [tilespmem:s18+$0x40]  }
0x3e: {  	v13 =	vadd.f32 v7, v13;
	v4 =	vmin.f32 v4, v7;
	v7 =	vld [tilespmem:s18+$0x50];
	v5 =	vmax.f32 v5, v8  }
0x3f: {  	v4 =	vmin.f32 v4, v8;
	v9 =	vadd.f32 v8, v9;
	v5 =	vmax.f32 v5, v54;
	v8 =	vld [tilespmem:s18+$0x60]  }
0x40: {  	v57 =	vld [tilespmem:s18+$0x70];
	v13 =	vadd.f32 v54, v13;
	v4 =	vmin.f32 v4, v54;
	v5 =	vmax.f32 v5, v55  }
0x41: {  	v58 =	vld [tilespmem:s18+$0x80];
	v4 =	vmin.f32 v4, v55;
	v9 =	vadd.f32 v55, v9;
	v5 =	vmax.f32 v5, v56  }
0x42: {  	v59 =	vld [tilespmem:s18+$0x90];
	v13 =	vadd.f32 v56, v13;
	v4 =	vmin.f32 v4, v56;
	v5 =	vmax.f32 v5, v6  }
0x43: {  	v4 =	vmin.f32 v4, v6;
	v9 =	vadd.f32 v6, v9;
	v5 =	vmax.f32 v5, v7;
	v6 =	vld [tilespmem:s18+$0xA0]  }
0x44: {  	v13 =	vadd.f32 v7, v13;
	v4 =	vmin.f32 v4, v7;
	v7 =	vld [tilespmem:s18+$0xB0];
	v5 =	vmax.f32 v5, v8  }
0x45: {  	v4 =	vmin.f32 v4, v8;
	v9 =	vadd.f32 v8, v9;
	v5 =	vmax.f32 v5, v57;
	v8 =	vld [tilespmem:s18+$0xC0]  }
0x46: {  	v60 =	vld [tilespmem:s18+$0xD0];
	v13 =	vadd.f32 v57, v13;
	v4 =	vmin.f32 v4, v57;
	v5 =	vmax.f32 v5, v58  }
0x47: {  	v61 =	vld [tilespmem:s18+$0xE0];
	v4 =	vmin.f32 v4, v58;
	v9 =	vadd.f32 v58, v9;
	v5 =	vmax.f32 v5, v59  }
0x48: {  	v62 =	vld [tilespmem:s18+$0xF0];
	v13 =	vadd.f32 v59, v13;
	v4 =	vmin.f32 v4, v59;
	v5 =	vmax.f32 v5, v6  }
0x49: {  	v4 =	vmin.f32 v4, v6;
	v9 =	vadd.f32 v6, v9;
	v5 =	vmax.f32 v5, v7  }
0x4a: {  	v6 =	vadd.f32 v7, v13;
	v4 =	vmin.f32 v4, v7;
	v5 =	vmax.f32 v5, v8  }
0x4b: {  	v4 =	vmin.f32 v4, v8;
	v7 =	vadd.f32 v8, v9;
	v5 =	vmax.f32 v5, v60  }
0x4c: {  	v6 =	vadd.f32 v60, v6;
	v4 =	vmin.f32 v4, v60;
	v5 =	vmax.f32 v5, v61  }
0x4d: {  	s21 =	simm.s32 $0x0;
	v8 =	vmin.f32 v4, v61;
	v63 =	vmax.f32 v5, v62  }
0x4e: {  	s20 =	simm.s32 $0x40;
	v4 =	vadd.f32 v61, v7;
	v5 =	vadd.f32 v62, v6;
	v6 =	vmin.f32 v8, v62;
	[tilespmem:s21+$0x18800] =	vst v63  }
.LBB2_3:
0x4f: {  	p0 =	sne.s32 s20, $0x1840  }
0x50: {  	[tilespmem:s21+$0x18E80] =	vst v6;
	v4 =	vadd.f32 v5, v4;
	s18 =	sadd.s32 $0x200, s18;
	s21 =	smov.u32 s20;
	s20 =	sadd.s32 $0x40, s20  }
0x51: {  	v5 =	vld [tilespmem:s18+$0xFFFFFF00]  }
0x52: {  	v6 =	vld [tilespmem:s18+$0xFFFFFF10]  }
0x53: {  	v7 =	vld [tilespmem:s18+$0xFFFFFF20]  }
0x54: {  	v8 =	vld [tilespmem:s18+$0xFFFFFF30]  }
0x55: {  	v9 =	vld [tilespmem:s18+$0xFFFFFF40]  }
0x56: {  	v4 =	vadd.f32 v5, v4;
	v10 =	vld [tilespmem:s18+$0xFFFFFF50]  }
0x57: {  	v11 =	vadd.f32 $0.0e+00, v6;
	v12 =	vmax.f32 v5, v6;
	v5 =	vmin.f32 v5, v6;
	v6 =	vld [tilespmem:s18+$0xFFFFFF60]  }
0x58: {  	v4 =	vadd.f32 v7, v4;
	v12 =	vmax.f32 v12, v7;
	v5 =	vmin.f32 v5, v7;
	v7 =	vld [tilespmem:s18+$0xFFFFFF70]  }
0x59: {  	v11 =	vadd.f32 v8, v11;
	v12 =	vmax.f32 v12, v8;
	v5 =	vmin.f32 v5, v8;
	v8 =	vld [tilespmem:s18+$0xFFFFFF80]  }
0x5a: {  	v4 =	vadd.f32 v9, v4;
	v12 =	vmax.f32 v12, v9;
	v5 =	vmin.f32 v5, v9;
	v9 =	vld [tilespmem:s18+$0xFFFFFF90]  }
0x5b: {  	v11 =	vadd.f32 v10, v11;
	v12 =	vmax.f32 v12, v10;
	v5 =	vmin.f32 v5, v10;
	v10 =	vld [tilespmem:s18+$0xFFFFFFA0]  }
0x5c: {  	v4 =	vadd.f32 v6, v4;
	v12 =	vmax.f32 v12, v6;
	v5 =	vmin.f32 v5, v6;
	v6 =	vld [tilespmem:s18+$0xFFFFFFB0]  }
0x5d: {  	v11 =	vadd.f32 v7, v11;
	v12 =	vmax.f32 v12, v7;
	v5 =	vmin.f32 v5, v7;
	v7 =	vld [tilespmem:s18+$0xFFFFFFC0]  }
0x5e: {  	v4 =	vadd.f32 v8, v4;
	v12 =	vmax.f32 v12, v8;
	v5 =	vmin.f32 v5, v8;
	v8 =	vld [tilespmem:s18+$0xFFFFFFD0]  }
0x5f: {  	v11 =	vadd.f32 v9, v11;
	v12 =	vmax.f32 v12, v9;
	v5 =	vmin.f32 v5, v9;
	v9 =	vld [tilespmem:s18+$0xFFFFFFE0]  }
0x60: {  	v4 =	vadd.f32 v10, v4;
	v12 =	vmax.f32 v12, v10;
	v5 =	vmin.f32 v5, v10;
	v10 =	vld [tilespmem:s18+$0xFFFFFFF0]  }
0x61: {  	v11 =	vadd.f32 v6, v11;
	v12 =	vmax.f32 v12, v6;
	v5 =	vmin.f32 v5, v6;
	v6 =	vld [tilespmem:s18+$0x0]  }
0x62: {  	v4 =	vadd.f32 v7, v4;
	v12 =	vmax.f32 v12, v7;
	v5 =	vmin.f32 v5, v7;
	v7 =	vld [tilespmem:s18+$0x10]  }
0x63: {  	v11 =	vadd.f32 v8, v11;
	v12 =	vmax.f32 v12, v8;
	v5 =	vmin.f32 v5, v8;
	v8 =	vld [tilespmem:s18+$0x20]  }
0x64: {  	v4 =	vadd.f32 v9, v4;
	v12 =	vmax.f32 v12, v9;
	v5 =	vmin.f32 v5, v9;
	v9 =	vld [tilespmem:s18+$0x30]  }
0x65: {  	v11 =	vadd.f32 v10, v11;
	v12 =	vmax.f32 v12, v10;
	v5 =	vmin.f32 v5, v10;
	v10 =	vld [tilespmem:s18+$0x40]  }
0x66: {  	v4 =	vadd.f32 v6, v4;
	v12 =	vmax.f32 v12, v6;
	v5 =	vmin.f32 v5, v6;
	v6 =	vld [tilespmem:s18+$0x50]  }
0x67: {  	v11 =	vadd.f32 v7, v11;
	v12 =	vmax.f32 v12, v7;
	v5 =	vmin.f32 v5, v7;
	v7 =	vld [tilespmem:s18+$0x60]  }
0x68: {  	v4 =	vadd.f32 v8, v4;
	v12 =	vmax.f32 v12, v8;
	v5 =	vmin.f32 v5, v8;
	v8 =	vld [tilespmem:s18+$0x70]  }
0x69: {  	v11 =	vadd.f32 v9, v11;
	v12 =	vmax.f32 v12, v9;
	v5 =	vmin.f32 v5, v9;
	v9 =	vld [tilespmem:s18+$0x80]  }
0x6a: {  	v4 =	vadd.f32 v10, v4;
	v12 =	vmax.f32 v12, v10;
	v5 =	vmin.f32 v5, v10;
	v10 =	vld [tilespmem:s18+$0x90]  }
0x6b: {  	v11 =	vadd.f32 v6, v11;
	v12 =	vmax.f32 v12, v6;
	v5 =	vmin.f32 v5, v6;
	v6 =	vld [tilespmem:s18+$0xA0]  }
0x6c: {  	v4 =	vadd.f32 v7, v4;
	v12 =	vmax.f32 v12, v7;
	v5 =	vmin.f32 v5, v7;
	v7 =	vld [tilespmem:s18+$0xB0]  }
0x6d: {  	v11 =	vadd.f32 v8, v11;
	v12 =	vmax.f32 v12, v8;
	v5 =	vmin.f32 v5, v8;
	v8 =	vld [tilespmem:s18+$0xC0]  }
0x6e: {  	v4 =	vadd.f32 v9, v4;
	v12 =	vmax.f32 v12, v9;
	v5 =	vmin.f32 v5, v9;
	v9 =	vld [tilespmem:s18+$0xD0]  }
0x6f: {  	v11 =	vadd.f32 v10, v11;
	v12 =	vmax.f32 v12, v10;
	v5 =	vmin.f32 v5, v10;
	v10 =	vld [tilespmem:s18+$0xE0]  }
0x70: {  	v4 =	vadd.f32 v6, v4;
	v12 =	vmax.f32 v12, v6;
	v5 =	vmin.f32 v5, v6;
	v6 =	vld [tilespmem:s18+$0xF0]  }
0x71: {  	v11 =	vadd.f32 v7, v11;
	v12 =	vmax.f32 v12, v7;
	v5 =	vmin.f32 v5, v7  }
.Ltmp4:
0x72: {  	v4 =	vadd.f32 v8, v4;
	v7 =	vmax.f32 v12, v8;
	v5 =	vmin.f32 v5, v8;
	(pc) =	sbr.rel @p0 .LBB2_3-.Ltmp4, $4  }
0x73: {  	v8 =	vadd.f32 v9, v11;
	v7 =	vmax.f32 v7, v9;
	v5 =	vmin.f32 v5, v9  }
0x74: {  	v7 =	vmax.f32 v7, v10;
	v9 =	vmin.f32 v5, v10  }
0x75: {  	s21 =	sshra.s32 s21, $0x2;
	v4 =	vadd.f32 v10, v4;
	v5 =	vadd.f32 v6, v8;
	v7 =	vmax.f32 v7, v6  }
0x76: {  	v6 =	vmin.f32 v9, v6;
	[tilespmem:s21+$0x18800] =	vst v7  }
0x77: {  	[tilespmem:s21+$0x18E80] =	vst v6;
	s18 =	simm.s32 $0x0  }
0x78: {  	v6 =	vld [tilespmem:s18+$0x18800]  }
0x79: {  	v7 =	vld [tilespmem:s18+$0x18E80];
	_ =	sdelay $0x3  }
0x7a: {  	(xrf1) =	vsort.ascd.msk.f32 $0xffff, v6, v6  }
0x7b: {  	(xrf1) =	vsort.ascd.msk.f32 $0xffff, v7, v7;
	_ =	sdelay $0x8  }
0x7c: {  	s31 =	simm.s32 $0x10  }
0x7d: {  	v6 =	vld [tilespmem:s31+$0x18800]  }
0x7e: {  	v7 =	vld [tilespmem:s31+$0x18E80];
	_ =	sdelay $0x1  }
0x7f: {  	v8, _, _ =	vpop (xrf1)  }
0x80: {  	v8 =	vperm.xlane v8, v0;
	v9, _, _ =	vpop (xrf1)  }
0x81: {  	v10 =	vimm.f32 $-3.000000010e+38;
	(xrf1) =	vsort.ascd.msk.f32 $0xffff, v6, v6;
	v6 =	vperm.xlane v9, v0  }
0x82: {  	v63 =	vimm.f32 $3.000000010e+38;
	(xrf1) =	vsort.ascd.msk.f32 $0xffff, v7, v7;
	v7 =	vmax.f32 v10, v8  }
0x83: {  	v6 =	vmin.f32 v63, v6;
	(xrf1) =	vsort.ascd.msk.f32 $0xffff, v7, v7  }
0x84: {  	(xrf1) =	vsort.ascd.msk.f32 $0xffff, v6, v6;
	_ =	sdelay $0x6  }
0x85: {  	s20 =	simm.s32 $0x20  }
0x86: {  	v4 =	vadd.f32 v5, v4;
	v5 =	vld [tilespmem:s20+$0x18800];
	s18 =	simm.s32 $0xC0  }
.LBB2_5:
0x87: {  	p0 =	sne.s32 s18, $0x1840;
	v6 =	vld [tilespmem:s20+$0x18E80];
	_ =	sdelay $0x1  }
0x88: {  	v7, _, _ =	vpop (xrf1)  }
0x89: {  	v9 =	vperm.xlane v7, v0;
	v8, _, _ =	vpop (xrf1)  }
0x8a: {  	(xrf1) =	vsort.ascd.msk.f32 $0xffff, v5, v5;
	v5 =	vperm.xlane v8, v0;
	v8, _, _ =	vpop (xrf1)  }
0x8b: {  	(xrf1) =	vsort.ascd.msk.f32 $0xffff, v6, v6;
	v6 =	vmax.f32 v8, v9;
	v7, _, _ =	vpop (xrf1)  }
0x8c: {  	v5 =	vmin.f32 v7, v5;
	(xrf1) =	vsort.ascd.msk.f32 $0xffff, v6, v6  }
0x8d: {  	(xrf1) =	vsort.ascd.msk.f32 $0xffff, v5, v5;
	_ =	sdelay $0x3  }
.Ltmp5:
0x8e: {  	(pc) =	sbr.rel @p0 .LBB2_5-.Ltmp5, $3  }
0x8f: {  	_ =	sdelay $0x1  }
0x90: {  	s20 =	sshra.s32 s18, $0x2  }
0x91: {  	s18 =	sadd.s32 $0x40, s18;
	v5 =	vld [tilespmem:s20+$0x18800]  }
0x92: {  	_ =	sdelay $0x1  }
0x93: {  	v6 =	vld [tilespmem:s20+$0x18E80];
	v7, _, _ =	vpop (xrf1)  }
0x94: {  	v7 =	vperm.xlane v7, v0;
	_ =	sdelay $0x1  }
0x95: {  	v8, _, _ =	vpop (xrf1)  }
0x96: {  	(xrf1) =	vsort.ascd.msk.f32 $0xffff, v5, v5;
	v5 =	vperm.xlane v8, v0;
	v8, _, _ =	vpop (xrf1)  }
0x97: {  	(xrf1) =	vsort.ascd.msk.f32 $0xffff, v6, v6;
	v6 =	vmax.f32 v8, v7;
	v7, _, _ =	vpop (xrf1)  }
0x98: {  	(xrf1) =	vsort.ascd.msk.f32 $0xffff, v6, v6;
	v5 =	vmin.f32 v7, v5  }
0x99: {  	(xrf1) =	vsort.ascd.msk.f32 $0xffff, v5, v5;
	_ =	sdelay $0xa  }
0x9a: {  	v5, _, _ =	vpop (xrf1)  }
0x9b: {  	v5 =	vperm.xlane v5, v0;
	v6, _, _ =	vpop (xrf1)  }
0x9c: {  	v6 =	vperm.xlane v6, v0;
	v7, _, _ =	vpop (xrf1)  }
0x9d: {  	v5 =	vmax.f32 v7, v5;
	v7, _, _ =	vpop (xrf1)  }
0x9e: {  	(xrf1) =	vsort.ascd.msk.f32 $0xffff, v5, v5;
	v6 =	vmin.f32 v7, v6  }
0x9f: {  	(xrf1) =	vsort.ascd.msk.f32 $0xffff, v6, v6;
	_ =	sdelay $0xa  }
.Ltmp6:
0xa0: {  	_ = 	snop;
	(pc) =	sbr.rel .LBB2_7-.Ltmp6, $4  }
0xa1: {  	_ = 	snop  }
0xa2: {  	v5, _, _ =	vpop (xrf1)  }
0xa3: {  	v8 =	vimm.f32 $-3.000000010e+38;
	v6, _, _ =	vpop (xrf1)  }
0xa4: {  	s18 =	simm.s32 $0x0;
	s20 =	simm.s32 $0x100;
	v7 =	vimm.f32 $3.000000010e+38;
	v5 =	vperm.xlane v5, v1;
	v6 =	vperm.xlane v6, v2  }
.LBB2_9:
0xa5: {  	s18 =	sadd.s32 $0x40, s18  }
0xa6: {  	p0 =	sne.s32 s18, $0x1880  }
.Ltmp7:
0xa7: {  	_ = 	snop;
	(pc) =	sbr.rel @!p0 .LBB2_10-.Ltmp7, $2  }
0xa8: {  	_ =	sdelay $0x2  }
0xa9: {  	s20 =	sadd.s32 $0x200, s20  }
.LBB2_7:
0xaa: {  	s21 =	sshra.s32 s18, $0x2  }
0xab: {  	v9 =	vld [tilespmem:s21+$0x18800]  }
0xac: {  	v10 =	vld [tilespmem:s21+$0x18E80];
	_ =	sdelay $0x4  }
0xad: {  	vm0 =	vge.f32 v9, v5;
	vm1 =	vle.f32 v10, v6  }
0xae: {  	vm0 =	vmor vm0, vm1  }
0xaf: {  	v9 =	vsel vm0, $0x3F800000, v3  }
0xb0: {  	(xrf0) =	vmax.scan.msk.f32 $0xffff, v9;
	_ =	sdelay $0x5  }
0xb1: {  	v9, _, _ =	vpop (xrf0)  }
0xb2: {  	(v2sf) =	vpush v9, $0xF;
	_ =	sdelay $0xe  }
0xb3: {  	s31 =	spop (v2sf)  }
0xb4: {  	p0 =	sgt.f32 s31, $0.0e+00  }
.Ltmp8:
0xb5: {  	_ = 	snop;
	(pc) =	sbr.rel @!p0 .LBB2_9-.Ltmp8, $1  }
0xb6: {  	_ =	sdelay $0x3  }
0xb7: {  	v9 =	vld [tilespmem:s20+$0xFFFFFF00];
	_ =	sdelay $0x4  }
0xb8: {  	vm0 =	vge.f32 v9, v5;
	vm1 =	vle.f32 v9, v6  }
0xb9: {  	vm0 =	vmor vm0, vm1  }
0xba: {  	v10 =	vsel vm0, $0x3F800000, v3  }
0xbb: {  	(xrf0) =	vmax.scan.msk.f32 $0xffff, v10;
	_ =	sdelay $0x5  }
0xbc: {  	v10, _, _ =	vpop (xrf0)  }
0xbd: {  	(v2sf) =	vpush v10, $0xF;
	_ =	sdelay $0x4  }
0xbe: {  	v10 =	vld [tilespmem:s20+$0xFFFFFF10];
	_ =	sdelay $0x4  }
0xbf: {  	vm14 =	vge.f32 v10, v5;
	vm15 =	vle.f32 v10, v6  }
0xc0: {  	vm0 =	vmor vm14, vm15  }
0xc1: {  	v11 =	vsel vm0, $0x3F800000, v3  }
0xc2: {  	(xrf0) =	vmax.scan.msk.f32 $0xffff, v11;
	_ =	sdelay $0x1  }
0xc3: {  	s21 =	spop (v2sf)  }
0xc4: {  	p1 =	sgt.f32 s21, $0.0e+00;
	_ =	sdelay $0x1  }
0xc5: {  	(xrf1) =	vsort.ascd.msk.f32 @p1 $0xffff, v9, v9  }
0xc6: {  	v9, _, _ =	vpop (xrf0)  }
0xc7: {  	(v2sf) =	vpush v9, $0xF;
	_ =	sdelay $0x4  }
0xc8: {  	v9 =	vld [tilespmem:s20+$0xFFFFFF20];
	_ =	sdelay $0x3  }
0xc9: {  	v11 =	vlaneseq.u32 @p1  }
0xca: {  	v11 =	vmul.u32 @p1 $0xFFFFFFFF, v11;
	vm4 =	vge.f32 v9, v5;
	vm5 =	vle.f32 v9, v6  }
0xcb: {  	vm0 =	vmor vm4, vm5  }
0xcc: {  	v11 =	vadd.s32 @p1 $0xF, v11;
	v13 =	vsel vm0, $0x3F800000, v3;
	v12, _, _ =	vpop @p1 (xrf1)  }
0xcd: {  	(xrf0) =	vmax.scan.msk.f32 $0xffff, v13;
	v11 =	vperm.xlane @p1 v12, v11;
	_ =	sdelay $0x1  }
0xce: {  	s28 =	spop (v2sf);
	v12 =	vmax.f32 @p1 v8, v11  }
0xcf: {  	v11 =	vmin.f32 @p1 v7, v11;
	p0 =	sgt.f32 s28, $0.0e+00;
	(xrf1) =	vsort.ascd.msk.f32 @p1 $0xffff, v12, v12  }
0xd0: {  	(xrf1) =	vsort.ascd.msk.f32 @p1 $0xffff, v11, v11  }
0xd1: {  	(xrf1) =	vsort.ascd.msk.f32 @p0 $0xffff, v10, v10  }
0xd2: {  	v10, _, _ =	vpop (xrf0)  }
0xd3: {  	(v2sf) =	vpush v10, $0xF;
	_ =	sdelay $0x4  }
0xd4: {  	v10 =	vld [tilespmem:s20+$0xFFFFFF30];
	_ =	sdelay $0x3  }
0xd5: {  	v11 =	vlaneseq.u32 @p0  }
0xd6: {  	v11 =	vmul.u32 @p0 $0xFFFFFFFF, v11;
	vm6 =	vge.f32 v10, v5;
	vm7 =	vle.f32 v10, v6;
	v12, _, _ =	vpop @p1 (xrf1)  }
0xd7: {  	vm0 =	vmor vm6, vm7;
	v13, _, _ =	vpop @p1 (xrf1)  }
0xd8: {  	v11 =	vadd.s32 @p0 $0xF, v11;
	v15 =	vsel vm0, $0x3F800000, v3;
	v14, _, _ =	vpop @p0 (xrf1)  }
0xd9: {  	(xrf0) =	vmax.scan.msk.f32 $0xffff, v15;
	v11 =	vperm.xlane @p0 v14, v11  }
0xda: {  	v8 =	vpsel p1, v12, v8  }
0xdb: {  	v7 =	vpsel p1, v13, v7;
	s29 =	spop (v2sf);
	v12 =	vmax.f32 @p0 v8, v11  }
0xdc: {  	v11 =	vmin.f32 @p0 v7, v11;
	p1 =	sgt.f32 s29, $0.0e+00;
	(xrf1) =	vsort.ascd.msk.f32 @p0 $0xffff, v12, v12  }
0xdd: {  	(xrf1) =	vsort.ascd.msk.f32 @p0 $0xffff, v11, v11  }
0xde: {  	(xrf1) =	vsort.ascd.msk.f32 @p1 $0xffff, v9, v9  }
0xdf: {  	v9, _, _ =	vpop (xrf0)  }
0xe0: {  	(v2sf) =	vpush v9, $0xF;
	_ =	sdelay $0x4  }
0xe1: {  	v9 =	vld [tilespmem:s20+$0xFFFFFF40];
	_ =	sdelay $0x3  }
0xe2: {  	v11 =	vlaneseq.u32 @p1  }
0xe3: {  	v11 =	vmul.u32 @p1 $0xFFFFFFFF, v11;
	vm8 =	vge.f32 v9, v5;
	vm9 =	vle.f32 v9, v6;
	v12, _, _ =	vpop @p0 (xrf1)  }
0xe4: {  	vm0 =	vmor vm8, vm9;
	v13, _, _ =	vpop @p0 (xrf1)  }
0xe5: {  	v11 =	vadd.s32 @p1 $0xF, v11;
	v36 =	vsel vm0, $0x3F800000, v3;
	v14, _, _ =	vpop @p1 (xrf1)  }
0xe6: {  	(xrf0) =	vmax.scan.msk.f32 $0xffff, v36;
	v11 =	vperm.xlane @p1 v14, v11  }
0xe7: {  	v8 =	vpsel p0, v12, v8  }
0xe8: {  	v7 =	vpsel p0, v13, v7;
	s30 =	spop (v2sf);
	v12 =	vmax.f32 @p1 v8, v11  }
0xe9: {  	v11 =	vmin.f32 @p1 v7, v11;
	p0 =	sgt.f32 s30, $0.0e+00;
	(xrf1) =	vsort.ascd.msk.f32 @p1 $0xffff, v12, v12  }
0xea: {  	(xrf1) =	vsort.ascd.msk.f32 @p1 $0xffff, v11, v11  }
0xeb: {  	(xrf1) =	vsort.ascd.msk.f32 @p0 $0xffff, v10, v10  }
0xec: {  	v10, _, _ =	vpop (xrf0)  }
0xed: {  	(v2sf) =	vpush v10, $0xF;
	_ =	sdelay $0x4  }
0xee: {  	v10 =	vld [tilespmem:s20+$0xFFFFFF50];
	_ =	sdelay $0x3  }
0xef: {  	v11 =	vlaneseq.u32 @p0  }
0xf0: {  	v11 =	vmul.u32 @p0 $0xFFFFFFFF, v11;
	vm10 =	vge.f32 v10, v5;
	vm11 =	vle.f32 v10, v6;
	v12, _, _ =	vpop @p1 (xrf1)  }
0xf1: {  	vm0 =	vmor vm10, vm11;
	v13, _, _ =	vpop @p1 (xrf1)  }
0xf2: {  	v11 =	vadd.s32 @p0 $0xF, v11;
	v37 =	vsel vm0, $0x3F800000, v3;
	v14, _, _ =	vpop @p0 (xrf1)  }
0xf3: {  	(xrf0) =	vmax.scan.msk.f32 $0xffff, v37;
	v11 =	vperm.xlane @p0 v14, v11  }
0xf4: {  	v8 =	vpsel p1, v12, v8  }
0xf5: {  	v7 =	vpsel p1, v13, v7;
	s31 =	spop (v2sf);
	v12 =	vmax.f32 @p0 v8, v11  }
0xf6: {  	v11 =	vmin.f32 @p0 v7, v11;
	p1 =	sgt.f32 s31, $0.0e+00;
	(xrf1) =	vsort.ascd.msk.f32 @p0 $0xffff, v12, v12  }
0xf7: {  	(xrf1) =	vsort.ascd.msk.f32 @p0 $0xffff, v11, v11  }
0xf8: {  	(xrf1) =	vsort.ascd.msk.f32 @p1 $0xffff, v9, v9  }
0xf9: {  	v9, _, _ =	vpop (xrf0)  }
0xfa: {  	(v2sf) =	vpush v9, $0xF;
	_ =	sdelay $0x4  }
0xfb: {  	v9 =	vld [tilespmem:s20+$0xFFFFFF60];
	_ =	sdelay $0x3  }
0xfc: {  	v11 =	vlaneseq.u32 @p1  }
0xfd: {  	v11 =	vmul.u32 @p1 $0xFFFFFFFF, v11;
	vm12 =	vge.f32 v9, v5;
	vm13 =	vle.f32 v9, v6;
	v12, _, _ =	vpop @p0 (xrf1)  }
0xfe: {  	vm0 =	vmor vm12, vm13;
	v13, _, _ =	vpop @p0 (xrf1)  }
0xff: {  	v11 =	vadd.s32 @p1 $0xF, v11;
	v38 =	vsel vm0, $0x3F800000, v3;
	v14, _, _ =	vpop @p1 (xrf1)  }
0x100: {  	(xrf0) =	vmax.scan.msk.f32 $0xffff, v38;
	v11 =	vperm.xlane @p1 v14, v11  }
0x101: {  	v8 =	vpsel p0, v12, v8  }
0x102: {  	v7 =	vpsel p0, v13, v7;
	s22 =	spop (v2sf);
	v12 =	vmax.f32 @p1 v8, v11  }
0x103: {  	v11 =	vmin.f32 @p1 v7, v11;
	p0 =	sgt.f32 s22, $0.0e+00;
	(xrf1) =	vsort.ascd.msk.f32 @p1 $0xffff, v12, v12  }
0x104: {  	(xrf1) =	vsort.ascd.msk.f32 @p1 $0xffff, v11, v11  }
0x105: {  	(xrf1) =	vsort.ascd.msk.f32 @p0 $0xffff, v10, v10  }
0x106: {  	v10, _, _ =	vpop (xrf0)  }
0x107: {  	(v2sf) =	vpush v10, $0xF;
	_ =	sdelay $0x4  }
0x108: {  	v10 =	vld [tilespmem:s20+$0xFFFFFF70];
	_ =	sdelay $0x3  }
0x109: {  	v11 =	vlaneseq.u32 @p0  }
0x10a: {  	v11 =	vmul.u32 @p0 $0xFFFFFFFF, v11;
	vm14 =	vge.f32 v10, v5;
	vm15 =	vle.f32 v10, v6;
	v12, _, _ =	vpop @p1 (xrf1)  }
0x10b: {  	vm0 =	vmor vm14, vm15;
	v13, _, _ =	vpop @p1 (xrf1)  }
0x10c: {  	v11 =	vadd.s32 @p0 $0xF, v11;
	v39 =	vsel vm0, $0x3F800000, v3;
	v14, _, _ =	vpop @p0 (xrf1)  }
0x10d: {  	(xrf0) =	vmax.scan.msk.f32 $0xffff, v39;
	v11 =	vperm.xlane @p0 v14, v11  }
0x10e: {  	v8 =	vpsel p1, v12, v8  }
0x10f: {  	v7 =	vpsel p1, v13, v7;
	s23 =	spop (v2sf);
	v12 =	vmax.f32 @p0 v8, v11  }
0x110: {  	v11 =	vmin.f32 @p0 v7, v11;
	p1 =	sgt.f32 s23, $0.0e+00;
	(xrf1) =	vsort.ascd.msk.f32 @p0 $0xffff, v12, v12  }
0x111: {  	(xrf1) =	vsort.ascd.msk.f32 @p0 $0xffff, v11, v11  }
0x112: {  	(xrf1) =	vsort.ascd.msk.f32 @p1 $0xffff, v9, v9  }
0x113: {  	v9, _, _ =	vpop (xrf0)  }
0x114: {  	(v2sf) =	vpush v9, $0xF;
	_ =	sdelay $0x4  }
0x115: {  	v9 =	vld [tilespmem:s20+$0xFFFFFF80];
	_ =	sdelay $0x3  }
0x116: {  	v11 =	vlaneseq.u32 @p1  }
0x117: {  	v11 =	vmul.u32 @p1 $0xFFFFFFFF, v11;
	vm4 =	vge.f32 v9, v5;
	vm5 =	vle.f32 v9, v6;
	v12, _, _ =	vpop @p0 (xrf1)  }
0x118: {  	vm0 =	vmor vm4, vm5;
	v13, _, _ =	vpop @p0 (xrf1)  }
0x119: {  	v11 =	vadd.s32 @p1 $0xF, v11;
	v40 =	vsel vm0, $0x3F800000, v3;
	v14, _, _ =	vpop @p1 (xrf1)  }
0x11a: {  	(xrf0) =	vmax.scan.msk.f32 $0xffff, v40;
	v11 =	vperm.xlane @p1 v14, v11  }
0x11b: {  	v8 =	vpsel p0, v12, v8  }
0x11c: {  	v7 =	vpsel p0, v13, v7;
	s24 =	spop (v2sf);
	v12 =	vmax.f32 @p1 v8, v11  }
0x11d: {  	v11 =	vmin.f32 @p1 v7, v11;
	p0 =	sgt.f32 s24, $0.0e+00;
	(xrf1) =	vsort.ascd.msk.f32 @p1 $0xffff, v12, v12  }
0x11e: {  	(xrf1) =	vsort.ascd.msk.f32 @p1 $0xffff, v11, v11  }
0x11f: {  	(xrf1) =	vsort.ascd.msk.f32 @p0 $0xffff, v10, v10  }
0x120: {  	v10, _, _ =	vpop (xrf0)  }
0x121: {  	(v2sf) =	vpush v10, $0xF;
	_ =	sdelay $0x4  }
0x122: {  	v10 =	vld [tilespmem:s20+$0xFFFFFF90];
	_ =	sdelay $0x3  }
0x123: {  	v11 =	vlaneseq.u32 @p0  }
0x124: {  	v11 =	vmul.u32 @p0 $0xFFFFFFFF, v11;
	vm6 =	vge.f32 v10, v5;
	vm7 =	vle.f32 v10, v6;
	v12, _, _ =	vpop @p1 (xrf1)  }
0x125: {  	vm0 =	vmor vm6, vm7;
	v13, _, _ =	vpop @p1 (xrf1)  }
0x126: {  	v11 =	vadd.s32 @p0 $0xF, v11;
	v41 =	vsel vm0, $0x3F800000, v3;
	v14, _, _ =	vpop @p0 (xrf1)  }
0x127: {  	(xrf0) =	vmax.scan.msk.f32 $0xffff, v41;
	v11 =	vperm.xlane @p0 v14, v11  }
0x128: {  	v8 =	vpsel p1, v12, v8  }
0x129: {  	v7 =	vpsel p1, v13, v7;
	s25 =	spop (v2sf);
	v12 =	vmax.f32 @p0 v8, v11  }
0x12a: {  	v11 =	vmin.f32 @p0 v7, v11;
	p1 =	sgt.f32 s25, $0.0e+00;
	(xrf1) =	vsort.ascd.msk.f32 @p0 $0xffff, v12, v12  }
0x12b: {  	(xrf1) =	vsort.ascd.msk.f32 @p0 $0xffff, v11, v11  }
0x12c: {  	(xrf1) =	vsort.ascd.msk.f32 @p1 $0xffff, v9, v9  }
0x12d: {  	v9, _, _ =	vpop (xrf0)  }
0x12e: {  	(v2sf) =	vpush v9, $0xF;
	_ =	sdelay $0x4  }
0x12f: {  	v9 =	vld [tilespmem:s20+$0xFFFFFFA0];
	_ =	sdelay $0x3  }
0x130: {  	v11 =	vlaneseq.u32 @p1  }
0x131: {  	v11 =	vmul.u32 @p1 $0xFFFFFFFF, v11;
	vm8 =	vge.f32 v9, v5;
	vm9 =	vle.f32 v9, v6;
	v12, _, _ =	vpop @p0 (xrf1)  }
0x132: {  	vm0 =	vmor vm8, vm9;
	v13, _, _ =	vpop @p0 (xrf1)  }
0x133: {  	v11 =	vadd.s32 @p1 $0xF, v11;
	v42 =	vsel vm0, $0x3F800000, v3;
	v14, _, _ =	vpop @p1 (xrf1)  }
0x134: {  	(xrf0) =	vmax.scan.msk.f32 $0xffff, v42;
	v11 =	vperm.xlane @p1 v14, v11  }
0x135: {  	v8 =	vpsel p0, v12, v8  }
0x136: {  	v7 =	vpsel p0, v13, v7;
	s26 =	spop (v2sf);
	v12 =	vmax.f32 @p1 v8, v11  }
0x137: {  	v11 =	vmin.f32 @p1 v7, v11;
	p0 =	sgt.f32 s26, $0.0e+00;
	(xrf1) =	vsort.ascd.msk.f32 @p1 $0xffff, v12, v12  }
0x138: {  	(xrf1) =	vsort.ascd.msk.f32 @p1 $0xffff, v11, v11  }
0x139: {  	(xrf1) =	vsort.ascd.msk.f32 @p0 $0xffff, v10, v10  }
0x13a: {  	v10, _, _ =	vpop (xrf0)  }
0x13b: {  	(v2sf) =	vpush v10, $0xF;
	_ =	sdelay $0x4  }
0x13c: {  	v10 =	vld [tilespmem:s20+$0xFFFFFFB0];
	_ =	sdelay $0x3  }
0x13d: {  	v11 =	vlaneseq.u32 @p0  }
0x13e: {  	v11 =	vmul.u32 @p0 $0xFFFFFFFF, v11;
	vm10 =	vge.f32 v10, v5;
	vm11 =	vle.f32 v10, v6;
	v12, _, _ =	vpop @p1 (xrf1)  }
0x13f: {  	vm0 =	vmor vm10, vm11;
	v13, _, _ =	vpop @p1 (xrf1)  }
0x140: {  	v11 =	vadd.s32 @p0 $0xF, v11;
	v43 =	vsel vm0, $0x3F800000, v3;
	v14, _, _ =	vpop @p0 (xrf1)  }
0x141: {  	(xrf0) =	vmax.scan.msk.f32 $0xffff, v43;
	v11 =	vperm.xlane @p0 v14, v11  }
0x142: {  	v8 =	vpsel p1, v12, v8  }
0x143: {  	v7 =	vpsel p1, v13, v7;
	s28 =	spop (v2sf);
	v12 =	vmax.f32 @p0 v8, v11  }
0x144: {  	v11 =	vmin.f32 @p0 v7, v11;
	p1 =	sgt.f32 s28, $0.0e+00;
	(xrf1) =	vsort.ascd.msk.f32 @p0 $0xffff, v12, v12  }
0x145: {  	(xrf1) =	vsort.ascd.msk.f32 @p0 $0xffff, v11, v11  }
0x146: {  	(xrf1) =	vsort.ascd.msk.f32 @p1 $0xffff, v9, v9  }
0x147: {  	v9, _, _ =	vpop (xrf0)  }
0x148: {  	(v2sf) =	vpush v9, $0xF;
	_ =	sdelay $0x4  }
0x149: {  	v9 =	vld [tilespmem:s20+$0xFFFFFFC0];
	_ =	sdelay $0x3  }
0x14a: {  	v11 =	vlaneseq.u32 @p1  }
0x14b: {  	v11 =	vmul.u32 @p1 $0xFFFFFFFF, v11;
	vm12 =	vge.f32 v9, v5;
	vm13 =	vle.f32 v9, v6;
	v12, _, _ =	vpop @p0 (xrf1)  }
0x14c: {  	vm0 =	vmor vm12, vm13;
	v13, _, _ =	vpop @p0 (xrf1)  }
0x14d: {  	v11 =	vadd.s32 @p1 $0xF, v11;
	v44 =	vsel vm0, $0x3F800000, v3;
	v14, _, _ =	vpop @p1 (xrf1)  }
0x14e: {  	(xrf0) =	vmax.scan.msk.f32 $0xffff, v44;
	v11 =	vperm.xlane @p1 v14, v11  }
0x14f: {  	v8 =	vpsel p0, v12, v8  }
0x150: {  	v7 =	vpsel p0, v13, v7;
	s29 =	spop (v2sf);
	v12 =	vmax.f32 @p1 v8, v11  }
0x151: {  	v11 =	vmin.f32 @p1 v7, v11;
	p0 =	sgt.f32 s29, $0.0e+00;
	(xrf1) =	vsort.ascd.msk.f32 @p1 $0xffff, v12, v12  }
0x152: {  	(xrf1) =	vsort.ascd.msk.f32 @p1 $0xffff, v11, v11  }
0x153: {  	(xrf1) =	vsort.ascd.msk.f32 @p0 $0xffff, v10, v10  }
0x154: {  	v10, _, _ =	vpop (xrf0)  }
0x155: {  	(v2sf) =	vpush v10, $0xF;
	_ =	sdelay $0x4  }
0x156: {  	v10 =	vld [tilespmem:s20+$0xFFFFFFD0];
	_ =	sdelay $0x3  }
0x157: {  	v11 =	vlaneseq.u32 @p0  }
0x158: {  	v11 =	vmul.u32 @p0 $0xFFFFFFFF, v11;
	vm14 =	vge.f32 v10, v5;
	vm15 =	vle.f32 v10, v6;
	v12, _, _ =	vpop @p1 (xrf1)  }
0x159: {  	vm0 =	vmor vm14, vm15;
	v13, _, _ =	vpop @p1 (xrf1)  }
0x15a: {  	v11 =	vadd.s32 @p0 $0xF, v11;
	v45 =	vsel vm0, $0x3F800000, v3;
	v14, _, _ =	vpop @p0 (xrf1)  }
0x15b: {  	(xrf0) =	vmax.scan.msk.f32 $0xffff, v45;
	v11 =	vperm.xlane @p0 v14, v11  }
0x15c: {  	v8 =	vpsel p1, v12, v8  }
0x15d: {  	v7 =	vpsel p1, v13, v7;
	s30 =	spop (v2sf);
	v12 =	vmax.f32 @p0 v8, v11  }
0x15e: {  	v11 =	vmin.f32 @p0 v7, v11;
	p1 =	sgt.f32 s30, $0.0e+00;
	(xrf1) =	vsort.ascd.msk.f32 @p0 $0xffff, v12, v12  }
0x15f: {  	(xrf1) =	vsort.ascd.msk.f32 @p0 $0xffff, v11, v11  }
0x160: {  	(xrf1) =	vsort.ascd.msk.f32 @p1 $0xffff, v9, v9  }
0x161: {  	v9, _, _ =	vpop (xrf0)  }
0x162: {  	(v2sf) =	vpush v9, $0xF;
	_ =	sdelay $0x4  }
0x163: {  	v9 =	vld [tilespmem:s20+$0xFFFFFFE0];
	_ =	sdelay $0x3  }
0x164: {  	v11 =	vlaneseq.u32 @p1  }
0x165: {  	v11 =	vmul.u32 @p1 $0xFFFFFFFF, v11;
	vm4 =	vge.f32 v9, v5;
	vm5 =	vle.f32 v9, v6;
	v12, _, _ =	vpop @p0 (xrf1)  }
0x166: {  	vm0 =	vmor vm4, vm5;
	v13, _, _ =	vpop @p0 (xrf1)  }
0x167: {  	v11 =	vadd.s32 @p1 $0xF, v11;
	v46 =	vsel vm0, $0x3F800000, v3;
	v14, _, _ =	vpop @p1 (xrf1)  }
0x168: {  	(xrf0) =	vmax.scan.msk.f32 $0xffff, v46;
	v11 =	vperm.xlane @p1 v14, v11  }
0x169: {  	v8 =	vpsel p0, v12, v8  }
0x16a: {  	v7 =	vpsel p0, v13, v7;
	s31 =	spop (v2sf);
	v12 =	vmax.f32 @p1 v8, v11  }
0x16b: {  	v11 =	vmin.f32 @p1 v7, v11;
	p0 =	sgt.f32 s31, $0.0e+00;
	(xrf1) =	vsort.ascd.msk.f32 @p1 $0xffff, v12, v12  }
0x16c: {  	(xrf1) =	vsort.ascd.msk.f32 @p1 $0xffff, v11, v11  }
0x16d: {  	(xrf1) =	vsort.ascd.msk.f32 @p0 $0xffff, v10, v10  }
0x16e: {  	v10, _, _ =	vpop (xrf0)  }
0x16f: {  	(v2sf) =	vpush v10, $0xF;
	_ =	sdelay $0x4  }
0x170: {  	v10 =	vld [tilespmem:s20+$0xFFFFFFF0];
	_ =	sdelay $0x3  }
0x171: {  	v11 =	vlaneseq.u32 @p0  }
0x172: {  	v11 =	vmul.u32 @p0 $0xFFFFFFFF, v11;
	vm6 =	vge.f32 v10, v5;
	vm7 =	vle.f32 v10, v6;
	v12, _, _ =	vpop @p1 (xrf1)  }
0x173: {  	vm0 =	vmor vm6, vm7;
	v13, _, _ =	vpop @p1 (xrf1)  }
0x174: {  	v11 =	vadd.s32 @p0 $0xF, v11;
	v47 =	vsel vm0, $0x3F800000, v3;
	v14, _, _ =	vpop @p0 (xrf1)  }
0x175: {  	(xrf0) =	vmax.scan.msk.f32 $0xffff, v47;
	v11 =	vperm.xlane @p0 v14, v11  }
0x176: {  	v8 =	vpsel p1, v12, v8  }
0x177: {  	v7 =	vpsel p1, v13, v7;
	s22 =	spop (v2sf);
	v12 =	vmax.f32 @p0 v8, v11  }
0x178: {  	v11 =	vmin.f32 @p0 v7, v11;
	p1 =	sgt.f32 s22, $0.0e+00;
	(xrf1) =	vsort.ascd.msk.f32 @p0 $0xffff, v12, v12  }
0x179: {  	(xrf1) =	vsort.ascd.msk.f32 @p0 $0xffff, v11, v11  }
0x17a: {  	(xrf1) =	vsort.ascd.msk.f32 @p1 $0xffff, v9, v9  }
0x17b: {  	v9, _, _ =	vpop (xrf0)  }
0x17c: {  	(v2sf) =	vpush v9, $0xF;
	_ =	sdelay $0x4  }
0x17d: {  	v9 =	vld [tilespmem:s20+$0x0];
	_ =	sdelay $0x3  }
0x17e: {  	v11 =	vlaneseq.u32 @p1  }
0x17f: {  	v11 =	vmul.u32 @p1 $0xFFFFFFFF, v11;
	vm8 =	vge.f32 v9, v5;
	vm9 =	vle.f32 v9, v6;
	v12, _, _ =	vpop @p0 (xrf1)  }
0x180: {  	vm0 =	vmor vm8, vm9;
	v13, _, _ =	vpop @p0 (xrf1)  }
0x181: {  	v11 =	vadd.s32 @p1 $0xF, v11;
	v48 =	vsel vm0, $0x3F800000, v3;
	v14, _, _ =	vpop @p1 (xrf1)  }
0x182: {  	(xrf0) =	vmax.scan.msk.f32 $0xffff, v48;
	v11 =	vperm.xlane @p1 v14, v11  }
0x183: {  	v8 =	vpsel p0, v12, v8  }
0x184: {  	v7 =	vpsel p0, v13, v7;
	s23 =	spop (v2sf);
	v12 =	vmax.f32 @p1 v8, v11  }
0x185: {  	v11 =	vmin.f32 @p1 v7, v11;
	p0 =	sgt.f32 s23, $0.0e+00;
	(xrf1) =	vsort.ascd.msk.f32 @p1 $0xffff, v12, v12  }
0x186: {  	(xrf1) =	vsort.ascd.msk.f32 @p1 $0xffff, v11, v11  }
0x187: {  	(xrf1) =	vsort.ascd.msk.f32 @p0 $0xffff, v10, v10  }
0x188: {  	v10, _, _ =	vpop (xrf0)  }
0x189: {  	(v2sf) =	vpush v10, $0xF;
	_ =	sdelay $0x4  }
0x18a: {  	v10 =	vld [tilespmem:s20+$0x10];
	_ =	sdelay $0x3  }
0x18b: {  	v11 =	vlaneseq.u32 @p0  }
0x18c: {  	v11 =	vmul.u32 @p0 $0xFFFFFFFF, v11;
	vm10 =	vge.f32 v10, v5;
	vm11 =	vle.f32 v10, v6;
	v12, _, _ =	vpop @p1 (xrf1)  }
0x18d: {  	vm0 =	vmor vm10, vm11;
	v13, _, _ =	vpop @p1 (xrf1)  }
0x18e: {  	v11 =	vadd.s32 @p0 $0xF, v11;
	v49 =	vsel vm0, $0x3F800000, v3;
	v14, _, _ =	vpop @p0 (xrf1)  }
0x18f: {  	(xrf0) =	vmax.scan.msk.f32 $0xffff, v49;
	v11 =	vperm.xlane @p0 v14, v11  }
0x190: {  	v8 =	vpsel p1, v12, v8  }
0x191: {  	v7 =	vpsel p1, v13, v7;
	s24 =	spop (v2sf);
	v12 =	vmax.f32 @p0 v8, v11  }
0x192: {  	v11 =	vmin.f32 @p0 v7, v11;
	p1 =	sgt.f32 s24, $0.0e+00;
	(xrf1) =	vsort.ascd.msk.f32 @p0 $0xffff, v12, v12  }
0x193: {  	(xrf1) =	vsort.ascd.msk.f32 @p0 $0xffff, v11, v11  }
0x194: {  	(xrf1) =	vsort.ascd.msk.f32 @p1 $0xffff, v9, v9  }
0x195: {  	v9, _, _ =	vpop (xrf0)  }
0x196: {  	(v2sf) =	vpush v9, $0xF;
	_ =	sdelay $0x4  }
0x197: {  	v9 =	vld [tilespmem:s20+$0x20];
	_ =	sdelay $0x3  }
0x198: {  	v11 =	vlaneseq.u32 @p1  }
0x199: {  	v11 =	vmul.u32 @p1 $0xFFFFFFFF, v11;
	vm12 =	vge.f32 v9, v5;
	vm13 =	vle.f32 v9, v6;
	v12, _, _ =	vpop @p0 (xrf1)  }
0x19a: {  	vm0 =	vmor vm12, vm13;
	v13, _, _ =	vpop @p0 (xrf1)  }
0x19b: {  	v11 =	vadd.s32 @p1 $0xF, v11;
	v50 =	vsel vm0, $0x3F800000, v3;
	v14, _, _ =	vpop @p1 (xrf1)  }
0x19c: {  	(xrf0) =	vmax.scan.msk.f32 $0xffff, v50;
	v11 =	vperm.xlane @p1 v14, v11  }
0x19d: {  	v8 =	vpsel p0, v12, v8  }
0x19e: {  	v7 =	vpsel p0, v13, v7;
	s25 =	spop (v2sf);
	v12 =	vmax.f32 @p1 v8, v11  }
0x19f: {  	v11 =	vmin.f32 @p1 v7, v11;
	p0 =	sgt.f32 s25, $0.0e+00;
	(xrf1) =	vsort.ascd.msk.f32 @p1 $0xffff, v12, v12  }
0x1a0: {  	(xrf1) =	vsort.ascd.msk.f32 @p1 $0xffff, v11, v11  }
0x1a1: {  	(xrf1) =	vsort.ascd.msk.f32 @p0 $0xffff, v10, v10  }
0x1a2: {  	v10, _, _ =	vpop (xrf0)  }
0x1a3: {  	(v2sf) =	vpush v10, $0xF;
	_ =	sdelay $0x4  }
0x1a4: {  	v10 =	vld [tilespmem:s20+$0x30];
	_ =	sdelay $0x3  }
0x1a5: {  	v11 =	vlaneseq.u32 @p0  }
0x1a6: {  	v11 =	vmul.u32 @p0 $0xFFFFFFFF, v11;
	vm14 =	vge.f32 v10, v5;
	vm15 =	vle.f32 v10, v6;
	v12, _, _ =	vpop @p1 (xrf1)  }
0x1a7: {  	vm0 =	vmor vm14, vm15;
	v13, _, _ =	vpop @p1 (xrf1)  }
0x1a8: {  	v11 =	vadd.s32 @p0 $0xF, v11;
	v51 =	vsel vm0, $0x3F800000, v3;
	v14, _, _ =	vpop @p0 (xrf1)  }
0x1a9: {  	(xrf0) =	vmax.scan.msk.f32 $0xffff, v51;
	v11 =	vperm.xlane @p0 v14, v11  }
0x1aa: {  	v8 =	vpsel p1, v12, v8  }
0x1ab: {  	v7 =	vpsel p1, v13, v7;
	s26 =	spop (v2sf);
	v12 =	vmax.f32 @p0 v8, v11  }
0x1ac: {  	v11 =	vmin.f32 @p0 v7, v11;
	p1 =	sgt.f32 s26, $0.0e+00;
	(xrf1) =	vsort.ascd.msk.f32 @p0 $0xffff, v12, v12  }
0x1ad: {  	(xrf1) =	vsort.ascd.msk.f32 @p0 $0xffff, v11, v11  }
0x1ae: {  	(xrf1) =	vsort.ascd.msk.f32 @p1 $0xffff, v9, v9  }
0x1af: {  	v9, _, _ =	vpop (xrf0)  }
0x1b0: {  	(v2sf) =	vpush v9, $0xF;
	_ =	sdelay $0x4  }
0x1b1: {  	v9 =	vld [tilespmem:s20+$0x40];
	_ =	sdelay $0x3  }
0x1b2: {  	v11 =	vlaneseq.u32 @p1  }
0x1b3: {  	v11 =	vmul.u32 @p1 $0xFFFFFFFF, v11;
	vm4 =	vge.f32 v9, v5;
	vm5 =	vle.f32 v9, v6;
	v12, _, _ =	vpop @p0 (xrf1)  }
0x1b4: {  	vm0 =	vmor vm4, vm5;
	v13, _, _ =	vpop @p0 (xrf1)  }
0x1b5: {  	v11 =	vadd.s32 @p1 $0xF, v11;
	v52 =	vsel vm0, $0x3F800000, v3;
	v14, _, _ =	vpop @p1 (xrf1)  }
0x1b6: {  	(xrf0) =	vmax.scan.msk.f32 $0xffff, v52;
	v11 =	vperm.xlane @p1 v14, v11  }
0x1b7: {  	v8 =	vpsel p0, v12, v8  }
0x1b8: {  	v7 =	vpsel p0, v13, v7;
	s28 =	spop (v2sf);
	v12 =	vmax.f32 @p1 v8, v11  }
0x1b9: {  	v11 =	vmin.f32 @p1 v7, v11;
	p0 =	sgt.f32 s28, $0.0e+00;
	(xrf1) =	vsort.ascd.msk.f32 @p1 $0xffff, v12, v12  }
0x1ba: {  	(xrf1) =	vsort.ascd.msk.f32 @p1 $0xffff, v11, v11  }
0x1bb: {  	(xrf1) =	vsort.ascd.msk.f32 @p0 $0xffff, v10, v10  }
0x1bc: {  	v10, _, _ =	vpop (xrf0)  }
0x1bd: {  	(v2sf) =	vpush v10, $0xF;
	_ =	sdelay $0x4  }
0x1be: {  	v10 =	vld [tilespmem:s20+$0x50];
	_ =	sdelay $0x3  }
0x1bf: {  	v11 =	vlaneseq.u32 @p0  }
0x1c0: {  	v11 =	vmul.u32 @p0 $0xFFFFFFFF, v11;
	vm6 =	vge.f32 v10, v5;
	vm7 =	vle.f32 v10, v6;
	v12, _, _ =	vpop @p1 (xrf1)  }
0x1c1: {  	vm0 =	vmor vm6, vm7;
	v13, _, _ =	vpop @p1 (xrf1)  }
0x1c2: {  	v11 =	vadd.s32 @p0 $0xF, v11;
	v53 =	vsel vm0, $0x3F800000, v3;
	v14, _, _ =	vpop @p0 (xrf1)  }
0x1c3: {  	(xrf0) =	vmax.scan.msk.f32 $0xffff, v53;
	v11 =	vperm.xlane @p0 v14, v11  }
0x1c4: {  	v8 =	vpsel p1, v12, v8  }
0x1c5: {  	v7 =	vpsel p1, v13, v7;
	s29 =	spop (v2sf);
	v12 =	vmax.f32 @p0 v8, v11  }
0x1c6: {  	v11 =	vmin.f32 @p0 v7, v11;
	p1 =	sgt.f32 s29, $0.0e+00;
	(xrf1) =	vsort.ascd.msk.f32 @p0 $0xffff, v12, v12  }
0x1c7: {  	(xrf1) =	vsort.ascd.msk.f32 @p0 $0xffff, v11, v11  }
0x1c8: {  	(xrf1) =	vsort.ascd.msk.f32 @p1 $0xffff, v9, v9  }
0x1c9: {  	v9, _, _ =	vpop (xrf0)  }
0x1ca: {  	(v2sf) =	vpush v9, $0xF;
	_ =	sdelay $0x4  }
0x1cb: {  	v9 =	vld [tilespmem:s20+$0x60];
	_ =	sdelay $0x3  }
0x1cc: {  	v11 =	vlaneseq.u32 @p1  }
0x1cd: {  	v11 =	vmul.u32 @p1 $0xFFFFFFFF, v11;
	vm8 =	vge.f32 v9, v5;
	vm9 =	vle.f32 v9, v6;
	v12, _, _ =	vpop @p0 (xrf1)  }
0x1ce: {  	vm0 =	vmor vm8, vm9;
	v13, _, _ =	vpop @p0 (xrf1)  }
0x1cf: {  	v11 =	vadd.s32 @p1 $0xF, v11;
	v54 =	vsel vm0, $0x3F800000, v3;
	v14, _, _ =	vpop @p1 (xrf1)  }
0x1d0: {  	(xrf0) =	vmax.scan.msk.f32 $0xffff, v54;
	v11 =	vperm.xlane @p1 v14, v11  }
0x1d1: {  	v8 =	vpsel p0, v12, v8  }
0x1d2: {  	v7 =	vpsel p0, v13, v7;
	s30 =	spop (v2sf);
	v12 =	vmax.f32 @p1 v8, v11  }
0x1d3: {  	v11 =	vmin.f32 @p1 v7, v11;
	p0 =	sgt.f32 s30, $0.0e+00;
	(xrf1) =	vsort.ascd.msk.f32 @p1 $0xffff, v12, v12  }
0x1d4: {  	(xrf1) =	vsort.ascd.msk.f32 @p1 $0xffff, v11, v11  }
0x1d5: {  	(xrf1) =	vsort.ascd.msk.f32 @p0 $0xffff, v10, v10  }
0x1d6: {  	v10, _, _ =	vpop (xrf0)  }
0x1d7: {  	(v2sf) =	vpush v10, $0xF;
	_ =	sdelay $0x4  }
0x1d8: {  	v10 =	vld [tilespmem:s20+$0x70];
	_ =	sdelay $0x3  }
0x1d9: {  	v11 =	vlaneseq.u32 @p0  }
0x1da: {  	v11 =	vmul.u32 @p0 $0xFFFFFFFF, v11;
	vm10 =	vge.f32 v10, v5;
	vm11 =	vle.f32 v10, v6;
	v12, _, _ =	vpop @p1 (xrf1)  }
0x1db: {  	vm0 =	vmor vm10, vm11;
	v13, _, _ =	vpop @p1 (xrf1)  }
0x1dc: {  	v11 =	vadd.s32 @p0 $0xF, v11;
	v55 =	vsel vm0, $0x3F800000, v3;
	v14, _, _ =	vpop @p0 (xrf1)  }
0x1dd: {  	(xrf0) =	vmax.scan.msk.f32 $0xffff, v55;
	v11 =	vperm.xlane @p0 v14, v11  }
0x1de: {  	v8 =	vpsel p1, v12, v8  }
0x1df: {  	v7 =	vpsel p1, v13, v7;
	s31 =	spop (v2sf);
	v12 =	vmax.f32 @p0 v8, v11  }
0x1e0: {  	v11 =	vmin.f32 @p0 v7, v11;
	p1 =	sgt.f32 s31, $0.0e+00;
	(xrf1) =	vsort.ascd.msk.f32 @p0 $0xffff, v12, v12  }
0x1e1: {  	(xrf1) =	vsort.ascd.msk.f32 @p0 $0xffff, v11, v11  }
0x1e2: {  	(xrf1) =	vsort.ascd.msk.f32 @p1 $0xffff, v9, v9  }
0x1e3: {  	v9, _, _ =	vpop (xrf0)  }
0x1e4: {  	(v2sf) =	vpush v9, $0xF;
	_ =	sdelay $0x4  }
0x1e5: {  	v9 =	vld [tilespmem:s20+$0x80];
	_ =	sdelay $0x3  }
0x1e6: {  	v11 =	vlaneseq.u32 @p1  }
0x1e7: {  	v11 =	vmul.u32 @p1 $0xFFFFFFFF, v11;
	vm12 =	vge.f32 v9, v5;
	vm13 =	vle.f32 v9, v6;
	v12, _, _ =	vpop @p0 (xrf1)  }
0x1e8: {  	vm0 =	vmor vm12, vm13;
	v13, _, _ =	vpop @p0 (xrf1)  }
0x1e9: {  	v11 =	vadd.s32 @p1 $0xF, v11;
	v56 =	vsel vm0, $0x3F800000, v3;
	v14, _, _ =	vpop @p1 (xrf1)  }
0x1ea: {  	(xrf0) =	vmax.scan.msk.f32 $0xffff, v56;
	v11 =	vperm.xlane @p1 v14, v11  }
0x1eb: {  	v8 =	vpsel p0, v12, v8  }
0x1ec: {  	v7 =	vpsel p0, v13, v7;
	s22 =	spop (v2sf);
	v12 =	vmax.f32 @p1 v8, v11  }
0x1ed: {  	v11 =	vmin.f32 @p1 v7, v11;
	p0 =	sgt.f32 s22, $0.0e+00;
	(xrf1) =	vsort.ascd.msk.f32 @p1 $0xffff, v12, v12  }
0x1ee: {  	(xrf1) =	vsort.ascd.msk.f32 @p1 $0xffff, v11, v11  }
0x1ef: {  	(xrf1) =	vsort.ascd.msk.f32 @p0 $0xffff, v10, v10  }
0x1f0: {  	v10, _, _ =	vpop (xrf0)  }
0x1f1: {  	(v2sf) =	vpush v10, $0xF;
	_ =	sdelay $0x4  }
0x1f2: {  	v10 =	vld [tilespmem:s20+$0x90];
	_ =	sdelay $0x3  }
0x1f3: {  	v11 =	vlaneseq.u32 @p0  }
0x1f4: {  	v11 =	vmul.u32 @p0 $0xFFFFFFFF, v11;
	vm14 =	vge.f32 v10, v5;
	vm15 =	vle.f32 v10, v6;
	v12, _, _ =	vpop @p1 (xrf1)  }
0x1f5: {  	vm0 =	vmor vm14, vm15;
	v13, _, _ =	vpop @p1 (xrf1)  }
0x1f6: {  	v11 =	vadd.s32 @p0 $0xF, v11;
	v57 =	vsel vm0, $0x3F800000, v3;
	v14, _, _ =	vpop @p0 (xrf1)  }
0x1f7: {  	(xrf0) =	vmax.scan.msk.f32 $0xffff, v57;
	v11 =	vperm.xlane @p0 v14, v11  }
0x1f8: {  	v8 =	vpsel p1, v12, v8  }
0x1f9: {  	v7 =	vpsel p1, v13, v7;
	s23 =	spop (v2sf);
	v12 =	vmax.f32 @p0 v8, v11  }
0x1fa: {  	v11 =	vmin.f32 @p0 v7, v11;
	p1 =	sgt.f32 s23, $0.0e+00;
	(xrf1) =	vsort.ascd.msk.f32 @p0 $0xffff, v12, v12  }
0x1fb: {  	(xrf1) =	vsort.ascd.msk.f32 @p0 $0xffff, v11, v11  }
0x1fc: {  	(xrf1) =	vsort.ascd.msk.f32 @p1 $0xffff, v9, v9  }
0x1fd: {  	v9, _, _ =	vpop (xrf0)  }
0x1fe: {  	(v2sf) =	vpush v9, $0xF;
	_ =	sdelay $0x4  }
0x1ff: {  	v9 =	vld [tilespmem:s20+$0xA0];
	_ =	sdelay $0x3  }
0x200: {  	v11 =	vlaneseq.u32 @p1  }
0x201: {  	v11 =	vmul.u32 @p1 $0xFFFFFFFF, v11;
	vm4 =	vge.f32 v9, v5;
	vm5 =	vle.f32 v9, v6;
	v12, _, _ =	vpop @p0 (xrf1)  }
0x202: {  	vm0 =	vmor vm4, vm5;
	v13, _, _ =	vpop @p0 (xrf1)  }
0x203: {  	v11 =	vadd.s32 @p1 $0xF, v11;
	v58 =	vsel vm0, $0x3F800000, v3;
	v14, _, _ =	vpop @p1 (xrf1)  }
0x204: {  	(xrf0) =	vmax.scan.msk.f32 $0xffff, v58;
	v11 =	vperm.xlane @p1 v14, v11  }
0x205: {  	v8 =	vpsel p0, v12, v8  }
0x206: {  	v7 =	vpsel p0, v13, v7;
	s24 =	spop (v2sf);
	v12 =	vmax.f32 @p1 v8, v11  }
0x207: {  	v11 =	vmin.f32 @p1 v7, v11;
	p0 =	sgt.f32 s24, $0.0e+00;
	(xrf1) =	vsort.ascd.msk.f32 @p1 $0xffff, v12, v12  }
0x208: {  	(xrf1) =	vsort.ascd.msk.f32 @p1 $0xffff, v11, v11  }
0x209: {  	(xrf1) =	vsort.ascd.msk.f32 @p0 $0xffff, v10, v10  }
0x20a: {  	v10, _, _ =	vpop (xrf0)  }
0x20b: {  	(v2sf) =	vpush v10, $0xF;
	_ =	sdelay $0x4  }
0x20c: {  	v10 =	vld [tilespmem:s20+$0xB0];
	_ =	sdelay $0x3  }
0x20d: {  	v11 =	vlaneseq.u32 @p0  }
0x20e: {  	v11 =	vmul.u32 @p0 $0xFFFFFFFF, v11;
	vm6 =	vge.f32 v10, v5;
	vm7 =	vle.f32 v10, v6;
	v12, _, _ =	vpop @p1 (xrf1)  }
0x20f: {  	vm0 =	vmor vm6, vm7;
	v13, _, _ =	vpop @p1 (xrf1)  }
0x210: {  	v11 =	vadd.s32 @p0 $0xF, v11;
	v59 =	vsel vm0, $0x3F800000, v3;
	v14, _, _ =	vpop @p0 (xrf1)  }
0x211: {  	(xrf0) =	vmax.scan.msk.f32 $0xffff, v59;
	v11 =	vperm.xlane @p0 v14, v11  }
0x212: {  	v8 =	vpsel p1, v12, v8  }
0x213: {  	v7 =	vpsel p1, v13, v7;
	s25 =	spop (v2sf);
	v12 =	vmax.f32 @p0 v8, v11  }
0x214: {  	v11 =	vmin.f32 @p0 v7, v11;
	p1 =	sgt.f32 s25, $0.0e+00;
	(xrf1) =	vsort.ascd.msk.f32 @p0 $0xffff, v12, v12  }
0x215: {  	(xrf1) =	vsort.ascd.msk.f32 @p0 $0xffff, v11, v11  }
0x216: {  	(xrf1) =	vsort.ascd.msk.f32 @p1 $0xffff, v9, v9  }
0x217: {  	v9, _, _ =	vpop (xrf0)  }
0x218: {  	(v2sf) =	vpush v9, $0xF;
	_ =	sdelay $0x4  }
0x219: {  	v9 =	vld [tilespmem:s20+$0xC0];
	_ =	sdelay $0x3  }
0x21a: {  	v11 =	vlaneseq.u32 @p1  }
0x21b: {  	v11 =	vmul.u32 @p1 $0xFFFFFFFF, v11;
	vm8 =	vge.f32 v9, v5;
	vm9 =	vle.f32 v9, v6;
	v12, _, _ =	vpop @p0 (xrf1)  }
0x21c: {  	vm0 =	vmor vm8, vm9;
	v13, _, _ =	vpop @p0 (xrf1)  }
0x21d: {  	v11 =	vadd.s32 @p1 $0xF, v11;
	v60 =	vsel vm0, $0x3F800000, v3;
	v14, _, _ =	vpop @p1 (xrf1)  }
0x21e: {  	(xrf0) =	vmax.scan.msk.f32 $0xffff, v60;
	v11 =	vperm.xlane @p1 v14, v11  }
0x21f: {  	v8 =	vpsel p0, v12, v8  }
0x220: {  	v7 =	vpsel p0, v13, v7;
	s26 =	spop (v2sf);
	v12 =	vmax.f32 @p1 v8, v11  }
0x221: {  	v11 =	vmin.f32 @p1 v7, v11;
	p0 =	sgt.f32 s26, $0.0e+00;
	(xrf1) =	vsort.ascd.msk.f32 @p1 $0xffff, v12, v12  }
0x222: {  	(xrf1) =	vsort.ascd.msk.f32 @p1 $0xffff, v11, v11  }
0x223: {  	(xrf1) =	vsort.ascd.msk.f32 @p0 $0xffff, v10, v10  }
0x224: {  	v10, _, _ =	vpop (xrf0)  }
0x225: {  	(v2sf) =	vpush v10, $0xF;
	_ =	sdelay $0x4  }
0x226: {  	v10 =	vld [tilespmem:s20+$0xD0];
	_ =	sdelay $0x3  }
0x227: {  	v11 =	vlaneseq.u32 @p0  }
0x228: {  	v11 =	vmul.u32 @p0 $0xFFFFFFFF, v11;
	vm10 =	vge.f32 v10, v5;
	vm11 =	vle.f32 v10, v6;
	v12, _, _ =	vpop @p1 (xrf1)  }
0x229: {  	vm0 =	vmor vm10, vm11;
	v13, _, _ =	vpop @p1 (xrf1)  }
0x22a: {  	v11 =	vadd.s32 @p0 $0xF, v11;
	v61 =	vsel vm0, $0x3F800000, v3;
	v14, _, _ =	vpop @p0 (xrf1)  }
0x22b: {  	(xrf0) =	vmax.scan.msk.f32 $0xffff, v61;
	v11 =	vperm.xlane @p0 v14, v11  }
0x22c: {  	v8 =	vpsel p1, v12, v8  }
0x22d: {  	v7 =	vpsel p1, v13, v7;
	s28 =	spop (v2sf);
	v12 =	vmax.f32 @p0 v8, v11  }
0x22e: {  	v11 =	vmin.f32 @p0 v7, v11;
	p1 =	sgt.f32 s28, $0.0e+00;
	(xrf1) =	vsort.ascd.msk.f32 @p0 $0xffff, v12, v12  }
0x22f: {  	(xrf1) =	vsort.ascd.msk.f32 @p0 $0xffff, v11, v11  }
0x230: {  	(xrf1) =	vsort.ascd.msk.f32 @p1 $0xffff, v9, v9  }
0x231: {  	v9, _, _ =	vpop (xrf0)  }
0x232: {  	(v2sf) =	vpush v9, $0xF;
	_ =	sdelay $0x4  }
0x233: {  	v9 =	vld [tilespmem:s20+$0xE0];
	_ =	sdelay $0x3  }
0x234: {  	v11 =	vlaneseq.u32 @p1  }
0x235: {  	v11 =	vmul.u32 @p1 $0xFFFFFFFF, v11;
	vm12 =	vge.f32 v9, v5;
	vm13 =	vle.f32 v9, v6;
	v12, _, _ =	vpop @p0 (xrf1)  }
0x236: {  	vm0 =	vmor vm12, vm13;
	v13, _, _ =	vpop @p0 (xrf1)  }
0x237: {  	v11 =	vadd.s32 @p1 $0xF, v11;
	v62 =	vsel vm0, $0x3F800000, v3;
	v14, _, _ =	vpop @p1 (xrf1)  }
0x238: {  	(xrf0) =	vmax.scan.msk.f32 $0xffff, v62;
	v11 =	vperm.xlane @p1 v14, v11  }
0x239: {  	v8 =	vpsel p0, v12, v8  }
0x23a: {  	v7 =	vpsel p0, v13, v7;
	s29 =	spop (v2sf);
	v12 =	vmax.f32 @p1 v8, v11  }
0x23b: {  	v11 =	vmin.f32 @p1 v7, v11;
	p0 =	sgt.f32 s29, $0.0e+00;
	(xrf1) =	vsort.ascd.msk.f32 @p1 $0xffff, v12, v12  }
0x23c: {  	(xrf1) =	vsort.ascd.msk.f32 @p1 $0xffff, v11, v11  }
0x23d: {  	(xrf1) =	vsort.ascd.msk.f32 @p0 $0xffff, v10, v10  }
0x23e: {  	v10, _, _ =	vpop (xrf0)  }
0x23f: {  	(v2sf) =	vpush v10, $0xF;
	_ =	sdelay $0x4  }
0x240: {  	v10 =	vld [tilespmem:s20+$0xF0];
	_ =	sdelay $0x3  }
0x241: {  	v11 =	vlaneseq.u32 @p0  }
0x242: {  	v11 =	vmul.u32 @p0 $0xFFFFFFFF, v11;
	vm14 =	vge.f32 v10, v5;
	vm15 =	vle.f32 v10, v6;
	v12, _, _ =	vpop @p1 (xrf1)  }
0x243: {  	vm0 =	vmor vm14, vm15;
	v13, _, _ =	vpop @p1 (xrf1)  }
0x244: {  	v11 =	vadd.s32 @p0 $0xF, v11;
	v63 =	vsel vm0, $0x3F800000, v3;
	v14, _, _ =	vpop @p0 (xrf1)  }
0x245: {  	(xrf0) =	vmax.scan.msk.f32 $0xffff, v63;
	v11 =	vperm.xlane @p0 v14, v11  }
0x246: {  	v8 =	vpsel p1, v12, v8  }
0x247: {  	v7 =	vpsel p1, v13, v7;
	s30 =	spop (v2sf);
	v12 =	vmax.f32 @p0 v8, v11  }
0x248: {  	v11 =	vmin.f32 @p0 v7, v11;
	p1 =	sgt.f32 s30, $0.0e+00;
	(xrf1) =	vsort.ascd.msk.f32 @p0 $0xffff, v12, v12  }
0x249: {  	(xrf1) =	vsort.ascd.msk.f32 @p0 $0xffff, v11, v11  }
0x24a: {  	(xrf1) =	vsort.ascd.msk.f32 @p1 $0xffff, v9, v9  }
0x24b: {  	v9, _, _ =	vpop (xrf0)  }
0x24c: {  	(v2sf) =	vpush v9, $0xF;
	_ =	sdelay $0x8  }
0x24d: {  	v9 =	vlaneseq.u32 @p1  }
0x24e: {  	v9 =	vmul.u32 @p1 $0xFFFFFFFF, v9;
	v11, _, _ =	vpop @p0 (xrf1)  }
0x24f: {  	v12, _, _ =	vpop @p0 (xrf1)  }
0x250: {  	v9 =	vadd.s32 @p1 $0xF, v9;
	v13, _, _ =	vpop @p1 (xrf1)  }
0x251: {  	v9 =	vperm.xlane @p1 v13, v9  }
0x252: {  	v8 =	vpsel p0, v11, v8  }
0x253: {  	v7 =	vpsel p0, v12, v7;
	s31 =	spop (v2sf);
	v11 =	vmax.f32 @p1 v8, v9  }
0x254: {  	v9 =	vmin.f32 @p1 v7, v9;
	p0 =	sgt.f32 s31, $0.0e+00;
	(xrf1) =	vsort.ascd.msk.f32 @p1 $0xffff, v11, v11  }
0x255: {  	(xrf1) =	vsort.ascd.msk.f32 @p1 $0xffff, v9, v9  }
0x256: {  	(xrf1) =	vsort.ascd.msk.f32 @p0 $0xffff, v10, v10;
	_ =	sdelay $0xa  }
0x257: {  	v9 =	vlaneseq.u32 @p0  }
0x258: {  	v9 =	vmul.u32 @p0 $0xFFFFFFFF, v9;
	v10, _, _ =	vpop @p1 (xrf1)  }
0x259: {  	v11, _, _ =	vpop @p1 (xrf1)  }
0x25a: {  	v9 =	vadd.s32 @p0 $0xF, v9;
	v12, _, _ =	vpop @p0 (xrf1)  }
0x25b: {  	v9 =	vperm.xlane @p0 v12, v9  }
0x25c: {  	v8 =	vpsel p1, v10, v8  }
0x25d: {  	v7 =	vpsel p1, v11, v7;
	v10 =	vmax.f32 @p0 v8, v9  }
0x25e: {  	v9 =	vmin.f32 @p0 v7, v9;
	(xrf1) =	vsort.ascd.msk.f32 @p0 $0xffff, v10, v10  }
0x25f: {  	(xrf1) =	vsort.ascd.msk.f32 @p0 $0xffff, v9, v9;
	_ =	sdelay $0xa  }
.Ltmp9:
0x260: {  	_ = 	snop;
	(pc) =	sbr.rel .LBB2_9-.Ltmp9, $4  }
0x261: {  	_ = 	snop  }
0x262: {  	v9, _, _ =	vpop @p0 (xrf1)  }
0x263: {  	v10, _, _ =	vpop @p0 (xrf1)  }
0x264: {  	v8 =	vpsel p0, v9, v8;
	v7 =	vpsel p0, v10, v7  }
.LBB2_10:
0x265: {  	s18 =	sshll.u32 s16, $0x5  }
0x266: {  	[tilespmem:$0x19500] =	vst v8;
	s29 =	sshll.u32 s19, $0x4;
	s30 =	smin.u32 s19, $0x2FD;
	s20 =	sand.u32 $0x60, s18  }
0x267: {  	[tilespmem:$0x19510] =	vst v7;
	s18 =	sand.u32 $0xFFFFF80, s29;
	s19 =	sadd.s32 $0x2, s30;
	s20 =	sadd.s32 s5, s20  }
0x268: {  	[tilespmem:$0x19520] =	vst v4;
	s21 =	simm.s32 $0x0;
	s31 =	sshrl.u32 s19, $0x3;
	s20 =	sadd.s32 s18, s20  }
0x269: {  	[hbm4b:s20+s21] =	stream.linear.scatter [tilespmem:s12], [sflag:$0x3], $0x80, $0x38;
	[tilespmem:$0x19580] =	vst v63  }
0x26a: {  	s19 =	sshll.u32 s19, $0x7;
	s20 =	smul.u32 $0x62000, s31  }
0x26b: {  	s19 =	sand.u32 $0x380, s19  }
0x26c: {  	_ =	swait.ge [sflag:s13], $0x80;
	s19 =	sor.u32 s19, s20  }
0x26d: {  	[sflag:s13] =	ssyncset.done $0x0;
	s19 =	sshrl.u32 s19, $0x3  }
0x26e: {  	[sflag:s13] =	ssyncadd.s32 $0xFFFFFF80;
	s19 =	sadd.s32 s4, s19  }
0x26f: {  	[tilespmem:s21], [sflag:$0x1] =	stream.strided.gather [hbm4b:s19+s8], $0xC400, s9, s8, $0x38;
	[tilespmem:$0x19580] =	vst v63  }
0x270: {  	_ =	swait.ge [sflag:s14], $0xC400  }
0x271: {  	[sflag:s14] =	ssyncset.done $0x0  }
0x272: {  	s19 =	simm.s32 $0xC500;
	[sflag:s14] =	ssyncadd.s32 $0xFFFF3C00  }
0x273: {  	v4 =	vld [tilespmem:s19+$0xFFFFFF00]  }
0x274: {  	v5 =	vld [tilespmem:s19+$0xFFFFFF10]  }
0x275: {  	v6 =	vld [tilespmem:s19+$0xFFFFFF20]  }
0x276: {  	v7 =	vld [tilespmem:s19+$0xFFFFFF30]  }
0x277: {  	v8 =	vld [tilespmem:s19+$0xFFFFFF40]  }
0x278: {  	v9 =	vimm.f32 $0.0e+00;
	v10 =	vld [tilespmem:s19+$0xFFFFFF50]  }
0x279: {  	v12 =	vld [tilespmem:s19+$0xFFFFFF60];
	v9 =	vadd.f32 v4, v9;
	v11 =	vmax.f32 v4, v5  }
0x27a: {  	v50 =	vld [tilespmem:s19+$0xFFFFFF70];
	v13 =	vadd.f32 $0.0e+00, v5;
	v4 =	vmin.f32 v4, v5;
	v5 =	vmax.f32 v11, v6  }
0x27b: {  	v4 =	vmin.f32 v4, v6;
	v9 =	vadd.f32 v6, v9;
	v5 =	vmax.f32 v5, v7;
	v6 =	vld [tilespmem:s19+$0xFFFFFF80]  }
0x27c: {  	v13 =	vadd.f32 v7, v13;
	v4 =	vmin.f32 v4, v7;
	v7 =	vld [tilespmem:s19+$0xFFFFFF90];
	v5 =	vmax.f32 v5, v8  }
0x27d: {  	v4 =	vmin.f32 v4, v8;
	v9 =	vadd.f32 v8, v9;
	v5 =	vmax.f32 v5, v10;
	v8 =	vld [tilespmem:s19+$0xFFFFFFA0]  }
0x27e: {  	v51 =	vld [tilespmem:s19+$0xFFFFFFB0];
	v13 =	vadd.f32 v10, v13;
	v4 =	vmin.f32 v4, v10;
	v5 =	vmax.f32 v5, v12  }
0x27f: {  	v52 =	vld [tilespmem:s19+$0xFFFFFFC0];
	v4 =	vmin.f32 v4, v12;
	v9 =	vadd.f32 v12, v9;
	v5 =	vmax.f32 v5, v50  }
0x280: {  	v53 =	vld [tilespmem:s19+$0xFFFFFFD0];
	v13 =	vadd.f32 v50, v13;
	v4 =	vmin.f32 v4, v50;
	v5 =	vmax.f32 v5, v6  }
0x281: {  	v4 =	vmin.f32 v4, v6;
	v9 =	vadd.f32 v6, v9;
	v5 =	vmax.f32 v5, v7;
	v6 =	vld [tilespmem:s19+$0xFFFFFFE0]  }
0x282: {  	v13 =	vadd.f32 v7, v13;
	v4 =	vmin.f32 v4, v7;
	v7 =	vld [tilespmem:s19+$0xFFFFFFF0];
	v5 =	vmax.f32 v5, v8  }
0x283: {  	v4 =	vmin.f32 v4, v8;
	v9 =	vadd.f32 v8, v9;
	v5 =	vmax.f32 v5, v51;
	v8 =	vld [tilespmem:s19+$0x0]  }
0x284: {  	v54 =	vld [tilespmem:s19+$0x10];
	v13 =	vadd.f32 v51, v13;
	v4 =	vmin.f32 v4, v51;
	v5 =	vmax.f32 v5, v52  }
0x285: {  	v55 =	vld [tilespmem:s19+$0x20];
	v4 =	vmin.f32 v4, v52;
	v9 =	vadd.f32 v52, v9;
	v5 =	vmax.f32 v5, v53  }
0x286: {  	v56 =	vld [tilespmem:s19+$0x30];
	v13 =	vadd.f32 v53, v13;
	v4 =	vmin.f32 v4, v53;
	v5 =	vmax.f32 v5, v6  }
0x287: {  	v4 =	vmin.f32 v4, v6;
	v9 =	vadd.f32 v6, v9;
	v5 =	vmax.f32 v5, v7;
	v6 =	vld [tilespmem:s19+$0x40]  }
0x288: {  	v13 =	vadd.f32 v7, v13;
	v4 =	vmin.f32 v4, v7;
	v7 =	vld [tilespmem:s19+$0x50];
	v5 =	vmax.f32 v5, v8  }
0x289: {  	v4 =	vmin.f32 v4, v8;
	v9 =	vadd.f32 v8, v9;
	v5 =	vmax.f32 v5, v54;
	v8 =	vld [tilespmem:s19+$0x60]  }
0x28a: {  	v57 =	vld [tilespmem:s19+$0x70];
	v13 =	vadd.f32 v54, v13;
	v4 =	vmin.f32 v4, v54;
	v5 =	vmax.f32 v5, v55  }
0x28b: {  	v58 =	vld [tilespmem:s19+$0x80];
	v4 =	vmin.f32 v4, v55;
	v9 =	vadd.f32 v55, v9;
	v5 =	vmax.f32 v5, v56  }
0x28c: {  	v59 =	vld [tilespmem:s19+$0x90];
	v13 =	vadd.f32 v56, v13;
	v4 =	vmin.f32 v4, v56;
	v5 =	vmax.f32 v5, v6  }
0x28d: {  	v4 =	vmin.f32 v4, v6;
	v9 =	vadd.f32 v6, v9;
	v5 =	vmax.f32 v5, v7;
	v6 =	vld [tilespmem:s19+$0xA0]  }
0x28e: {  	v13 =	vadd.f32 v7, v13;
	v4 =	vmin.f32 v4, v7;
	v7 =	vld [tilespmem:s19+$0xB0];
	v5 =	vmax.f32 v5, v8  }
0x28f: {  	v4 =	vmin.f32 v4, v8;
	v9 =	vadd.f32 v8, v9;
	v5 =	vmax.f32 v5, v57;
	v8 =	vld [tilespmem:s19+$0xC0]  }
0x290: {  	v60 =	vld [tilespmem:s19+$0xD0];
	v13 =	vadd.f32 v57, v13;
	v4 =	vmin.f32 v4, v57;
	v5 =	vmax.f32 v5, v58  }
0x291: {  	v61 =	vld [tilespmem:s19+$0xE0];
	v4 =	vmin.f32 v4, v58;
	v9 =	vadd.f32 v58, v9;
	v5 =	vmax.f32 v5, v59  }
0x292: {  	v62 =	vld [tilespmem:s19+$0xF0];
	v13 =	vadd.f32 v59, v13;
	v4 =	vmin.f32 v4, v59;
	v5 =	vmax.f32 v5, v6  }
0x293: {  	v4 =	vmin.f32 v4, v6;
	v9 =	vadd.f32 v6, v9;
	v5 =	vmax.f32 v5, v7  }
0x294: {  	v6 =	vadd.f32 v7, v13;
	v4 =	vmin.f32 v4, v7;
	v5 =	vmax.f32 v5, v8  }
0x295: {  	v4 =	vmin.f32 v4, v8;
	v7 =	vadd.f32 v8, v9;
	v5 =	vmax.f32 v5, v60  }
0x296: {  	v6 =	vadd.f32 v60, v6;
	v4 =	vmin.f32 v4, v60;
	v5 =	vmax.f32 v5, v61  }
0x297: {  	s21 =	simm.s32 $0x0;
	v8 =	vmin.f32 v4, v61;
	v63 =	vmax.f32 v5, v62  }
0x298: {  	s20 =	simm.s32 $0x40;
	v4 =	vadd.f32 v61, v7;
	v5 =	vadd.f32 v62, v6;
	v6 =	vmin.f32 v8, v62;
	[tilespmem:s21+$0x18800] =	vst v63  }
.LBB2_11:
0x299: {  	p0 =	sne.s32 s20, $0x1840  }
0x29a: {  	[tilespmem:s21+$0x18E80] =	vst v6;
	v4 =	vadd.f32 v5, v4;
	s19 =	sadd.s32 $0x200, s19;
	s21 =	smov.u32 s20;
	s20 =	sadd.s32 $0x40, s20  }
0x29b: {  	v5 =	vld [tilespmem:s19+$0xFFFFFF00]  }
0x29c: {  	v6 =	vld [tilespmem:s19+$0xFFFFFF10]  }
0x29d: {  	v7 =	vld [tilespmem:s19+$0xFFFFFF20]  }
0x29e: {  	v8 =	vld [tilespmem:s19+$0xFFFFFF30]  }
0x29f: {  	v9 =	vld [tilespmem:s19+$0xFFFFFF40]  }
0x2a0: {  	v4 =	vadd.f32 v5, v4;
	v10 =	vld [tilespmem:s19+$0xFFFFFF50]  }
0x2a1: {  	v11 =	vadd.f32 $0.0e+00, v6;
	v12 =	vmax.f32 v5, v6;
	v5 =	vmin.f32 v5, v6;
	v6 =	vld [tilespmem:s19+$0xFFFFFF60]  }
0x2a2: {  	v4 =	vadd.f32 v7, v4;
	v12 =	vmax.f32 v12, v7;
	v5 =	vmin.f32 v5, v7;
	v7 =	vld [tilespmem:s19+$0xFFFFFF70]  }
0x2a3: {  	v11 =	vadd.f32 v8, v11;
	v12 =	vmax.f32 v12, v8;
	v5 =	vmin.f32 v5, v8;
	v8 =	vld [tilespmem:s19+$0xFFFFFF80]  }
0x2a4: {  	v4 =	vadd.f32 v9, v4;
	v12 =	vmax.f32 v12, v9;
	v5 =	vmin.f32 v5, v9;
	v9 =	vld [tilespmem:s19+$0xFFFFFF90]  }
0x2a5: {  	v11 =	vadd.f32 v10, v11;
	v12 =	vmax.f32 v12, v10;
	v5 =	vmin.f32 v5, v10;
	v10 =	vld [tilespmem:s19+$0xFFFFFFA0]  }
0x2a6: {  	v4 =	vadd.f32 v6, v4;
	v12 =	vmax.f32 v12, v6;
	v5 =	vmin.f32 v5, v6;
	v6 =	vld [tilespmem:s19+$0xFFFFFFB0]  }
0x2a7: {  	v11 =	vadd.f32 v7, v11;
	v12 =	vmax.f32 v12, v7;
	v5 =	vmin.f32 v5, v7;
	v7 =	vld [tilespmem:s19+$0xFFFFFFC0]  }
0x2a8: {  	v4 =	vadd.f32 v8, v4;
	v12 =	vmax.f32 v12, v8;
	v5 =	vmin.f32 v5, v8;
	v8 =	vld [tilespmem:s19+$0xFFFFFFD0]  }
0x2a9: {  	v11 =	vadd.f32 v9, v11;
	v12 =	vmax.f32 v12, v9;
	v5 =	vmin.f32 v5, v9;
	v9 =	vld [tilespmem:s19+$0xFFFFFFE0]  }
0x2aa: {  	v4 =	vadd.f32 v10, v4;
	v12 =	vmax.f32 v12, v10;
	v5 =	vmin.f32 v5, v10;
	v10 =	vld [tilespmem:s19+$0xFFFFFFF0]  }
0x2ab: {  	v11 =	vadd.f32 v6, v11;
	v12 =	vmax.f32 v12, v6;
	v5 =	vmin.f32 v5, v6;
	v6 =	vld [tilespmem:s19+$0x0]  }
0x2ac: {  	v4 =	vadd.f32 v7, v4;
	v12 =	vmax.f32 v12, v7;
	v5 =	vmin.f32 v5, v7;
	v7 =	vld [tilespmem:s19+$0x10]  }
0x2ad: {  	v11 =	vadd.f32 v8, v11;
	v12 =	vmax.f32 v12, v8;
	v5 =	vmin.f32 v5, v8;
	v8 =	vld [tilespmem:s19+$0x20]  }
0x2ae: {  	v4 =	vadd.f32 v9, v4;
	v12 =	vmax.f32 v12, v9;
	v5 =	vmin.f32 v5, v9;
	v9 =	vld [tilespmem:s19+$0x30]  }
0x2af: {  	v11 =	vadd.f32 v10, v11;
	v12 =	vmax.f32 v12, v10;
	v5 =	vmin.f32 v5, v10;
	v10 =	vld [tilespmem:s19+$0x40]  }
0x2b0: {  	v4 =	vadd.f32 v6, v4;
	v12 =	vmax.f32 v12, v6;
	v5 =	vmin.f32 v5, v6;
	v6 =	vld [tilespmem:s19+$0x50]  }
0x2b1: {  	v11 =	vadd.f32 v7, v11;
	v12 =	vmax.f32 v12, v7;
	v5 =	vmin.f32 v5, v7;
	v7 =	vld [tilespmem:s19+$0x60]  }
0x2b2: {  	v4 =	vadd.f32 v8, v4;
	v12 =	vmax.f32 v12, v8;
	v5 =	vmin.f32 v5, v8;
	v8 =	vld [tilespmem:s19+$0x70]  }
0x2b3: {  	v11 =	vadd.f32 v9, v11;
	v12 =	vmax.f32 v12, v9;
	v5 =	vmin.f32 v5, v9;
	v9 =	vld [tilespmem:s19+$0x80]  }
0x2b4: {  	v4 =	vadd.f32 v10, v4;
	v12 =	vmax.f32 v12, v10;
	v5 =	vmin.f32 v5, v10;
	v10 =	vld [tilespmem:s19+$0x90]  }
0x2b5: {  	v11 =	vadd.f32 v6, v11;
	v12 =	vmax.f32 v12, v6;
	v5 =	vmin.f32 v5, v6;
	v6 =	vld [tilespmem:s19+$0xA0]  }
0x2b6: {  	v4 =	vadd.f32 v7, v4;
	v12 =	vmax.f32 v12, v7;
	v5 =	vmin.f32 v5, v7;
	v7 =	vld [tilespmem:s19+$0xB0]  }
0x2b7: {  	v11 =	vadd.f32 v8, v11;
	v12 =	vmax.f32 v12, v8;
	v5 =	vmin.f32 v5, v8;
	v8 =	vld [tilespmem:s19+$0xC0]  }
0x2b8: {  	v4 =	vadd.f32 v9, v4;
	v12 =	vmax.f32 v12, v9;
	v5 =	vmin.f32 v5, v9;
	v9 =	vld [tilespmem:s19+$0xD0]  }
0x2b9: {  	v11 =	vadd.f32 v10, v11;
	v12 =	vmax.f32 v12, v10;
	v5 =	vmin.f32 v5, v10;
	v10 =	vld [tilespmem:s19+$0xE0]  }
0x2ba: {  	v4 =	vadd.f32 v6, v4;
	v12 =	vmax.f32 v12, v6;
	v5 =	vmin.f32 v5, v6;
	v6 =	vld [tilespmem:s19+$0xF0]  }
0x2bb: {  	v11 =	vadd.f32 v7, v11;
	v12 =	vmax.f32 v12, v7;
	v5 =	vmin.f32 v5, v7  }
.Ltmp10:
0x2bc: {  	v4 =	vadd.f32 v8, v4;
	v7 =	vmax.f32 v12, v8;
	v5 =	vmin.f32 v5, v8;
	(pc) =	sbr.rel @p0 .LBB2_11-.Ltmp10, $4  }
0x2bd: {  	v8 =	vadd.f32 v9, v11;
	v7 =	vmax.f32 v7, v9;
	v5 =	vmin.f32 v5, v9  }
0x2be: {  	v7 =	vmax.f32 v7, v10;
	v9 =	vmin.f32 v5, v10  }
0x2bf: {  	s21 =	sshra.s32 s21, $0x2;
	v4 =	vadd.f32 v10, v4;
	v5 =	vadd.f32 v6, v8;
	v7 =	vmax.f32 v7, v6  }
0x2c0: {  	v6 =	vmin.f32 v9, v6;
	[tilespmem:s21+$0x18800] =	vst v7  }
0x2c1: {  	[tilespmem:s21+$0x18E80] =	vst v6;
	s19 =	simm.s32 $0x0  }
0x2c2: {  	v6 =	vld [tilespmem:s19+$0x18800]  }
0x2c3: {  	v7 =	vld [tilespmem:s19+$0x18E80];
	_ =	sdelay $0x3  }
0x2c4: {  	(xrf1) =	vsort.ascd.msk.f32 $0xffff, v6, v6  }
0x2c5: {  	(xrf1) =	vsort.ascd.msk.f32 $0xffff, v7, v7;
	_ =	sdelay $0x8  }
0x2c6: {  	s31 =	simm.s32 $0x10  }
0x2c7: {  	v6 =	vld [tilespmem:s31+$0x18800]  }
0x2c8: {  	v7 =	vld [tilespmem:s31+$0x18E80];
	_ =	sdelay $0x1  }
0x2c9: {  	v8, _, _ =	vpop (xrf1)  }
0x2ca: {  	v8 =	vperm.xlane v8, v0;
	v9, _, _ =	vpop (xrf1)  }
0x2cb: {  	v10 =	vimm.f32 $-3.000000010e+38;
	(xrf1) =	vsort.ascd.msk.f32 $0xffff, v6, v6;
	v6 =	vperm.xlane v9, v0  }
0x2cc: {  	v63 =	vimm.f32 $3.000000010e+38;
	(xrf1) =	vsort.ascd.msk.f32 $0xffff, v7, v7;
	v7 =	vmax.f32 v10, v8  }
0x2cd: {  	v6 =	vmin.f32 v63, v6;
	(xrf1) =	vsort.ascd.msk.f32 $0xffff, v7, v7  }
0x2ce: {  	(xrf1) =	vsort.ascd.msk.f32 $0xffff, v6, v6;
	_ =	sdelay $0x6  }
0x2cf: {  	s20 =	simm.s32 $0x20  }
0x2d0: {  	v4 =	vadd.f32 v5, v4;
	v5 =	vld [tilespmem:s20+$0x18800];
	s19 =	simm.s32 $0xC0  }
.LBB2_13:
0x2d1: {  	p0 =	sne.s32 s19, $0x1840;
	v6 =	vld [tilespmem:s20+$0x18E80];
	_ =	sdelay $0x1  }
0x2d2: {  	v7, _, _ =	vpop (xrf1)  }
0x2d3: {  	v9 =	vperm.xlane v7, v0;
	v8, _, _ =	vpop (xrf1)  }
0x2d4: {  	(xrf1) =	vsort.ascd.msk.f32 $0xffff, v5, v5;
	v5 =	vperm.xlane v8, v0;
	v8, _, _ =	vpop (xrf1)  }
0x2d5: {  	(xrf1) =	vsort.ascd.msk.f32 $0xffff, v6, v6;
	v6 =	vmax.f32 v8, v9;
	v7, _, _ =	vpop (xrf1)  }
0x2d6: {  	v5 =	vmin.f32 v7, v5;
	(xrf1) =	vsort.ascd.msk.f32 $0xffff, v6, v6  }
0x2d7: {  	(xrf1) =	vsort.ascd.msk.f32 $0xffff, v5, v5;
	_ =	sdelay $0x3  }
.Ltmp11:
0x2d8: {  	(pc) =	sbr.rel @p0 .LBB2_13-.Ltmp11, $3  }
0x2d9: {  	_ =	sdelay $0x1  }
0x2da: {  	s20 =	sshra.s32 s19, $0x2  }
0x2db: {  	s19 =	sadd.s32 $0x40, s19;
	v5 =	vld [tilespmem:s20+$0x18800]  }
0x2dc: {  	_ =	sdelay $0x1  }
0x2dd: {  	v6 =	vld [tilespmem:s20+$0x18E80];
	v7, _, _ =	vpop (xrf1)  }
0x2de: {  	v7 =	vperm.xlane v7, v0;
	_ =	sdelay $0x1  }
0x2df: {  	v8, _, _ =	vpop (xrf1)  }
0x2e0: {  	(xrf1) =	vsort.ascd.msk.f32 $0xffff, v5, v5;
	v5 =	vperm.xlane v8, v0;
	v8, _, _ =	vpop (xrf1)  }
0x2e1: {  	(xrf1) =	vsort.ascd.msk.f32 $0xffff, v6, v6;
	v6 =	vmax.f32 v8, v7;
	v7, _, _ =	vpop (xrf1)  }
0x2e2: {  	(xrf1) =	vsort.ascd.msk.f32 $0xffff, v6, v6;
	v5 =	vmin.f32 v7, v5  }
0x2e3: {  	(xrf1) =	vsort.ascd.msk.f32 $0xffff, v5, v5;
	_ =	sdelay $0xa  }
0x2e4: {  	v5, _, _ =	vpop (xrf1)  }
0x2e5: {  	v5 =	vperm.xlane v5, v0;
	v6, _, _ =	vpop (xrf1)  }
0x2e6: {  	v6 =	vperm.xlane v6, v0;
	v7, _, _ =	vpop (xrf1)  }
0x2e7: {  	v5 =	vmax.f32 v7, v5;
	v7, _, _ =	vpop (xrf1)  }
0x2e8: {  	(xrf1) =	vsort.ascd.msk.f32 $0xffff, v5, v5;
	v6 =	vmin.f32 v7, v6  }
0x2e9: {  	(xrf1) =	vsort.ascd.msk.f32 $0xffff, v6, v6;
	_ =	sdelay $0xa  }
.Ltmp12:
0x2ea: {  	_ = 	snop;
	(pc) =	sbr.rel .LBB2_15-.Ltmp12, $4  }
0x2eb: {  	_ = 	snop  }
0x2ec: {  	v5, _, _ =	vpop (xrf1)  }
0x2ed: {  	v8 =	vimm.f32 $-3.000000010e+38;
	v6, _, _ =	vpop (xrf1)  }
0x2ee: {  	s19 =	simm.s32 $0x0;
	s20 =	simm.s32 $0xC500;
	v7 =	vimm.f32 $3.000000010e+38;
	v5 =	vperm.xlane v5, v1;
	v6 =	vperm.xlane v6, v2  }
.LBB2_17:
0x2ef: {  	s19 =	sadd.s32 $0x40, s19  }
0x2f0: {  	p0 =	sne.s32 s19, $0x1880  }
.Ltmp13:
0x2f1: {  	_ = 	snop;
	(pc) =	sbr.rel @!p0 .LBB2_18-.Ltmp13, $2  }
0x2f2: {  	_ =	sdelay $0x2  }
0x2f3: {  	s20 =	sadd.s32 $0x200, s20  }
.LBB2_15:
0x2f4: {  	s21 =	sshra.s32 s19, $0x2  }
0x2f5: {  	v9 =	vld [tilespmem:s21+$0x18800]  }
0x2f6: {  	v10 =	vld [tilespmem:s21+$0x18E80];
	_ =	sdelay $0x4  }
0x2f7: {  	vm0 =	vge.f32 v9, v5;
	vm1 =	vle.f32 v10, v6  }
0x2f8: {  	vm0 =	vmor vm0, vm1  }
0x2f9: {  	v9 =	vsel vm0, $0x3F800000, v3  }
0x2fa: {  	(xrf0) =	vmax.scan.msk.f32 $0xffff, v9;
	_ =	sdelay $0x5  }
0x2fb: {  	v9, _, _ =	vpop (xrf0)  }
0x2fc: {  	(v2sf) =	vpush v9, $0xF;
	_ =	sdelay $0xe  }
0x2fd: {  	s31 =	spop (v2sf)  }
0x2fe: {  	p0 =	sgt.f32 s31, $0.0e+00  }
.Ltmp14:
0x2ff: {  	_ = 	snop;
	(pc) =	sbr.rel @!p0 .LBB2_17-.Ltmp14, $1  }
0x300: {  	_ =	sdelay $0x3  }
0x301: {  	v9 =	vld [tilespmem:s20+$0xFFFFFF00];
	_ =	sdelay $0x4  }
0x302: {  	vm0 =	vge.f32 v9, v5;
	vm1 =	vle.f32 v9, v6  }
0x303: {  	vm0 =	vmor vm0, vm1  }
0x304: {  	v10 =	vsel vm0, $0x3F800000, v3  }
0x305: {  	(xrf0) =	vmax.scan.msk.f32 $0xffff, v10;
	_ =	sdelay $0x5  }
0x306: {  	v10, _, _ =	vpop (xrf0)  }
0x307: {  	(v2sf) =	vpush v10, $0xF;
	_ =	sdelay $0x4  }
0x308: {  	v10 =	vld [tilespmem:s20+$0xFFFFFF10];
	_ =	sdelay $0x4  }
0x309: {  	vm14 =	vge.f32 v10, v5;
	vm15 =	vle.f32 v10, v6  }
0x30a: {  	vm0 =	vmor vm14, vm15  }
0x30b: {  	v11 =	vsel vm0, $0x3F800000, v3  }
0x30c: {  	(xrf0) =	vmax.scan.msk.f32 $0xffff, v11;
	_ =	sdelay $0x1  }
0x30d: {  	s21 =	spop (v2sf)  }
0x30e: {  	p1 =	sgt.f32 s21, $0.0e+00;
	_ =	sdelay $0x1  }
0x30f: {  	(xrf1) =	vsort.ascd.msk.f32 @p1 $0xffff, v9, v9  }
0x310: {  	v9, _, _ =	vpop (xrf0)  }
0x311: {  	(v2sf) =	vpush v9, $0xF;
	_ =	sdelay $0x4  }
0x312: {  	v9 =	vld [tilespmem:s20+$0xFFFFFF20];
	_ =	sdelay $0x3  }
0x313: {  	v11 =	vlaneseq.u32 @p1  }
0x314: {  	v11 =	vmul.u32 @p1 $0xFFFFFFFF, v11;
	vm4 =	vge.f32 v9, v5;
	vm5 =	vle.f32 v9, v6  }
0x315: {  	vm0 =	vmor vm4, vm5  }
0x316: {  	v11 =	vadd.s32 @p1 $0xF, v11;
	v13 =	vsel vm0, $0x3F800000, v3;
	v12, _, _ =	vpop @p1 (xrf1)  }
0x317: {  	(xrf0) =	vmax.scan.msk.f32 $0xffff, v13;
	v11 =	vperm.xlane @p1 v12, v11;
	_ =	sdelay $0x1  }
0x318: {  	s28 =	spop (v2sf);
	v12 =	vmax.f32 @p1 v8, v11  }
0x319: {  	v11 =	vmin.f32 @p1 v7, v11;
	p0 =	sgt.f32 s28, $0.0e+00;
	(xrf1) =	vsort.ascd.msk.f32 @p1 $0xffff, v12, v12  }
0x31a: {  	(xrf1) =	vsort.ascd.msk.f32 @p1 $0xffff, v11, v11  }
0x31b: {  	(xrf1) =	vsort.ascd.msk.f32 @p0 $0xffff, v10, v10  }
0x31c: {  	v10, _, _ =	vpop (xrf0)  }
0x31d: {  	(v2sf) =	vpush v10, $0xF;
	_ =	sdelay $0x4  }
0x31e: {  	v10 =	vld [tilespmem:s20+$0xFFFFFF30];
	_ =	sdelay $0x3  }
0x31f: {  	v11 =	vlaneseq.u32 @p0  }
0x320: {  	v11 =	vmul.u32 @p0 $0xFFFFFFFF, v11;
	vm6 =	vge.f32 v10, v5;
	vm7 =	vle.f32 v10, v6;
	v12, _, _ =	vpop @p1 (xrf1)  }
0x321: {  	vm0 =	vmor vm6, vm7;
	v13, _, _ =	vpop @p1 (xrf1)  }
0x322: {  	v11 =	vadd.s32 @p0 $0xF, v11;
	v15 =	vsel vm0, $0x3F800000, v3;
	v14, _, _ =	vpop @p0 (xrf1)  }
0x323: {  	(xrf0) =	vmax.scan.msk.f32 $0xffff, v15;
	v11 =	vperm.xlane @p0 v14, v11  }
0x324: {  	v8 =	vpsel p1, v12, v8  }
0x325: {  	v7 =	vpsel p1, v13, v7;
	s29 =	spop (v2sf);
	v12 =	vmax.f32 @p0 v8, v11  }
0x326: {  	v11 =	vmin.f32 @p0 v7, v11;
	p1 =	sgt.f32 s29, $0.0e+00;
	(xrf1) =	vsort.ascd.msk.f32 @p0 $0xffff, v12, v12  }
0x327: {  	(xrf1) =	vsort.ascd.msk.f32 @p0 $0xffff, v11, v11  }
0x328: {  	(xrf1) =	vsort.ascd.msk.f32 @p1 $0xffff, v9, v9  }
0x329: {  	v9, _, _ =	vpop (xrf0)  }
0x32a: {  	(v2sf) =	vpush v9, $0xF;
	_ =	sdelay $0x4  }
0x32b: {  	v9 =	vld [tilespmem:s20+$0xFFFFFF40];
	_ =	sdelay $0x3  }
0x32c: {  	v11 =	vlaneseq.u32 @p1  }
0x32d: {  	v11 =	vmul.u32 @p1 $0xFFFFFFFF, v11;
	vm8 =	vge.f32 v9, v5;
	vm9 =	vle.f32 v9, v6;
	v12, _, _ =	vpop @p0 (xrf1)  }
0x32e: {  	vm0 =	vmor vm8, vm9;
	v13, _, _ =	vpop @p0 (xrf1)  }
0x32f: {  	v11 =	vadd.s32 @p1 $0xF, v11;
	v36 =	vsel vm0, $0x3F800000, v3;
	v14, _, _ =	vpop @p1 (xrf1)  }
0x330: {  	(xrf0) =	vmax.scan.msk.f32 $0xffff, v36;
	v11 =	vperm.xlane @p1 v14, v11  }
0x331: {  	v8 =	vpsel p0, v12, v8  }
0x332: {  	v7 =	vpsel p0, v13, v7;
	s30 =	spop (v2sf);
	v12 =	vmax.f32 @p1 v8, v11  }
0x333: {  	v11 =	vmin.f32 @p1 v7, v11;
	p0 =	sgt.f32 s30, $0.0e+00;
	(xrf1) =	vsort.ascd.msk.f32 @p1 $0xffff, v12, v12  }
0x334: {  	(xrf1) =	vsort.ascd.msk.f32 @p1 $0xffff, v11, v11  }
0x335: {  	(xrf1) =	vsort.ascd.msk.f32 @p0 $0xffff, v10, v10  }
0x336: {  	v10, _, _ =	vpop (xrf0)  }
0x337: {  	(v2sf) =	vpush v10, $0xF;
	_ =	sdelay $0x4  }
0x338: {  	v10 =	vld [tilespmem:s20+$0xFFFFFF50];
	_ =	sdelay $0x3  }
0x339: {  	v11 =	vlaneseq.u32 @p0  }
0x33a: {  	v11 =	vmul.u32 @p0 $0xFFFFFFFF, v11;
	vm10 =	vge.f32 v10, v5;
	vm11 =	vle.f32 v10, v6;
	v12, _, _ =	vpop @p1 (xrf1)  }
0x33b: {  	vm0 =	vmor vm10, vm11;
	v13, _, _ =	vpop @p1 (xrf1)  }
0x33c: {  	v11 =	vadd.s32 @p0 $0xF, v11;
	v37 =	vsel vm0, $0x3F800000, v3;
	v14, _, _ =	vpop @p0 (xrf1)  }
0x33d: {  	(xrf0) =	vmax.scan.msk.f32 $0xffff, v37;
	v11 =	vperm.xlane @p0 v14, v11  }
0x33e: {  	v8 =	vpsel p1, v12, v8  }
0x33f: {  	v7 =	vpsel p1, v13, v7;
	s31 =	spop (v2sf);
	v12 =	vmax.f32 @p0 v8, v11  }
0x340: {  	v11 =	vmin.f32 @p0 v7, v11;
	p1 =	sgt.f32 s31, $0.0e+00;
	(xrf1) =	vsort.ascd.msk.f32 @p0 $0xffff, v12, v12  }
0x341: {  	(xrf1) =	vsort.ascd.msk.f32 @p0 $0xffff, v11, v11  }
0x342: {  	(xrf1) =	vsort.ascd.msk.f32 @p1 $0xffff, v9, v9  }
0x343: {  	v9, _, _ =	vpop (xrf0)  }
0x344: {  	(v2sf) =	vpush v9, $0xF;
	_ =	sdelay $0x4  }
0x345: {  	v9 =	vld [tilespmem:s20+$0xFFFFFF60];
	_ =	sdelay $0x3  }
0x346: {  	v11 =	vlaneseq.u32 @p1  }
0x347: {  	v11 =	vmul.u32 @p1 $0xFFFFFFFF, v11;
	vm12 =	vge.f32 v9, v5;
	vm13 =	vle.f32 v9, v6;
	v12, _, _ =	vpop @p0 (xrf1)  }
0x348: {  	vm0 =	vmor vm12, vm13;
	v13, _, _ =	vpop @p0 (xrf1)  }
0x349: {  	v11 =	vadd.s32 @p1 $0xF, v11;
	v38 =	vsel vm0, $0x3F800000, v3;
	v14, _, _ =	vpop @p1 (xrf1)  }
0x34a: {  	(xrf0) =	vmax.scan.msk.f32 $0xffff, v38;
	v11 =	vperm.xlane @p1 v14, v11  }
0x34b: {  	v8 =	vpsel p0, v12, v8  }
0x34c: {  	v7 =	vpsel p0, v13, v7;
	s22 =	spop (v2sf);
	v12 =	vmax.f32 @p1 v8, v11  }
0x34d: {  	v11 =	vmin.f32 @p1 v7, v11;
	p0 =	sgt.f32 s22, $0.0e+00;
	(xrf1) =	vsort.ascd.msk.f32 @p1 $0xffff, v12, v12  }
0x34e: {  	(xrf1) =	vsort.ascd.msk.f32 @p1 $0xffff, v11, v11  }
0x34f: {  	(xrf1) =	vsort.ascd.msk.f32 @p0 $0xffff, v10, v10  }
0x350: {  	v10, _, _ =	vpop (xrf0)  }
0x351: {  	(v2sf) =	vpush v10, $0xF;
	_ =	sdelay $0x4  }
0x352: {  	v10 =	vld [tilespmem:s20+$0xFFFFFF70];
	_ =	sdelay $0x3  }
0x353: {  	v11 =	vlaneseq.u32 @p0  }
0x354: {  	v11 =	vmul.u32 @p0 $0xFFFFFFFF, v11;
	vm14 =	vge.f32 v10, v5;
	vm15 =	vle.f32 v10, v6;
	v12, _, _ =	vpop @p1 (xrf1)  }
0x355: {  	vm0 =	vmor vm14, vm15;
	v13, _, _ =	vpop @p1 (xrf1)  }
0x356: {  	v11 =	vadd.s32 @p0 $0xF, v11;
	v39 =	vsel vm0, $0x3F800000, v3;
	v14, _, _ =	vpop @p0 (xrf1)  }
0x357: {  	(xrf0) =	vmax.scan.msk.f32 $0xffff, v39;
	v11 =	vperm.xlane @p0 v14, v11  }
0x358: {  	v8 =	vpsel p1, v12, v8  }
0x359: {  	v7 =	vpsel p1, v13, v7;
	s23 =	spop (v2sf);
	v12 =	vmax.f32 @p0 v8, v11  }
0x35a: {  	v11 =	vmin.f32 @p0 v7, v11;
	p1 =	sgt.f32 s23, $0.0e+00;
	(xrf1) =	vsort.ascd.msk.f32 @p0 $0xffff, v12, v12  }
0x35b: {  	(xrf1) =	vsort.ascd.msk.f32 @p0 $0xffff, v11, v11  }
0x35c: {  	(xrf1) =	vsort.ascd.msk.f32 @p1 $0xffff, v9, v9  }
0x35d: {  	v9, _, _ =	vpop (xrf0)  }
0x35e: {  	(v2sf) =	vpush v9, $0xF;
	_ =	sdelay $0x4  }
0x35f: {  	v9 =	vld [tilespmem:s20+$0xFFFFFF80];
	_ =	sdelay $0x3  }
0x360: {  	v11 =	vlaneseq.u32 @p1  }
0x361: {  	v11 =	vmul.u32 @p1 $0xFFFFFFFF, v11;
	vm4 =	vge.f32 v9, v5;
	vm5 =	vle.f32 v9, v6;
	v12, _, _ =	vpop @p0 (xrf1)  }
0x362: {  	vm0 =	vmor vm4, vm5;
	v13, _, _ =	vpop @p0 (xrf1)  }
0x363: {  	v11 =	vadd.s32 @p1 $0xF, v11;
	v40 =	vsel vm0, $0x3F800000, v3;
	v14, _, _ =	vpop @p1 (xrf1)  }
0x364: {  	(xrf0) =	vmax.scan.msk.f32 $0xffff, v40;
	v11 =	vperm.xlane @p1 v14, v11  }
0x365: {  	v8 =	vpsel p0, v12, v8  }
0x366: {  	v7 =	vpsel p0, v13, v7;
	s24 =	spop (v2sf);
	v12 =	vmax.f32 @p1 v8, v11  }
0x367: {  	v11 =	vmin.f32 @p1 v7, v11;
	p0 =	sgt.f32 s24, $0.0e+00;
	(xrf1) =	vsort.ascd.msk.f32 @p1 $0xffff, v12, v12  }
0x368: {  	(xrf1) =	vsort.ascd.msk.f32 @p1 $0xffff, v11, v11  }
0x369: {  	(xrf1) =	vsort.ascd.msk.f32 @p0 $0xffff, v10, v10  }
0x36a: {  	v10, _, _ =	vpop (xrf0)  }
0x36b: {  	(v2sf) =	vpush v10, $0xF;
	_ =	sdelay $0x4  }
0x36c: {  	v10 =	vld [tilespmem:s20+$0xFFFFFF90];
	_ =	sdelay $0x3  }
0x36d: {  	v11 =	vlaneseq.u32 @p0  }
0x36e: {  	v11 =	vmul.u32 @p0 $0xFFFFFFFF, v11;
	vm6 =	vge.f32 v10, v5;
	vm7 =	vle.f32 v10, v6;
	v12, _, _ =	vpop @p1 (xrf1)  }
0x36f: {  	vm0 =	vmor vm6, vm7;
	v13, _, _ =	vpop @p1 (xrf1)  }
0x370: {  	v11 =	vadd.s32 @p0 $0xF, v11;
	v41 =	vsel vm0, $0x3F800000, v3;
	v14, _, _ =	vpop @p0 (xrf1)  }
0x371: {  	(xrf0) =	vmax.scan.msk.f32 $0xffff, v41;
	v11 =	vperm.xlane @p0 v14, v11  }
0x372: {  	v8 =	vpsel p1, v12, v8  }
0x373: {  	v7 =	vpsel p1, v13, v7;
	s25 =	spop (v2sf);
	v12 =	vmax.f32 @p0 v8, v11  }
0x374: {  	v11 =	vmin.f32 @p0 v7, v11;
	p1 =	sgt.f32 s25, $0.0e+00;
	(xrf1) =	vsort.ascd.msk.f32 @p0 $0xffff, v12, v12  }
0x375: {  	(xrf1) =	vsort.ascd.msk.f32 @p0 $0xffff, v11, v11  }
0x376: {  	(xrf1) =	vsort.ascd.msk.f32 @p1 $0xffff, v9, v9  }
0x377: {  	v9, _, _ =	vpop (xrf0)  }
0x378: {  	(v2sf) =	vpush v9, $0xF;
	_ =	sdelay $0x4  }
0x379: {  	v9 =	vld [tilespmem:s20+$0xFFFFFFA0];
	_ =	sdelay $0x3  }
0x37a: {  	v11 =	vlaneseq.u32 @p1  }
0x37b: {  	v11 =	vmul.u32 @p1 $0xFFFFFFFF, v11;
	vm8 =	vge.f32 v9, v5;
	vm9 =	vle.f32 v9, v6;
	v12, _, _ =	vpop @p0 (xrf1)  }
0x37c: {  	vm0 =	vmor vm8, vm9;
	v13, _, _ =	vpop @p0 (xrf1)  }
0x37d: {  	v11 =	vadd.s32 @p1 $0xF, v11;
	v42 =	vsel vm0, $0x3F800000, v3;
	v14, _, _ =	vpop @p1 (xrf1)  }
0x37e: {  	(xrf0) =	vmax.scan.msk.f32 $0xffff, v42;
	v11 =	vperm.xlane @p1 v14, v11  }
0x37f: {  	v8 =	vpsel p0, v12, v8  }
0x380: {  	v7 =	vpsel p0, v13, v7;
	s26 =	spop (v2sf);
	v12 =	vmax.f32 @p1 v8, v11  }
0x381: {  	v11 =	vmin.f32 @p1 v7, v11;
	p0 =	sgt.f32 s26, $0.0e+00;
	(xrf1) =	vsort.ascd.msk.f32 @p1 $0xffff, v12, v12  }
0x382: {  	(xrf1) =	vsort.ascd.msk.f32 @p1 $0xffff, v11, v11  }
0x383: {  	(xrf1) =	vsort.ascd.msk.f32 @p0 $0xffff, v10, v10  }
0x384: {  	v10, _, _ =	vpop (xrf0)  }
0x385: {  	(v2sf) =	vpush v10, $0xF;
	_ =	sdelay $0x4  }
0x386: {  	v10 =	vld [tilespmem:s20+$0xFFFFFFB0];
	_ =	sdelay $0x3  }
0x387: {  	v11 =	vlaneseq.u32 @p0  }
0x388: {  	v11 =	vmul.u32 @p0 $0xFFFFFFFF, v11;
	vm10 =	vge.f32 v10, v5;
	vm11 =	vle.f32 v10, v6;
	v12, _, _ =	vpop @p1 (xrf1)  }
0x389: {  	vm0 =	vmor vm10, vm11;
	v13, _, _ =	vpop @p1 (xrf1)  }
0x38a: {  	v11 =	vadd.s32 @p0 $0xF, v11;
	v43 =	vsel vm0, $0x3F800000, v3;
	v14, _, _ =	vpop @p0 (xrf1)  }
0x38b: {  	(xrf0) =	vmax.scan.msk.f32 $0xffff, v43;
	v11 =	vperm.xlane @p0 v14, v11  }
0x38c: {  	v8 =	vpsel p1, v12, v8  }
0x38d: {  	v7 =	vpsel p1, v13, v7;
	s28 =	spop (v2sf);
	v12 =	vmax.f32 @p0 v8, v11  }
0x38e: {  	v11 =	vmin.f32 @p0 v7, v11;
	p1 =	sgt.f32 s28, $0.0e+00;
	(xrf1) =	vsort.ascd.msk.f32 @p0 $0xffff, v12, v12  }
0x38f: {  	(xrf1) =	vsort.ascd.msk.f32 @p0 $0xffff, v11, v11  }
0x390: {  	(xrf1) =	vsort.ascd.msk.f32 @p1 $0xffff, v9, v9  }
0x391: {  	v9, _, _ =	vpop (xrf0)  }
0x392: {  	(v2sf) =	vpush v9, $0xF;
	_ =	sdelay $0x4  }
0x393: {  	v9 =	vld [tilespmem:s20+$0xFFFFFFC0];
	_ =	sdelay $0x3  }
0x394: {  	v11 =	vlaneseq.u32 @p1  }
0x395: {  	v11 =	vmul.u32 @p1 $0xFFFFFFFF, v11;
	vm12 =	vge.f32 v9, v5;
	vm13 =	vle.f32 v9, v6;
	v12, _, _ =	vpop @p0 (xrf1)  }
0x396: {  	vm0 =	vmor vm12, vm13;
	v13, _, _ =	vpop @p0 (xrf1)  }
0x397: {  	v11 =	vadd.s32 @p1 $0xF, v11;
	v44 =	vsel vm0, $0x3F800000, v3;
	v14, _, _ =	vpop @p1 (xrf1)  }
0x398: {  	(xrf0) =	vmax.scan.msk.f32 $0xffff, v44;
	v11 =	vperm.xlane @p1 v14, v11  }
0x399: {  	v8 =	vpsel p0, v12, v8  }
0x39a: {  	v7 =	vpsel p0, v13, v7;
	s29 =	spop (v2sf);
	v12 =	vmax.f32 @p1 v8, v11  }
0x39b: {  	v11 =	vmin.f32 @p1 v7, v11;
	p0 =	sgt.f32 s29, $0.0e+00;
	(xrf1) =	vsort.ascd.msk.f32 @p1 $0xffff, v12, v12  }
0x39c: {  	(xrf1) =	vsort.ascd.msk.f32 @p1 $0xffff, v11, v11  }
0x39d: {  	(xrf1) =	vsort.ascd.msk.f32 @p0 $0xffff, v10, v10  }
0x39e: {  	v10, _, _ =	vpop (xrf0)  }
0x39f: {  	(v2sf) =	vpush v10, $0xF;
	_ =	sdelay $0x4  }
0x3a0: {  	v10 =	vld [tilespmem:s20+$0xFFFFFFD0];
	_ =	sdelay $0x3  }
0x3a1: {  	v11 =	vlaneseq.u32 @p0  }
0x3a2: {  	v11 =	vmul.u32 @p0 $0xFFFFFFFF, v11;
	vm14 =	vge.f32 v10, v5;
	vm15 =	vle.f32 v10, v6;
	v12, _, _ =	vpop @p1 (xrf1)  }
0x3a3: {  	vm0 =	vmor vm14, vm15;
	v13, _, _ =	vpop @p1 (xrf1)  }
0x3a4: {  	v11 =	vadd.s32 @p0 $0xF, v11;
	v45 =	vsel vm0, $0x3F800000, v3;
	v14, _, _ =	vpop @p0 (xrf1)  }
0x3a5: {  	(xrf0) =	vmax.scan.msk.f32 $0xffff, v45;
	v11 =	vperm.xlane @p0 v14, v11  }
0x3a6: {  	v8 =	vpsel p1, v12, v8  }
0x3a7: {  	v7 =	vpsel p1, v13, v7;
	s30 =	spop (v2sf);
	v12 =	vmax.f32 @p0 v8, v11  }
0x3a8: {  	v11 =	vmin.f32 @p0 v7, v11;
	p1 =	sgt.f32 s30, $0.0e+00;
	(xrf1) =	vsort.ascd.msk.f32 @p0 $0xffff, v12, v12  }
0x3a9: {  	(xrf1) =	vsort.ascd.msk.f32 @p0 $0xffff, v11, v11  }
0x3aa: {  	(xrf1) =	vsort.ascd.msk.f32 @p1 $0xffff, v9, v9  }
0x3ab: {  	v9, _, _ =	vpop (xrf0)  }
0x3ac: {  	(v2sf) =	vpush v9, $0xF;
	_ =	sdelay $0x4  }
0x3ad: {  	v9 =	vld [tilespmem:s20+$0xFFFFFFE0];
	_ =	sdelay $0x3  }
0x3ae: {  	v11 =	vlaneseq.u32 @p1  }
0x3af: {  	v11 =	vmul.u32 @p1 $0xFFFFFFFF, v11;
	vm4 =	vge.f32 v9, v5;
	vm5 =	vle.f32 v9, v6;
	v12, _, _ =	vpop @p0 (xrf1)  }
0x3b0: {  	vm0 =	vmor vm4, vm5;
	v13, _, _ =	vpop @p0 (xrf1)  }
0x3b1: {  	v11 =	vadd.s32 @p1 $0xF, v11;
	v46 =	vsel vm0, $0x3F800000, v3;
	v14, _, _ =	vpop @p1 (xrf1)  }
0x3b2: {  	(xrf0) =	vmax.scan.msk.f32 $0xffff, v46;
	v11 =	vperm.xlane @p1 v14, v11  }
0x3b3: {  	v8 =	vpsel p0, v12, v8  }
0x3b4: {  	v7 =	vpsel p0, v13, v7;
	s31 =	spop (v2sf);
	v12 =	vmax.f32 @p1 v8, v11  }
0x3b5: {  	v11 =	vmin.f32 @p1 v7, v11;
	p0 =	sgt.f32 s31, $0.0e+00;
	(xrf1) =	vsort.ascd.msk.f32 @p1 $0xffff, v12, v12  }
0x3b6: {  	(xrf1) =	vsort.ascd.msk.f32 @p1 $0xffff, v11, v11  }
0x3b7: {  	(xrf1) =	vsort.ascd.msk.f32 @p0 $0xffff, v10, v10  }
0x3b8: {  	v10, _, _ =	vpop (xrf0)  }
0x3b9: {  	(v2sf) =	vpush v10, $0xF;
	_ =	sdelay $0x4  }
0x3ba: {  	v10 =	vld [tilespmem:s20+$0xFFFFFFF0];
	_ =	sdelay $0x3  }
0x3bb: {  	v11 =	vlaneseq.u32 @p0  }
0x3bc: {  	v11 =	vmul.u32 @p0 $0xFFFFFFFF, v11;
	vm6 =	vge.f32 v10, v5;
	vm7 =	vle.f32 v10, v6;
	v12, _, _ =	vpop @p1 (xrf1)  }
0x3bd: {  	vm0 =	vmor vm6, vm7;
	v13, _, _ =	vpop @p1 (xrf1)  }
0x3be: {  	v11 =	vadd.s32 @p0 $0xF, v11;
	v47 =	vsel vm0, $0x3F800000, v3;
	v14, _, _ =	vpop @p0 (xrf1)  }
0x3bf: {  	(xrf0) =	vmax.scan.msk.f32 $0xffff, v47;
	v11 =	vperm.xlane @p0 v14, v11  }
0x3c0: {  	v8 =	vpsel p1, v12, v8  }
0x3c1: {  	v7 =	vpsel p1, v13, v7;
	s22 =	spop (v2sf);
	v12 =	vmax.f32 @p0 v8, v11  }
0x3c2: {  	v11 =	vmin.f32 @p0 v7, v11;
	p1 =	sgt.f32 s22, $0.0e+00;
	(xrf1) =	vsort.ascd.msk.f32 @p0 $0xffff, v12, v12  }
0x3c3: {  	(xrf1) =	vsort.ascd.msk.f32 @p0 $0xffff, v11, v11  }
0x3c4: {  	(xrf1) =	vsort.ascd.msk.f32 @p1 $0xffff, v9, v9  }
0x3c5: {  	v9, _, _ =	vpop (xrf0)  }
0x3c6: {  	(v2sf) =	vpush v9, $0xF;
	_ =	sdelay $0x4  }
0x3c7: {  	v9 =	vld [tilespmem:s20+$0x0];
	_ =	sdelay $0x3  }
0x3c8: {  	v11 =	vlaneseq.u32 @p1  }
0x3c9: {  	v11 =	vmul.u32 @p1 $0xFFFFFFFF, v11;
	vm8 =	vge.f32 v9, v5;
	vm9 =	vle.f32 v9, v6;
	v12, _, _ =	vpop @p0 (xrf1)  }
0x3ca: {  	vm0 =	vmor vm8, vm9;
	v13, _, _ =	vpop @p0 (xrf1)  }
0x3cb: {  	v11 =	vadd.s32 @p1 $0xF, v11;
	v48 =	vsel vm0, $0x3F800000, v3;
	v14, _, _ =	vpop @p1 (xrf1)  }
0x3cc: {  	(xrf0) =	vmax.scan.msk.f32 $0xffff, v48;
	v11 =	vperm.xlane @p1 v14, v11  }
0x3cd: {  	v8 =	vpsel p0, v12, v8  }
0x3ce: {  	v7 =	vpsel p0, v13, v7;
	s23 =	spop (v2sf);
	v12 =	vmax.f32 @p1 v8, v11  }
0x3cf: {  	v11 =	vmin.f32 @p1 v7, v11;
	p0 =	sgt.f32 s23, $0.0e+00;
	(xrf1) =	vsort.ascd.msk.f32 @p1 $0xffff, v12, v12  }
0x3d0: {  	(xrf1) =	vsort.ascd.msk.f32 @p1 $0xffff, v11, v11  }
0x3d1: {  	(xrf1) =	vsort.ascd.msk.f32 @p0 $0xffff, v10, v10  }
0x3d2: {  	v10, _, _ =	vpop (xrf0)  }
0x3d3: {  	(v2sf) =	vpush v10, $0xF;
	_ =	sdelay $0x4  }
0x3d4: {  	v10 =	vld [tilespmem:s20+$0x10];
	_ =	sdelay $0x3  }
0x3d5: {  	v11 =	vlaneseq.u32 @p0  }
0x3d6: {  	v11 =	vmul.u32 @p0 $0xFFFFFFFF, v11;
	vm10 =	vge.f32 v10, v5;
	vm11 =	vle.f32 v10, v6;
	v12, _, _ =	vpop @p1 (xrf1)  }
0x3d7: {  	vm0 =	vmor vm10, vm11;
	v13, _, _ =	vpop @p1 (xrf1)  }
0x3d8: {  	v11 =	vadd.s32 @p0 $0xF, v11;
	v49 =	vsel vm0, $0x3F800000, v3;
	v14, _, _ =	vpop @p0 (xrf1)  }
0x3d9: {  	(xrf0) =	vmax.scan.msk.f32 $0xffff, v49;
	v11 =	vperm.xlane @p0 v14, v11  }
0x3da: {  	v8 =	vpsel p1, v12, v8  }
0x3db: {  	v7 =	vpsel p1, v13, v7;
	s24 =	spop (v2sf);
	v12 =	vmax.f32 @p0 v8, v11  }
0x3dc: {  	v11 =	vmin.f32 @p0 v7, v11;
	p1 =	sgt.f32 s24, $0.0e+00;
	(xrf1) =	vsort.ascd.msk.f32 @p0 $0xffff, v12, v12  }
0x3dd: {  	(xrf1) =	vsort.ascd.msk.f32 @p0 $0xffff, v11, v11  }
0x3de: {  	(xrf1) =	vsort.ascd.msk.f32 @p1 $0xffff, v9, v9  }
0x3df: {  	v9, _, _ =	vpop (xrf0)  }
0x3e0: {  	(v2sf) =	vpush v9, $0xF;
	_ =	sdelay $0x4  }
0x3e1: {  	v9 =	vld [tilespmem:s20+$0x20];
	_ =	sdelay $0x3  }
0x3e2: {  	v11 =	vlaneseq.u32 @p1  }
0x3e3: {  	v11 =	vmul.u32 @p1 $0xFFFFFFFF, v11;
	vm12 =	vge.f32 v9, v5;
	vm13 =	vle.f32 v9, v6;
	v12, _, _ =	vpop @p0 (xrf1)  }
0x3e4: {  	vm0 =	vmor vm12, vm13;
	v13, _, _ =	vpop @p0 (xrf1)  }
0x3e5: {  	v11 =	vadd.s32 @p1 $0xF, v11;
	v50 =	vsel vm0, $0x3F800000, v3;
	v14, _, _ =	vpop @p1 (xrf1)  }
0x3e6: {  	(xrf0) =	vmax.scan.msk.f32 $0xffff, v50;
	v11 =	vperm.xlane @p1 v14, v11  }
0x3e7: {  	v8 =	vpsel p0, v12, v8  }
0x3e8: {  	v7 =	vpsel p0, v13, v7;
	s25 =	spop (v2sf);
	v12 =	vmax.f32 @p1 v8, v11  }
0x3e9: {  	v11 =	vmin.f32 @p1 v7, v11;
	p0 =	sgt.f32 s25, $0.0e+00;
	(xrf1) =	vsort.ascd.msk.f32 @p1 $0xffff, v12, v12  }
0x3ea: {  	(xrf1) =	vsort.ascd.msk.f32 @p1 $0xffff, v11, v11  }
0x3eb: {  	(xrf1) =	vsort.ascd.msk.f32 @p0 $0xffff, v10, v10  }
0x3ec: {  	v10, _, _ =	vpop (xrf0)  }
0x3ed: {  	(v2sf) =	vpush v10, $0xF;
	_ =	sdelay $0x4  }
0x3ee: {  	v10 =	vld [tilespmem:s20+$0x30];
	_ =	sdelay $0x3  }
0x3ef: {  	v11 =	vlaneseq.u32 @p0  }
0x3f0: {  	v11 =	vmul.u32 @p0 $0xFFFFFFFF, v11;
	vm14 =	vge.f32 v10, v5;
	vm15 =	vle.f32 v10, v6;
	v12, _, _ =	vpop @p1 (xrf1)  }
0x3f1: {  	vm0 =	vmor vm14, vm15;
	v13, _, _ =	vpop @p1 (xrf1)  }
0x3f2: {  	v11 =	vadd.s32 @p0 $0xF, v11;
	v51 =	vsel vm0, $0x3F800000, v3;
	v14, _, _ =	vpop @p0 (xrf1)  }
0x3f3: {  	(xrf0) =	vmax.scan.msk.f32 $0xffff, v51;
	v11 =	vperm.xlane @p0 v14, v11  }
0x3f4: {  	v8 =	vpsel p1, v12, v8  }
0x3f5: {  	v7 =	vpsel p1, v13, v7;
	s26 =	spop (v2sf);
	v12 =	vmax.f32 @p0 v8, v11  }
0x3f6: {  	v11 =	vmin.f32 @p0 v7, v11;
	p1 =	sgt.f32 s26, $0.0e+00;
	(xrf1) =	vsort.ascd.msk.f32 @p0 $0xffff, v12, v12  }
0x3f7: {  	(xrf1) =	vsort.ascd.msk.f32 @p0 $0xffff, v11, v11  }
0x3f8: {  	(xrf1) =	vsort.ascd.msk.f32 @p1 $0xffff, v9, v9  }
0x3f9: {  	v9, _, _ =	vpop (xrf0)  }
0x3fa: {  	(v2sf) =	vpush v9, $0xF;
	_ =	sdelay $0x4  }
0x3fb: {  	v9 =	vld [tilespmem:s20+$0x40];
	_ =	sdelay $0x3  }
0x3fc: {  	v11 =	vlaneseq.u32 @p1  }
0x3fd: {  	v11 =	vmul.u32 @p1 $0xFFFFFFFF, v11;
	vm4 =	vge.f32 v9, v5;
	vm5 =	vle.f32 v9, v6;
	v12, _, _ =	vpop @p0 (xrf1)  }
0x3fe: {  	vm0 =	vmor vm4, vm5;
	v13, _, _ =	vpop @p0 (xrf1)  }
0x3ff: {  	v11 =	vadd.s32 @p1 $0xF, v11;
	v52 =	vsel vm0, $0x3F800000, v3;
	v14, _, _ =	vpop @p1 (xrf1)  }
0x400: {  	(xrf0) =	vmax.scan.msk.f32 $0xffff, v52;
	v11 =	vperm.xlane @p1 v14, v11  }
0x401: {  	v8 =	vpsel p0, v12, v8  }
0x402: {  	v7 =	vpsel p0, v13, v7;
	s28 =	spop (v2sf);
	v12 =	vmax.f32 @p1 v8, v11  }
0x403: {  	v11 =	vmin.f32 @p1 v7, v11;
	p0 =	sgt.f32 s28, $0.0e+00;
	(xrf1) =	vsort.ascd.msk.f32 @p1 $0xffff, v12, v12  }
0x404: {  	(xrf1) =	vsort.ascd.msk.f32 @p1 $0xffff, v11, v11  }
0x405: {  	(xrf1) =	vsort.ascd.msk.f32 @p0 $0xffff, v10, v10  }
0x406: {  	v10, _, _ =	vpop (xrf0)  }
0x407: {  	(v2sf) =	vpush v10, $0xF;
	_ =	sdelay $0x4  }
0x408: {  	v10 =	vld [tilespmem:s20+$0x50];
	_ =	sdelay $0x3  }
0x409: {  	v11 =	vlaneseq.u32 @p0  }
0x40a: {  	v11 =	vmul.u32 @p0 $0xFFFFFFFF, v11;
	vm6 =	vge.f32 v10, v5;
	vm7 =	vle.f32 v10, v6;
	v12, _, _ =	vpop @p1 (xrf1)  }
0x40b: {  	vm0 =	vmor vm6, vm7;
	v13, _, _ =	vpop @p1 (xrf1)  }
0x40c: {  	v11 =	vadd.s32 @p0 $0xF, v11;
	v53 =	vsel vm0, $0x3F800000, v3;
	v14, _, _ =	vpop @p0 (xrf1)  }
0x40d: {  	(xrf0) =	vmax.scan.msk.f32 $0xffff, v53;
	v11 =	vperm.xlane @p0 v14, v11  }
0x40e: {  	v8 =	vpsel p1, v12, v8  }
0x40f: {  	v7 =	vpsel p1, v13, v7;
	s29 =	spop (v2sf);
	v12 =	vmax.f32 @p0 v8, v11  }
0x410: {  	v11 =	vmin.f32 @p0 v7, v11;
	p1 =	sgt.f32 s29, $0.0e+00;
	(xrf1) =	vsort.ascd.msk.f32 @p0 $0xffff, v12, v12  }
0x411: {  	(xrf1) =	vsort.ascd.msk.f32 @p0 $0xffff, v11, v11  }
0x412: {  	(xrf1) =	vsort.ascd.msk.f32 @p1 $0xffff, v9, v9  }
0x413: {  	v9, _, _ =	vpop (xrf0)  }
0x414: {  	(v2sf) =	vpush v9, $0xF;
	_ =	sdelay $0x4  }
0x415: {  	v9 =	vld [tilespmem:s20+$0x60];
	_ =	sdelay $0x3  }
0x416: {  	v11 =	vlaneseq.u32 @p1  }
0x417: {  	v11 =	vmul.u32 @p1 $0xFFFFFFFF, v11;
	vm8 =	vge.f32 v9, v5;
	vm9 =	vle.f32 v9, v6;
	v12, _, _ =	vpop @p0 (xrf1)  }
0x418: {  	vm0 =	vmor vm8, vm9;
	v13, _, _ =	vpop @p0 (xrf1)  }
0x419: {  	v11 =	vadd.s32 @p1 $0xF, v11;
	v54 =	vsel vm0, $0x3F800000, v3;
	v14, _, _ =	vpop @p1 (xrf1)  }
0x41a: {  	(xrf0) =	vmax.scan.msk.f32 $0xffff, v54;
	v11 =	vperm.xlane @p1 v14, v11  }
0x41b: {  	v8 =	vpsel p0, v12, v8  }
0x41c: {  	v7 =	vpsel p0, v13, v7;
	s30 =	spop (v2sf);
	v12 =	vmax.f32 @p1 v8, v11  }
0x41d: {  	v11 =	vmin.f32 @p1 v7, v11;
	p0 =	sgt.f32 s30, $0.0e+00;
	(xrf1) =	vsort.ascd.msk.f32 @p1 $0xffff, v12, v12  }
0x41e: {  	(xrf1) =	vsort.ascd.msk.f32 @p1 $0xffff, v11, v11  }
0x41f: {  	(xrf1) =	vsort.ascd.msk.f32 @p0 $0xffff, v10, v10  }
0x420: {  	v10, _, _ =	vpop (xrf0)  }
0x421: {  	(v2sf) =	vpush v10, $0xF;
	_ =	sdelay $0x4  }
0x422: {  	v10 =	vld [tilespmem:s20+$0x70];
	_ =	sdelay $0x3  }
0x423: {  	v11 =	vlaneseq.u32 @p0  }
0x424: {  	v11 =	vmul.u32 @p0 $0xFFFFFFFF, v11;
	vm10 =	vge.f32 v10, v5;
	vm11 =	vle.f32 v10, v6;
	v12, _, _ =	vpop @p1 (xrf1)  }
0x425: {  	vm0 =	vmor vm10, vm11;
	v13, _, _ =	vpop @p1 (xrf1)  }
0x426: {  	v11 =	vadd.s32 @p0 $0xF, v11;
	v55 =	vsel vm0, $0x3F800000, v3;
	v14, _, _ =	vpop @p0 (xrf1)  }
0x427: {  	(xrf0) =	vmax.scan.msk.f32 $0xffff, v55;
	v11 =	vperm.xlane @p0 v14, v11  }
0x428: {  	v8 =	vpsel p1, v12, v8  }
0x429: {  	v7 =	vpsel p1, v13, v7;
	s31 =	spop (v2sf);
	v12 =	vmax.f32 @p0 v8, v11  }
0x42a: {  	v11 =	vmin.f32 @p0 v7, v11;
	p1 =	sgt.f32 s31, $0.0e+00;
	(xrf1) =	vsort.ascd.msk.f32 @p0 $0xffff, v12, v12  }
0x42b: {  	(xrf1) =	vsort.ascd.msk.f32 @p0 $0xffff, v11, v11  }
0x42c: {  	(xrf1) =	vsort.ascd.msk.f32 @p1 $0xffff, v9, v9  }
0x42d: {  	v9, _, _ =	vpop (xrf0)  }
0x42e: {  	(v2sf) =	vpush v9, $0xF;
	_ =	sdelay $0x4  }
0x42f: {  	v9 =	vld [tilespmem:s20+$0x80];
	_ =	sdelay $0x3  }
0x430: {  	v11 =	vlaneseq.u32 @p1  }
0x431: {  	v11 =	vmul.u32 @p1 $0xFFFFFFFF, v11;
	vm12 =	vge.f32 v9, v5;
	vm13 =	vle.f32 v9, v6;
	v12, _, _ =	vpop @p0 (xrf1)  }
0x432: {  	vm0 =	vmor vm12, vm13;
	v13, _, _ =	vpop @p0 (xrf1)  }
0x433: {  	v11 =	vadd.s32 @p1 $0xF, v11;
	v56 =	vsel vm0, $0x3F800000, v3;
	v14, _, _ =	vpop @p1 (xrf1)  }
0x434: {  	(xrf0) =	vmax.scan.msk.f32 $0xffff, v56;
	v11 =	vperm.xlane @p1 v14, v11  }
0x435: {  	v8 =	vpsel p0, v12, v8  }
0x436: {  	v7 =	vpsel p0, v13, v7;
	s22 =	spop (v2sf);
	v12 =	vmax.f32 @p1 v8, v11  }
0x437: {  	v11 =	vmin.f32 @p1 v7, v11;
	p0 =	sgt.f32 s22, $0.0e+00;
	(xrf1) =	vsort.ascd.msk.f32 @p1 $0xffff, v12, v12  }
0x438: {  	(xrf1) =	vsort.ascd.msk.f32 @p1 $0xffff, v11, v11  }
0x439: {  	(xrf1) =	vsort.ascd.msk.f32 @p0 $0xffff, v10, v10  }
0x43a: {  	v10, _, _ =	vpop (xrf0)  }
0x43b: {  	(v2sf) =	vpush v10, $0xF;
	_ =	sdelay $0x4  }
0x43c: {  	v10 =	vld [tilespmem:s20+$0x90];
	_ =	sdelay $0x3  }
0x43d: {  	v11 =	vlaneseq.u32 @p0  }
0x43e: {  	v11 =	vmul.u32 @p0 $0xFFFFFFFF, v11;
	vm14 =	vge.f32 v10, v5;
	vm15 =	vle.f32 v10, v6;
	v12, _, _ =	vpop @p1 (xrf1)  }
0x43f: {  	vm0 =	vmor vm14, vm15;
	v13, _, _ =	vpop @p1 (xrf1)  }
0x440: {  	v11 =	vadd.s32 @p0 $0xF, v11;
	v57 =	vsel vm0, $0x3F800000, v3;
	v14, _, _ =	vpop @p0 (xrf1)  }
0x441: {  	(xrf0) =	vmax.scan.msk.f32 $0xffff, v57;
	v11 =	vperm.xlane @p0 v14, v11  }
0x442: {  	v8 =	vpsel p1, v12, v8  }
0x443: {  	v7 =	vpsel p1, v13, v7;
	s23 =	spop (v2sf);
	v12 =	vmax.f32 @p0 v8, v11  }
0x444: {  	v11 =	vmin.f32 @p0 v7, v11;
	p1 =	sgt.f32 s23, $0.0e+00;
	(xrf1) =	vsort.ascd.msk.f32 @p0 $0xffff, v12, v12  }
0x445: {  	(xrf1) =	vsort.ascd.msk.f32 @p0 $0xffff, v11, v11  }
0x446: {  	(xrf1) =	vsort.ascd.msk.f32 @p1 $0xffff, v9, v9  }
0x447: {  	v9, _, _ =	vpop (xrf0)  }
0x448: {  	(v2sf) =	vpush v9, $0xF;
	_ =	sdelay $0x4  }
0x449: {  	v9 =	vld [tilespmem:s20+$0xA0];
	_ =	sdelay $0x3  }
0x44a: {  	v11 =	vlaneseq.u32 @p1  }
0x44b: {  	v11 =	vmul.u32 @p1 $0xFFFFFFFF, v11;
	vm4 =	vge.f32 v9, v5;
	vm5 =	vle.f32 v9, v6;
	v12, _, _ =	vpop @p0 (xrf1)  }
0x44c: {  	vm0 =	vmor vm4, vm5;
	v13, _, _ =	vpop @p0 (xrf1)  }
0x44d: {  	v11 =	vadd.s32 @p1 $0xF, v11;
	v58 =	vsel vm0, $0x3F800000, v3;
	v14, _, _ =	vpop @p1 (xrf1)  }
0x44e: {  	(xrf0) =	vmax.scan.msk.f32 $0xffff, v58;
	v11 =	vperm.xlane @p1 v14, v11  }
0x44f: {  	v8 =	vpsel p0, v12, v8  }
0x450: {  	v7 =	vpsel p0, v13, v7;
	s24 =	spop (v2sf);
	v12 =	vmax.f32 @p1 v8, v11  }
0x451: {  	v11 =	vmin.f32 @p1 v7, v11;
	p0 =	sgt.f32 s24, $0.0e+00;
	(xrf1) =	vsort.ascd.msk.f32 @p1 $0xffff, v12, v12  }
0x452: {  	(xrf1) =	vsort.ascd.msk.f32 @p1 $0xffff, v11, v11  }
0x453: {  	(xrf1) =	vsort.ascd.msk.f32 @p0 $0xffff, v10, v10  }
0x454: {  	v10, _, _ =	vpop (xrf0)  }
0x455: {  	(v2sf) =	vpush v10, $0xF;
	_ =	sdelay $0x4  }
0x456: {  	v10 =	vld [tilespmem:s20+$0xB0];
	_ =	sdelay $0x3  }
0x457: {  	v11 =	vlaneseq.u32 @p0  }
0x458: {  	v11 =	vmul.u32 @p0 $0xFFFFFFFF, v11;
	vm6 =	vge.f32 v10, v5;
	vm7 =	vle.f32 v10, v6;
	v12, _, _ =	vpop @p1 (xrf1)  }
0x459: {  	vm0 =	vmor vm6, vm7;
	v13, _, _ =	vpop @p1 (xrf1)  }
0x45a: {  	v11 =	vadd.s32 @p0 $0xF, v11;
	v59 =	vsel vm0, $0x3F800000, v3;
	v14, _, _ =	vpop @p0 (xrf1)  }
0x45b: {  	(xrf0) =	vmax.scan.msk.f32 $0xffff, v59;
	v11 =	vperm.xlane @p0 v14, v11  }
0x45c: {  	v8 =	vpsel p1, v12, v8  }
0x45d: {  	v7 =	vpsel p1, v13, v7;
	s25 =	spop (v2sf);
	v12 =	vmax.f32 @p0 v8, v11  }
0x45e: {  	v11 =	vmin.f32 @p0 v7, v11;
	p1 =	sgt.f32 s25, $0.0e+00;
	(xrf1) =	vsort.ascd.msk.f32 @p0 $0xffff, v12, v12  }
0x45f: {  	(xrf1) =	vsort.ascd.msk.f32 @p0 $0xffff, v11, v11  }
0x460: {  	(xrf1) =	vsort.ascd.msk.f32 @p1 $0xffff, v9, v9  }
0x461: {  	v9, _, _ =	vpop (xrf0)  }
0x462: {  	(v2sf) =	vpush v9, $0xF;
	_ =	sdelay $0x4  }
0x463: {  	v9 =	vld [tilespmem:s20+$0xC0];
	_ =	sdelay $0x3  }
0x464: {  	v11 =	vlaneseq.u32 @p1  }
0x465: {  	v11 =	vmul.u32 @p1 $0xFFFFFFFF, v11;
	vm8 =	vge.f32 v9, v5;
	vm9 =	vle.f32 v9, v6;
	v12, _, _ =	vpop @p0 (xrf1)  }
0x466: {  	vm0 =	vmor vm8, vm9;
	v13, _, _ =	vpop @p0 (xrf1)  }
0x467: {  	v11 =	vadd.s32 @p1 $0xF, v11;
	v60 =	vsel vm0, $0x3F800000, v3;
	v14, _, _ =	vpop @p1 (xrf1)  }
0x468: {  	(xrf0) =	vmax.scan.msk.f32 $0xffff, v60;
	v11 =	vperm.xlane @p1 v14, v11  }
0x469: {  	v8 =	vpsel p0, v12, v8  }
0x46a: {  	v7 =	vpsel p0, v13, v7;
	s26 =	spop (v2sf);
	v12 =	vmax.f32 @p1 v8, v11  }
0x46b: {  	v11 =	vmin.f32 @p1 v7, v11;
	p0 =	sgt.f32 s26, $0.0e+00;
	(xrf1) =	vsort.ascd.msk.f32 @p1 $0xffff, v12, v12  }
0x46c: {  	(xrf1) =	vsort.ascd.msk.f32 @p1 $0xffff, v11, v11  }
0x46d: {  	(xrf1) =	vsort.ascd.msk.f32 @p0 $0xffff, v10, v10  }
0x46e: {  	v10, _, _ =	vpop (xrf0)  }
0x46f: {  	(v2sf) =	vpush v10, $0xF;
	_ =	sdelay $0x4  }
0x470: {  	v10 =	vld [tilespmem:s20+$0xD0];
	_ =	sdelay $0x3  }
0x471: {  	v11 =	vlaneseq.u32 @p0  }
0x472: {  	v11 =	vmul.u32 @p0 $0xFFFFFFFF, v11;
	vm10 =	vge.f32 v10, v5;
	vm11 =	vle.f32 v10, v6;
	v12, _, _ =	vpop @p1 (xrf1)  }
0x473: {  	vm0 =	vmor vm10, vm11;
	v13, _, _ =	vpop @p1 (xrf1)  }
0x474: {  	v11 =	vadd.s32 @p0 $0xF, v11;
	v61 =	vsel vm0, $0x3F800000, v3;
	v14, _, _ =	vpop @p0 (xrf1)  }
0x475: {  	(xrf0) =	vmax.scan.msk.f32 $0xffff, v61;
	v11 =	vperm.xlane @p0 v14, v11  }
0x476: {  	v8 =	vpsel p1, v12, v8  }
0x477: {  	v7 =	vpsel p1, v13, v7;
	s28 =	spop (v2sf);
	v12 =	vmax.f32 @p0 v8, v11  }
0x478: {  	v11 =	vmin.f32 @p0 v7, v11;
	p1 =	sgt.f32 s28, $0.0e+00;
	(xrf1) =	vsort.ascd.msk.f32 @p0 $0xffff, v12, v12  }
0x479: {  	(xrf1) =	vsort.ascd.msk.f32 @p0 $0xffff, v11, v11  }
0x47a: {  	(xrf1) =	vsort.ascd.msk.f32 @p1 $0xffff, v9, v9  }
0x47b: {  	v9, _, _ =	vpop (xrf0)  }
0x47c: {  	(v2sf) =	vpush v9, $0xF;
	_ =	sdelay $0x4  }
0x47d: {  	v9 =	vld [tilespmem:s20+$0xE0];
	_ =	sdelay $0x3  }
0x47e: {  	v11 =	vlaneseq.u32 @p1  }
0x47f: {  	v11 =	vmul.u32 @p1 $0xFFFFFFFF, v11;
	vm12 =	vge.f32 v9, v5;
	vm13 =	vle.f32 v9, v6;
	v12, _, _ =	vpop @p0 (xrf1)  }
0x480: {  	vm0 =	vmor vm12, vm13;
	v13, _, _ =	vpop @p0 (xrf1)  }
0x481: {  	v11 =	vadd.s32 @p1 $0xF, v11;
	v62 =	vsel vm0, $0x3F800000, v3;
	v14, _, _ =	vpop @p1 (xrf1)  }
0x482: {  	(xrf0) =	vmax.scan.msk.f32 $0xffff, v62;
	v11 =	vperm.xlane @p1 v14, v11  }
0x483: {  	v8 =	vpsel p0, v12, v8  }
0x484: {  	v7 =	vpsel p0, v13, v7;
	s29 =	spop (v2sf);
	v12 =	vmax.f32 @p1 v8, v11  }
0x485: {  	v11 =	vmin.f32 @p1 v7, v11;
	p0 =	sgt.f32 s29, $0.0e+00;
	(xrf1) =	vsort.ascd.msk.f32 @p1 $0xffff, v12, v12  }
0x486: {  	(xrf1) =	vsort.ascd.msk.f32 @p1 $0xffff, v11, v11  }
0x487: {  	(xrf1) =	vsort.ascd.msk.f32 @p0 $0xffff, v10, v10  }
0x488: {  	v10, _, _ =	vpop (xrf0)  }
0x489: {  	(v2sf) =	vpush v10, $0xF;
	_ =	sdelay $0x4  }
0x48a: {  	v10 =	vld [tilespmem:s20+$0xF0];
	_ =	sdelay $0x3  }
0x48b: {  	v11 =	vlaneseq.u32 @p0  }
0x48c: {  	v11 =	vmul.u32 @p0 $0xFFFFFFFF, v11;
	vm14 =	vge.f32 v10, v5;
	vm15 =	vle.f32 v10, v6;
	v12, _, _ =	vpop @p1 (xrf1)  }
0x48d: {  	vm0 =	vmor vm14, vm15;
	v13, _, _ =	vpop @p1 (xrf1)  }
0x48e: {  	v11 =	vadd.s32 @p0 $0xF, v11;
	v63 =	vsel vm0, $0x3F800000, v3;
	v14, _, _ =	vpop @p0 (xrf1)  }
0x48f: {  	(xrf0) =	vmax.scan.msk.f32 $0xffff, v63;
	v11 =	vperm.xlane @p0 v14, v11  }
0x490: {  	v8 =	vpsel p1, v12, v8  }
0x491: {  	v7 =	vpsel p1, v13, v7;
	s30 =	spop (v2sf);
	v12 =	vmax.f32 @p0 v8, v11  }
0x492: {  	v11 =	vmin.f32 @p0 v7, v11;
	p1 =	sgt.f32 s30, $0.0e+00;
	(xrf1) =	vsort.ascd.msk.f32 @p0 $0xffff, v12, v12  }
0x493: {  	(xrf1) =	vsort.ascd.msk.f32 @p0 $0xffff, v11, v11  }
0x494: {  	(xrf1) =	vsort.ascd.msk.f32 @p1 $0xffff, v9, v9  }
0x495: {  	v9, _, _ =	vpop (xrf0)  }
0x496: {  	(v2sf) =	vpush v9, $0xF;
	_ =	sdelay $0x8  }
0x497: {  	v9 =	vlaneseq.u32 @p1  }
0x498: {  	v9 =	vmul.u32 @p1 $0xFFFFFFFF, v9;
	v11, _, _ =	vpop @p0 (xrf1)  }
0x499: {  	v12, _, _ =	vpop @p0 (xrf1)  }
0x49a: {  	v9 =	vadd.s32 @p1 $0xF, v9;
	v13, _, _ =	vpop @p1 (xrf1)  }
0x49b: {  	v9 =	vperm.xlane @p1 v13, v9  }
0x49c: {  	v8 =	vpsel p0, v11, v8  }
0x49d: {  	v7 =	vpsel p0, v12, v7;
	s31 =	spop (v2sf);
	v11 =	vmax.f32 @p1 v8, v9  }
0x49e: {  	v9 =	vmin.f32 @p1 v7, v9;
	p0 =	sgt.f32 s31, $0.0e+00;
	(xrf1) =	vsort.ascd.msk.f32 @p1 $0xffff, v11, v11  }
0x49f: {  	(xrf1) =	vsort.ascd.msk.f32 @p1 $0xffff, v9, v9  }
0x4a0: {  	(xrf1) =	vsort.ascd.msk.f32 @p0 $0xffff, v10, v10;
	_ =	sdelay $0xa  }
0x4a1: {  	v9 =	vlaneseq.u32 @p0  }
0x4a2: {  	v9 =	vmul.u32 @p0 $0xFFFFFFFF, v9;
	v10, _, _ =	vpop @p1 (xrf1)  }
0x4a3: {  	v11, _, _ =	vpop @p1 (xrf1)  }
0x4a4: {  	v9 =	vadd.s32 @p0 $0xF, v9;
	v12, _, _ =	vpop @p0 (xrf1)  }
0x4a5: {  	v9 =	vperm.xlane @p0 v12, v9  }
0x4a6: {  	v8 =	vpsel p1, v10, v8  }
0x4a7: {  	v7 =	vpsel p1, v11, v7;
	v10 =	vmax.f32 @p0 v8, v9  }
0x4a8: {  	v9 =	vmin.f32 @p0 v7, v9;
	(xrf1) =	vsort.ascd.msk.f32 @p0 $0xffff, v10, v10  }
0x4a9: {  	(xrf1) =	vsort.ascd.msk.f32 @p0 $0xffff, v9, v9;
	_ =	sdelay $0xa  }
.Ltmp15:
0x4aa: {  	_ = 	snop;
	(pc) =	sbr.rel .LBB2_17-.Ltmp15, $4  }
0x4ab: {  	_ = 	snop  }
0x4ac: {  	v9, _, _ =	vpop @p0 (xrf1)  }
0x4ad: {  	v10, _, _ =	vpop @p0 (xrf1)  }
0x4ae: {  	v8 =	vpsel p0, v9, v8;
	v7 =	vpsel p0, v10, v7  }
.LBB2_20:
0x4af: {  	_ =	sfence.sel $0x180000  }
0x4b0: {  	[bflag:$0x0] =	sbarrier.arrive $0xFFFF  }
0x4b1: {  	p0 =	sne.s32 s0, $0x0;
	_ =	strace $0x90000047  }
0x4b2: {  	s0 =	sadd.s32 @!p0 $0x100000, s1;
	[bflag:$0x2] =	sbarrier.arrive $0xFFFF  }
0x4b3: {  	[sflag:s0] =	ssyncadd.tile.s32 @!p0 $0x1;
	_ =	shalt  }
.Lfunc_end2:
_tile_overlayer_lowered:
.L_overlay_start_2:
0x4b4: {  	(tag) =	ssettag $0x2  }
0x4b5: {  	s0 =	rddreg [dreg:$0x0];
	s2 =	stileid.u32  }
0x4b6: {  	s1 =	rddreg [dreg:$0x1];
	p0 =	sne.s32 s2, $0x0  }
0x4b7: {  	s3 =	rddreg [dreg:$0x2];
	[bflag:$0x3] =	sbarrier.arrive $0xFFFF;
	s2 =	simm.s32 @!p0 $0x1C03  }
0x4b8: {  	[timem:s3], [sflag:s2] =	dma.local @!p0 [hbm:s0], s1  }
0x4b9: {  	s0 =	simm.s32 @!p0 $0x3  }
0x4ba: {  	_ =	swait.ge @!p0 [sflag:s0], s1  }
0x4bb: {  	s1 =	ssub.s32 @!p0 $0x0, s1;
	[sflag:s0] =	ssyncset.done @!p0 $0x0  }
0x4bc: {  	[sflag:s0] =	ssyncadd.s32 @!p0 s1  }
0x4bd: {  	[bflag:$0x3] =	sbarrier.arrive $0xFFFF  }
0x4be: {  	_ =	shalt  }

</sc_bundles>
